<compile_context>
chip_gen: v7x
topology: tpu7x:2x2x1
jax: 0.10.2.dev20260603
libtpu: 0.0.44.dev20260713+nightly
codegen_flags: <defaults>
</compile_context>

<pallas_src>
import jax
import jax.numpy as jnp
from jax import lax
from jax.experimental import pallas as pl
from jax.experimental.pallas import tpu as pltpu
from jax.experimental.pallas import tpu_sc as plsc

NUM_USERS = 100000
VOCAB = 1000
BATCH = 4096
GAIN = 50.0
CLIP = 2000.0

_L = 16
_NW = 32
_BPW = BATCH // _NW
_Q = 4
_NB = _BPW // 8
_NSLICE = VOCAB // _L


def _sc_body(uid_hbm, w_hbm, out_hbm, idx_v, band_v, lane_v, in0, in1,
             out_buf, gs0, gs1):
    wid = lax.axis_index("s") * 2 + lax.axis_index("c")
    base = wid * _BPW
    pltpu.sync_copy(uid_hbm.at[pl.ds(base, _BPW)], idx_v)
    for j in range(_BPW // _L):
        ids = idx_v[pl.ds(j * _L, _L)]
        band_v[pl.ds(j * _L, _L)] = lax.shift_right_logical(ids, 3)
        lane_v[pl.ds(j * _L, _L)] = lax.bitwise_and(ids, 7)

    in_bufs = (in0, in1)
    gsems = (gs0, gs1)

    def fire(q, slot):
        for k in range(_Q):
            row0 = pl.multiple_of(band_v[pl.ds(q * _Q + k, _L)][0] * 8, 8)
            pltpu.async_copy(w_hbm.at[pl.ds(row0, 8)],
                             in_bufs[slot].at[k], gsems[slot])

    def drain(slot):
        for k in range(_Q):
            pltpu.make_async_copy(w_hbm.at[pl.ds(0, 8)],
                                  in_bufs[slot].at[k], gsems[slot]).wait()

    def compute(q, slot, half):
        in_buf = in_bufs[slot]

        def do_row(k, carry):
            lane = lane_v[pl.ds(q * _Q + k, _L)][0]
            for j in range(_NSLICE):
                x = in_buf[k, lane, pl.ds(j * _L, _L)]
                out_buf[half + k, pl.ds(j * _L, _L)] = jnp.clip(
                    x * GAIN, -CLIP, CLIP)
            x = in_buf[k, lane, pl.ds(VOCAB - _L, _L)]
            out_buf[half + k, pl.ds(VOCAB - _L, _L)] = jnp.clip(
                x * GAIN, -CLIP, CLIP)
            return carry

        lax.fori_loop(0, _Q, do_row, 0)

    fire(0, 0)
    fire(1, 1)

    def do_band(s, carry):
        q0 = s * 2

        drain(0)
        compute(q0, 0, 0)

        @pl.when(s < _NB - 1)
        def _():
            fire(q0 + 2, 0)

        drain(1)
        compute(q0 + 1, 1, _Q)

        @pl.when(s < _NB - 1)
        def _():
            fire(q0 + 3, 1)

        pltpu.sync_copy(
            out_buf, out_hbm.at[pl.ds(pl.multiple_of(base + s * 8, 8), 8)])
        return carry

    lax.fori_loop(0, _NB, do_band, 0)


def kernel(user_ids, weight):
    mesh = plsc.VectorSubcoreMesh(core_axis_name="c", subcore_axis_name="s")
    f = pl.kernel(
        _sc_body,
        mesh=mesh,
        out_type=jax.ShapeDtypeStruct((BATCH, VOCAB), jnp.float32),
        scratch_types=[
            pltpu.VMEM((_BPW,), jnp.int32),
            pltpu.VMEM((_BPW + _L,), jnp.int32),
            pltpu.VMEM((_BPW + _L,), jnp.int32),
            pltpu.VMEM((_Q, 8, VOCAB), jnp.float32),
            pltpu.VMEM((_Q, 8, VOCAB), jnp.float32),
            pltpu.VMEM((8, VOCAB), jnp.float32),
            pltpu.SemaphoreType.DMA,
            pltpu.SemaphoreType.DMA,
        ],
    )
    return f(user_ids.astype(jnp.int32), weight)

# --- scband reference (transcript-rebuilt; emitter-appended) ---
"""Pipeline reference for scband-high-gain-sparse-bias-87067577024529 (READ-ONLY COPY).

The authoritative reference and input builder live on the scoring server;
editing this copy changes nothing except your own understanding.
"""

import jax, jax.numpy as jnp
import numpy as np

NUM_USERS = 100000
VOCAB_SIZE = 1000
BATCH = 4096
GAIN = 50.0


def setup_inputs(seed: int = 0) -> dict:
    key = jax.random.key(seed)
    k1, k2 = jax.random.split(key)
    user_ids = jax.random.randint(k1, (BATCH,), 0, NUM_USERS, dtype=jnp.int64 if jax.config.jax_enable_x64 else jnp.int32)
    # Learned per-user bias table (module inits to zeros; use small randn so the
    # clamp/gain path is exercised with nonzero values)
    weight = jax.random.normal(k2, (NUM_USERS, VOCAB_SIZE), dtype=jnp.float32)
    return {"user_ids": user_ids, "weight": weight}


def reference(user_ids, weight):
    # bias(user_ids) -> embedding gather, then explosive gain + clamp
    biases = jnp.take(weight, user_ids, axis=0)
    return jnp.clip(biases * GAIN, -2000.0, 2000.0)

if __name__ == "__main__":
    import jax
    _d = setup_inputs()
    print(jax.jit(kernel)(*tuple(_d.values())))

</pallas_src>

<mosaic_0001>
#map = affine_map<(d0, d1) -> (0)>
#map1 = affine_map<(d0, d1) -> (0, 0)>
module attributes {stable_mosaic.version = 14 : i64} {
  func.func @_sc_body(%arg0: i32, %arg1: i32, %arg2: memref<4096xi32, #tpu.memory_space<hbm>>, %arg3: memref<100000x1000xf32, #tpu.memory_space<hbm>>, %arg4: memref<4096x1000xf32, #tpu.memory_space<hbm>>, %arg5: memref<128xi32, #tpu.memory_space<vmem>>, %arg6: memref<144xi32, #tpu.memory_space<vmem>>, %arg7: memref<144xi32, #tpu.memory_space<vmem>>, %arg8: memref<4x8x1000xf32, #tpu.memory_space<vmem>>, %arg9: memref<4x8x1000xf32, #tpu.memory_space<vmem>>, %arg10: memref<8x1000xf32, #tpu.memory_space<vmem>>, %arg11: memref<!tpu.dma_semaphore, #tpu.memory_space<semaphore_mem>>, %arg12: memref<!tpu.dma_semaphore, #tpu.memory_space<semaphore_mem>>) attributes {dimension_semantics = [#tpu.dimension_semantics<core_parallel>, #tpu.dimension_semantics<subcore_parallel>], iteration_bounds = array<i64: 2, 16>, scalar_prefetch = 0 : i64, scratch_operands = 8 : i64, tpu.core_type = #tpu.core_type<sc_vector_subcore>, window_params = [{transform_indices = #map}, {transform_indices = #map1}, {transform_indices = #map1}]} {
    %mul3A = arith.constant 2 : i32
    %mul3A_0 = arith.muli %arg1, %mul3A : i32
    %add3A = arith.addi %mul3A_0, %arg0 : i32
    %mul3A_1 = arith.constant 128 : i32
    %mul3A_2 = arith.muli %add3A, %mul3A_1 : i32
    "tpu.region"() ({
      %run_scoped3A = tpu.sem_alloc : memref<!tpu.dma_semaphore, #tpu.memory_space<semaphore_mem>>
      %dma_start3A_304 = tpu.memref_slice %arg2[%mul3A_2] : memref<4096xi32, #tpu.memory_space<hbm>> -> memref<128xi32, #tpu.memory_space<hbm>>
      %dma_start3A_305 = tpu.memref_slice %arg2[%mul3A_2] : memref<4096xi32, #tpu.memory_space<hbm>> -> memref<128xi32, #tpu.memory_space<hbm>>
      tpu.enqueue_dma source(%dma_start3A_305 : memref<128xi32, #tpu.memory_space<hbm>>) target(%arg5 : memref<128xi32, #tpu.memory_space<vmem>>) target_semaphore(%run_scoped3A : memref<!tpu.dma_semaphore, #tpu.memory_space<semaphore_mem>>)
      %dma_wait3A = tpu.memref_slice %arg2[%mul3A_2] : memref<4096xi32, #tpu.memory_space<hbm>> -> memref<128xi32, #tpu.memory_space<hbm>>
      %dma_wait3A_306 = tpu.memref_slice %arg2[%mul3A_2] : memref<4096xi32, #tpu.memory_space<hbm>> -> memref<128xi32, #tpu.memory_space<hbm>>
      tpu.wait_dma2 semaphore(%run_scoped3A : memref<!tpu.dma_semaphore, #tpu.memory_space<semaphore_mem>>) src(%dma_wait3A_306 : memref<128xi32, #tpu.memory_space<hbm>>) dst(%arg5 : memref<128xi32, #tpu.memory_space<vmem>>)
      tpu.yield
    }) : () -> ()
    %get3A = arith.constant 0 : index
    %get3A_3 = tpu.vector_load %arg5[%get3A] {strides = array<i32>} : memref<128xi32, #tpu.memory_space<vmem>>, vector<16xi32>,
    %get3A_4 = vector.shape_cast %get3A_3 : vector<16xi32> to vector<16xi32>
    %shift_right_logical3A = arith.constant 3 : i32
    %shift_right_logical3A_5 = vector.broadcast %shift_right_logical3A : i32 to vector<16xi32>
    %shift_right_logical3A_6 = arith.shrui %get3A_4, %shift_right_logical3A_5 : vector<16xi32>
    %swap3A = arith.constant 0 : index
    %swap3A_7 = tpu.vector_load %arg6[%swap3A] {strides = array<i32>} : memref<144xi32, #tpu.memory_space<vmem>>, vector<16xi32>,
    %swap3A_8 = vector.shape_cast %swap3A_7 : vector<16xi32> to vector<16xi32>
    %swap3A_9 = vector.shape_cast %shift_right_logical3A_6 : vector<16xi32> to vector<16xi32>
    tpu.vector_store %arg6[%swap3A], %swap3A_9 {strides = array<i32>} : memref<144xi32, #tpu.memory_space<vmem>>, vector<16xi32>,
    %and3A = arith.constant 7 : i32
    %and3A_10 = vector.broadcast %and3A : i32 to vector<16xi32>
    %and3A_11 = arith.andi %get3A_4, %and3A_10 : vector<16xi32>
    %swap3A_12 = arith.constant 0 : index
    %swap3A_13 = tpu.vector_load %arg7[%swap3A_12] {strides = array<i32>} : memref<144xi32, #tpu.memory_space<vmem>>, vector<16xi32>,
    %swap3A_14 = vector.shape_cast %swap3A_13 : vector<16xi32> to vector<16xi32>
    %swap3A_15 = vector.shape_cast %and3A_11 : vector<16xi32> to vector<16xi32>
    tpu.vector_store %arg7[%swap3A_12], %swap3A_15 {strides = array<i32>} : memref<144xi32, #tpu.memory_space<vmem>>, vector<16xi32>,
    %get3A_16 = arith.constant 16 : index
    %get3A_17 = tpu.vector_load %arg5[%get3A_16] {strides = array<i32>} : memref<128xi32, #tpu.memory_space<vmem>>, vector<16xi32>,
    %get3A_18 = vector.shape_cast %get3A_17 : vector<16xi32> to vector<16xi32>
    %shift_right_logical3A_19 = arith.constant 3 : i32
    %shift_right_logical3A_20 = vector.broadcast %shift_right_logical3A_19 : i32 to vector<16xi32>
    %shift_right_logical3A_21 = arith.shrui %get3A_18, %shift_right_logical3A_20 : vector<16xi32>
    %swap3A_22 = arith.constant 16 : index
    %swap3A_23 = tpu.vector_load %arg6[%swap3A_22] {strides = array<i32>} : memref<144xi32, #tpu.memory_space<vmem>>, vector<16xi32>,
    %swap3A_24 = vector.shape_cast %swap3A_23 : vector<16xi32> to vector<16xi32>
    %swap3A_25 = vector.shape_cast %shift_right_logical3A_21 : vector<16xi32> to vector<16xi32>
    tpu.vector_store %arg6[%swap3A_22], %swap3A_25 {strides = array<i32>} : memref<144xi32, #tpu.memory_space<vmem>>, vector<16xi32>,
    %and3A_26 = arith.constant 7 : i32
    %and3A_27 = vector.broadcast %and3A_26 : i32 to vector<16xi32>
    %and3A_28 = arith.andi %get3A_18, %and3A_27 : vector<16xi32>
    %swap3A_29 = arith.constant 16 : index
    %swap3A_30 = tpu.vector_load %arg7[%swap3A_29] {strides = array<i32>} : memref<144xi32, #tpu.memory_space<vmem>>, vector<16xi32>,
    %swap3A_31 = vector.shape_cast %swap3A_30 : vector<16xi32> to vector<16xi32>
    %swap3A_32 = vector.shape_cast %and3A_28 : vector<16xi32> to vector<16xi32>
    tpu.vector_store %arg7[%swap3A_29], %swap3A_32 {strides = array<i32>} : memref<144xi32, #tpu.memory_space<vmem>>, vector<16xi32>,
    %get3A_33 = arith.constant 32 : index
    %get3A_34 = tpu.vector_load %arg5[%get3A_33] {strides = array<i32>} : memref<128xi32, #tpu.memory_space<vmem>>, vector<16xi32>,
    %get3A_35 = vector.shape_cast %get3A_34 : vector<16xi32> to vector<16xi32>
    %shift_right_logical3A_36 = arith.constant 3 : i32
    %shift_right_logical3A_37 = vector.broadcast %shift_right_logical3A_36 : i32 to vector<16xi32>
    %shift_right_logical3A_38 = arith.shrui %get3A_35, %shift_right_logical3A_37 : vector<16xi32>
    %swap3A_39 = arith.constant 32 : index
    %swap3A_40 = tpu.vector_load %arg6[%swap3A_39] {strides = array<i32>} : memref<144xi32, #tpu.memory_space<vmem>>, vector<16xi32>,
    %swap3A_41 = vector.shape_cast %swap3A_40 : vector<16xi32> to vector<16xi32>
    %swap3A_42 = vector.shape_cast %shift_right_logical3A_38 : vector<16xi32> to vector<16xi32>
    tpu.vector_store %arg6[%swap3A_39], %swap3A_42 {strides = array<i32>} : memref<144xi32, #tpu.memory_space<vmem>>, vector<16xi32>,
    %and3A_43 = arith.constant 7 : i32
    %and3A_44 = vector.broadcast %and3A_43 : i32 to vector<16xi32>
    %and3A_45 = arith.andi %get3A_35, %and3A_44 : vector<16xi32>
    %swap3A_46 = arith.constant 32 : index
    %swap3A_47 = tpu.vector_load %arg7[%swap3A_46] {strides = array<i32>} : memref<144xi32, #tpu.memory_space<vmem>>, vector<16xi32>,
    %swap3A_48 = vector.shape_cast %swap3A_47 : vector<16xi32> to vector<16xi32>
    %swap3A_49 = vector.shape_cast %and3A_45 : vector<16xi32> to vector<16xi32>
    tpu.vector_store %arg7[%swap3A_46], %swap3A_49 {strides = array<i32>} : memref<144xi32, #tpu.memory_space<vmem>>, vector<16xi32>,
    %get3A_50 = arith.constant 48 : index
    %get3A_51 = tpu.vector_load %arg5[%get3A_50] {strides = array<i32>} : memref<128xi32, #tpu.memory_space<vmem>>, vector<16xi32>,
    %get3A_52 = vector.shape_cast %get3A_51 : vector<16xi32> to vector<16xi32>
    %shift_right_logical3A_53 = arith.constant 3 : i32
    %shift_right_logical3A_54 = vector.broadcast %shift_right_logical3A_53 : i32 to vector<16xi32>
    %shift_right_logical3A_55 = arith.shrui %get3A_52, %shift_right_logical3A_54 : vector<16xi32>
    %swap3A_56 = arith.constant 48 : index
    %swap3A_57 = tpu.vector_load %arg6[%swap3A_56] {strides = array<i32>} : memref<144xi32, #tpu.memory_space<vmem>>, vector<16xi32>,
    %swap3A_58 = vector.shape_cast %swap3A_57 : vector<16xi32> to vector<16xi32>
    %swap3A_59 = vector.shape_cast %shift_right_logical3A_55 : vector<16xi32> to vector<16xi32>
    tpu.vector_store %arg6[%swap3A_56], %swap3A_59 {strides = array<i32>} : memref<144xi32, #tpu.memory_space<vmem>>, vector<16xi32>,
    %and3A_60 = arith.constant 7 : i32
    %and3A_61 = vector.broadcast %and3A_60 : i32 to vector<16xi32>
    %and3A_62 = arith.andi %get3A_52, %and3A_61 : vector<16xi32>
    %swap3A_63 = arith.constant 48 : index
    %swap3A_64 = tpu.vector_load %arg7[%swap3A_63] {strides = array<i32>} : memref<144xi32, #tpu.memory_space<vmem>>, vector<16xi32>,
    %swap3A_65 = vector.shape_cast %swap3A_64 : vector<16xi32> to vector<16xi32>
    %swap3A_66 = vector.shape_cast %and3A_62 : vector<16xi32> to vector<16xi32>
    tpu.vector_store %arg7[%swap3A_63], %swap3A_66 {strides = array<i32>} : memref<144xi32, #tpu.memory_space<vmem>>, vector<16xi32>,
    %get3A_67 = arith.constant 64 : index
    %get3A_68 = tpu.vector_load %arg5[%get3A_67] {strides = array<i32>} : memref<128xi32, #tpu.memory_space<vmem>>, vector<16xi32>,
    %get3A_69 = vector.shape_cast %get3A_68 : vector<16xi32> to vector<16xi32>
    %shift_right_logical3A_70 = arith.constant 3 : i32
    %shift_right_logical3A_71 = vector.broadcast %shift_right_logical3A_70 : i32 to vector<16xi32>
    %shift_right_logical3A_72 = arith.shrui %get3A_69, %shift_right_logical3A_71 : vector<16xi32>
    %swap3A_73 = arith.constant 64 : index
    %swap3A_74 = tpu.vector_load %arg6[%swap3A_73] {strides = array<i32>} : memref<144xi32, #tpu.memory_space<vmem>>, vector<16xi32>,
    %swap3A_75 = vector.shape_cast %swap3A_74 : vector<16xi32> to vector<16xi32>
    %swap3A_76 = vector.shape_cast %shift_right_logical3A_72 : vector<16xi32> to vector<16xi32>
    tpu.vector_store %arg6[%swap3A_73], %swap3A_76 {strides = array<i32>} : memref<144xi32, #tpu.memory_space<vmem>>, vector<16xi32>,
    %and3A_77 = arith.constant 7 : i32
    %and3A_78 = vector.broadcast %and3A_77 : i32 to vector<16xi32>
    %and3A_79 = arith.andi %get3A_69, %and3A_78 : vector<16xi32>
    %swap3A_80 = arith.constant 64 : index
    %swap3A_81 = tpu.vector_load %arg7[%swap3A_80] {strides = array<i32>} : memref<144xi32, #tpu.memory_space<vmem>>, vector<16xi32>,
    %swap3A_82 = vector.shape_cast %swap3A_81 : vector<16xi32> to vector<16xi32>
    %swap3A_83 = vector.shape_cast %and3A_79 : vector<16xi32> to vector<16xi32>
    tpu.vector_store %arg7[%swap3A_80], %swap3A_83 {strides = array<i32>} : memref<144xi32, #tpu.memory_space<vmem>>, vector<16xi32>,
    %get3A_84 = arith.constant 80 : index
    %get3A_85 = tpu.vector_load %arg5[%get3A_84] {strides = array<i32>} : memref<128xi32, #tpu.memory_space<vmem>>, vector<16xi32>,
    %get3A_86 = vector.shape_cast %get3A_85 : vector<16xi32> to vector<16xi32>
    %shift_right_logical3A_87 = arith.constant 3 : i32
    %shift_right_logical3A_88 = vector.broadcast %shift_right_logical3A_87 : i32 to vector<16xi32>
    %shift_right_logical3A_89 = arith.shrui %get3A_86, %shift_right_logical3A_88 : vector<16xi32>
    %swap3A_90 = arith.constant 80 : index
    %swap3A_91 = tpu.vector_load %arg6[%swap3A_90] {strides = array<i32>} : memref<144xi32, #tpu.memory_space<vmem>>, vector<16xi32>,
    %swap3A_92 = vector.shape_cast %swap3A_91 : vector<16xi32> to vector<16xi32>
    %swap3A_93 = vector.shape_cast %shift_right_logical3A_89 : vector<16xi32> to vector<16xi32>
    tpu.vector_store %arg6[%swap3A_90], %swap3A_93 {strides = array<i32>} : memref<144xi32, #tpu.memory_space<vmem>>, vector<16xi32>,
    %and3A_94 = arith.constant 7 : i32
    %and3A_95 = vector.broadcast %and3A_94 : i32 to vector<16xi32>
    %and3A_96 = arith.andi %get3A_86, %and3A_95 : vector<16xi32>
    %swap3A_97 = arith.constant 80 : index
    %swap3A_98 = tpu.vector_load %arg7[%swap3A_97] {strides = array<i32>} : memref<144xi32, #tpu.memory_space<vmem>>, vector<16xi32>,
    %swap3A_99 = vector.shape_cast %swap3A_98 : vector<16xi32> to vector<16xi32>
    %swap3A_100 = vector.shape_cast %and3A_96 : vector<16xi32> to vector<16xi32>
    tpu.vector_store %arg7[%swap3A_97], %swap3A_100 {strides = array<i32>} : memref<144xi32, #tpu.memory_space<vmem>>, vector<16xi32>,
    %get3A_101 = arith.constant 96 : index
    %get3A_102 = tpu.vector_load %arg5[%get3A_101] {strides = array<i32>} : memref<128xi32, #tpu.memory_space<vmem>>, vector<16xi32>,
    %get3A_103 = vector.shape_cast %get3A_102 : vector<16xi32> to vector<16xi32>
    %shift_right_logical3A_104 = arith.constant 3 : i32
    %shift_right_logical3A_105 = vector.broadcast %shift_right_logical3A_104 : i32 to vector<16xi32>
    %shift_right_logical3A_106 = arith.shrui %get3A_103, %shift_right_logical3A_105 : vector<16xi32>
    %swap3A_107 = arith.constant 96 : index
    %swap3A_108 = tpu.vector_load %arg6[%swap3A_107] {strides = array<i32>} : memref<144xi32, #tpu.memory_space<vmem>>, vector<16xi32>,
    %swap3A_109 = vector.shape_cast %swap3A_108 : vector<16xi32> to vector<16xi32>
    %swap3A_110 = vector.shape_cast %shift_right_logical3A_106 : vector<16xi32> to vector<16xi32>
    tpu.vector_store %arg6[%swap3A_107], %swap3A_110 {strides = array<i32>} : memref<144xi32, #tpu.memory_space<vmem>>, vector<16xi32>,
    %and3A_111 = arith.constant 7 : i32
    %and3A_112 = vector.broadcast %and3A_111 : i32 to vector<16xi32>
    %and3A_113 = arith.andi %get3A_103, %and3A_112 : vector<16xi32>
    %swap3A_114 = arith.constant 96 : index
    %swap3A_115 = tpu.vector_load %arg7[%swap3A_114] {strides = array<i32>} : memref<144xi32, #tpu.memory_space<vmem>>, vector<16xi32>,
    %swap3A_116 = vector.shape_cast %swap3A_115 : vector<16xi32> to vector<16xi32>
    %swap3A_117 = vector.shape_cast %and3A_113 : vector<16xi32> to vector<16xi32>
    tpu.vector_store %arg7[%swap3A_114], %swap3A_117 {strides = array<i32>} : memref<144xi32, #tpu.memory_space<vmem>>, vector<16xi32>,
    %get3A_118 = arith.constant 112 : index
    %get3A_119 = tpu.vector_load %arg5[%get3A_118] {strides = array<i32>} : memref<128xi32, #tpu.memory_space<vmem>>, vector<16xi32>,
    %get3A_120 = vector.shape_cast %get3A_119 : vector<16xi32> to vector<16xi32>
    %shift_right_logical3A_121 = arith.constant 3 : i32
    %shift_right_logical3A_122 = vector.broadcast %shift_right_logical3A_121 : i32 to vector<16xi32>
    %shift_right_logical3A_123 = arith.shrui %get3A_120, %shift_right_logical3A_122 : vector<16xi32>
    %swap3A_124 = arith.constant 112 : index
    %swap3A_125 = tpu.vector_load %arg6[%swap3A_124] {strides = array<i32>} : memref<144xi32, #tpu.memory_space<vmem>>, vector<16xi32>,
    %swap3A_126 = vector.shape_cast %swap3A_125 : vector<16xi32> to vector<16xi32>
    %swap3A_127 = vector.shape_cast %shift_right_logical3A_123 : vector<16xi32> to vector<16xi32>
    tpu.vector_store %arg6[%swap3A_124], %swap3A_127 {strides = array<i32>} : memref<144xi32, #tpu.memory_space<vmem>>, vector<16xi32>,
    %and3A_128 = arith.constant 7 : i32
    %and3A_129 = vector.broadcast %and3A_128 : i32 to vector<16xi32>
    %and3A_130 = arith.andi %get3A_120, %and3A_129 : vector<16xi32>
    %swap3A_131 = arith.constant 112 : index
    %swap3A_132 = tpu.vector_load %arg7[%swap3A_131] {strides = array<i32>} : memref<144xi32, #tpu.memory_space<vmem>>, vector<16xi32>,
    %swap3A_133 = vector.shape_cast %swap3A_132 : vector<16xi32> to vector<16xi32>
    %swap3A_134 = vector.shape_cast %and3A_130 : vector<16xi32> to vector<16xi32>
    tpu.vector_store %arg7[%swap3A_131], %swap3A_134 {strides = array<i32>} : memref<144xi32, #tpu.memory_space<vmem>>, vector<16xi32>,
    %get3A_135 = arith.constant 0 : index
    %get3A_136 = tpu.vector_load %arg6[%get3A_135] {strides = array<i32>} : memref<144xi32, #tpu.memory_space<vmem>>, vector<16xi32>,
    %get3A_137 = vector.shape_cast %get3A_136 : vector<16xi32> to vector<16xi32>
    %slice3A = vector.extract_strided_slice %get3A_137 {offsets = [0], sizes = [1], strides = [1]} : vector<16xi32> to vector<1xi32>
    %squeeze3A = vector.extract %slice3A[0] : i32 from vector<1xi32>
    %mul3A_138 = arith.constant 8 : i32
    %mul3A_139 = arith.muli %squeeze3A, %mul3A_138 : i32
    %multiple_of3A = tpu.assume_multiple %mul3A_139, 8 : i32
    %dma_start3A = arith.constant 0 : i32
    %dma_start3A_140 = arith.constant 0 : i32
    %dma_start3A_141 = arith.constant 0 : i32
    %dma_start3A_142 = tpu.memref_slice %arg8[%dma_start3A, %dma_start3A_140, %dma_start3A_141] : memref<4x8x1000xf32, #tpu.memory_space<vmem>> -> memref<1x8x1000xf32, #tpu.memory_space<vmem>>
    %dma_start3A_143 = tpu.memref_squeeze %dma_start3A_142 : memref<1x8x1000xf32, #tpu.memory_space<vmem>> -> memref<8x1000xf32, #tpu.memory_space<vmem>>
    %dma_start3A_144 = arith.constant 0 : i32
    %dma_start3A_145 = tpu.memref_slice %arg3[%multiple_of3A, %dma_start3A_144] : memref<100000x1000xf32, #tpu.memory_space<hbm>> -> memref<8x1000xf32, #tpu.memory_space<hbm>>
    %dma_start3A_146 = arith.constant 0 : i32
    %dma_start3A_147 = arith.constant 0 : i32
    %dma_start3A_148 = tpu.memref_slice %arg8[%dma_start3A, %dma_start3A_146, %dma_start3A_147] : memref<4x8x1000xf32, #tpu.memory_space<vmem>> -> memref<1x8x1000xf32, #tpu.memory_space<vmem>>
    %dma_start3A_149 = tpu.memref_squeeze %dma_start3A_148 : memref<1x8x1000xf32, #tpu.memory_space<vmem>> -> memref<8x1000xf32, #tpu.memory_space<vmem>>
    %dma_start3A_150 = arith.constant 0 : i32
    %dma_start3A_151 = tpu.memref_slice %arg3[%multiple_of3A, %dma_start3A_150] : memref<100000x1000xf32, #tpu.memory_space<hbm>> -> memref<8x1000xf32, #tpu.memory_space<hbm>>
    tpu.enqueue_dma source(%dma_start3A_151 : memref<8x1000xf32, #tpu.memory_space<hbm>>) target(%dma_start3A_149 : memref<8x1000xf32, #tpu.memory_space<vmem>>) target_semaphore(%arg11 : memref<!tpu.dma_semaphore, #tpu.memory_space<semaphore_mem>>)
    %get3A_152 = arith.constant 1 : index
    %get3A_153 = tpu.vector_load %arg6[%get3A_152] {strides = array<i32>} : memref<144xi32, #tpu.memory_space<vmem>>, vector<16xi32>,
    %get3A_154 = vector.shape_cast %get3A_153 : vector<16xi32> to vector<16xi32>
    %slice3A_155 = vector.extract_strided_slice %get3A_154 {offsets = [0], sizes = [1], strides = [1]} : vector<16xi32> to vector<1xi32>
    %squeeze3A_156 = vector.extract %slice3A_155[0] : i32 from vector<1xi32>
    %mul3A_157 = arith.constant 8 : i32
    %mul3A_158 = arith.muli %squeeze3A_156, %mul3A_157 : i32
    %multiple_of3A_159 = tpu.assume_multiple %mul3A_158, 8 : i32
    %dma_start3A_160 = arith.constant 1 : i32
    %dma_start3A_161 = arith.constant 0 : i32
    %dma_start3A_162 = arith.constant 0 : i32
    %dma_start3A_163 = tpu.memref_slice %arg8[%dma_start3A_160, %dma_start3A_161, %dma_start3A_162] : memref<4x8x1000xf32, #tpu.memory_space<vmem>> -> memref<1x8x1000xf32, #tpu.memory_space<vmem>>
    %dma_start3A_164 = tpu.memref_squeeze %dma_start3A_163 : memref<1x8x1000xf32, #tpu.memory_space<vmem>> -> memref<8x1000xf32, #tpu.memory_space<vmem>>
    %dma_start3A_165 = arith.constant 0 : i32
    %dma_start3A_166 = tpu.memref_slice %arg3[%multiple_of3A_159, %dma_start3A_165] : memref<100000x1000xf32, #tpu.memory_space<hbm>> -> memref<8x1000xf32, #tpu.memory_space<hbm>>
    %dma_start3A_167 = arith.constant 0 : i32
    %dma_start3A_168 = arith.constant 0 : i32
    %dma_start3A_169 = tpu.memref_slice %arg8[%dma_start3A_160, %dma_start3A_167, %dma_start3A_168] : memref<4x8x1000xf32, #tpu.memory_space<vmem>> -> memref<1x8x1000xf32, #tpu.memory_space<vmem>>
    %dma_start3A_170 = tpu.memref_squeeze %dma_start3A_169 : memref<1x8x1000xf32, #tpu.memory_space<vmem>> -> memref<8x1000xf32, #tpu.memory_space<vmem>>
    %dma_start3A_171 = arith.constant 0 : i32
    %dma_start3A_172 = tpu.memref_slice %arg3[%multiple_of3A_159, %dma_start3A_171] : memref<100000x1000xf32, #tpu.memory_space<hbm>> -> memref<8x1000xf32, #tpu.memory_space<hbm>>
    tpu.enqueue_dma source(%dma_start3A_172 : memref<8x1000xf32, #tpu.memory_space<hbm>>) target(%dma_start3A_170 : memref<8x1000xf32, #tpu.memory_space<vmem>>) target_semaphore(%arg11 : memref<!tpu.dma_semaphore, #tpu.memory_space<semaphore_mem>>)
    %get3A_173 = arith.constant 2 : index
    %get3A_174 = tpu.vector_load %arg6[%get3A_173] {strides = array<i32>} : memref<144xi32, #tpu.memory_space<vmem>>, vector<16xi32>,
    %get3A_175 = vector.shape_cast %get3A_174 : vector<16xi32> to vector<16xi32>
    %slice3A_176 = vector.extract_strided_slice %get3A_175 {offsets = [0], sizes = [1], strides = [1]} : vector<16xi32> to vector<1xi32>
    %squeeze3A_177 = vector.extract %slice3A_176[0] : i32 from vector<1xi32>
    %mul3A_178 = arith.constant 8 : i32
    %mul3A_179 = arith.muli %squeeze3A_177, %mul3A_178 : i32
    %multiple_of3A_180 = tpu.assume_multiple %mul3A_179, 8 : i32
    %dma_start3A_181 = arith.constant 2 : i32
    %dma_start3A_182 = arith.constant 0 : i32
    %dma_start3A_183 = arith.constant 0 : i32
    %dma_start3A_184 = tpu.memref_slice %arg8[%dma_start3A_181, %dma_start3A_182, %dma_start3A_183] : memref<4x8x1000xf32, #tpu.memory_space<vmem>> -> memref<1x8x1000xf32, #tpu.memory_space<vmem>>
    %dma_start3A_185 = tpu.memref_squeeze %dma_start3A_184 : memref<1x8x1000xf32, #tpu.memory_space<vmem>> -> memref<8x1000xf32, #tpu.memory_space<vmem>>
    %dma_start3A_186 = arith.constant 0 : i32
    %dma_start3A_187 = tpu.memref_slice %arg3[%multiple_of3A_180, %dma_start3A_186] : memref<100000x1000xf32, #tpu.memory_space<hbm>> -> memref<8x1000xf32, #tpu.memory_space<hbm>>
    %dma_start3A_188 = arith.constant 0 : i32
    %dma_start3A_189 = arith.constant 0 : i32
    %dma_start3A_190 = tpu.memref_slice %arg8[%dma_start3A_181, %dma_start3A_188, %dma_start3A_189] : memref<4x8x1000xf32, #tpu.memory_space<vmem>> -> memref<1x8x1000xf32, #tpu.memory_space<vmem>>
    %dma_start3A_191 = tpu.memref_squeeze %dma_start3A_190 : memref<1x8x1000xf32, #tpu.memory_space<vmem>> -> memref<8x1000xf32, #tpu.memory_space<vmem>>
    %dma_start3A_192 = arith.constant 0 : i32
    %dma_start3A_193 = tpu.memref_slice %arg3[%multiple_of3A_180, %dma_start3A_192] : memref<100000x1000xf32, #tpu.memory_space<hbm>> -> memref<8x1000xf32, #tpu.memory_space<hbm>>
    tpu.enqueue_dma source(%dma_start3A_193 : memref<8x1000xf32, #tpu.memory_space<hbm>>) target(%dma_start3A_191 : memref<8x1000xf32, #tpu.memory_space<vmem>>) target_semaphore(%arg11 : memref<!tpu.dma_semaphore, #tpu.memory_space<semaphore_mem>>)
    %get3A_194 = arith.constant 3 : index
    %get3A_195 = tpu.vector_load %arg6[%get3A_194] {strides = array<i32>} : memref<144xi32, #tpu.memory_space<vmem>>, vector<16xi32>,
    %get3A_196 = vector.shape_cast %get3A_195 : vector<16xi32> to vector<16xi32>
    %slice3A_197 = vector.extract_strided_slice %get3A_196 {offsets = [0], sizes = [1], strides = [1]} : vector<16xi32> to vector<1xi32>
    %squeeze3A_198 = vector.extract %slice3A_197[0] : i32 from vector<1xi32>
    %mul3A_199 = arith.constant 8 : i32
    %mul3A_200 = arith.muli %squeeze3A_198, %mul3A_199 : i32
    %multiple_of3A_201 = tpu.assume_multiple %mul3A_200, 8 : i32
    %dma_start3A_202 = arith.constant 3 : i32
    %dma_start3A_203 = arith.constant 0 : i32
    %dma_start3A_204 = arith.constant 0 : i32
    %dma_start3A_205 = tpu.memref_slice %arg8[%dma_start3A_202, %dma_start3A_203, %dma_start3A_204] : memref<4x8x1000xf32, #tpu.memory_space<vmem>> -> memref<1x8x1000xf32, #tpu.memory_space<vmem>>
    %dma_start3A_206 = tpu.memref_squeeze %dma_start3A_205 : memref<1x8x1000xf32, #tpu.memory_space<vmem>> -> memref<8x1000xf32, #tpu.memory_space<vmem>>
    %dma_start3A_207 = arith.constant 0 : i32
    %dma_start3A_208 = tpu.memref_slice %arg3[%multiple_of3A_201, %dma_start3A_207] : memref<100000x1000xf32, #tpu.memory_space<hbm>> -> memref<8x1000xf32, #tpu.memory_space<hbm>>
    %dma_start3A_209 = arith.constant 0 : i32
    %dma_start3A_210 = arith.constant 0 : i32
    %dma_start3A_211 = tpu.memref_slice %arg8[%dma_start3A_202, %dma_start3A_209, %dma_start3A_210] : memref<4x8x1000xf32, #tpu.memory_space<vmem>> -> memref<1x8x1000xf32, #tpu.memory_space<vmem>>
    %dma_start3A_212 = tpu.memref_squeeze %dma_start3A_211 : memref<1x8x1000xf32, #tpu.memory_space<vmem>> -> memref<8x1000xf32, #tpu.memory_space<vmem>>
    %dma_start3A_213 = arith.constant 0 : i32
    %dma_start3A_214 = tpu.memref_slice %arg3[%multiple_of3A_201, %dma_start3A_213] : memref<100000x1000xf32, #tpu.memory_space<hbm>> -> memref<8x1000xf32, #tpu.memory_space<hbm>>
    tpu.enqueue_dma source(%dma_start3A_214 : memref<8x1000xf32, #tpu.memory_space<hbm>>) target(%dma_start3A_212 : memref<8x1000xf32, #tpu.memory_space<vmem>>) target_semaphore(%arg11 : memref<!tpu.dma_semaphore, #tpu.memory_space<semaphore_mem>>)
    %get3A_215 = arith.constant 4 : index
    %get3A_216 = tpu.vector_load %arg6[%get3A_215] {strides = array<i32>} : memref<144xi32, #tpu.memory_space<vmem>>, vector<16xi32>,
    %get3A_217 = vector.shape_cast %get3A_216 : vector<16xi32> to vector<16xi32>
    %slice3A_218 = vector.extract_strided_slice %get3A_217 {offsets = [0], sizes = [1], strides = [1]} : vector<16xi32> to vector<1xi32>
    %squeeze3A_219 = vector.extract %slice3A_218[0] : i32 from vector<1xi32>
    %mul3A_220 = arith.constant 8 : i32
    %mul3A_221 = arith.muli %squeeze3A_219, %mul3A_220 : i32
    %multiple_of3A_222 = tpu.assume_multiple %mul3A_221, 8 : i32
    %dma_start3A_223 = arith.constant 0 : i32
    %dma_start3A_224 = arith.constant 0 : i32
    %dma_start3A_225 = arith.constant 0 : i32
    %dma_start3A_226 = tpu.memref_slice %arg9[%dma_start3A_223, %dma_start3A_224, %dma_start3A_225] : memref<4x8x1000xf32, #tpu.memory_space<vmem>> -> memref<1x8x1000xf32, #tpu.memory_space<vmem>>
    %dma_start3A_227 = tpu.memref_squeeze %dma_start3A_226 : memref<1x8x1000xf32, #tpu.memory_space<vmem>> -> memref<8x1000xf32, #tpu.memory_space<vmem>>
    %dma_start3A_228 = arith.constant 0 : i32
    %dma_start3A_229 = tpu.memref_slice %arg3[%multiple_of3A_222, %dma_start3A_228] : memref<100000x1000xf32, #tpu.memory_space<hbm>> -> memref<8x1000xf32, #tpu.memory_space<hbm>>
    %dma_start3A_230 = arith.constant 0 : i32
    %dma_start3A_231 = arith.constant 0 : i32
    %dma_start3A_232 = tpu.memref_slice %arg9[%dma_start3A_223, %dma_start3A_230, %dma_start3A_231] : memref<4x8x1000xf32, #tpu.memory_space<vmem>> -> memref<1x8x1000xf32, #tpu.memory_space<vmem>>
    %dma_start3A_233 = tpu.memref_squeeze %dma_start3A_232 : memref<1x8x1000xf32, #tpu.memory_space<vmem>> -> memref<8x1000xf32, #tpu.memory_space<vmem>>
    %dma_start3A_234 = arith.constant 0 : i32
    %dma_start3A_235 = tpu.memref_slice %arg3[%multiple_of3A_222, %dma_start3A_234] : memref<100000x1000xf32, #tpu.memory_space<hbm>> -> memref<8x1000xf32, #tpu.memory_space<hbm>>
    tpu.enqueue_dma source(%dma_start3A_235 : memref<8x1000xf32, #tpu.memory_space<hbm>>) target(%dma_start3A_233 : memref<8x1000xf32, #tpu.memory_space<vmem>>) target_semaphore(%arg12 : memref<!tpu.dma_semaphore, #tpu.memory_space<semaphore_mem>>)
    %get3A_236 = arith.constant 5 : index
    %get3A_237 = tpu.vector_load %arg6[%get3A_236] {strides = array<i32>} : memref<144xi32, #tpu.memory_space<vmem>>, vector<16xi32>,
    %get3A_238 = vector.shape_cast %get3A_237 : vector<16xi32> to vector<16xi32>
    %slice3A_239 = vector.extract_strided_slice %get3A_238 {offsets = [0], sizes = [1], strides = [1]} : vector<16xi32> to vector<1xi32>
    %squeeze3A_240 = vector.extract %slice3A_239[0] : i32 from vector<1xi32>
    %mul3A_241 = arith.constant 8 : i32
    %mul3A_242 = arith.muli %squeeze3A_240, %mul3A_241 : i32
    %multiple_of3A_243 = tpu.assume_multiple %mul3A_242, 8 : i32
    %dma_start3A_244 = arith.constant 1 : i32
    %dma_start3A_245 = arith.constant 0 : i32
    %dma_start3A_246 = arith.constant 0 : i32
    %dma_start3A_247 = tpu.memref_slice %arg9[%dma_start3A_244, %dma_start3A_245, %dma_start3A_246] : memref<4x8x1000xf32, #tpu.memory_space<vmem>> -> memref<1x8x1000xf32, #tpu.memory_space<vmem>>
    %dma_start3A_248 = tpu.memref_squeeze %dma_start3A_247 : memref<1x8x1000xf32, #tpu.memory_space<vmem>> -> memref<8x1000xf32, #tpu.memory_space<vmem>>
    %dma_start3A_249 = arith.constant 0 : i32
    %dma_start3A_250 = tpu.memref_slice %arg3[%multiple_of3A_243, %dma_start3A_249] : memref<100000x1000xf32, #tpu.memory_space<hbm>> -> memref<8x1000xf32, #tpu.memory_space<hbm>>
    %dma_start3A_251 = arith.constant 0 : i32
    %dma_start3A_252 = arith.constant 0 : i32
    %dma_start3A_253 = tpu.memref_slice %arg9[%dma_start3A_244, %dma_start3A_251, %dma_start3A_252] : memref<4x8x1000xf32, #tpu.memory_space<vmem>> -> memref<1x8x1000xf32, #tpu.memory_space<vmem>>
    %dma_start3A_254 = tpu.memref_squeeze %dma_start3A_253 : memref<1x8x1000xf32, #tpu.memory_space<vmem>> -> memref<8x1000xf32, #tpu.memory_space<vmem>>
    %dma_start3A_255 = arith.constant 0 : i32
    %dma_start3A_256 = tpu.memref_slice %arg3[%multiple_of3A_243, %dma_start3A_255] : memref<100000x1000xf32, #tpu.memory_space<hbm>> -> memref<8x1000xf32, #tpu.memory_space<hbm>>
    tpu.enqueue_dma source(%dma_start3A_256 : memref<8x1000xf32, #tpu.memory_space<hbm>>) target(%dma_start3A_254 : memref<8x1000xf32, #tpu.memory_space<vmem>>) target_semaphore(%arg12 : memref<!tpu.dma_semaphore, #tpu.memory_space<semaphore_mem>>)
    %get3A_257 = arith.constant 6 : index
    %get3A_258 = tpu.vector_load %arg6[%get3A_257] {strides = array<i32>} : memref<144xi32, #tpu.memory_space<vmem>>, vector<16xi32>,
    %get3A_259 = vector.shape_cast %get3A_258 : vector<16xi32> to vector<16xi32>
    %slice3A_260 = vector.extract_strided_slice %get3A_259 {offsets = [0], sizes = [1], strides = [1]} : vector<16xi32> to vector<1xi32>
    %squeeze3A_261 = vector.extract %slice3A_260[0] : i32 from vector<1xi32>
    %mul3A_262 = arith.constant 8 : i32
    %mul3A_263 = arith.muli %squeeze3A_261, %mul3A_262 : i32
    %multiple_of3A_264 = tpu.assume_multiple %mul3A_263, 8 : i32
    %dma_start3A_265 = arith.constant 2 : i32
    %dma_start3A_266 = arith.constant 0 : i32
    %dma_start3A_267 = arith.constant 0 : i32
    %dma_start3A_268 = tpu.memref_slice %arg9[%dma_start3A_265, %dma_start3A_266, %dma_start3A_267] : memref<4x8x1000xf32, #tpu.memory_space<vmem>> -> memref<1x8x1000xf32, #tpu.memory_space<vmem>>
    %dma_start3A_269 = tpu.memref_squeeze %dma_start3A_268 : memref<1x8x1000xf32, #tpu.memory_space<vmem>> -> memref<8x1000xf32, #tpu.memory_space<vmem>>
    %dma_start3A_270 = arith.constant 0 : i32
    %dma_start3A_271 = tpu.memref_slice %arg3[%multiple_of3A_264, %dma_start3A_270] : memref<100000x1000xf32, #tpu.memory_space<hbm>> -> memref<8x1000xf32, #tpu.memory_space<hbm>>
    %dma_start3A_272 = arith.constant 0 : i32
    %dma_start3A_273 = arith.constant 0 : i32
    %dma_start3A_274 = tpu.memref_slice %arg9[%dma_start3A_265, %dma_start3A_272, %dma_start3A_273] : memref<4x8x1000xf32, #tpu.memory_space<vmem>> -> memref<1x8x1000xf32, #tpu.memory_space<vmem>>
    %dma_start3A_275 = tpu.memref_squeeze %dma_start3A_274 : memref<1x8x1000xf32, #tpu.memory_space<vmem>> -> memref<8x1000xf32, #tpu.memory_space<vmem>>
    %dma_start3A_276 = arith.constant 0 : i32
    %dma_start3A_277 = tpu.memref_slice %arg3[%multiple_of3A_264, %dma_start3A_276] : memref<100000x1000xf32, #tpu.memory_space<hbm>> -> memref<8x1000xf32, #tpu.memory_space<hbm>>
    tpu.enqueue_dma source(%dma_start3A_277 : memref<8x1000xf32, #tpu.memory_space<hbm>>) target(%dma_start3A_275 : memref<8x1000xf32, #tpu.memory_space<vmem>>) target_semaphore(%arg12 : memref<!tpu.dma_semaphore, #tpu.memory_space<semaphore_mem>>)
    %get3A_278 = arith.constant 7 : index
    %get3A_279 = tpu.vector_load %arg6[%get3A_278] {strides = array<i32>} : memref<144xi32, #tpu.memory_space<vmem>>, vector<16xi32>,
    %get3A_280 = vector.shape_cast %get3A_279 : vector<16xi32> to vector<16xi32>
    %slice3A_281 = vector.extract_strided_slice %get3A_280 {offsets = [0], sizes = [1], strides = [1]} : vector<16xi32> to vector<1xi32>
    %squeeze3A_282 = vector.extract %slice3A_281[0] : i32 from vector<1xi32>
    %mul3A_283 = arith.constant 8 : i32
    %mul3A_284 = arith.muli %squeeze3A_282, %mul3A_283 : i32
    %multiple_of3A_285 = tpu.assume_multiple %mul3A_284, 8 : i32
    %dma_start3A_286 = arith.constant 3 : i32
    %dma_start3A_287 = arith.constant 0 : i32
    %dma_start3A_288 = arith.constant 0 : i32
    %dma_start3A_289 = tpu.memref_slice %arg9[%dma_start3A_286, %dma_start3A_287, %dma_start3A_288] : memref<4x8x1000xf32, #tpu.memory_space<vmem>> -> memref<1x8x1000xf32, #tpu.memory_space<vmem>>
    %dma_start3A_290 = tpu.memref_squeeze %dma_start3A_289 : memref<1x8x1000xf32, #tpu.memory_space<vmem>> -> memref<8x1000xf32, #tpu.memory_space<vmem>>
    %dma_start3A_291 = arith.constant 0 : i32
    %dma_start3A_292 = tpu.memref_slice %arg3[%multiple_of3A_285, %dma_start3A_291] : memref<100000x1000xf32, #tpu.memory_space<hbm>> -> memref<8x1000xf32, #tpu.memory_space<hbm>>
    %dma_start3A_293 = arith.constant 0 : i32
    %dma_start3A_294 = arith.constant 0 : i32
    %dma_start3A_295 = tpu.memref_slice %arg9[%dma_start3A_286, %dma_start3A_293, %dma_start3A_294] : memref<4x8x1000xf32, #tpu.memory_space<vmem>> -> memref<1x8x1000xf32, #tpu.memory_space<vmem>>
    %dma_start3A_296 = tpu.memref_squeeze %dma_start3A_295 : memref<1x8x1000xf32, #tpu.memory_space<vmem>> -> memref<8x1000xf32, #tpu.memory_space<vmem>>
    %dma_start3A_297 = arith.constant 0 : i32
    %dma_start3A_298 = tpu.memref_slice %arg3[%multiple_of3A_285, %dma_start3A_297] : memref<100000x1000xf32, #tpu.memory_space<hbm>> -> memref<8x1000xf32, #tpu.memory_space<hbm>>
    tpu.enqueue_dma source(%dma_start3A_298 : memref<8x1000xf32, #tpu.memory_space<hbm>>) target(%dma_start3A_296 : memref<8x1000xf32, #tpu.memory_space<vmem>>) target_semaphore(%arg12 : memref<!tpu.dma_semaphore, #tpu.memory_space<semaphore_mem>>)
    %scan3A = arith.constant 0 : i32
    %scan3A_299 = arith.constant 0 : i32
    %scan3A_300 = arith.constant 16 : i32
    %scan3A_301 = arith.addi %scan3A_299, %scan3A_300 : i32
    %scan3A_302 = arith.constant 1 : i32
    scf.for %scan3A_304 = %scan3A_299 to %scan3A_301 step %scan3A_302  : i32 {
      %mul3A_305 = arith.constant 2 : i32
      %mul3A_306 = arith.muli %scan3A_304, %mul3A_305 : i32
      %dma_wait3A = arith.constant 0 : i32
      %dma_wait3A_307 = arith.constant 0 : i32
      %dma_wait3A_308 = arith.constant 0 : i32
      %dma_wait3A_309 = tpu.memref_slice %arg8[%dma_wait3A, %dma_wait3A_307, %dma_wait3A_308] : memref<4x8x1000xf32, #tpu.memory_space<vmem>> -> memref<1x8x1000xf32, #tpu.memory_space<vmem>>
      %dma_wait3A_310 = tpu.memref_squeeze %dma_wait3A_309 : memref<1x8x1000xf32, #tpu.memory_space<vmem>> -> memref<8x1000xf32, #tpu.memory_space<vmem>>
      %dma_wait3A_311 = arith.constant 0 : i32
      %dma_wait3A_312 = arith.constant 0 : i32
      %dma_wait3A_313 = tpu.memref_slice %arg3[%dma_wait3A_311, %dma_wait3A_312] : memref<100000x1000xf32, #tpu.memory_space<hbm>> -> memref<8x1000xf32, #tpu.memory_space<hbm>>
      %dma_wait3A_314 = arith.constant 0 : i32
      %dma_wait3A_315 = arith.constant 0 : i32
      %dma_wait3A_316 = tpu.memref_slice %arg8[%dma_wait3A, %dma_wait3A_314, %dma_wait3A_315] : memref<4x8x1000xf32, #tpu.memory_space<vmem>> -> memref<1x8x1000xf32, #tpu.memory_space<vmem>>
      %dma_wait3A_317 = tpu.memref_squeeze %dma_wait3A_316 : memref<1x8x1000xf32, #tpu.memory_space<vmem>> -> memref<8x1000xf32, #tpu.memory_space<vmem>>
      %dma_wait3A_318 = arith.constant 0 : i32
      %dma_wait3A_319 = arith.constant 0 : i32
      %dma_wait3A_320 = tpu.memref_slice %arg3[%dma_wait3A_318, %dma_wait3A_319] : memref<100000x1000xf32, #tpu.memory_space<hbm>> -> memref<8x1000xf32, #tpu.memory_space<hbm>>
      tpu.wait_dma2 semaphore(%arg11 : memref<!tpu.dma_semaphore, #tpu.memory_space<semaphore_mem>>) src(%dma_wait3A_320 : memref<8x1000xf32, #tpu.memory_space<hbm>>) dst(%dma_wait3A_317 : memref<8x1000xf32, #tpu.memory_space<vmem>>)
      %dma_wait3A_321 = arith.constant 1 : i32
      %dma_wait3A_322 = arith.constant 0 : i32
      %dma_wait3A_323 = arith.constant 0 : i32
      %dma_wait3A_324 = tpu.memref_slice %arg8[%dma_wait3A_321, %dma_wait3A_322, %dma_wait3A_323] : memref<4x8x1000xf32, #tpu.memory_space<vmem>> -> memref<1x8x1000xf32, #tpu.memory_space<vmem>>
      %dma_wait3A_325 = tpu.memref_squeeze %dma_wait3A_324 : memref<1x8x1000xf32, #tpu.memory_space<vmem>> -> memref<8x1000xf32, #tpu.memory_space<vmem>>
      %dma_wait3A_326 = arith.constant 0 : i32
      %dma_wait3A_327 = arith.constant 0 : i32
      %dma_wait3A_328 = tpu.memref_slice %arg3[%dma_wait3A_326, %dma_wait3A_327] : memref<100000x1000xf32, #tpu.memory_space<hbm>> -> memref<8x1000xf32, #tpu.memory_space<hbm>>
      %dma_wait3A_329 = arith.constant 0 : i32
      %dma_wait3A_330 = arith.constant 0 : i32
      %dma_wait3A_331 = tpu.memref_slice %arg8[%dma_wait3A_321, %dma_wait3A_329, %dma_wait3A_330] : memref<4x8x1000xf32, #tpu.memory_space<vmem>> -> memref<1x8x1000xf32, #tpu.memory_space<vmem>>
      %dma_wait3A_332 = tpu.memref_squeeze %dma_wait3A_331 : memref<1x8x1000xf32, #tpu.memory_space<vmem>> -> memref<8x1000xf32, #tpu.memory_space<vmem>>
      %dma_wait3A_333 = arith.constant 0 : i32
      %dma_wait3A_334 = arith.constant 0 : i32
      %dma_wait3A_335 = tpu.memref_slice %arg3[%dma_wait3A_333, %dma_wait3A_334] : memref<100000x1000xf32, #tpu.memory_space<hbm>> -> memref<8x1000xf32, #tpu.memory_space<hbm>>
      tpu.wait_dma2 semaphore(%arg11 : memref<!tpu.dma_semaphore, #tpu.memory_space<semaphore_mem>>) src(%dma_wait3A_335 : memref<8x1000xf32, #tpu.memory_space<hbm>>) dst(%dma_wait3A_332 : memref<8x1000xf32, #tpu.memory_space<vmem>>)
      %dma_wait3A_336 = arith.constant 2 : i32
      %dma_wait3A_337 = arith.constant 0 : i32
      %dma_wait3A_338 = arith.constant 0 : i32
      %dma_wait3A_339 = tpu.memref_slice %arg8[%dma_wait3A_336, %dma_wait3A_337, %dma_wait3A_338] : memref<4x8x1000xf32, #tpu.memory_space<vmem>> -> memref<1x8x1000xf32, #tpu.memory_space<vmem>>
      %dma_wait3A_340 = tpu.memref_squeeze %dma_wait3A_339 : memref<1x8x1000xf32, #tpu.memory_space<vmem>> -> memref<8x1000xf32, #tpu.memory_space<vmem>>
      %dma_wait3A_341 = arith.constant 0 : i32
      %dma_wait3A_342 = arith.constant 0 : i32
      %dma_wait3A_343 = tpu.memref_slice %arg3[%dma_wait3A_341, %dma_wait3A_342] : memref<100000x1000xf32, #tpu.memory_space<hbm>> -> memref<8x1000xf32, #tpu.memory_space<hbm>>
      %dma_wait3A_344 = arith.constant 0 : i32
      %dma_wait3A_345 = arith.constant 0 : i32
      %dma_wait3A_346 = tpu.memref_slice %arg8[%dma_wait3A_336, %dma_wait3A_344, %dma_wait3A_345] : memref<4x8x1000xf32, #tpu.memory_space<vmem>> -> memref<1x8x1000xf32, #tpu.memory_space<vmem>>
      %dma_wait3A_347 = tpu.memref_squeeze %dma_wait3A_346 : memref<1x8x1000xf32, #tpu.memory_space<vmem>> -> memref<8x1000xf32, #tpu.memory_space<vmem>>
      %dma_wait3A_348 = arith.constant 0 : i32
      %dma_wait3A_349 = arith.constant 0 : i32
      %dma_wait3A_350 = tpu.memref_slice %arg3[%dma_wait3A_348, %dma_wait3A_349] : memref<100000x1000xf32, #tpu.memory_space<hbm>> -> memref<8x1000xf32, #tpu.memory_space<hbm>>
      tpu.wait_dma2 semaphore(%arg11 : memref<!tpu.dma_semaphore, #tpu.memory_space<semaphore_mem>>) src(%dma_wait3A_350 : memref<8x1000xf32, #tpu.memory_space<hbm>>) dst(%dma_wait3A_347 : memref<8x1000xf32, #tpu.memory_space<vmem>>)
      %dma_wait3A_351 = arith.constant 3 : i32
      %dma_wait3A_352 = arith.constant 0 : i32
      %dma_wait3A_353 = arith.constant 0 : i32
      %dma_wait3A_354 = tpu.memref_slice %arg8[%dma_wait3A_351, %dma_wait3A_352, %dma_wait3A_353] : memref<4x8x1000xf32, #tpu.memory_space<vmem>> -> memref<1x8x1000xf32, #tpu.memory_space<vmem>>
      %dma_wait3A_355 = tpu.memref_squeeze %dma_wait3A_354 : memref<1x8x1000xf32, #tpu.memory_space<vmem>> -> memref<8x1000xf32, #tpu.memory_space<vmem>>
      %dma_wait3A_356 = arith.constant 0 : i32
      %dma_wait3A_357 = arith.constant 0 : i32
      %dma_wait3A_358 = tpu.memref_slice %arg3[%dma_wait3A_356, %dma_wait3A_357] : memref<100000x1000xf32, #tpu.memory_space<hbm>> -> memref<8x1000xf32, #tpu.memory_space<hbm>>
      %dma_wait3A_359 = arith.constant 0 : i32
      %dma_wait3A_360 = arith.constant 0 : i32
      %dma_wait3A_361 = tpu.memref_slice %arg8[%dma_wait3A_351, %dma_wait3A_359, %dma_wait3A_360] : memref<4x8x1000xf32, #tpu.memory_space<vmem>> -> memref<1x8x1000xf32, #tpu.memory_space<vmem>>
      %dma_wait3A_362 = tpu.memref_squeeze %dma_wait3A_361 : memref<1x8x1000xf32, #tpu.memory_space<vmem>> -> memref<8x1000xf32, #tpu.memory_space<vmem>>
      %dma_wait3A_363 = arith.constant 0 : i32
      %dma_wait3A_364 = arith.constant 0 : i32
      %dma_wait3A_365 = tpu.memref_slice %arg3[%dma_wait3A_363, %dma_wait3A_364] : memref<100000x1000xf32, #tpu.memory_space<hbm>> -> memref<8x1000xf32, #tpu.memory_space<hbm>>
      tpu.wait_dma2 semaphore(%arg11 : memref<!tpu.dma_semaphore, #tpu.memory_space<semaphore_mem>>) src(%dma_wait3A_365 : memref<8x1000xf32, #tpu.memory_space<hbm>>) dst(%dma_wait3A_362 : memref<8x1000xf32, #tpu.memory_space<vmem>>)
      %scan3A_366 = arith.constant 0 : i32
      %scan3A_367 = arith.constant 0 : i32
      %scan3A_368 = arith.constant 4 : i32
      %scan3A_369 = arith.addi %scan3A_367, %scan3A_368 : i32
      %scan3A_370 = arith.constant 1 : i32
      scf.for %scan3A_451 = %scan3A_367 to %scan3A_369 step %scan3A_370  : i32 {
        %mul3A_452 = arith.constant 4 : i32
        %mul3A_453 = arith.muli %mul3A_306, %mul3A_452 : i32
        %add3A_454 = arith.addi %mul3A_453, %scan3A_451 : i32
        %get3A_455 = arith.index_cast %add3A_454 : i32 to index
        %get3A_456 = tpu.vector_load %arg7[%get3A_455] {strides = array<i32>} : memref<144xi32, #tpu.memory_space<vmem>>, vector<16xi32>,
        %get3A_457 = vector.shape_cast %get3A_456 : vector<16xi32> to vector<16xi32>
        %slice3A_458 = vector.extract_strided_slice %get3A_457 {offsets = [0], sizes = [1], strides = [1]} : vector<16xi32> to vector<1xi32>
        %squeeze3A_459 = vector.extract %slice3A_458[0] : i32 from vector<1xi32>
        %get3A_460 = arith.index_cast %scan3A_451 : i32 to index
        %get3A_461 = arith.index_cast %squeeze3A_459 : i32 to index
        %get3A_462 = arith.constant 0 : index
        %get3A_463 = tpu.vector_load %arg8[%get3A_460, %get3A_461, %get3A_462] {strides = array<i32>} : memref<4x8x1000xf32, #tpu.memory_space<vmem>>, vector<1x1x16xf32>,
        %get3A_464 = vector.shape_cast %get3A_463 : vector<1x1x16xf32> to vector<16xf32>
        %mul3A_465 = arith.constant 5.000000e+01 : f32
        %mul3A_466 = vector.broadcast %mul3A_465 : f32 to vector<16xf32>
        %mul3A_467 = arith.mulf %get3A_464, %mul3A_466 : vector<16xf32>
        %jit3A = arith.constant -2.000000e+03 : f32
        %jit3A_468 = arith.constant 2.000000e+03 : f32
        %max3A = vector.broadcast %jit3A : f32 to vector<16xf32>
        %max3A_469 = arith.maximumf %max3A, %mul3A_467 : vector<16xf32>
        %min3A = vector.broadcast %jit3A_468 : f32 to vector<16xf32>
        %min3A_470 = arith.minimumf %min3A, %max3A_469 : vector<16xf32>
        %add3A_471 = arith.constant 0 : i32
        %add3A_472 = arith.addi %add3A_471, %scan3A_451 : i32
        %swap3A_473 = arith.index_cast %add3A_472 : i32 to index
        %swap3A_474 = arith.constant 0 : index
        %swap3A_475 = tpu.vector_load %arg10[%swap3A_473, %swap3A_474] {strides = array<i32>} : memref<8x1000xf32, #tpu.memory_space<vmem>>, vector<1x16xf32>,
        %swap3A_476 = vector.shape_cast %swap3A_475 : vector<1x16xf32> to vector<16xf32>
        %swap3A_477 = vector.shape_cast %min3A_470 : vector<16xf32> to vector<1x16xf32>
        tpu.vector_store %arg10[%swap3A_473, %swap3A_474], %swap3A_477 {strides = array<i32>} : memref<8x1000xf32, #tpu.memory_space<vmem>>, vector<1x16xf32>,
        %get3A_478 = arith.index_cast %scan3A_451 : i32 to index
        %get3A_479 = arith.index_cast %squeeze3A_459 : i32 to index
        %get3A_480 = arith.constant 16 : index
        %get3A_481 = tpu.vector_load %arg8[%get3A_478, %get3A_479, %get3A_480] {strides = array<i32>} : memref<4x8x1000xf32, #tpu.memory_space<vmem>>, vector<1x1x16xf32>,
        %get3A_482 = vector.shape_cast %get3A_481 : vector<1x1x16xf32> to vector<16xf32>
        %mul3A_483 = arith.constant 5.000000e+01 : f32
        %mul3A_484 = vector.broadcast %mul3A_483 : f32 to vector<16xf32>
        %mul3A_485 = arith.mulf %get3A_482, %mul3A_484 : vector<16xf32>
        %jit3A_486 = arith.constant -2.000000e+03 : f32
        %jit3A_487 = arith.constant 2.000000e+03 : f32
        %max3A_488 = vector.broadcast %jit3A_486 : f32 to vector<16xf32>
        %max3A_489 = arith.maximumf %max3A_488, %mul3A_485 : vector<16xf32>
        %min3A_490 = vector.broadcast %jit3A_487 : f32 to vector<16xf32>
        %min3A_491 = arith.minimumf %min3A_490, %max3A_489 : vector<16xf32>
        %add3A_492 = arith.constant 0 : i32
        %add3A_493 = arith.addi %add3A_492, %scan3A_451 : i32
        %swap3A_494 = arith.index_cast %add3A_493 : i32 to index
        %swap3A_495 = arith.constant 16 : index
        %swap3A_496 = tpu.vector_load %arg10[%swap3A_494, %swap3A_495] {strides = array<i32>} : memref<8x1000xf32, #tpu.memory_space<vmem>>, vector<1x16xf32>,
        %swap3A_497 = vector.shape_cast %swap3A_496 : vector<1x16xf32> to vector<16xf32>
        %swap3A_498 = vector.shape_cast %min3A_491 : vector<16xf32> to vector<1x16xf32>
        tpu.vector_store %arg10[%swap3A_494, %swap3A_495], %swap3A_498 {strides = array<i32>} : memref<8x1000xf32, #tpu.memory_space<vmem>>, vector<1x16xf32>,
        %get3A_499 = arith.index_cast %scan3A_451 : i32 to index
        %get3A_500 = arith.index_cast %squeeze3A_459 : i32 to index
        %get3A_501 = arith.constant 32 : index
        %get3A_502 = tpu.vector_load %arg8[%get3A_499, %get3A_500, %get3A_501] {strides = array<i32>} : memref<4x8x1000xf32, #tpu.memory_space<vmem>>, vector<1x1x16xf32>,
        %get3A_503 = vector.shape_cast %get3A_502 : vector<1x1x16xf32> to vector<16xf32>
        %mul3A_504 = arith.constant 5.000000e+01 : f32
        %mul3A_505 = vector.broadcast %mul3A_504 : f32 to vector<16xf32>
        %mul3A_506 = arith.mulf %get3A_503, %mul3A_505 : vector<16xf32>
        %jit3A_507 = arith.constant -2.000000e+03 : f32
        %jit3A_508 = arith.constant 2.000000e+03 : f32
        %max3A_509 = vector.broadcast %jit3A_507 : f32 to vector<16xf32>
        %max3A_510 = arith.maximumf %max3A_509, %mul3A_506 : vector<16xf32>
        %min3A_511 = vector.broadcast %jit3A_508 : f32 to vector<16xf32>
        %min3A_512 = arith.minimumf %min3A_511, %max3A_510 : vector<16xf32>
        %add3A_513 = arith.constant 0 : i32
        %add3A_514 = arith.addi %add3A_513, %scan3A_451 : i32
        %swap3A_515 = arith.index_cast %add3A_514 : i32 to index
        %swap3A_516 = arith.constant 32 : index
        %swap3A_517 = tpu.vector_load %arg10[%swap3A_515, %swap3A_516] {strides = array<i32>} : memref<8x1000xf32, #tpu.memory_space<vmem>>, vector<1x16xf32>,
        %swap3A_518 = vector.shape_cast %swap3A_517 : vector<1x16xf32> to vector<16xf32>
        %swap3A_519 = vector.shape_cast %min3A_512 : vector<16xf32> to vector<1x16xf32>
        tpu.vector_store %arg10[%swap3A_515, %swap3A_516], %swap3A_519 {strides = array<i32>} : memref<8x1000xf32, #tpu.memory_space<vmem>>, vector<1x16xf32>,
        %get3A_520 = arith.index_cast %scan3A_451 : i32 to index
        %get3A_521 = arith.index_cast %squeeze3A_459 : i32 to index
        %get3A_522 = arith.constant 48 : index
        %get3A_523 = tpu.vector_load %arg8[%get3A_520, %get3A_521, %get3A_522] {strides = array<i32>} : memref<4x8x1000xf32, #tpu.memory_space<vmem>>, vector<1x1x16xf32>,
        %get3A_524 = vector.shape_cast %get3A_523 : vector<1x1x16xf32> to vector<16xf32>
        %mul3A_525 = arith.constant 5.000000e+01 : f32
        %mul3A_526 = vector.broadcast %mul3A_525 : f32 to vector<16xf32>
        %mul3A_527 = arith.mulf %get3A_524, %mul3A_526 : vector<16xf32>
        %jit3A_528 = arith.constant -2.000000e+03 : f32
        %jit3A_529 = arith.constant 2.000000e+03 : f32
        %max3A_530 = vector.broadcast %jit3A_528 : f32 to vector<16xf32>
        %max3A_531 = arith.maximumf %max3A_530, %mul3A_527 : vector<16xf32>
        %min3A_532 = vector.broadcast %jit3A_529 : f32 to vector<16xf32>
        %min3A_533 = arith.minimumf %min3A_532, %max3A_531 : vector<16xf32>
        %add3A_534 = arith.constant 0 : i32
        %add3A_535 = arith.addi %add3A_534, %scan3A_451 : i32
        %swap3A_536 = arith.index_cast %add3A_535 : i32 to index
        %swap3A_537 = arith.constant 48 : index
        %swap3A_538 = tpu.vector_load %arg10[%swap3A_536, %swap3A_537] {strides = array<i32>} : memref<8x1000xf32, #tpu.memory_space<vmem>>, vector<1x16xf32>,
        %swap3A_539 = vector.shape_cast %swap3A_538 : vector<1x16xf32> to vector<16xf32>
        %swap3A_540 = vector.shape_cast %min3A_533 : vector<16xf32> to vector<1x16xf32>
        tpu.vector_store %arg10[%swap3A_536, %swap3A_537], %swap3A_540 {strides = array<i32>} : memref<8x1000xf32, #tpu.memory_space<vmem>>, vector<1x16xf32>,
        %get3A_541 = arith.index_cast %scan3A_451 : i32 to index
        %get3A_542 = arith.index_cast %squeeze3A_459 : i32 to index
        %get3A_543 = arith.constant 64 : index
        %get3A_544 = tpu.vector_load %arg8[%get3A_541, %get3A_542, %get3A_543] {strides = array<i32>} : memref<4x8x1000xf32, #tpu.memory_space<vmem>>, vector<1x1x16xf32>,
        %get3A_545 = vector.shape_cast %get3A_544 : vector<1x1x16xf32> to vector<16xf32>
        %mul3A_546 = arith.constant 5.000000e+01 : f32
        %mul3A_547 = vector.broadcast %mul3A_546 : f32 to vector<16xf32>
        %mul3A_548 = arith.mulf %get3A_545, %mul3A_547 : vector<16xf32>
        %jit3A_549 = arith.constant -2.000000e+03 : f32
        %jit3A_550 = arith.constant 2.000000e+03 : f32
        %max3A_551 = vector.broadcast %jit3A_549 : f32 to vector<16xf32>
        %max3A_552 = arith.maximumf %max3A_551, %mul3A_548 : vector<16xf32>
        %min3A_553 = vector.broadcast %jit3A_550 : f32 to vector<16xf32>
        %min3A_554 = arith.minimumf %min3A_553, %max3A_552 : vector<16xf32>
        %add3A_555 = arith.constant 0 : i32
        %add3A_556 = arith.addi %add3A_555, %scan3A_451 : i32
        %swap3A_557 = arith.index_cast %add3A_556 : i32 to index
        %swap3A_558 = arith.constant 64 : index
        %swap3A_559 = tpu.vector_load %arg10[%swap3A_557, %swap3A_558] {strides = array<i32>} : memref<8x1000xf32, #tpu.memory_space<vmem>>, vector<1x16xf32>,
        %swap3A_560 = vector.shape_cast %swap3A_559 : vector<1x16xf32> to vector<16xf32>
        %swap3A_561 = vector.shape_cast %min3A_554 : vector<16xf32> to vector<1x16xf32>
        tpu.vector_store %arg10[%swap3A_557, %swap3A_558], %swap3A_561 {strides = array<i32>} : memref<8x1000xf32, #tpu.memory_space<vmem>>, vector<1x16xf32>,
        %get3A_562 = arith.index_cast %scan3A_451 : i32 to index
        %get3A_563 = arith.index_cast %squeeze3A_459 : i32 to index
        %get3A_564 = arith.constant 80 : index
        %get3A_565 = tpu.vector_load %arg8[%get3A_562, %get3A_563, %get3A_564] {strides = array<i32>} : memref<4x8x1000xf32, #tpu.memory_space<vmem>>, vector<1x1x16xf32>,
        %get3A_566 = vector.shape_cast %get3A_565 : vector<1x1x16xf32> to vector<16xf32>
        %mul3A_567 = arith.constant 5.000000e+01 : f32
        %mul3A_568 = vector.broadcast %mul3A_567 : f32 to vector<16xf32>
        %mul3A_569 = arith.mulf %get3A_566, %mul3A_568 : vector<16xf32>
        %jit3A_570 = arith.constant -2.000000e+03 : f32
        %jit3A_571 = arith.constant 2.000000e+03 : f32
        %max3A_572 = vector.broadcast %jit3A_570 : f32 to vector<16xf32>
        %max3A_573 = arith.maximumf %max3A_572, %mul3A_569 : vector<16xf32>
        %min3A_574 = vector.broadcast %jit3A_571 : f32 to vector<16xf32>
        %min3A_575 = arith.minimumf %min3A_574, %max3A_573 : vector<16xf32>
        %add3A_576 = arith.constant 0 : i32
        %add3A_577 = arith.addi %add3A_576, %scan3A_451 : i32
        %swap3A_578 = arith.index_cast %add3A_577 : i32 to index
        %swap3A_579 = arith.constant 80 : index
        %swap3A_580 = tpu.vector_load %arg10[%swap3A_578, %swap3A_579] {strides = array<i32>} : memref<8x1000xf32, #tpu.memory_space<vmem>>, vector<1x16xf32>,
        %swap3A_581 = vector.shape_cast %swap3A_580 : vector<1x16xf32> to vector<16xf32>
        %swap3A_582 = vector.shape_cast %min3A_575 : vector<16xf32> to vector<1x16xf32>
        tpu.vector_store %arg10[%swap3A_578, %swap3A_579], %swap3A_582 {strides = array<i32>} : memref<8x1000xf32, #tpu.memory_space<vmem>>, vector<1x16xf32>,
        %get3A_583 = arith.index_cast %scan3A_451 : i32 to index
        %get3A_584 = arith.index_cast %squeeze3A_459 : i32 to index
        %get3A_585 = arith.constant 96 : index
        %get3A_586 = tpu.vector_load %arg8[%get3A_583, %get3A_584, %get3A_585] {strides = array<i32>} : memref<4x8x1000xf32, #tpu.memory_space<vmem>>, vector<1x1x16xf32>,
        %get3A_587 = vector.shape_cast %get3A_586 : vector<1x1x16xf32> to vector<16xf32>
        %mul3A_588 = arith.constant 5.000000e+01 : f32
        %mul3A_589 = vector.broadcast %mul3A_588 : f32 to vector<16xf32>
        %mul3A_590 = arith.mulf %get3A_587, %mul3A_589 : vector<16xf32>
        %jit3A_591 = arith.constant -2.000000e+03 : f32
        %jit3A_592 = arith.constant 2.000000e+03 : f32
        %max3A_593 = vector.broadcast %jit3A_591 : f32 to vector<16xf32>
        %max3A_594 = arith.maximumf %max3A_593, %mul3A_590 : vector<16xf32>
        %min3A_595 = vector.broadcast %jit3A_592 : f32 to vector<16xf32>
        %min3A_596 = arith.minimumf %min3A_595, %max3A_594 : vector<16xf32>
        %add3A_597 = arith.constant 0 : i32
        %add3A_598 = arith.addi %add3A_597, %scan3A_451 : i32
        %swap3A_599 = arith.index_cast %add3A_598 : i32 to index
        %swap3A_600 = arith.constant 96 : index
        %swap3A_601 = tpu.vector_load %arg10[%swap3A_599, %swap3A_600] {strides = array<i32>} : memref<8x1000xf32, #tpu.memory_space<vmem>>, vector<1x16xf32>,
        %swap3A_602 = vector.shape_cast %swap3A_601 : vector<1x16xf32> to vector<16xf32>
        %swap3A_603 = vector.shape_cast %min3A_596 : vector<16xf32> to vector<1x16xf32>
        tpu.vector_store %arg10[%swap3A_599, %swap3A_600], %swap3A_603 {strides = array<i32>} : memref<8x1000xf32, #tpu.memory_space<vmem>>, vector<1x16xf32>,
        %get3A_604 = arith.index_cast %scan3A_451 : i32 to index
        %get3A_605 = arith.index_cast %squeeze3A_459 : i32 to index
        %get3A_606 = arith.constant 112 : index
        %get3A_607 = tpu.vector_load %arg8[%get3A_604, %get3A_605, %get3A_606] {strides = array<i32>} : memref<4x8x1000xf32, #tpu.memory_space<vmem>>, vector<1x1x16xf32>,
        %get3A_608 = vector.shape_cast %get3A_607 : vector<1x1x16xf32> to vector<16xf32>
        %mul3A_609 = arith.constant 5.000000e+01 : f32
        %mul3A_610 = vector.broadcast %mul3A_609 : f32 to vector<16xf32>
        %mul3A_611 = arith.mulf %get3A_608, %mul3A_610 : vector<16xf32>
        %jit3A_612 = arith.constant -2.000000e+03 : f32
        %jit3A_613 = arith.constant 2.000000e+03 : f32
        %max3A_614 = vector.broadcast %jit3A_612 : f32 to vector<16xf32>
        %max3A_615 = arith.maximumf %max3A_614, %mul3A_611 : vector<16xf32>
        %min3A_616 = vector.broadcast %jit3A_613 : f32 to vector<16xf32>
        %min3A_617 = arith.minimumf %min3A_616, %max3A_615 : vector<16xf32>
        %add3A_618 = arith.constant 0 : i32
        %add3A_619 = arith.addi %add3A_618, %scan3A_451 : i32
        %swap3A_620 = arith.index_cast %add3A_619 : i32 to index
        %swap3A_621 = arith.constant 112 : index
        %swap3A_622 = tpu.vector_load %arg10[%swap3A_620, %swap3A_621] {strides = array<i32>} : memref<8x1000xf32, #tpu.memory_space<vmem>>, vector<1x16xf32>,
        %swap3A_623 = vector.shape_cast %swap3A_622 : vector<1x16xf32> to vector<16xf32>
        %swap3A_624 = vector.shape_cast %min3A_617 : vector<16xf32> to vector<1x16xf32>
        tpu.vector_store %arg10[%swap3A_620, %swap3A_621], %swap3A_624 {strides = array<i32>} : memref<8x1000xf32, #tpu.memory_space<vmem>>, vector<1x16xf32>,
        %get3A_625 = arith.index_cast %scan3A_451 : i32 to index
        %get3A_626 = arith.index_cast %squeeze3A_459 : i32 to index
        %get3A_627 = arith.constant 128 : index
        %get3A_628 = tpu.vector_load %arg8[%get3A_625, %get3A_626, %get3A_627] {strides = array<i32>} : memref<4x8x1000xf32, #tpu.memory_space<vmem>>, vector<1x1x16xf32>,
        %get3A_629 = vector.shape_cast %get3A_628 : vector<1x1x16xf32> to vector<16xf32>
        %mul3A_630 = arith.constant 5.000000e+01 : f32
        %mul3A_631 = vector.broadcast %mul3A_630 : f32 to vector<16xf32>
        %mul3A_632 = arith.mulf %get3A_629, %mul3A_631 : vector<16xf32>
        %jit3A_633 = arith.constant -2.000000e+03 : f32
        %jit3A_634 = arith.constant 2.000000e+03 : f32
        %max3A_635 = vector.broadcast %jit3A_633 : f32 to vector<16xf32>
        %max3A_636 = arith.maximumf %max3A_635, %mul3A_632 : vector<16xf32>
        %min3A_637 = vector.broadcast %jit3A_634 : f32 to vector<16xf32>
        %min3A_638 = arith.minimumf %min3A_637, %max3A_636 : vector<16xf32>
        %add3A_639 = arith.constant 0 : i32
        %add3A_640 = arith.addi %add3A_639, %scan3A_451 : i32
        %swap3A_641 = arith.index_cast %add3A_640 : i32 to index
        %swap3A_642 = arith.constant 128 : index
        %swap3A_643 = tpu.vector_load %arg10[%swap3A_641, %swap3A_642] {strides = array<i32>} : memref<8x1000xf32, #tpu.memory_space<vmem>>, vector<1x16xf32>,
        %swap3A_644 = vector.shape_cast %swap3A_643 : vector<1x16xf32> to vector<16xf32>
        %swap3A_645 = vector.shape_cast %min3A_638 : vector<16xf32> to vector<1x16xf32>
        tpu.vector_store %arg10[%swap3A_641, %swap3A_642], %swap3A_645 {strides = array<i32>} : memref<8x1000xf32, #tpu.memory_space<vmem>>, vector<1x16xf32>,
        %get3A_646 = arith.index_cast %scan3A_451 : i32 to index
        %get3A_647 = arith.index_cast %squeeze3A_459 : i32 to index
        %get3A_648 = arith.constant 144 : index
        %get3A_649 = tpu.vector_load %arg8[%get3A_646, %get3A_647, %get3A_648] {strides = array<i32>} : memref<4x8x1000xf32, #tpu.memory_space<vmem>>, vector<1x1x16xf32>,
        %get3A_650 = vector.shape_cast %get3A_649 : vector<1x1x16xf32> to vector<16xf32>
        %mul3A_651 = arith.constant 5.000000e+01 : f32
        %mul3A_652 = vector.broadcast %mul3A_651 : f32 to vector<16xf32>
        %mul3A_653 = arith.mulf %get3A_650, %mul3A_652 : vector<16xf32>
        %jit3A_654 = arith.constant -2.000000e+03 : f32
        %jit3A_655 = arith.constant 2.000000e+03 : f32
        %max3A_656 = vector.broadcast %jit3A_654 : f32 to vector<16xf32>
        %max3A_657 = arith.maximumf %max3A_656, %mul3A_653 : vector<16xf32>
        %min3A_658 = vector.broadcast %jit3A_655 : f32 to vector<16xf32>
        %min3A_659 = arith.minimumf %min3A_658, %max3A_657 : vector<16xf32>
        %add3A_660 = arith.constant 0 : i32
        %add3A_661 = arith.addi %add3A_660, %scan3A_451 : i32
        %swap3A_662 = arith.index_cast %add3A_661 : i32 to index
        %swap3A_663 = arith.constant 144 : index
        %swap3A_664 = tpu.vector_load %arg10[%swap3A_662, %swap3A_663] {strides = array<i32>} : memref<8x1000xf32, #tpu.memory_space<vmem>>, vector<1x16xf32>,
        %swap3A_665 = vector.shape_cast %swap3A_664 : vector<1x16xf32> to vector<16xf32>
        %swap3A_666 = vector.shape_cast %min3A_659 : vector<16xf32> to vector<1x16xf32>
        tpu.vector_store %arg10[%swap3A_662, %swap3A_663], %swap3A_666 {strides = array<i32>} : memref<8x1000xf32, #tpu.memory_space<vmem>>, vector<1x16xf32>,
        %get3A_667 = arith.index_cast %scan3A_451 : i32 to index
        %get3A_668 = arith.index_cast %squeeze3A_459 : i32 to index
        %get3A_669 = arith.constant 160 : index
        %get3A_670 = tpu.vector_load %arg8[%get3A_667, %get3A_668, %get3A_669] {strides = array<i32>} : memref<4x8x1000xf32, #tpu.memory_space<vmem>>, vector<1x1x16xf32>,
        %get3A_671 = vector.shape_cast %get3A_670 : vector<1x1x16xf32> to vector<16xf32>
        %mul3A_672 = arith.constant 5.000000e+01 : f32
        %mul3A_673 = vector.broadcast %mul3A_672 : f32 to vector<16xf32>
        %mul3A_674 = arith.mulf %get3A_671, %mul3A_673 : vector<16xf32>
        %jit3A_675 = arith.constant -2.000000e+03 : f32
        %jit3A_676 = arith.constant 2.000000e+03 : f32
        %max3A_677 = vector.broadcast %jit3A_675 : f32 to vector<16xf32>
        %max3A_678 = arith.maximumf %max3A_677, %mul3A_674 : vector<16xf32>
        %min3A_679 = vector.broadcast %jit3A_676 : f32 to vector<16xf32>
        %min3A_680 = arith.minimumf %min3A_679, %max3A_678 : vector<16xf32>
        %add3A_681 = arith.constant 0 : i32
        %add3A_682 = arith.addi %add3A_681, %scan3A_451 : i32
        %swap3A_683 = arith.index_cast %add3A_682 : i32 to index
        %swap3A_684 = arith.constant 160 : index
        %swap3A_685 = tpu.vector_load %arg10[%swap3A_683, %swap3A_684] {strides = array<i32>} : memref<8x1000xf32, #tpu.memory_space<vmem>>, vector<1x16xf32>,
        %swap3A_686 = vector.shape_cast %swap3A_685 : vector<1x16xf32> to vector<16xf32>
        %swap3A_687 = vector.shape_cast %min3A_680 : vector<16xf32> to vector<1x16xf32>
        tpu.vector_store %arg10[%swap3A_683, %swap3A_684], %swap3A_687 {strides = array<i32>} : memref<8x1000xf32, #tpu.memory_space<vmem>>, vector<1x16xf32>,
        %get3A_688 = arith.index_cast %scan3A_451 : i32 to index
        %get3A_689 = arith.index_cast %squeeze3A_459 : i32 to index
        %get3A_690 = arith.constant 176 : index
        %get3A_691 = tpu.vector_load %arg8[%get3A_688, %get3A_689, %get3A_690] {strides = array<i32>} : memref<4x8x1000xf32, #tpu.memory_space<vmem>>, vector<1x1x16xf32>,
        %get3A_692 = vector.shape_cast %get3A_691 : vector<1x1x16xf32> to vector<16xf32>
        %mul3A_693 = arith.constant 5.000000e+01 : f32
        %mul3A_694 = vector.broadcast %mul3A_693 : f32 to vector<16xf32>
        %mul3A_695 = arith.mulf %get3A_692, %mul3A_694 : vector<16xf32>
        %jit3A_696 = arith.constant -2.000000e+03 : f32
        %jit3A_697 = arith.constant 2.000000e+03 : f32
        %max3A_698 = vector.broadcast %jit3A_696 : f32 to vector<16xf32>
        %max3A_699 = arith.maximumf %max3A_698, %mul3A_695 : vector<16xf32>
        %min3A_700 = vector.broadcast %jit3A_697 : f32 to vector<16xf32>
        %min3A_701 = arith.minimumf %min3A_700, %max3A_699 : vector<16xf32>
        %add3A_702 = arith.constant 0 : i32
        %add3A_703 = arith.addi %add3A_702, %scan3A_451 : i32
        %swap3A_704 = arith.index_cast %add3A_703 : i32 to index
        %swap3A_705 = arith.constant 176 : index
        %swap3A_706 = tpu.vector_load %arg10[%swap3A_704, %swap3A_705] {strides = array<i32>} : memref<8x1000xf32, #tpu.memory_space<vmem>>, vector<1x16xf32>,
        %swap3A_707 = vector.shape_cast %swap3A_706 : vector<1x16xf32> to vector<16xf32>
        %swap3A_708 = vector.shape_cast %min3A_701 : vector<16xf32> to vector<1x16xf32>
        tpu.vector_store %arg10[%swap3A_704, %swap3A_705], %swap3A_708 {strides = array<i32>} : memref<8x1000xf32, #tpu.memory_space<vmem>>, vector<1x16xf32>,
        %get3A_709 = arith.index_cast %scan3A_451 : i32 to index
        %get3A_710 = arith.index_cast %squeeze3A_459 : i32 to index
        %get3A_711 = arith.constant 192 : index
        %get3A_712 = tpu.vector_load %arg8[%get3A_709, %get3A_710, %get3A_711] {strides = array<i32>} : memref<4x8x1000xf32, #tpu.memory_space<vmem>>, vector<1x1x16xf32>,
        %get3A_713 = vector.shape_cast %get3A_712 : vector<1x1x16xf32> to vector<16xf32>
        %mul3A_714 = arith.constant 5.000000e+01 : f32
        %mul3A_715 = vector.broadcast %mul3A_714 : f32 to vector<16xf32>
        %mul3A_716 = arith.mulf %get3A_713, %mul3A_715 : vector<16xf32>
        %jit3A_717 = arith.constant -2.000000e+03 : f32
        %jit3A_718 = arith.constant 2.000000e+03 : f32
        %max3A_719 = vector.broadcast %jit3A_717 : f32 to vector<16xf32>
        %max3A_720 = arith.maximumf %max3A_719, %mul3A_716 : vector<16xf32>
        %min3A_721 = vector.broadcast %jit3A_718 : f32 to vector<16xf32>
        %min3A_722 = arith.minimumf %min3A_721, %max3A_720 : vector<16xf32>
        %add3A_723 = arith.constant 0 : i32
        %add3A_724 = arith.addi %add3A_723, %scan3A_451 : i32
        %swap3A_725 = arith.index_cast %add3A_724 : i32 to index
        %swap3A_726 = arith.constant 192 : index
        %swap3A_727 = tpu.vector_load %arg10[%swap3A_725, %swap3A_726] {strides = array<i32>} : memref<8x1000xf32, #tpu.memory_space<vmem>>, vector<1x16xf32>,
        %swap3A_728 = vector.shape_cast %swap3A_727 : vector<1x16xf32> to vector<16xf32>
        %swap3A_729 = vector.shape_cast %min3A_722 : vector<16xf32> to vector<1x16xf32>
        tpu.vector_store %arg10[%swap3A_725, %swap3A_726], %swap3A_729 {strides = array<i32>} : memref<8x1000xf32, #tpu.memory_space<vmem>>, vector<1x16xf32>,
        %get3A_730 = arith.index_cast %scan3A_451 : i32 to index
        %get3A_731 = arith.index_cast %squeeze3A_459 : i32 to index
        %get3A_732 = arith.constant 208 : index
        %get3A_733 = tpu.vector_load %arg8[%get3A_730, %get3A_731, %get3A_732] {strides = array<i32>} : memref<4x8x1000xf32, #tpu.memory_space<vmem>>, vector<1x1x16xf32>,
        %get3A_734 = vector.shape_cast %get3A_733 : vector<1x1x16xf32> to vector<16xf32>
        %mul3A_735 = arith.constant 5.000000e+01 : f32
        %mul3A_736 = vector.broadcast %mul3A_735 : f32 to vector<16xf32>
        %mul3A_737 = arith.mulf %get3A_734, %mul3A_736 : vector<16xf32>
        %jit3A_738 = arith.constant -2.000000e+03 : f32
        %jit3A_739 = arith.constant 2.000000e+03 : f32
        %max3A_740 = vector.broadcast %jit3A_738 : f32 to vector<16xf32>
        %max3A_741 = arith.maximumf %max3A_740, %mul3A_737 : vector<16xf32>
        %min3A_742 = vector.broadcast %jit3A_739 : f32 to vector<16xf32>
        %min3A_743 = arith.minimumf %min3A_742, %max3A_741 : vector<16xf32>
        %add3A_744 = arith.constant 0 : i32
        %add3A_745 = arith.addi %add3A_744, %scan3A_451 : i32
        %swap3A_746 = arith.index_cast %add3A_745 : i32 to index
        %swap3A_747 = arith.constant 208 : index
        %swap3A_748 = tpu.vector_load %arg10[%swap3A_746, %swap3A_747] {strides = array<i32>} : memref<8x1000xf32, #tpu.memory_space<vmem>>, vector<1x16xf32>,
        %swap3A_749 = vector.shape_cast %swap3A_748 : vector<1x16xf32> to vector<16xf32>
        %swap3A_750 = vector.shape_cast %min3A_743 : vector<16xf32> to vector<1x16xf32>
        tpu.vector_store %arg10[%swap3A_746, %swap3A_747], %swap3A_750 {strides = array<i32>} : memref<8x1000xf32, #tpu.memory_space<vmem>>, vector<1x16xf32>,
        %get3A_751 = arith.index_cast %scan3A_451 : i32 to index
        %get3A_752 = arith.index_cast %squeeze3A_459 : i32 to index
        %get3A_753 = arith.constant 224 : index
        %get3A_754 = tpu.vector_load %arg8[%get3A_751, %get3A_752, %get3A_753] {strides = array<i32>} : memref<4x8x1000xf32, #tpu.memory_space<vmem>>, vector<1x1x16xf32>,
        %get3A_755 = vector.shape_cast %get3A_754 : vector<1x1x16xf32> to vector<16xf32>
        %mul3A_756 = arith.constant 5.000000e+01 : f32
        %mul3A_757 = vector.broadcast %mul3A_756 : f32 to vector<16xf32>
        %mul3A_758 = arith.mulf %get3A_755, %mul3A_757 : vector<16xf32>
        %jit3A_759 = arith.constant -2.000000e+03 : f32
        %jit3A_760 = arith.constant 2.000000e+03 : f32
        %max3A_761 = vector.broadcast %jit3A_759 : f32 to vector<16xf32>
        %max3A_762 = arith.maximumf %max3A_761, %mul3A_758 : vector<16xf32>
        %min3A_763 = vector.broadcast %jit3A_760 : f32 to vector<16xf32>
        %min3A_764 = arith.minimumf %min3A_763, %max3A_762 : vector<16xf32>
        %add3A_765 = arith.constant 0 : i32
        %add3A_766 = arith.addi %add3A_765, %scan3A_451 : i32
        %swap3A_767 = arith.index_cast %add3A_766 : i32 to index
        %swap3A_768 = arith.constant 224 : index
        %swap3A_769 = tpu.vector_load %arg10[%swap3A_767, %swap3A_768] {strides = array<i32>} : memref<8x1000xf32, #tpu.memory_space<vmem>>, vector<1x16xf32>,
        %swap3A_770 = vector.shape_cast %swap3A_769 : vector<1x16xf32> to vector<16xf32>
        %swap3A_771 = vector.shape_cast %min3A_764 : vector<16xf32> to vector<1x16xf32>
        tpu.vector_store %arg10[%swap3A_767, %swap3A_768], %swap3A_771 {strides = array<i32>} : memref<8x1000xf32, #tpu.memory_space<vmem>>, vector<1x16xf32>,
        %get3A_772 = arith.index_cast %scan3A_451 : i32 to index
        %get3A_773 = arith.index_cast %squeeze3A_459 : i32 to index
        %get3A_774 = arith.constant 240 : index
        %get3A_775 = tpu.vector_load %arg8[%get3A_772, %get3A_773, %get3A_774] {strides = array<i32>} : memref<4x8x1000xf32, #tpu.memory_space<vmem>>, vector<1x1x16xf32>,
        %get3A_776 = vector.shape_cast %get3A_775 : vector<1x1x16xf32> to vector<16xf32>
        %mul3A_777 = arith.constant 5.000000e+01 : f32
        %mul3A_778 = vector.broadcast %mul3A_777 : f32 to vector<16xf32>
        %mul3A_779 = arith.mulf %get3A_776, %mul3A_778 : vector<16xf32>
        %jit3A_780 = arith.constant -2.000000e+03 : f32
        %jit3A_781 = arith.constant 2.000000e+03 : f32
        %max3A_782 = vector.broadcast %jit3A_780 : f32 to vector<16xf32>
        %max3A_783 = arith.maximumf %max3A_782, %mul3A_779 : vector<16xf32>
        %min3A_784 = vector.broadcast %jit3A_781 : f32 to vector<16xf32>
        %min3A_785 = arith.minimumf %min3A_784, %max3A_783 : vector<16xf32>
        %add3A_786 = arith.constant 0 : i32
        %add3A_787 = arith.addi %add3A_786, %scan3A_451 : i32
        %swap3A_788 = arith.index_cast %add3A_787 : i32 to index
        %swap3A_789 = arith.constant 240 : index
        %swap3A_790 = tpu.vector_load %arg10[%swap3A_788, %swap3A_789] {strides = array<i32>} : memref<8x1000xf32, #tpu.memory_space<vmem>>, vector<1x16xf32>,
        %swap3A_791 = vector.shape_cast %swap3A_790 : vector<1x16xf32> to vector<16xf32>
        %swap3A_792 = vector.shape_cast %min3A_785 : vector<16xf32> to vector<1x16xf32>
        tpu.vector_store %arg10[%swap3A_788, %swap3A_789], %swap3A_792 {strides = array<i32>} : memref<8x1000xf32, #tpu.memory_space<vmem>>, vector<1x16xf32>,
        %get3A_793 = arith.index_cast %scan3A_451 : i32 to index
        %get3A_794 = arith.index_cast %squeeze3A_459 : i32 to index
        %get3A_795 = arith.constant 256 : index
        %get3A_796 = tpu.vector_load %arg8[%get3A_793, %get3A_794, %get3A_795] {strides = array<i32>} : memref<4x8x1000xf32, #tpu.memory_space<vmem>>, vector<1x1x16xf32>,
        %get3A_797 = vector.shape_cast %get3A_796 : vector<1x1x16xf32> to vector<16xf32>
        %mul3A_798 = arith.constant 5.000000e+01 : f32
        %mul3A_799 = vector.broadcast %mul3A_798 : f32 to vector<16xf32>
        %mul3A_800 = arith.mulf %get3A_797, %mul3A_799 : vector<16xf32>
        %jit3A_801 = arith.constant -2.000000e+03 : f32
        %jit3A_802 = arith.constant 2.000000e+03 : f32
        %max3A_803 = vector.broadcast %jit3A_801 : f32 to vector<16xf32>
        %max3A_804 = arith.maximumf %max3A_803, %mul3A_800 : vector<16xf32>
        %min3A_805 = vector.broadcast %jit3A_802 : f32 to vector<16xf32>
        %min3A_806 = arith.minimumf %min3A_805, %max3A_804 : vector<16xf32>
        %add3A_807 = arith.constant 0 : i32
        %add3A_808 = arith.addi %add3A_807, %scan3A_451 : i32
        %swap3A_809 = arith.index_cast %add3A_808 : i32 to index
        %swap3A_810 = arith.constant 256 : index
        %swap3A_811 = tpu.vector_load %arg10[%swap3A_809, %swap3A_810] {strides = array<i32>} : memref<8x1000xf32, #tpu.memory_space<vmem>>, vector<1x16xf32>,
        %swap3A_812 = vector.shape_cast %swap3A_811 : vector<1x16xf32> to vector<16xf32>
        %swap3A_813 = vector.shape_cast %min3A_806 : vector<16xf32> to vector<1x16xf32>
        tpu.vector_store %arg10[%swap3A_809, %swap3A_810], %swap3A_813 {strides = array<i32>} : memref<8x1000xf32, #tpu.memory_space<vmem>>, vector<1x16xf32>,
        %get3A_814 = arith.index_cast %scan3A_451 : i32 to index
        %get3A_815 = arith.index_cast %squeeze3A_459 : i32 to index
        %get3A_816 = arith.constant 272 : index
        %get3A_817 = tpu.vector_load %arg8[%get3A_814, %get3A_815, %get3A_816] {strides = array<i32>} : memref<4x8x1000xf32, #tpu.memory_space<vmem>>, vector<1x1x16xf32>,
        %get3A_818 = vector.shape_cast %get3A_817 : vector<1x1x16xf32> to vector<16xf32>
        %mul3A_819 = arith.constant 5.000000e+01 : f32
        %mul3A_820 = vector.broadcast %mul3A_819 : f32 to vector<16xf32>
        %mul3A_821 = arith.mulf %get3A_818, %mul3A_820 : vector<16xf32>
        %jit3A_822 = arith.constant -2.000000e+03 : f32
        %jit3A_823 = arith.constant 2.000000e+03 : f32
        %max3A_824 = vector.broadcast %jit3A_822 : f32 to vector<16xf32>
        %max3A_825 = arith.maximumf %max3A_824, %mul3A_821 : vector<16xf32>
        %min3A_826 = vector.broadcast %jit3A_823 : f32 to vector<16xf32>
        %min3A_827 = arith.minimumf %min3A_826, %max3A_825 : vector<16xf32>
        %add3A_828 = arith.constant 0 : i32
        %add3A_829 = arith.addi %add3A_828, %scan3A_451 : i32
        %swap3A_830 = arith.index_cast %add3A_829 : i32 to index
        %swap3A_831 = arith.constant 272 : index
        %swap3A_832 = tpu.vector_load %arg10[%swap3A_830, %swap3A_831] {strides = array<i32>} : memref<8x1000xf32, #tpu.memory_space<vmem>>, vector<1x16xf32>,
        %swap3A_833 = vector.shape_cast %swap3A_832 : vector<1x16xf32> to vector<16xf32>
        %swap3A_834 = vector.shape_cast %min3A_827 : vector<16xf32> to vector<1x16xf32>
        tpu.vector_store %arg10[%swap3A_830, %swap3A_831], %swap3A_834 {strides = array<i32>} : memref<8x1000xf32, #tpu.memory_space<vmem>>, vector<1x16xf32>,
        %get3A_835 = arith.index_cast %scan3A_451 : i32 to index
        %get3A_836 = arith.index_cast %squeeze3A_459 : i32 to index
        %get3A_837 = arith.constant 288 : index
        %get3A_838 = tpu.vector_load %arg8[%get3A_835, %get3A_836, %get3A_837] {strides = array<i32>} : memref<4x8x1000xf32, #tpu.memory_space<vmem>>, vector<1x1x16xf32>,
        %get3A_839 = vector.shape_cast %get3A_838 : vector<1x1x16xf32> to vector<16xf32>
        %mul3A_840 = arith.constant 5.000000e+01 : f32
        %mul3A_841 = vector.broadcast %mul3A_840 : f32 to vector<16xf32>
        %mul3A_842 = arith.mulf %get3A_839, %mul3A_841 : vector<16xf32>
        %jit3A_843 = arith.constant -2.000000e+03 : f32
        %jit3A_844 = arith.constant 2.000000e+03 : f32
        %max3A_845 = vector.broadcast %jit3A_843 : f32 to vector<16xf32>
        %max3A_846 = arith.maximumf %max3A_845, %mul3A_842 : vector<16xf32>
        %min3A_847 = vector.broadcast %jit3A_844 : f32 to vector<16xf32>
        %min3A_848 = arith.minimumf %min3A_847, %max3A_846 : vector<16xf32>
        %add3A_849 = arith.constant 0 : i32
        %add3A_850 = arith.addi %add3A_849, %scan3A_451 : i32
        %swap3A_851 = arith.index_cast %add3A_850 : i32 to index
        %swap3A_852 = arith.constant 288 : index
        %swap3A_853 = tpu.vector_load %arg10[%swap3A_851, %swap3A_852] {strides = array<i32>} : memref<8x1000xf32, #tpu.memory_space<vmem>>, vector<1x16xf32>,
        %swap3A_854 = vector.shape_cast %swap3A_853 : vector<1x16xf32> to vector<16xf32>
        %swap3A_855 = vector.shape_cast %min3A_848 : vector<16xf32> to vector<1x16xf32>
        tpu.vector_store %arg10[%swap3A_851, %swap3A_852], %swap3A_855 {strides = array<i32>} : memref<8x1000xf32, #tpu.memory_space<vmem>>, vector<1x16xf32>,
        %get3A_856 = arith.index_cast %scan3A_451 : i32 to index
        %get3A_857 = arith.index_cast %squeeze3A_459 : i32 to index
        %get3A_858 = arith.constant 304 : index
        %get3A_859 = tpu.vector_load %arg8[%get3A_856, %get3A_857, %get3A_858] {strides = array<i32>} : memref<4x8x1000xf32, #tpu.memory_space<vmem>>, vector<1x1x16xf32>,
        %get3A_860 = vector.shape_cast %get3A_859 : vector<1x1x16xf32> to vector<16xf32>
        %mul3A_861 = arith.constant 5.000000e+01 : f32
        %mul3A_862 = vector.broadcast %mul3A_861 : f32 to vector<16xf32>
        %mul3A_863 = arith.mulf %get3A_860, %mul3A_862 : vector<16xf32>
        %jit3A_864 = arith.constant -2.000000e+03 : f32
        %jit3A_865 = arith.constant 2.000000e+03 : f32
        %max3A_866 = vector.broadcast %jit3A_864 : f32 to vector<16xf32>
        %max3A_867 = arith.maximumf %max3A_866, %mul3A_863 : vector<16xf32>
        %min3A_868 = vector.broadcast %jit3A_865 : f32 to vector<16xf32>
        %min3A_869 = arith.minimumf %min3A_868, %max3A_867 : vector<16xf32>
        %add3A_870 = arith.constant 0 : i32
        %add3A_871 = arith.addi %add3A_870, %scan3A_451 : i32
        %swap3A_872 = arith.index_cast %add3A_871 : i32 to index
        %swap3A_873 = arith.constant 304 : index
        %swap3A_874 = tpu.vector_load %arg10[%swap3A_872, %swap3A_873] {strides = array<i32>} : memref<8x1000xf32, #tpu.memory_space<vmem>>, vector<1x16xf32>,
        %swap3A_875 = vector.shape_cast %swap3A_874 : vector<1x16xf32> to vector<16xf32>
        %swap3A_876 = vector.shape_cast %min3A_869 : vector<16xf32> to vector<1x16xf32>
        tpu.vector_store %arg10[%swap3A_872, %swap3A_873], %swap3A_876 {strides = array<i32>} : memref<8x1000xf32, #tpu.memory_space<vmem>>, vector<1x16xf32>,
        %get3A_877 = arith.index_cast %scan3A_451 : i32 to index
        %get3A_878 = arith.index_cast %squeeze3A_459 : i32 to index
        %get3A_879 = arith.constant 320 : index
        %get3A_880 = tpu.vector_load %arg8[%get3A_877, %get3A_878, %get3A_879] {strides = array<i32>} : memref<4x8x1000xf32, #tpu.memory_space<vmem>>, vector<1x1x16xf32>,
        %get3A_881 = vector.shape_cast %get3A_880 : vector<1x1x16xf32> to vector<16xf32>
        %mul3A_882 = arith.constant 5.000000e+01 : f32
        %mul3A_883 = vector.broadcast %mul3A_882 : f32 to vector<16xf32>
        %mul3A_884 = arith.mulf %get3A_881, %mul3A_883 : vector<16xf32>
        %jit3A_885 = arith.constant -2.000000e+03 : f32
        %jit3A_886 = arith.constant 2.000000e+03 : f32
        %max3A_887 = vector.broadcast %jit3A_885 : f32 to vector<16xf32>
        %max3A_888 = arith.maximumf %max3A_887, %mul3A_884 : vector<16xf32>
        %min3A_889 = vector.broadcast %jit3A_886 : f32 to vector<16xf32>
        %min3A_890 = arith.minimumf %min3A_889, %max3A_888 : vector<16xf32>
        %add3A_891 = arith.constant 0 : i32
        %add3A_892 = arith.addi %add3A_891, %scan3A_451 : i32
        %swap3A_893 = arith.index_cast %add3A_892 : i32 to index
        %swap3A_894 = arith.constant 320 : index
        %swap3A_895 = tpu.vector_load %arg10[%swap3A_893, %swap3A_894] {strides = array<i32>} : memref<8x1000xf32, #tpu.memory_space<vmem>>, vector<1x16xf32>,
        %swap3A_896 = vector.shape_cast %swap3A_895 : vector<1x16xf32> to vector<16xf32>
        %swap3A_897 = vector.shape_cast %min3A_890 : vector<16xf32> to vector<1x16xf32>
        tpu.vector_store %arg10[%swap3A_893, %swap3A_894], %swap3A_897 {strides = array<i32>} : memref<8x1000xf32, #tpu.memory_space<vmem>>, vector<1x16xf32>,
        %get3A_898 = arith.index_cast %scan3A_451 : i32 to index
        %get3A_899 = arith.index_cast %squeeze3A_459 : i32 to index
        %get3A_900 = arith.constant 336 : index
        %get3A_901 = tpu.vector_load %arg8[%get3A_898, %get3A_899, %get3A_900] {strides = array<i32>} : memref<4x8x1000xf32, #tpu.memory_space<vmem>>, vector<1x1x16xf32>,
        %get3A_902 = vector.shape_cast %get3A_901 : vector<1x1x16xf32> to vector<16xf32>
        %mul3A_903 = arith.constant 5.000000e+01 : f32
        %mul3A_904 = vector.broadcast %mul3A_903 : f32 to vector<16xf32>
        %mul3A_905 = arith.mulf %get3A_902, %mul3A_904 : vector<16xf32>
        %jit3A_906 = arith.constant -2.000000e+03 : f32
        %jit3A_907 = arith.constant 2.000000e+03 : f32
        %max3A_908 = vector.broadcast %jit3A_906 : f32 to vector<16xf32>
        %max3A_909 = arith.maximumf %max3A_908, %mul3A_905 : vector<16xf32>
        %min3A_910 = vector.broadcast %jit3A_907 : f32 to vector<16xf32>
        %min3A_911 = arith.minimumf %min3A_910, %max3A_909 : vector<16xf32>
        %add3A_912 = arith.constant 0 : i32
        %add3A_913 = arith.addi %add3A_912, %scan3A_451 : i32
        %swap3A_914 = arith.index_cast %add3A_913 : i32 to index
        %swap3A_915 = arith.constant 336 : index
        %swap3A_916 = tpu.vector_load %arg10[%swap3A_914, %swap3A_915] {strides = array<i32>} : memref<8x1000xf32, #tpu.memory_space<vmem>>, vector<1x16xf32>,
        %swap3A_917 = vector.shape_cast %swap3A_916 : vector<1x16xf32> to vector<16xf32>
        %swap3A_918 = vector.shape_cast %min3A_911 : vector<16xf32> to vector<1x16xf32>
        tpu.vector_store %arg10[%swap3A_914, %swap3A_915], %swap3A_918 {strides = array<i32>} : memref<8x1000xf32, #tpu.memory_space<vmem>>, vector<1x16xf32>,
        %get3A_919 = arith.index_cast %scan3A_451 : i32 to index
        %get3A_920 = arith.index_cast %squeeze3A_459 : i32 to index
        %get3A_921 = arith.constant 352 : index
        %get3A_922 = tpu.vector_load %arg8[%get3A_919, %get3A_920, %get3A_921] {strides = array<i32>} : memref<4x8x1000xf32, #tpu.memory_space<vmem>>, vector<1x1x16xf32>,
        %get3A_923 = vector.shape_cast %get3A_922 : vector<1x1x16xf32> to vector<16xf32>
        %mul3A_924 = arith.constant 5.000000e+01 : f32
        %mul3A_925 = vector.broadcast %mul3A_924 : f32 to vector<16xf32>
        %mul3A_926 = arith.mulf %get3A_923, %mul3A_925 : vector<16xf32>
        %jit3A_927 = arith.constant -2.000000e+03 : f32
        %jit3A_928 = arith.constant 2.000000e+03 : f32
        %max3A_929 = vector.broadcast %jit3A_927 : f32 to vector<16xf32>
        %max3A_930 = arith.maximumf %max3A_929, %mul3A_926 : vector<16xf32>
        %min3A_931 = vector.broadcast %jit3A_928 : f32 to vector<16xf32>
        %min3A_932 = arith.minimumf %min3A_931, %max3A_930 : vector<16xf32>
        %add3A_933 = arith.constant 0 : i32
        %add3A_934 = arith.addi %add3A_933, %scan3A_451 : i32
        %swap3A_935 = arith.index_cast %add3A_934 : i32 to index
        %swap3A_936 = arith.constant 352 : index
        %swap3A_937 = tpu.vector_load %arg10[%swap3A_935, %swap3A_936] {strides = array<i32>} : memref<8x1000xf32, #tpu.memory_space<vmem>>, vector<1x16xf32>,
        %swap3A_938 = vector.shape_cast %swap3A_937 : vector<1x16xf32> to vector<16xf32>
        %swap3A_939 = vector.shape_cast %min3A_932 : vector<16xf32> to vector<1x16xf32>
        tpu.vector_store %arg10[%swap3A_935, %swap3A_936], %swap3A_939 {strides = array<i32>} : memref<8x1000xf32, #tpu.memory_space<vmem>>, vector<1x16xf32>,
        %get3A_940 = arith.index_cast %scan3A_451 : i32 to index
        %get3A_941 = arith.index_cast %squeeze3A_459 : i32 to index
        %get3A_942 = arith.constant 368 : index
        %get3A_943 = tpu.vector_load %arg8[%get3A_940, %get3A_941, %get3A_942] {strides = array<i32>} : memref<4x8x1000xf32, #tpu.memory_space<vmem>>, vector<1x1x16xf32>,
        %get3A_944 = vector.shape_cast %get3A_943 : vector<1x1x16xf32> to vector<16xf32>
        %mul3A_945 = arith.constant 5.000000e+01 : f32
        %mul3A_946 = vector.broadcast %mul3A_945 : f32 to vector<16xf32>
        %mul3A_947 = arith.mulf %get3A_944, %mul3A_946 : vector<16xf32>
        %jit3A_948 = arith.constant -2.000000e+03 : f32
        %jit3A_949 = arith.constant 2.000000e+03 : f32
        %max3A_950 = vector.broadcast %jit3A_948 : f32 to vector<16xf32>
        %max3A_951 = arith.maximumf %max3A_950, %mul3A_947 : vector<16xf32>
        %min3A_952 = vector.broadcast %jit3A_949 : f32 to vector<16xf32>
        %min3A_953 = arith.minimumf %min3A_952, %max3A_951 : vector<16xf32>
        %add3A_954 = arith.constant 0 : i32
        %add3A_955 = arith.addi %add3A_954, %scan3A_451 : i32
        %swap3A_956 = arith.index_cast %add3A_955 : i32 to index
        %swap3A_957 = arith.constant 368 : index
        %swap3A_958 = tpu.vector_load %arg10[%swap3A_956, %swap3A_957] {strides = array<i32>} : memref<8x1000xf32, #tpu.memory_space<vmem>>, vector<1x16xf32>,
        %swap3A_959 = vector.shape_cast %swap3A_958 : vector<1x16xf32> to vector<16xf32>
        %swap3A_960 = vector.shape_cast %min3A_953 : vector<16xf32> to vector<1x16xf32>
        tpu.vector_store %arg10[%swap3A_956, %swap3A_957], %swap3A_960 {strides = array<i32>} : memref<8x1000xf32, #tpu.memory_space<vmem>>, vector<1x16xf32>,
        %get3A_961 = arith.index_cast %scan3A_451 : i32 to index
        %get3A_962 = arith.index_cast %squeeze3A_459 : i32 to index
        %get3A_963 = arith.constant 384 : index
        %get3A_964 = tpu.vector_load %arg8[%get3A_961, %get3A_962, %get3A_963] {strides = array<i32>} : memref<4x8x1000xf32, #tpu.memory_space<vmem>>, vector<1x1x16xf32>,
        %get3A_965 = vector.shape_cast %get3A_964 : vector<1x1x16xf32> to vector<16xf32>
        %mul3A_966 = arith.constant 5.000000e+01 : f32
        %mul3A_967 = vector.broadcast %mul3A_966 : f32 to vector<16xf32>
        %mul3A_968 = arith.mulf %get3A_965, %mul3A_967 : vector<16xf32>
        %jit3A_969 = arith.constant -2.000000e+03 : f32
        %jit3A_970 = arith.constant 2.000000e+03 : f32
        %max3A_971 = vector.broadcast %jit3A_969 : f32 to vector<16xf32>
        %max3A_972 = arith.maximumf %max3A_971, %mul3A_968 : vector<16xf32>
        %min3A_973 = vector.broadcast %jit3A_970 : f32 to vector<16xf32>
        %min3A_974 = arith.minimumf %min3A_973, %max3A_972 : vector<16xf32>
        %add3A_975 = arith.constant 0 : i32
        %add3A_976 = arith.addi %add3A_975, %scan3A_451 : i32
        %swap3A_977 = arith.index_cast %add3A_976 : i32 to index
        %swap3A_978 = arith.constant 384 : index
        %swap3A_979 = tpu.vector_load %arg10[%swap3A_977, %swap3A_978] {strides = array<i32>} : memref<8x1000xf32, #tpu.memory_space<vmem>>, vector<1x16xf32>,
        %swap3A_980 = vector.shape_cast %swap3A_979 : vector<1x16xf32> to vector<16xf32>
        %swap3A_981 = vector.shape_cast %min3A_974 : vector<16xf32> to vector<1x16xf32>
        tpu.vector_store %arg10[%swap3A_977, %swap3A_978], %swap3A_981 {strides = array<i32>} : memref<8x1000xf32, #tpu.memory_space<vmem>>, vector<1x16xf32>,
        %get3A_982 = arith.index_cast %scan3A_451 : i32 to index
        %get3A_983 = arith.index_cast %squeeze3A_459 : i32 to index
        %get3A_984 = arith.constant 400 : index
        %get3A_985 = tpu.vector_load %arg8[%get3A_982, %get3A_983, %get3A_984] {strides = array<i32>} : memref<4x8x1000xf32, #tpu.memory_space<vmem>>, vector<1x1x16xf32>,
        %get3A_986 = vector.shape_cast %get3A_985 : vector<1x1x16xf32> to vector<16xf32>
        %mul3A_987 = arith.constant 5.000000e+01 : f32
        %mul3A_988 = vector.broadcast %mul3A_987 : f32 to vector<16xf32>
        %mul3A_989 = arith.mulf %get3A_986, %mul3A_988 : vector<16xf32>
        %jit3A_990 = arith.constant -2.000000e+03 : f32
        %jit3A_991 = arith.constant 2.000000e+03 : f32
        %max3A_992 = vector.broadcast %jit3A_990 : f32 to vector<16xf32>
        %max3A_993 = arith.maximumf %max3A_992, %mul3A_989 : vector<16xf32>
        %min3A_994 = vector.broadcast %jit3A_991 : f32 to vector<16xf32>
        %min3A_995 = arith.minimumf %min3A_994, %max3A_993 : vector<16xf32>
        %add3A_996 = arith.constant 0 : i32
        %add3A_997 = arith.addi %add3A_996, %scan3A_451 : i32
        %swap3A_998 = arith.index_cast %add3A_997 : i32 to index
        %swap3A_999 = arith.constant 400 : index
        %swap3A_1000 = tpu.vector_load %arg10[%swap3A_998, %swap3A_999] {strides = array<i32>} : memref<8x1000xf32, #tpu.memory_space<vmem>>, vector<1x16xf32>,
        %swap3A_1001 = vector.shape_cast %swap3A_1000 : vector<1x16xf32> to vector<16xf32>
        %swap3A_1002 = vector.shape_cast %min3A_995 : vector<16xf32> to vector<1x16xf32>
        tpu.vector_store %arg10[%swap3A_998, %swap3A_999], %swap3A_1002 {strides = array<i32>} : memref<8x1000xf32, #tpu.memory_space<vmem>>, vector<1x16xf32>,
        %get3A_1003 = arith.index_cast %scan3A_451 : i32 to index
        %get3A_1004 = arith.index_cast %squeeze3A_459 : i32 to index
        %get3A_1005 = arith.constant 416 : index
        %get3A_1006 = tpu.vector_load %arg8[%get3A_1003, %get3A_1004, %get3A_1005] {strides = array<i32>} : memref<4x8x1000xf32, #tpu.memory_space<vmem>>, vector<1x1x16xf32>,
        %get3A_1007 = vector.shape_cast %get3A_1006 : vector<1x1x16xf32> to vector<16xf32>
        %mul3A_1008 = arith.constant 5.000000e+01 : f32
        %mul3A_1009 = vector.broadcast %mul3A_1008 : f32 to vector<16xf32>
        %mul3A_1010 = arith.mulf %get3A_1007, %mul3A_1009 : vector<16xf32>
        %jit3A_1011 = arith.constant -2.000000e+03 : f32
        %jit3A_1012 = arith.constant 2.000000e+03 : f32
        %max3A_1013 = vector.broadcast %jit3A_1011 : f32 to vector<16xf32>
        %max3A_1014 = arith.maximumf %max3A_1013, %mul3A_1010 : vector<16xf32>
        %min3A_1015 = vector.broadcast %jit3A_1012 : f32 to vector<16xf32>
        %min3A_1016 = arith.minimumf %min3A_1015, %max3A_1014 : vector<16xf32>
        %add3A_1017 = arith.constant 0 : i32
        %add3A_1018 = arith.addi %add3A_1017, %scan3A_451 : i32
        %swap3A_1019 = arith.index_cast %add3A_1018 : i32 to index
        %swap3A_1020 = arith.constant 416 : index
        %swap3A_1021 = tpu.vector_load %arg10[%swap3A_1019, %swap3A_1020] {strides = array<i32>} : memref<8x1000xf32, #tpu.memory_space<vmem>>, vector<1x16xf32>,
        %swap3A_1022 = vector.shape_cast %swap3A_1021 : vector<1x16xf32> to vector<16xf32>
        %swap3A_1023 = vector.shape_cast %min3A_1016 : vector<16xf32> to vector<1x16xf32>
        tpu.vector_store %arg10[%swap3A_1019, %swap3A_1020], %swap3A_1023 {strides = array<i32>} : memref<8x1000xf32, #tpu.memory_space<vmem>>, vector<1x16xf32>,
        %get3A_1024 = arith.index_cast %scan3A_451 : i32 to index
        %get3A_1025 = arith.index_cast %squeeze3A_459 : i32 to index
        %get3A_1026 = arith.constant 432 : index
        %get3A_1027 = tpu.vector_load %arg8[%get3A_1024, %get3A_1025, %get3A_1026] {strides = array<i32>} : memref<4x8x1000xf32, #tpu.memory_space<vmem>>, vector<1x1x16xf32>,
        %get3A_1028 = vector.shape_cast %get3A_1027 : vector<1x1x16xf32> to vector<16xf32>
        %mul3A_1029 = arith.constant 5.000000e+01 : f32
        %mul3A_1030 = vector.broadcast %mul3A_1029 : f32 to vector<16xf32>
        %mul3A_1031 = arith.mulf %get3A_1028, %mul3A_1030 : vector<16xf32>
        %jit3A_1032 = arith.constant -2.000000e+03 : f32
        %jit3A_1033 = arith.constant 2.000000e+03 : f32
        %max3A_1034 = vector.broadcast %jit3A_1032 : f32 to vector<16xf32>
        %max3A_1035 = arith.maximumf %max3A_1034, %mul3A_1031 : vector<16xf32>
        %min3A_1036 = vector.broadcast %jit3A_1033 : f32 to vector<16xf32>
        %min3A_1037 = arith.minimumf %min3A_1036, %max3A_1035 : vector<16xf32>
        %add3A_1038 = arith.constant 0 : i32
        %add3A_1039 = arith.addi %add3A_1038, %scan3A_451 : i32
        %swap3A_1040 = arith.index_cast %add3A_1039 : i32 to index
        %swap3A_1041 = arith.constant 432 : index
        %swap3A_1042 = tpu.vector_load %arg10[%swap3A_1040, %swap3A_1041] {strides = array<i32>} : memref<8x1000xf32, #tpu.memory_space<vmem>>, vector<1x16xf32>,
        %swap3A_1043 = vector.shape_cast %swap3A_1042 : vector<1x16xf32> to vector<16xf32>
        %swap3A_1044 = vector.shape_cast %min3A_1037 : vector<16xf32> to vector<1x16xf32>
        tpu.vector_store %arg10[%swap3A_1040, %swap3A_1041], %swap3A_1044 {strides = array<i32>} : memref<8x1000xf32, #tpu.memory_space<vmem>>, vector<1x16xf32>,
        %get3A_1045 = arith.index_cast %scan3A_451 : i32 to index
        %get3A_1046 = arith.index_cast %squeeze3A_459 : i32 to index
        %get3A_1047 = arith.constant 448 : index
        %get3A_1048 = tpu.vector_load %arg8[%get3A_1045, %get3A_1046, %get3A_1047] {strides = array<i32>} : memref<4x8x1000xf32, #tpu.memory_space<vmem>>, vector<1x1x16xf32>,
        %get3A_1049 = vector.shape_cast %get3A_1048 : vector<1x1x16xf32> to vector<16xf32>
        %mul3A_1050 = arith.constant 5.000000e+01 : f32
        %mul3A_1051 = vector.broadcast %mul3A_1050 : f32 to vector<16xf32>
        %mul3A_1052 = arith.mulf %get3A_1049, %mul3A_1051 : vector<16xf32>
        %jit3A_1053 = arith.constant -2.000000e+03 : f32
        %jit3A_1054 = arith.constant 2.000000e+03 : f32
        %max3A_1055 = vector.broadcast %jit3A_1053 : f32 to vector<16xf32>
        %max3A_1056 = arith.maximumf %max3A_1055, %mul3A_1052 : vector<16xf32>
        %min3A_1057 = vector.broadcast %jit3A_1054 : f32 to vector<16xf32>
        %min3A_1058 = arith.minimumf %min3A_1057, %max3A_1056 : vector<16xf32>
        %add3A_1059 = arith.constant 0 : i32
        %add3A_1060 = arith.addi %add3A_1059, %scan3A_451 : i32
        %swap3A_1061 = arith.index_cast %add3A_1060 : i32 to index
        %swap3A_1062 = arith.constant 448 : index
        %swap3A_1063 = tpu.vector_load %arg10[%swap3A_1061, %swap3A_1062] {strides = array<i32>} : memref<8x1000xf32, #tpu.memory_space<vmem>>, vector<1x16xf32>,
        %swap3A_1064 = vector.shape_cast %swap3A_1063 : vector<1x16xf32> to vector<16xf32>
        %swap3A_1065 = vector.shape_cast %min3A_1058 : vector<16xf32> to vector<1x16xf32>
        tpu.vector_store %arg10[%swap3A_1061, %swap3A_1062], %swap3A_1065 {strides = array<i32>} : memref<8x1000xf32, #tpu.memory_space<vmem>>, vector<1x16xf32>,
        %get3A_1066 = arith.index_cast %scan3A_451 : i32 to index
        %get3A_1067 = arith.index_cast %squeeze3A_459 : i32 to index
        %get3A_1068 = arith.constant 464 : index
        %get3A_1069 = tpu.vector_load %arg8[%get3A_1066, %get3A_1067, %get3A_1068] {strides = array<i32>} : memref<4x8x1000xf32, #tpu.memory_space<vmem>>, vector<1x1x16xf32>,
        %get3A_1070 = vector.shape_cast %get3A_1069 : vector<1x1x16xf32> to vector<16xf32>
        %mul3A_1071 = arith.constant 5.000000e+01 : f32
        %mul3A_1072 = vector.broadcast %mul3A_1071 : f32 to vector<16xf32>
        %mul3A_1073 = arith.mulf %get3A_1070, %mul3A_1072 : vector<16xf32>
        %jit3A_1074 = arith.constant -2.000000e+03 : f32
        %jit3A_1075 = arith.constant 2.000000e+03 : f32
        %max3A_1076 = vector.broadcast %jit3A_1074 : f32 to vector<16xf32>
        %max3A_1077 = arith.maximumf %max3A_1076, %mul3A_1073 : vector<16xf32>
        %min3A_1078 = vector.broadcast %jit3A_1075 : f32 to vector<16xf32>
        %min3A_1079 = arith.minimumf %min3A_1078, %max3A_1077 : vector<16xf32>
        %add3A_1080 = arith.constant 0 : i32
        %add3A_1081 = arith.addi %add3A_1080, %scan3A_451 : i32
        %swap3A_1082 = arith.index_cast %add3A_1081 : i32 to index
        %swap3A_1083 = arith.constant 464 : index
        %swap3A_1084 = tpu.vector_load %arg10[%swap3A_1082, %swap3A_1083] {strides = array<i32>} : memref<8x1000xf32, #tpu.memory_space<vmem>>, vector<1x16xf32>,
        %swap3A_1085 = vector.shape_cast %swap3A_1084 : vector<1x16xf32> to vector<16xf32>
        %swap3A_1086 = vector.shape_cast %min3A_1079 : vector<16xf32> to vector<1x16xf32>
        tpu.vector_store %arg10[%swap3A_1082, %swap3A_1083], %swap3A_1086 {strides = array<i32>} : memref<8x1000xf32, #tpu.memory_space<vmem>>, vector<1x16xf32>,
        %get3A_1087 = arith.index_cast %scan3A_451 : i32 to index
        %get3A_1088 = arith.index_cast %squeeze3A_459 : i32 to index
        %get3A_1089 = arith.constant 480 : index
        %get3A_1090 = tpu.vector_load %arg8[%get3A_1087, %get3A_1088, %get3A_1089] {strides = array<i32>} : memref<4x8x1000xf32, #tpu.memory_space<vmem>>, vector<1x1x16xf32>,
        %get3A_1091 = vector.shape_cast %get3A_1090 : vector<1x1x16xf32> to vector<16xf32>
        %mul3A_1092 = arith.constant 5.000000e+01 : f32
        %mul3A_1093 = vector.broadcast %mul3A_1092 : f32 to vector<16xf32>
        %mul3A_1094 = arith.mulf %get3A_1091, %mul3A_1093 : vector<16xf32>
        %jit3A_1095 = arith.constant -2.000000e+03 : f32
        %jit3A_1096 = arith.constant 2.000000e+03 : f32
        %max3A_1097 = vector.broadcast %jit3A_1095 : f32 to vector<16xf32>
        %max3A_1098 = arith.maximumf %max3A_1097, %mul3A_1094 : vector<16xf32>
        %min3A_1099 = vector.broadcast %jit3A_1096 : f32 to vector<16xf32>
        %min3A_1100 = arith.minimumf %min3A_1099, %max3A_1098 : vector<16xf32>
        %add3A_1101 = arith.constant 0 : i32
        %add3A_1102 = arith.addi %add3A_1101, %scan3A_451 : i32
        %swap3A_1103 = arith.index_cast %add3A_1102 : i32 to index
        %swap3A_1104 = arith.constant 480 : index
        %swap3A_1105 = tpu.vector_load %arg10[%swap3A_1103, %swap3A_1104] {strides = array<i32>} : memref<8x1000xf32, #tpu.memory_space<vmem>>, vector<1x16xf32>,
        %swap3A_1106 = vector.shape_cast %swap3A_1105 : vector<1x16xf32> to vector<16xf32>
        %swap3A_1107 = vector.shape_cast %min3A_1100 : vector<16xf32> to vector<1x16xf32>
        tpu.vector_store %arg10[%swap3A_1103, %swap3A_1104], %swap3A_1107 {strides = array<i32>} : memref<8x1000xf32, #tpu.memory_space<vmem>>, vector<1x16xf32>,
        %get3A_1108 = arith.index_cast %scan3A_451 : i32 to index
        %get3A_1109 = arith.index_cast %squeeze3A_459 : i32 to index
        %get3A_1110 = arith.constant 496 : index
        %get3A_1111 = tpu.vector_load %arg8[%get3A_1108, %get3A_1109, %get3A_1110] {strides = array<i32>} : memref<4x8x1000xf32, #tpu.memory_space<vmem>>, vector<1x1x16xf32>,
        %get3A_1112 = vector.shape_cast %get3A_1111 : vector<1x1x16xf32> to vector<16xf32>
        %mul3A_1113 = arith.constant 5.000000e+01 : f32
        %mul3A_1114 = vector.broadcast %mul3A_1113 : f32 to vector<16xf32>
        %mul3A_1115 = arith.mulf %get3A_1112, %mul3A_1114 : vector<16xf32>
        %jit3A_1116 = arith.constant -2.000000e+03 : f32
        %jit3A_1117 = arith.constant 2.000000e+03 : f32
        %max3A_1118 = vector.broadcast %jit3A_1116 : f32 to vector<16xf32>
        %max3A_1119 = arith.maximumf %max3A_1118, %mul3A_1115 : vector<16xf32>
        %min3A_1120 = vector.broadcast %jit3A_1117 : f32 to vector<16xf32>
        %min3A_1121 = arith.minimumf %min3A_1120, %max3A_1119 : vector<16xf32>
        %add3A_1122 = arith.constant 0 : i32
        %add3A_1123 = arith.addi %add3A_1122, %scan3A_451 : i32
        %swap3A_1124 = arith.index_cast %add3A_1123 : i32 to index
        %swap3A_1125 = arith.constant 496 : index
        %swap3A_1126 = tpu.vector_load %arg10[%swap3A_1124, %swap3A_1125] {strides = array<i32>} : memref<8x1000xf32, #tpu.memory_space<vmem>>, vector<1x16xf32>,
        %swap3A_1127 = vector.shape_cast %swap3A_1126 : vector<1x16xf32> to vector<16xf32>
        %swap3A_1128 = vector.shape_cast %min3A_1121 : vector<16xf32> to vector<1x16xf32>
        tpu.vector_store %arg10[%swap3A_1124, %swap3A_1125], %swap3A_1128 {strides = array<i32>} : memref<8x1000xf32, #tpu.memory_space<vmem>>, vector<1x16xf32>,
        %get3A_1129 = arith.index_cast %scan3A_451 : i32 to index
        %get3A_1130 = arith.index_cast %squeeze3A_459 : i32 to index
        %get3A_1131 = arith.constant 512 : index
        %get3A_1132 = tpu.vector_load %arg8[%get3A_1129, %get3A_1130, %get3A_1131] {strides = array<i32>} : memref<4x8x1000xf32, #tpu.memory_space<vmem>>, vector<1x1x16xf32>,
        %get3A_1133 = vector.shape_cast %get3A_1132 : vector<1x1x16xf32> to vector<16xf32>
        %mul3A_1134 = arith.constant 5.000000e+01 : f32
        %mul3A_1135 = vector.broadcast %mul3A_1134 : f32 to vector<16xf32>
        %mul3A_1136 = arith.mulf %get3A_1133, %mul3A_1135 : vector<16xf32>
        %jit3A_1137 = arith.constant -2.000000e+03 : f32
        %jit3A_1138 = arith.constant 2.000000e+03 : f32
        %max3A_1139 = vector.broadcast %jit3A_1137 : f32 to vector<16xf32>
        %max3A_1140 = arith.maximumf %max3A_1139, %mul3A_1136 : vector<16xf32>
        %min3A_1141 = vector.broadcast %jit3A_1138 : f32 to vector<16xf32>
        %min3A_1142 = arith.minimumf %min3A_1141, %max3A_1140 : vector<16xf32>
        %add3A_1143 = arith.constant 0 : i32
        %add3A_1144 = arith.addi %add3A_1143, %scan3A_451 : i32
        %swap3A_1145 = arith.index_cast %add3A_1144 : i32 to index
        %swap3A_1146 = arith.constant 512 : index
        %swap3A_1147 = tpu.vector_load %arg10[%swap3A_1145, %swap3A_1146] {strides = array<i32>} : memref<8x1000xf32, #tpu.memory_space<vmem>>, vector<1x16xf32>,
        %swap3A_1148 = vector.shape_cast %swap3A_1147 : vector<1x16xf32> to vector<16xf32>
        %swap3A_1149 = vector.shape_cast %min3A_1142 : vector<16xf32> to vector<1x16xf32>
        tpu.vector_store %arg10[%swap3A_1145, %swap3A_1146], %swap3A_1149 {strides = array<i32>} : memref<8x1000xf32, #tpu.memory_space<vmem>>, vector<1x16xf32>,
        %get3A_1150 = arith.index_cast %scan3A_451 : i32 to index
        %get3A_1151 = arith.index_cast %squeeze3A_459 : i32 to index
        %get3A_1152 = arith.constant 528 : index
        %get3A_1153 = tpu.vector_load %arg8[%get3A_1150, %get3A_1151, %get3A_1152] {strides = array<i32>} : memref<4x8x1000xf32, #tpu.memory_space<vmem>>, vector<1x1x16xf32>,
        %get3A_1154 = vector.shape_cast %get3A_1153 : vector<1x1x16xf32> to vector<16xf32>
        %mul3A_1155 = arith.constant 5.000000e+01 : f32
        %mul3A_1156 = vector.broadcast %mul3A_1155 : f32 to vector<16xf32>
        %mul3A_1157 = arith.mulf %get3A_1154, %mul3A_1156 : vector<16xf32>
        %jit3A_1158 = arith.constant -2.000000e+03 : f32
        %jit3A_1159 = arith.constant 2.000000e+03 : f32
        %max3A_1160 = vector.broadcast %jit3A_1158 : f32 to vector<16xf32>
        %max3A_1161 = arith.maximumf %max3A_1160, %mul3A_1157 : vector<16xf32>
        %min3A_1162 = vector.broadcast %jit3A_1159 : f32 to vector<16xf32>
        %min3A_1163 = arith.minimumf %min3A_1162, %max3A_1161 : vector<16xf32>
        %add3A_1164 = arith.constant 0 : i32
        %add3A_1165 = arith.addi %add3A_1164, %scan3A_451 : i32
        %swap3A_1166 = arith.index_cast %add3A_1165 : i32 to index
        %swap3A_1167 = arith.constant 528 : index
        %swap3A_1168 = tpu.vector_load %arg10[%swap3A_1166, %swap3A_1167] {strides = array<i32>} : memref<8x1000xf32, #tpu.memory_space<vmem>>, vector<1x16xf32>,
        %swap3A_1169 = vector.shape_cast %swap3A_1168 : vector<1x16xf32> to vector<16xf32>
        %swap3A_1170 = vector.shape_cast %min3A_1163 : vector<16xf32> to vector<1x16xf32>
        tpu.vector_store %arg10[%swap3A_1166, %swap3A_1167], %swap3A_1170 {strides = array<i32>} : memref<8x1000xf32, #tpu.memory_space<vmem>>, vector<1x16xf32>,
        %get3A_1171 = arith.index_cast %scan3A_451 : i32 to index
        %get3A_1172 = arith.index_cast %squeeze3A_459 : i32 to index
        %get3A_1173 = arith.constant 544 : index
        %get3A_1174 = tpu.vector_load %arg8[%get3A_1171, %get3A_1172, %get3A_1173] {strides = array<i32>} : memref<4x8x1000xf32, #tpu.memory_space<vmem>>, vector<1x1x16xf32>,
        %get3A_1175 = vector.shape_cast %get3A_1174 : vector<1x1x16xf32> to vector<16xf32>
        %mul3A_1176 = arith.constant 5.000000e+01 : f32
        %mul3A_1177 = vector.broadcast %mul3A_1176 : f32 to vector<16xf32>
        %mul3A_1178 = arith.mulf %get3A_1175, %mul3A_1177 : vector<16xf32>
        %jit3A_1179 = arith.constant -2.000000e+03 : f32
        %jit3A_1180 = arith.constant 2.000000e+03 : f32
        %max3A_1181 = vector.broadcast %jit3A_1179 : f32 to vector<16xf32>
        %max3A_1182 = arith.maximumf %max3A_1181, %mul3A_1178 : vector<16xf32>
        %min3A_1183 = vector.broadcast %jit3A_1180 : f32 to vector<16xf32>
        %min3A_1184 = arith.minimumf %min3A_1183, %max3A_1182 : vector<16xf32>
        %add3A_1185 = arith.constant 0 : i32
        %add3A_1186 = arith.addi %add3A_1185, %scan3A_451 : i32
        %swap3A_1187 = arith.index_cast %add3A_1186 : i32 to index
        %swap3A_1188 = arith.constant 544 : index
        %swap3A_1189 = tpu.vector_load %arg10[%swap3A_1187, %swap3A_1188] {strides = array<i32>} : memref<8x1000xf32, #tpu.memory_space<vmem>>, vector<1x16xf32>,
        %swap3A_1190 = vector.shape_cast %swap3A_1189 : vector<1x16xf32> to vector<16xf32>
        %swap3A_1191 = vector.shape_cast %min3A_1184 : vector<16xf32> to vector<1x16xf32>
        tpu.vector_store %arg10[%swap3A_1187, %swap3A_1188], %swap3A_1191 {strides = array<i32>} : memref<8x1000xf32, #tpu.memory_space<vmem>>, vector<1x16xf32>,
        %get3A_1192 = arith.index_cast %scan3A_451 : i32 to index
        %get3A_1193 = arith.index_cast %squeeze3A_459 : i32 to index
        %get3A_1194 = arith.constant 560 : index
        %get3A_1195 = tpu.vector_load %arg8[%get3A_1192, %get3A_1193, %get3A_1194] {strides = array<i32>} : memref<4x8x1000xf32, #tpu.memory_space<vmem>>, vector<1x1x16xf32>,
        %get3A_1196 = vector.shape_cast %get3A_1195 : vector<1x1x16xf32> to vector<16xf32>
        %mul3A_1197 = arith.constant 5.000000e+01 : f32
        %mul3A_1198 = vector.broadcast %mul3A_1197 : f32 to vector<16xf32>
        %mul3A_1199 = arith.mulf %get3A_1196, %mul3A_1198 : vector<16xf32>
        %jit3A_1200 = arith.constant -2.000000e+03 : f32
        %jit3A_1201 = arith.constant 2.000000e+03 : f32
        %max3A_1202 = vector.broadcast %jit3A_1200 : f32 to vector<16xf32>
        %max3A_1203 = arith.maximumf %max3A_1202, %mul3A_1199 : vector<16xf32>
        %min3A_1204 = vector.broadcast %jit3A_1201 : f32 to vector<16xf32>
        %min3A_1205 = arith.minimumf %min3A_1204, %max3A_1203 : vector<16xf32>
        %add3A_1206 = arith.constant 0 : i32
        %add3A_1207 = arith.addi %add3A_1206, %scan3A_451 : i32
        %swap3A_1208 = arith.index_cast %add3A_1207 : i32 to index
        %swap3A_1209 = arith.constant 560 : index
        %swap3A_1210 = tpu.vector_load %arg10[%swap3A_1208, %swap3A_1209] {strides = array<i32>} : memref<8x1000xf32, #tpu.memory_space<vmem>>, vector<1x16xf32>,
        %swap3A_1211 = vector.shape_cast %swap3A_1210 : vector<1x16xf32> to vector<16xf32>
        %swap3A_1212 = vector.shape_cast %min3A_1205 : vector<16xf32> to vector<1x16xf32>
        tpu.vector_store %arg10[%swap3A_1208, %swap3A_1209], %swap3A_1212 {strides = array<i32>} : memref<8x1000xf32, #tpu.memory_space<vmem>>, vector<1x16xf32>,
        %get3A_1213 = arith.index_cast %scan3A_451 : i32 to index
        %get3A_1214 = arith.index_cast %squeeze3A_459 : i32 to index
        %get3A_1215 = arith.constant 576 : index
        %get3A_1216 = tpu.vector_load %arg8[%get3A_1213, %get3A_1214, %get3A_1215] {strides = array<i32>} : memref<4x8x1000xf32, #tpu.memory_space<vmem>>, vector<1x1x16xf32>,
        %get3A_1217 = vector.shape_cast %get3A_1216 : vector<1x1x16xf32> to vector<16xf32>
        %mul3A_1218 = arith.constant 5.000000e+01 : f32
        %mul3A_1219 = vector.broadcast %mul3A_1218 : f32 to vector<16xf32>
        %mul3A_1220 = arith.mulf %get3A_1217, %mul3A_1219 : vector<16xf32>
        %jit3A_1221 = arith.constant -2.000000e+03 : f32
        %jit3A_1222 = arith.constant 2.000000e+03 : f32
        %max3A_1223 = vector.broadcast %jit3A_1221 : f32 to vector<16xf32>
        %max3A_1224 = arith.maximumf %max3A_1223, %mul3A_1220 : vector<16xf32>
        %min3A_1225 = vector.broadcast %jit3A_1222 : f32 to vector<16xf32>
        %min3A_1226 = arith.minimumf %min3A_1225, %max3A_1224 : vector<16xf32>
        %add3A_1227 = arith.constant 0 : i32
        %add3A_1228 = arith.addi %add3A_1227, %scan3A_451 : i32
        %swap3A_1229 = arith.index_cast %add3A_1228 : i32 to index
        %swap3A_1230 = arith.constant 576 : index
        %swap3A_1231 = tpu.vector_load %arg10[%swap3A_1229, %swap3A_1230] {strides = array<i32>} : memref<8x1000xf32, #tpu.memory_space<vmem>>, vector<1x16xf32>,
        %swap3A_1232 = vector.shape_cast %swap3A_1231 : vector<1x16xf32> to vector<16xf32>
        %swap3A_1233 = vector.shape_cast %min3A_1226 : vector<16xf32> to vector<1x16xf32>
        tpu.vector_store %arg10[%swap3A_1229, %swap3A_1230], %swap3A_1233 {strides = array<i32>} : memref<8x1000xf32, #tpu.memory_space<vmem>>, vector<1x16xf32>,
        %get3A_1234 = arith.index_cast %scan3A_451 : i32 to index
        %get3A_1235 = arith.index_cast %squeeze3A_459 : i32 to index
        %get3A_1236 = arith.constant 592 : index
        %get3A_1237 = tpu.vector_load %arg8[%get3A_1234, %get3A_1235, %get3A_1236] {strides = array<i32>} : memref<4x8x1000xf32, #tpu.memory_space<vmem>>, vector<1x1x16xf32>,
        %get3A_1238 = vector.shape_cast %get3A_1237 : vector<1x1x16xf32> to vector<16xf32>
        %mul3A_1239 = arith.constant 5.000000e+01 : f32
        %mul3A_1240 = vector.broadcast %mul3A_1239 : f32 to vector<16xf32>
        %mul3A_1241 = arith.mulf %get3A_1238, %mul3A_1240 : vector<16xf32>
        %jit3A_1242 = arith.constant -2.000000e+03 : f32
        %jit3A_1243 = arith.constant 2.000000e+03 : f32
        %max3A_1244 = vector.broadcast %jit3A_1242 : f32 to vector<16xf32>
        %max3A_1245 = arith.maximumf %max3A_1244, %mul3A_1241 : vector<16xf32>
        %min3A_1246 = vector.broadcast %jit3A_1243 : f32 to vector<16xf32>
        %min3A_1247 = arith.minimumf %min3A_1246, %max3A_1245 : vector<16xf32>
        %add3A_1248 = arith.constant 0 : i32
        %add3A_1249 = arith.addi %add3A_1248, %scan3A_451 : i32
        %swap3A_1250 = arith.index_cast %add3A_1249 : i32 to index
        %swap3A_1251 = arith.constant 592 : index
        %swap3A_1252 = tpu.vector_load %arg10[%swap3A_1250, %swap3A_1251] {strides = array<i32>} : memref<8x1000xf32, #tpu.memory_space<vmem>>, vector<1x16xf32>,
        %swap3A_1253 = vector.shape_cast %swap3A_1252 : vector<1x16xf32> to vector<16xf32>
        %swap3A_1254 = vector.shape_cast %min3A_1247 : vector<16xf32> to vector<1x16xf32>
        tpu.vector_store %arg10[%swap3A_1250, %swap3A_1251], %swap3A_1254 {strides = array<i32>} : memref<8x1000xf32, #tpu.memory_space<vmem>>, vector<1x16xf32>,
        %get3A_1255 = arith.index_cast %scan3A_451 : i32 to index
        %get3A_1256 = arith.index_cast %squeeze3A_459 : i32 to index
        %get3A_1257 = arith.constant 608 : index
        %get3A_1258 = tpu.vector_load %arg8[%get3A_1255, %get3A_1256, %get3A_1257] {strides = array<i32>} : memref<4x8x1000xf32, #tpu.memory_space<vmem>>, vector<1x1x16xf32>,
        %get3A_1259 = vector.shape_cast %get3A_1258 : vector<1x1x16xf32> to vector<16xf32>
        %mul3A_1260 = arith.constant 5.000000e+01 : f32
        %mul3A_1261 = vector.broadcast %mul3A_1260 : f32 to vector<16xf32>
        %mul3A_1262 = arith.mulf %get3A_1259, %mul3A_1261 : vector<16xf32>
        %jit3A_1263 = arith.constant -2.000000e+03 : f32
        %jit3A_1264 = arith.constant 2.000000e+03 : f32
        %max3A_1265 = vector.broadcast %jit3A_1263 : f32 to vector<16xf32>
        %max3A_1266 = arith.maximumf %max3A_1265, %mul3A_1262 : vector<16xf32>
        %min3A_1267 = vector.broadcast %jit3A_1264 : f32 to vector<16xf32>
        %min3A_1268 = arith.minimumf %min3A_1267, %max3A_1266 : vector<16xf32>
        %add3A_1269 = arith.constant 0 : i32
        %add3A_1270 = arith.addi %add3A_1269, %scan3A_451 : i32
        %swap3A_1271 = arith.index_cast %add3A_1270 : i32 to index
        %swap3A_1272 = arith.constant 608 : index
        %swap3A_1273 = tpu.vector_load %arg10[%swap3A_1271, %swap3A_1272] {strides = array<i32>} : memref<8x1000xf32, #tpu.memory_space<vmem>>, vector<1x16xf32>,
        %swap3A_1274 = vector.shape_cast %swap3A_1273 : vector<1x16xf32> to vector<16xf32>
        %swap3A_1275 = vector.shape_cast %min3A_1268 : vector<16xf32> to vector<1x16xf32>
        tpu.vector_store %arg10[%swap3A_1271, %swap3A_1272], %swap3A_1275 {strides = array<i32>} : memref<8x1000xf32, #tpu.memory_space<vmem>>, vector<1x16xf32>,
        %get3A_1276 = arith.index_cast %scan3A_451 : i32 to index
        %get3A_1277 = arith.index_cast %squeeze3A_459 : i32 to index
        %get3A_1278 = arith.constant 624 : index
        %get3A_1279 = tpu.vector_load %arg8[%get3A_1276, %get3A_1277, %get3A_1278] {strides = array<i32>} : memref<4x8x1000xf32, #tpu.memory_space<vmem>>, vector<1x1x16xf32>,
        %get3A_1280 = vector.shape_cast %get3A_1279 : vector<1x1x16xf32> to vector<16xf32>
        %mul3A_1281 = arith.constant 5.000000e+01 : f32
        %mul3A_1282 = vector.broadcast %mul3A_1281 : f32 to vector<16xf32>
        %mul3A_1283 = arith.mulf %get3A_1280, %mul3A_1282 : vector<16xf32>
        %jit3A_1284 = arith.constant -2.000000e+03 : f32
        %jit3A_1285 = arith.constant 2.000000e+03 : f32
        %max3A_1286 = vector.broadcast %jit3A_1284 : f32 to vector<16xf32>
        %max3A_1287 = arith.maximumf %max3A_1286, %mul3A_1283 : vector<16xf32>
        %min3A_1288 = vector.broadcast %jit3A_1285 : f32 to vector<16xf32>
        %min3A_1289 = arith.minimumf %min3A_1288, %max3A_1287 : vector<16xf32>
        %add3A_1290 = arith.constant 0 : i32
        %add3A_1291 = arith.addi %add3A_1290, %scan3A_451 : i32
        %swap3A_1292 = arith.index_cast %add3A_1291 : i32 to index
        %swap3A_1293 = arith.constant 624 : index
        %swap3A_1294 = tpu.vector_load %arg10[%swap3A_1292, %swap3A_1293] {strides = array<i32>} : memref<8x1000xf32, #tpu.memory_space<vmem>>, vector<1x16xf32>,
        %swap3A_1295 = vector.shape_cast %swap3A_1294 : vector<1x16xf32> to vector<16xf32>
        %swap3A_1296 = vector.shape_cast %min3A_1289 : vector<16xf32> to vector<1x16xf32>
        tpu.vector_store %arg10[%swap3A_1292, %swap3A_1293], %swap3A_1296 {strides = array<i32>} : memref<8x1000xf32, #tpu.memory_space<vmem>>, vector<1x16xf32>,
        %get3A_1297 = arith.index_cast %scan3A_451 : i32 to index
        %get3A_1298 = arith.index_cast %squeeze3A_459 : i32 to index
        %get3A_1299 = arith.constant 640 : index
        %get3A_1300 = tpu.vector_load %arg8[%get3A_1297, %get3A_1298, %get3A_1299] {strides = array<i32>} : memref<4x8x1000xf32, #tpu.memory_space<vmem>>, vector<1x1x16xf32>,
        %get3A_1301 = vector.shape_cast %get3A_1300 : vector<1x1x16xf32> to vector<16xf32>
        %mul3A_1302 = arith.constant 5.000000e+01 : f32
        %mul3A_1303 = vector.broadcast %mul3A_1302 : f32 to vector<16xf32>
        %mul3A_1304 = arith.mulf %get3A_1301, %mul3A_1303 : vector<16xf32>
        %jit3A_1305 = arith.constant -2.000000e+03 : f32
        %jit3A_1306 = arith.constant 2.000000e+03 : f32
        %max3A_1307 = vector.broadcast %jit3A_1305 : f32 to vector<16xf32>
        %max3A_1308 = arith.maximumf %max3A_1307, %mul3A_1304 : vector<16xf32>
        %min3A_1309 = vector.broadcast %jit3A_1306 : f32 to vector<16xf32>
        %min3A_1310 = arith.minimumf %min3A_1309, %max3A_1308 : vector<16xf32>
        %add3A_1311 = arith.constant 0 : i32
        %add3A_1312 = arith.addi %add3A_1311, %scan3A_451 : i32
        %swap3A_1313 = arith.index_cast %add3A_1312 : i32 to index
        %swap3A_1314 = arith.constant 640 : index
        %swap3A_1315 = tpu.vector_load %arg10[%swap3A_1313, %swap3A_1314] {strides = array<i32>} : memref<8x1000xf32, #tpu.memory_space<vmem>>, vector<1x16xf32>,
        %swap3A_1316 = vector.shape_cast %swap3A_1315 : vector<1x16xf32> to vector<16xf32>
        %swap3A_1317 = vector.shape_cast %min3A_1310 : vector<16xf32> to vector<1x16xf32>
        tpu.vector_store %arg10[%swap3A_1313, %swap3A_1314], %swap3A_1317 {strides = array<i32>} : memref<8x1000xf32, #tpu.memory_space<vmem>>, vector<1x16xf32>,
        %get3A_1318 = arith.index_cast %scan3A_451 : i32 to index
        %get3A_1319 = arith.index_cast %squeeze3A_459 : i32 to index
        %get3A_1320 = arith.constant 656 : index
        %get3A_1321 = tpu.vector_load %arg8[%get3A_1318, %get3A_1319, %get3A_1320] {strides = array<i32>} : memref<4x8x1000xf32, #tpu.memory_space<vmem>>, vector<1x1x16xf32>,
        %get3A_1322 = vector.shape_cast %get3A_1321 : vector<1x1x16xf32> to vector<16xf32>
        %mul3A_1323 = arith.constant 5.000000e+01 : f32
        %mul3A_1324 = vector.broadcast %mul3A_1323 : f32 to vector<16xf32>
        %mul3A_1325 = arith.mulf %get3A_1322, %mul3A_1324 : vector<16xf32>
        %jit3A_1326 = arith.constant -2.000000e+03 : f32
        %jit3A_1327 = arith.constant 2.000000e+03 : f32
        %max3A_1328 = vector.broadcast %jit3A_1326 : f32 to vector<16xf32>
        %max3A_1329 = arith.maximumf %max3A_1328, %mul3A_1325 : vector<16xf32>
        %min3A_1330 = vector.broadcast %jit3A_1327 : f32 to vector<16xf32>
        %min3A_1331 = arith.minimumf %min3A_1330, %max3A_1329 : vector<16xf32>
        %add3A_1332 = arith.constant 0 : i32
        %add3A_1333 = arith.addi %add3A_1332, %scan3A_451 : i32
        %swap3A_1334 = arith.index_cast %add3A_1333 : i32 to index
        %swap3A_1335 = arith.constant 656 : index
        %swap3A_1336 = tpu.vector_load %arg10[%swap3A_1334, %swap3A_1335] {strides = array<i32>} : memref<8x1000xf32, #tpu.memory_space<vmem>>, vector<1x16xf32>,
        %swap3A_1337 = vector.shape_cast %swap3A_1336 : vector<1x16xf32> to vector<16xf32>
        %swap3A_1338 = vector.shape_cast %min3A_1331 : vector<16xf32> to vector<1x16xf32>
        tpu.vector_store %arg10[%swap3A_1334, %swap3A_1335], %swap3A_1338 {strides = array<i32>} : memref<8x1000xf32, #tpu.memory_space<vmem>>, vector<1x16xf32>,
        %get3A_1339 = arith.index_cast %scan3A_451 : i32 to index
        %get3A_1340 = arith.index_cast %squeeze3A_459 : i32 to index
        %get3A_1341 = arith.constant 672 : index
        %get3A_1342 = tpu.vector_load %arg8[%get3A_1339, %get3A_1340, %get3A_1341] {strides = array<i32>} : memref<4x8x1000xf32, #tpu.memory_space<vmem>>, vector<1x1x16xf32>,
        %get3A_1343 = vector.shape_cast %get3A_1342 : vector<1x1x16xf32> to vector<16xf32>
        %mul3A_1344 = arith.constant 5.000000e+01 : f32
        %mul3A_1345 = vector.broadcast %mul3A_1344 : f32 to vector<16xf32>
        %mul3A_1346 = arith.mulf %get3A_1343, %mul3A_1345 : vector<16xf32>
        %jit3A_1347 = arith.constant -2.000000e+03 : f32
        %jit3A_1348 = arith.constant 2.000000e+03 : f32
        %max3A_1349 = vector.broadcast %jit3A_1347 : f32 to vector<16xf32>
        %max3A_1350 = arith.maximumf %max3A_1349, %mul3A_1346 : vector<16xf32>
        %min3A_1351 = vector.broadcast %jit3A_1348 : f32 to vector<16xf32>
        %min3A_1352 = arith.minimumf %min3A_1351, %max3A_1350 : vector<16xf32>
        %add3A_1353 = arith.constant 0 : i32
        %add3A_1354 = arith.addi %add3A_1353, %scan3A_451 : i32
        %swap3A_1355 = arith.index_cast %add3A_1354 : i32 to index
        %swap3A_1356 = arith.constant 672 : index
        %swap3A_1357 = tpu.vector_load %arg10[%swap3A_1355, %swap3A_1356] {strides = array<i32>} : memref<8x1000xf32, #tpu.memory_space<vmem>>, vector<1x16xf32>,
        %swap3A_1358 = vector.shape_cast %swap3A_1357 : vector<1x16xf32> to vector<16xf32>
        %swap3A_1359 = vector.shape_cast %min3A_1352 : vector<16xf32> to vector<1x16xf32>
        tpu.vector_store %arg10[%swap3A_1355, %swap3A_1356], %swap3A_1359 {strides = array<i32>} : memref<8x1000xf32, #tpu.memory_space<vmem>>, vector<1x16xf32>,
        %get3A_1360 = arith.index_cast %scan3A_451 : i32 to index
        %get3A_1361 = arith.index_cast %squeeze3A_459 : i32 to index
        %get3A_1362 = arith.constant 688 : index
        %get3A_1363 = tpu.vector_load %arg8[%get3A_1360, %get3A_1361, %get3A_1362] {strides = array<i32>} : memref<4x8x1000xf32, #tpu.memory_space<vmem>>, vector<1x1x16xf32>,
        %get3A_1364 = vector.shape_cast %get3A_1363 : vector<1x1x16xf32> to vector<16xf32>
        %mul3A_1365 = arith.constant 5.000000e+01 : f32
        %mul3A_1366 = vector.broadcast %mul3A_1365 : f32 to vector<16xf32>
        %mul3A_1367 = arith.mulf %get3A_1364, %mul3A_1366 : vector<16xf32>
        %jit3A_1368 = arith.constant -2.000000e+03 : f32
        %jit3A_1369 = arith.constant 2.000000e+03 : f32
        %max3A_1370 = vector.broadcast %jit3A_1368 : f32 to vector<16xf32>
        %max3A_1371 = arith.maximumf %max3A_1370, %mul3A_1367 : vector<16xf32>
        %min3A_1372 = vector.broadcast %jit3A_1369 : f32 to vector<16xf32>
        %min3A_1373 = arith.minimumf %min3A_1372, %max3A_1371 : vector<16xf32>
        %add3A_1374 = arith.constant 0 : i32
        %add3A_1375 = arith.addi %add3A_1374, %scan3A_451 : i32
        %swap3A_1376 = arith.index_cast %add3A_1375 : i32 to index
        %swap3A_1377 = arith.constant 688 : index
        %swap3A_1378 = tpu.vector_load %arg10[%swap3A_1376, %swap3A_1377] {strides = array<i32>} : memref<8x1000xf32, #tpu.memory_space<vmem>>, vector<1x16xf32>,
        %swap3A_1379 = vector.shape_cast %swap3A_1378 : vector<1x16xf32> to vector<16xf32>
        %swap3A_1380 = vector.shape_cast %min3A_1373 : vector<16xf32> to vector<1x16xf32>
        tpu.vector_store %arg10[%swap3A_1376, %swap3A_1377], %swap3A_1380 {strides = array<i32>} : memref<8x1000xf32, #tpu.memory_space<vmem>>, vector<1x16xf32>,
        %get3A_1381 = arith.index_cast %scan3A_451 : i32 to index
        %get3A_1382 = arith.index_cast %squeeze3A_459 : i32 to index
        %get3A_1383 = arith.constant 704 : index
        %get3A_1384 = tpu.vector_load %arg8[%get3A_1381, %get3A_1382, %get3A_1383] {strides = array<i32>} : memref<4x8x1000xf32, #tpu.memory_space<vmem>>, vector<1x1x16xf32>,
        %get3A_1385 = vector.shape_cast %get3A_1384 : vector<1x1x16xf32> to vector<16xf32>
        %mul3A_1386 = arith.constant 5.000000e+01 : f32
        %mul3A_1387 = vector.broadcast %mul3A_1386 : f32 to vector<16xf32>
        %mul3A_1388 = arith.mulf %get3A_1385, %mul3A_1387 : vector<16xf32>
        %jit3A_1389 = arith.constant -2.000000e+03 : f32
        %jit3A_1390 = arith.constant 2.000000e+03 : f32
        %max3A_1391 = vector.broadcast %jit3A_1389 : f32 to vector<16xf32>
        %max3A_1392 = arith.maximumf %max3A_1391, %mul3A_1388 : vector<16xf32>
        %min3A_1393 = vector.broadcast %jit3A_1390 : f32 to vector<16xf32>
        %min3A_1394 = arith.minimumf %min3A_1393, %max3A_1392 : vector<16xf32>
        %add3A_1395 = arith.constant 0 : i32
        %add3A_1396 = arith.addi %add3A_1395, %scan3A_451 : i32
        %swap3A_1397 = arith.index_cast %add3A_1396 : i32 to index
        %swap3A_1398 = arith.constant 704 : index
        %swap3A_1399 = tpu.vector_load %arg10[%swap3A_1397, %swap3A_1398] {strides = array<i32>} : memref<8x1000xf32, #tpu.memory_space<vmem>>, vector<1x16xf32>,
        %swap3A_1400 = vector.shape_cast %swap3A_1399 : vector<1x16xf32> to vector<16xf32>
        %swap3A_1401 = vector.shape_cast %min3A_1394 : vector<16xf32> to vector<1x16xf32>
        tpu.vector_store %arg10[%swap3A_1397, %swap3A_1398], %swap3A_1401 {strides = array<i32>} : memref<8x1000xf32, #tpu.memory_space<vmem>>, vector<1x16xf32>,
        %get3A_1402 = arith.index_cast %scan3A_451 : i32 to index
        %get3A_1403 = arith.index_cast %squeeze3A_459 : i32 to index
        %get3A_1404 = arith.constant 720 : index
        %get3A_1405 = tpu.vector_load %arg8[%get3A_1402, %get3A_1403, %get3A_1404] {strides = array<i32>} : memref<4x8x1000xf32, #tpu.memory_space<vmem>>, vector<1x1x16xf32>,
        %get3A_1406 = vector.shape_cast %get3A_1405 : vector<1x1x16xf32> to vector<16xf32>
        %mul3A_1407 = arith.constant 5.000000e+01 : f32
        %mul3A_1408 = vector.broadcast %mul3A_1407 : f32 to vector<16xf32>
        %mul3A_1409 = arith.mulf %get3A_1406, %mul3A_1408 : vector<16xf32>
        %jit3A_1410 = arith.constant -2.000000e+03 : f32
        %jit3A_1411 = arith.constant 2.000000e+03 : f32
        %max3A_1412 = vector.broadcast %jit3A_1410 : f32 to vector<16xf32>
        %max3A_1413 = arith.maximumf %max3A_1412, %mul3A_1409 : vector<16xf32>
        %min3A_1414 = vector.broadcast %jit3A_1411 : f32 to vector<16xf32>
        %min3A_1415 = arith.minimumf %min3A_1414, %max3A_1413 : vector<16xf32>
        %add3A_1416 = arith.constant 0 : i32
        %add3A_1417 = arith.addi %add3A_1416, %scan3A_451 : i32
        %swap3A_1418 = arith.index_cast %add3A_1417 : i32 to index
        %swap3A_1419 = arith.constant 720 : index
        %swap3A_1420 = tpu.vector_load %arg10[%swap3A_1418, %swap3A_1419] {strides = array<i32>} : memref<8x1000xf32, #tpu.memory_space<vmem>>, vector<1x16xf32>,
        %swap3A_1421 = vector.shape_cast %swap3A_1420 : vector<1x16xf32> to vector<16xf32>
        %swap3A_1422 = vector.shape_cast %min3A_1415 : vector<16xf32> to vector<1x16xf32>
        tpu.vector_store %arg10[%swap3A_1418, %swap3A_1419], %swap3A_1422 {strides = array<i32>} : memref<8x1000xf32, #tpu.memory_space<vmem>>, vector<1x16xf32>,
        %get3A_1423 = arith.index_cast %scan3A_451 : i32 to index
        %get3A_1424 = arith.index_cast %squeeze3A_459 : i32 to index
        %get3A_1425 = arith.constant 736 : index
        %get3A_1426 = tpu.vector_load %arg8[%get3A_1423, %get3A_1424, %get3A_1425] {strides = array<i32>} : memref<4x8x1000xf32, #tpu.memory_space<vmem>>, vector<1x1x16xf32>,
        %get3A_1427 = vector.shape_cast %get3A_1426 : vector<1x1x16xf32> to vector<16xf32>
        %mul3A_1428 = arith.constant 5.000000e+01 : f32
        %mul3A_1429 = vector.broadcast %mul3A_1428 : f32 to vector<16xf32>
        %mul3A_1430 = arith.mulf %get3A_1427, %mul3A_1429 : vector<16xf32>
        %jit3A_1431 = arith.constant -2.000000e+03 : f32
        %jit3A_1432 = arith.constant 2.000000e+03 : f32
        %max3A_1433 = vector.broadcast %jit3A_1431 : f32 to vector<16xf32>
        %max3A_1434 = arith.maximumf %max3A_1433, %mul3A_1430 : vector<16xf32>
        %min3A_1435 = vector.broadcast %jit3A_1432 : f32 to vector<16xf32>
        %min3A_1436 = arith.minimumf %min3A_1435, %max3A_1434 : vector<16xf32>
        %add3A_1437 = arith.constant 0 : i32
        %add3A_1438 = arith.addi %add3A_1437, %scan3A_451 : i32
        %swap3A_1439 = arith.index_cast %add3A_1438 : i32 to index
        %swap3A_1440 = arith.constant 736 : index
        %swap3A_1441 = tpu.vector_load %arg10[%swap3A_1439, %swap3A_1440] {strides = array<i32>} : memref<8x1000xf32, #tpu.memory_space<vmem>>, vector<1x16xf32>,
        %swap3A_1442 = vector.shape_cast %swap3A_1441 : vector<1x16xf32> to vector<16xf32>
        %swap3A_1443 = vector.shape_cast %min3A_1436 : vector<16xf32> to vector<1x16xf32>
        tpu.vector_store %arg10[%swap3A_1439, %swap3A_1440], %swap3A_1443 {strides = array<i32>} : memref<8x1000xf32, #tpu.memory_space<vmem>>, vector<1x16xf32>,
        %get3A_1444 = arith.index_cast %scan3A_451 : i32 to index
        %get3A_1445 = arith.index_cast %squeeze3A_459 : i32 to index
        %get3A_1446 = arith.constant 752 : index
        %get3A_1447 = tpu.vector_load %arg8[%get3A_1444, %get3A_1445, %get3A_1446] {strides = array<i32>} : memref<4x8x1000xf32, #tpu.memory_space<vmem>>, vector<1x1x16xf32>,
        %get3A_1448 = vector.shape_cast %get3A_1447 : vector<1x1x16xf32> to vector<16xf32>
        %mul3A_1449 = arith.constant 5.000000e+01 : f32
        %mul3A_1450 = vector.broadcast %mul3A_1449 : f32 to vector<16xf32>
        %mul3A_1451 = arith.mulf %get3A_1448, %mul3A_1450 : vector<16xf32>
        %jit3A_1452 = arith.constant -2.000000e+03 : f32
        %jit3A_1453 = arith.constant 2.000000e+03 : f32
        %max3A_1454 = vector.broadcast %jit3A_1452 : f32 to vector<16xf32>
        %max3A_1455 = arith.maximumf %max3A_1454, %mul3A_1451 : vector<16xf32>
        %min3A_1456 = vector.broadcast %jit3A_1453 : f32 to vector<16xf32>
        %min3A_1457 = arith.minimumf %min3A_1456, %max3A_1455 : vector<16xf32>
        %add3A_1458 = arith.constant 0 : i32
        %add3A_1459 = arith.addi %add3A_1458, %scan3A_451 : i32
        %swap3A_1460 = arith.index_cast %add3A_1459 : i32 to index
        %swap3A_1461 = arith.constant 752 : index
        %swap3A_1462 = tpu.vector_load %arg10[%swap3A_1460, %swap3A_1461] {strides = array<i32>} : memref<8x1000xf32, #tpu.memory_space<vmem>>, vector<1x16xf32>,
        %swap3A_1463 = vector.shape_cast %swap3A_1462 : vector<1x16xf32> to vector<16xf32>
        %swap3A_1464 = vector.shape_cast %min3A_1457 : vector<16xf32> to vector<1x16xf32>
        tpu.vector_store %arg10[%swap3A_1460, %swap3A_1461], %swap3A_1464 {strides = array<i32>} : memref<8x1000xf32, #tpu.memory_space<vmem>>, vector<1x16xf32>,
        %get3A_1465 = arith.index_cast %scan3A_451 : i32 to index
        %get3A_1466 = arith.index_cast %squeeze3A_459 : i32 to index
        %get3A_1467 = arith.constant 768 : index
        %get3A_1468 = tpu.vector_load %arg8[%get3A_1465, %get3A_1466, %get3A_1467] {strides = array<i32>} : memref<4x8x1000xf32, #tpu.memory_space<vmem>>, vector<1x1x16xf32>,
        %get3A_1469 = vector.shape_cast %get3A_1468 : vector<1x1x16xf32> to vector<16xf32>
        %mul3A_1470 = arith.constant 5.000000e+01 : f32
        %mul3A_1471 = vector.broadcast %mul3A_1470 : f32 to vector<16xf32>
        %mul3A_1472 = arith.mulf %get3A_1469, %mul3A_1471 : vector<16xf32>
        %jit3A_1473 = arith.constant -2.000000e+03 : f32
        %jit3A_1474 = arith.constant 2.000000e+03 : f32
        %max3A_1475 = vector.broadcast %jit3A_1473 : f32 to vector<16xf32>
        %max3A_1476 = arith.maximumf %max3A_1475, %mul3A_1472 : vector<16xf32>
        %min3A_1477 = vector.broadcast %jit3A_1474 : f32 to vector<16xf32>
        %min3A_1478 = arith.minimumf %min3A_1477, %max3A_1476 : vector<16xf32>
        %add3A_1479 = arith.constant 0 : i32
        %add3A_1480 = arith.addi %add3A_1479, %scan3A_451 : i32
        %swap3A_1481 = arith.index_cast %add3A_1480 : i32 to index
        %swap3A_1482 = arith.constant 768 : index
        %swap3A_1483 = tpu.vector_load %arg10[%swap3A_1481, %swap3A_1482] {strides = array<i32>} : memref<8x1000xf32, #tpu.memory_space<vmem>>, vector<1x16xf32>,
        %swap3A_1484 = vector.shape_cast %swap3A_1483 : vector<1x16xf32> to vector<16xf32>
        %swap3A_1485 = vector.shape_cast %min3A_1478 : vector<16xf32> to vector<1x16xf32>
        tpu.vector_store %arg10[%swap3A_1481, %swap3A_1482], %swap3A_1485 {strides = array<i32>} : memref<8x1000xf32, #tpu.memory_space<vmem>>, vector<1x16xf32>,
        %get3A_1486 = arith.index_cast %scan3A_451 : i32 to index
        %get3A_1487 = arith.index_cast %squeeze3A_459 : i32 to index
        %get3A_1488 = arith.constant 784 : index
        %get3A_1489 = tpu.vector_load %arg8[%get3A_1486, %get3A_1487, %get3A_1488] {strides = array<i32>} : memref<4x8x1000xf32, #tpu.memory_space<vmem>>, vector<1x1x16xf32>,
        %get3A_1490 = vector.shape_cast %get3A_1489 : vector<1x1x16xf32> to vector<16xf32>
        %mul3A_1491 = arith.constant 5.000000e+01 : f32
        %mul3A_1492 = vector.broadcast %mul3A_1491 : f32 to vector<16xf32>
        %mul3A_1493 = arith.mulf %get3A_1490, %mul3A_1492 : vector<16xf32>
        %jit3A_1494 = arith.constant -2.000000e+03 : f32
        %jit3A_1495 = arith.constant 2.000000e+03 : f32
        %max3A_1496 = vector.broadcast %jit3A_1494 : f32 to vector<16xf32>
        %max3A_1497 = arith.maximumf %max3A_1496, %mul3A_1493 : vector<16xf32>
        %min3A_1498 = vector.broadcast %jit3A_1495 : f32 to vector<16xf32>
        %min3A_1499 = arith.minimumf %min3A_1498, %max3A_1497 : vector<16xf32>
        %add3A_1500 = arith.constant 0 : i32
        %add3A_1501 = arith.addi %add3A_1500, %scan3A_451 : i32
        %swap3A_1502 = arith.index_cast %add3A_1501 : i32 to index
        %swap3A_1503 = arith.constant 784 : index
        %swap3A_1504 = tpu.vector_load %arg10[%swap3A_1502, %swap3A_1503] {strides = array<i32>} : memref<8x1000xf32, #tpu.memory_space<vmem>>, vector<1x16xf32>,
        %swap3A_1505 = vector.shape_cast %swap3A_1504 : vector<1x16xf32> to vector<16xf32>
        %swap3A_1506 = vector.shape_cast %min3A_1499 : vector<16xf32> to vector<1x16xf32>
        tpu.vector_store %arg10[%swap3A_1502, %swap3A_1503], %swap3A_1506 {strides = array<i32>} : memref<8x1000xf32, #tpu.memory_space<vmem>>, vector<1x16xf32>,
        %get3A_1507 = arith.index_cast %scan3A_451 : i32 to index
        %get3A_1508 = arith.index_cast %squeeze3A_459 : i32 to index
        %get3A_1509 = arith.constant 800 : index
        %get3A_1510 = tpu.vector_load %arg8[%get3A_1507, %get3A_1508, %get3A_1509] {strides = array<i32>} : memref<4x8x1000xf32, #tpu.memory_space<vmem>>, vector<1x1x16xf32>,
        %get3A_1511 = vector.shape_cast %get3A_1510 : vector<1x1x16xf32> to vector<16xf32>
        %mul3A_1512 = arith.constant 5.000000e+01 : f32
        %mul3A_1513 = vector.broadcast %mul3A_1512 : f32 to vector<16xf32>
        %mul3A_1514 = arith.mulf %get3A_1511, %mul3A_1513 : vector<16xf32>
        %jit3A_1515 = arith.constant -2.000000e+03 : f32
        %jit3A_1516 = arith.constant 2.000000e+03 : f32
        %max3A_1517 = vector.broadcast %jit3A_1515 : f32 to vector<16xf32>
        %max3A_1518 = arith.maximumf %max3A_1517, %mul3A_1514 : vector<16xf32>
        %min3A_1519 = vector.broadcast %jit3A_1516 : f32 to vector<16xf32>
        %min3A_1520 = arith.minimumf %min3A_1519, %max3A_1518 : vector<16xf32>
        %add3A_1521 = arith.constant 0 : i32
        %add3A_1522 = arith.addi %add3A_1521, %scan3A_451 : i32
        %swap3A_1523 = arith.index_cast %add3A_1522 : i32 to index
        %swap3A_1524 = arith.constant 800 : index
        %swap3A_1525 = tpu.vector_load %arg10[%swap3A_1523, %swap3A_1524] {strides = array<i32>} : memref<8x1000xf32, #tpu.memory_space<vmem>>, vector<1x16xf32>,
        %swap3A_1526 = vector.shape_cast %swap3A_1525 : vector<1x16xf32> to vector<16xf32>
        %swap3A_1527 = vector.shape_cast %min3A_1520 : vector<16xf32> to vector<1x16xf32>
        tpu.vector_store %arg10[%swap3A_1523, %swap3A_1524], %swap3A_1527 {strides = array<i32>} : memref<8x1000xf32, #tpu.memory_space<vmem>>, vector<1x16xf32>,
        %get3A_1528 = arith.index_cast %scan3A_451 : i32 to index
        %get3A_1529 = arith.index_cast %squeeze3A_459 : i32 to index
        %get3A_1530 = arith.constant 816 : index
        %get3A_1531 = tpu.vector_load %arg8[%get3A_1528, %get3A_1529, %get3A_1530] {strides = array<i32>} : memref<4x8x1000xf32, #tpu.memory_space<vmem>>, vector<1x1x16xf32>,
        %get3A_1532 = vector.shape_cast %get3A_1531 : vector<1x1x16xf32> to vector<16xf32>
        %mul3A_1533 = arith.constant 5.000000e+01 : f32
        %mul3A_1534 = vector.broadcast %mul3A_1533 : f32 to vector<16xf32>
        %mul3A_1535 = arith.mulf %get3A_1532, %mul3A_1534 : vector<16xf32>
        %jit3A_1536 = arith.constant -2.000000e+03 : f32
        %jit3A_1537 = arith.constant 2.000000e+03 : f32
        %max3A_1538 = vector.broadcast %jit3A_1536 : f32 to vector<16xf32>
        %max3A_1539 = arith.maximumf %max3A_1538, %mul3A_1535 : vector<16xf32>
        %min3A_1540 = vector.broadcast %jit3A_1537 : f32 to vector<16xf32>
        %min3A_1541 = arith.minimumf %min3A_1540, %max3A_1539 : vector<16xf32>
        %add3A_1542 = arith.constant 0 : i32
        %add3A_1543 = arith.addi %add3A_1542, %scan3A_451 : i32
        %swap3A_1544 = arith.index_cast %add3A_1543 : i32 to index
        %swap3A_1545 = arith.constant 816 : index
        %swap3A_1546 = tpu.vector_load %arg10[%swap3A_1544, %swap3A_1545] {strides = array<i32>} : memref<8x1000xf32, #tpu.memory_space<vmem>>, vector<1x16xf32>,
        %swap3A_1547 = vector.shape_cast %swap3A_1546 : vector<1x16xf32> to vector<16xf32>
        %swap3A_1548 = vector.shape_cast %min3A_1541 : vector<16xf32> to vector<1x16xf32>
        tpu.vector_store %arg10[%swap3A_1544, %swap3A_1545], %swap3A_1548 {strides = array<i32>} : memref<8x1000xf32, #tpu.memory_space<vmem>>, vector<1x16xf32>,
        %get3A_1549 = arith.index_cast %scan3A_451 : i32 to index
        %get3A_1550 = arith.index_cast %squeeze3A_459 : i32 to index
        %get3A_1551 = arith.constant 832 : index
        %get3A_1552 = tpu.vector_load %arg8[%get3A_1549, %get3A_1550, %get3A_1551] {strides = array<i32>} : memref<4x8x1000xf32, #tpu.memory_space<vmem>>, vector<1x1x16xf32>,
        %get3A_1553 = vector.shape_cast %get3A_1552 : vector<1x1x16xf32> to vector<16xf32>
        %mul3A_1554 = arith.constant 5.000000e+01 : f32
        %mul3A_1555 = vector.broadcast %mul3A_1554 : f32 to vector<16xf32>
        %mul3A_1556 = arith.mulf %get3A_1553, %mul3A_1555 : vector<16xf32>
        %jit3A_1557 = arith.constant -2.000000e+03 : f32
        %jit3A_1558 = arith.constant 2.000000e+03 : f32
        %max3A_1559 = vector.broadcast %jit3A_1557 : f32 to vector<16xf32>
        %max3A_1560 = arith.maximumf %max3A_1559, %mul3A_1556 : vector<16xf32>
        %min3A_1561 = vector.broadcast %jit3A_1558 : f32 to vector<16xf32>
        %min3A_1562 = arith.minimumf %min3A_1561, %max3A_1560 : vector<16xf32>
        %add3A_1563 = arith.constant 0 : i32
        %add3A_1564 = arith.addi %add3A_1563, %scan3A_451 : i32
        %swap3A_1565 = arith.index_cast %add3A_1564 : i32 to index
        %swap3A_1566 = arith.constant 832 : index
        %swap3A_1567 = tpu.vector_load %arg10[%swap3A_1565, %swap3A_1566] {strides = array<i32>} : memref<8x1000xf32, #tpu.memory_space<vmem>>, vector<1x16xf32>,
        %swap3A_1568 = vector.shape_cast %swap3A_1567 : vector<1x16xf32> to vector<16xf32>
        %swap3A_1569 = vector.shape_cast %min3A_1562 : vector<16xf32> to vector<1x16xf32>
        tpu.vector_store %arg10[%swap3A_1565, %swap3A_1566], %swap3A_1569 {strides = array<i32>} : memref<8x1000xf32, #tpu.memory_space<vmem>>, vector<1x16xf32>,
        %get3A_1570 = arith.index_cast %scan3A_451 : i32 to index
        %get3A_1571 = arith.index_cast %squeeze3A_459 : i32 to index
        %get3A_1572 = arith.constant 848 : index
        %get3A_1573 = tpu.vector_load %arg8[%get3A_1570, %get3A_1571, %get3A_1572] {strides = array<i32>} : memref<4x8x1000xf32, #tpu.memory_space<vmem>>, vector<1x1x16xf32>,
        %get3A_1574 = vector.shape_cast %get3A_1573 : vector<1x1x16xf32> to vector<16xf32>
        %mul3A_1575 = arith.constant 5.000000e+01 : f32
        %mul3A_1576 = vector.broadcast %mul3A_1575 : f32 to vector<16xf32>
        %mul3A_1577 = arith.mulf %get3A_1574, %mul3A_1576 : vector<16xf32>
        %jit3A_1578 = arith.constant -2.000000e+03 : f32
        %jit3A_1579 = arith.constant 2.000000e+03 : f32
        %max3A_1580 = vector.broadcast %jit3A_1578 : f32 to vector<16xf32>
        %max3A_1581 = arith.maximumf %max3A_1580, %mul3A_1577 : vector<16xf32>
        %min3A_1582 = vector.broadcast %jit3A_1579 : f32 to vector<16xf32>
        %min3A_1583 = arith.minimumf %min3A_1582, %max3A_1581 : vector<16xf32>
        %add3A_1584 = arith.constant 0 : i32
        %add3A_1585 = arith.addi %add3A_1584, %scan3A_451 : i32
        %swap3A_1586 = arith.index_cast %add3A_1585 : i32 to index
        %swap3A_1587 = arith.constant 848 : index
        %swap3A_1588 = tpu.vector_load %arg10[%swap3A_1586, %swap3A_1587] {strides = array<i32>} : memref<8x1000xf32, #tpu.memory_space<vmem>>, vector<1x16xf32>,
        %swap3A_1589 = vector.shape_cast %swap3A_1588 : vector<1x16xf32> to vector<16xf32>
        %swap3A_1590 = vector.shape_cast %min3A_1583 : vector<16xf32> to vector<1x16xf32>
        tpu.vector_store %arg10[%swap3A_1586, %swap3A_1587], %swap3A_1590 {strides = array<i32>} : memref<8x1000xf32, #tpu.memory_space<vmem>>, vector<1x16xf32>,
        %get3A_1591 = arith.index_cast %scan3A_451 : i32 to index
        %get3A_1592 = arith.index_cast %squeeze3A_459 : i32 to index
        %get3A_1593 = arith.constant 864 : index
        %get3A_1594 = tpu.vector_load %arg8[%get3A_1591, %get3A_1592, %get3A_1593] {strides = array<i32>} : memref<4x8x1000xf32, #tpu.memory_space<vmem>>, vector<1x1x16xf32>,
        %get3A_1595 = vector.shape_cast %get3A_1594 : vector<1x1x16xf32> to vector<16xf32>
        %mul3A_1596 = arith.constant 5.000000e+01 : f32
        %mul3A_1597 = vector.broadcast %mul3A_1596 : f32 to vector<16xf32>
        %mul3A_1598 = arith.mulf %get3A_1595, %mul3A_1597 : vector<16xf32>
        %jit3A_1599 = arith.constant -2.000000e+03 : f32
        %jit3A_1600 = arith.constant 2.000000e+03 : f32
        %max3A_1601 = vector.broadcast %jit3A_1599 : f32 to vector<16xf32>
        %max3A_1602 = arith.maximumf %max3A_1601, %mul3A_1598 : vector<16xf32>
        %min3A_1603 = vector.broadcast %jit3A_1600 : f32 to vector<16xf32>
        %min3A_1604 = arith.minimumf %min3A_1603, %max3A_1602 : vector<16xf32>
        %add3A_1605 = arith.constant 0 : i32
        %add3A_1606 = arith.addi %add3A_1605, %scan3A_451 : i32
        %swap3A_1607 = arith.index_cast %add3A_1606 : i32 to index
        %swap3A_1608 = arith.constant 864 : index
        %swap3A_1609 = tpu.vector_load %arg10[%swap3A_1607, %swap3A_1608] {strides = array<i32>} : memref<8x1000xf32, #tpu.memory_space<vmem>>, vector<1x16xf32>,
        %swap3A_1610 = vector.shape_cast %swap3A_1609 : vector<1x16xf32> to vector<16xf32>
        %swap3A_1611 = vector.shape_cast %min3A_1604 : vector<16xf32> to vector<1x16xf32>
        tpu.vector_store %arg10[%swap3A_1607, %swap3A_1608], %swap3A_1611 {strides = array<i32>} : memref<8x1000xf32, #tpu.memory_space<vmem>>, vector<1x16xf32>,
        %get3A_1612 = arith.index_cast %scan3A_451 : i32 to index
        %get3A_1613 = arith.index_cast %squeeze3A_459 : i32 to index
        %get3A_1614 = arith.constant 880 : index
        %get3A_1615 = tpu.vector_load %arg8[%get3A_1612, %get3A_1613, %get3A_1614] {strides = array<i32>} : memref<4x8x1000xf32, #tpu.memory_space<vmem>>, vector<1x1x16xf32>,
        %get3A_1616 = vector.shape_cast %get3A_1615 : vector<1x1x16xf32> to vector<16xf32>
        %mul3A_1617 = arith.constant 5.000000e+01 : f32
        %mul3A_1618 = vector.broadcast %mul3A_1617 : f32 to vector<16xf32>
        %mul3A_1619 = arith.mulf %get3A_1616, %mul3A_1618 : vector<16xf32>
        %jit3A_1620 = arith.constant -2.000000e+03 : f32
        %jit3A_1621 = arith.constant 2.000000e+03 : f32
        %max3A_1622 = vector.broadcast %jit3A_1620 : f32 to vector<16xf32>
        %max3A_1623 = arith.maximumf %max3A_1622, %mul3A_1619 : vector<16xf32>
        %min3A_1624 = vector.broadcast %jit3A_1621 : f32 to vector<16xf32>
        %min3A_1625 = arith.minimumf %min3A_1624, %max3A_1623 : vector<16xf32>
        %add3A_1626 = arith.constant 0 : i32
        %add3A_1627 = arith.addi %add3A_1626, %scan3A_451 : i32
        %swap3A_1628 = arith.index_cast %add3A_1627 : i32 to index
        %swap3A_1629 = arith.constant 880 : index
        %swap3A_1630 = tpu.vector_load %arg10[%swap3A_1628, %swap3A_1629] {strides = array<i32>} : memref<8x1000xf32, #tpu.memory_space<vmem>>, vector<1x16xf32>,
        %swap3A_1631 = vector.shape_cast %swap3A_1630 : vector<1x16xf32> to vector<16xf32>
        %swap3A_1632 = vector.shape_cast %min3A_1625 : vector<16xf32> to vector<1x16xf32>
        tpu.vector_store %arg10[%swap3A_1628, %swap3A_1629], %swap3A_1632 {strides = array<i32>} : memref<8x1000xf32, #tpu.memory_space<vmem>>, vector<1x16xf32>,
        %get3A_1633 = arith.index_cast %scan3A_451 : i32 to index
        %get3A_1634 = arith.index_cast %squeeze3A_459 : i32 to index
        %get3A_1635 = arith.constant 896 : index
        %get3A_1636 = tpu.vector_load %arg8[%get3A_1633, %get3A_1634, %get3A_1635] {strides = array<i32>} : memref<4x8x1000xf32, #tpu.memory_space<vmem>>, vector<1x1x16xf32>,
        %get3A_1637 = vector.shape_cast %get3A_1636 : vector<1x1x16xf32> to vector<16xf32>
        %mul3A_1638 = arith.constant 5.000000e+01 : f32
        %mul3A_1639 = vector.broadcast %mul3A_1638 : f32 to vector<16xf32>
        %mul3A_1640 = arith.mulf %get3A_1637, %mul3A_1639 : vector<16xf32>
        %jit3A_1641 = arith.constant -2.000000e+03 : f32
        %jit3A_1642 = arith.constant 2.000000e+03 : f32
        %max3A_1643 = vector.broadcast %jit3A_1641 : f32 to vector<16xf32>
        %max3A_1644 = arith.maximumf %max3A_1643, %mul3A_1640 : vector<16xf32>
        %min3A_1645 = vector.broadcast %jit3A_1642 : f32 to vector<16xf32>
        %min3A_1646 = arith.minimumf %min3A_1645, %max3A_1644 : vector<16xf32>
        %add3A_1647 = arith.constant 0 : i32
        %add3A_1648 = arith.addi %add3A_1647, %scan3A_451 : i32
        %swap3A_1649 = arith.index_cast %add3A_1648 : i32 to index
        %swap3A_1650 = arith.constant 896 : index
        %swap3A_1651 = tpu.vector_load %arg10[%swap3A_1649, %swap3A_1650] {strides = array<i32>} : memref<8x1000xf32, #tpu.memory_space<vmem>>, vector<1x16xf32>,
        %swap3A_1652 = vector.shape_cast %swap3A_1651 : vector<1x16xf32> to vector<16xf32>
        %swap3A_1653 = vector.shape_cast %min3A_1646 : vector<16xf32> to vector<1x16xf32>
        tpu.vector_store %arg10[%swap3A_1649, %swap3A_1650], %swap3A_1653 {strides = array<i32>} : memref<8x1000xf32, #tpu.memory_space<vmem>>, vector<1x16xf32>,
        %get3A_1654 = arith.index_cast %scan3A_451 : i32 to index
        %get3A_1655 = arith.index_cast %squeeze3A_459 : i32 to index
        %get3A_1656 = arith.constant 912 : index
        %get3A_1657 = tpu.vector_load %arg8[%get3A_1654, %get3A_1655, %get3A_1656] {strides = array<i32>} : memref<4x8x1000xf32, #tpu.memory_space<vmem>>, vector<1x1x16xf32>,
        %get3A_1658 = vector.shape_cast %get3A_1657 : vector<1x1x16xf32> to vector<16xf32>
        %mul3A_1659 = arith.constant 5.000000e+01 : f32
        %mul3A_1660 = vector.broadcast %mul3A_1659 : f32 to vector<16xf32>
        %mul3A_1661 = arith.mulf %get3A_1658, %mul3A_1660 : vector<16xf32>
        %jit3A_1662 = arith.constant -2.000000e+03 : f32
        %jit3A_1663 = arith.constant 2.000000e+03 : f32
        %max3A_1664 = vector.broadcast %jit3A_1662 : f32 to vector<16xf32>
        %max3A_1665 = arith.maximumf %max3A_1664, %mul3A_1661 : vector<16xf32>
        %min3A_1666 = vector.broadcast %jit3A_1663 : f32 to vector<16xf32>
        %min3A_1667 = arith.minimumf %min3A_1666, %max3A_1665 : vector<16xf32>
        %add3A_1668 = arith.constant 0 : i32
        %add3A_1669 = arith.addi %add3A_1668, %scan3A_451 : i32
        %swap3A_1670 = arith.index_cast %add3A_1669 : i32 to index
        %swap3A_1671 = arith.constant 912 : index
        %swap3A_1672 = tpu.vector_load %arg10[%swap3A_1670, %swap3A_1671] {strides = array<i32>} : memref<8x1000xf32, #tpu.memory_space<vmem>>, vector<1x16xf32>,
        %swap3A_1673 = vector.shape_cast %swap3A_1672 : vector<1x16xf32> to vector<16xf32>
        %swap3A_1674 = vector.shape_cast %min3A_1667 : vector<16xf32> to vector<1x16xf32>
        tpu.vector_store %arg10[%swap3A_1670, %swap3A_1671], %swap3A_1674 {strides = array<i32>} : memref<8x1000xf32, #tpu.memory_space<vmem>>, vector<1x16xf32>,
        %get3A_1675 = arith.index_cast %scan3A_451 : i32 to index
        %get3A_1676 = arith.index_cast %squeeze3A_459 : i32 to index
        %get3A_1677 = arith.constant 928 : index
        %get3A_1678 = tpu.vector_load %arg8[%get3A_1675, %get3A_1676, %get3A_1677] {strides = array<i32>} : memref<4x8x1000xf32, #tpu.memory_space<vmem>>, vector<1x1x16xf32>,
        %get3A_1679 = vector.shape_cast %get3A_1678 : vector<1x1x16xf32> to vector<16xf32>
        %mul3A_1680 = arith.constant 5.000000e+01 : f32
        %mul3A_1681 = vector.broadcast %mul3A_1680 : f32 to vector<16xf32>
        %mul3A_1682 = arith.mulf %get3A_1679, %mul3A_1681 : vector<16xf32>
        %jit3A_1683 = arith.constant -2.000000e+03 : f32
        %jit3A_1684 = arith.constant 2.000000e+03 : f32
        %max3A_1685 = vector.broadcast %jit3A_1683 : f32 to vector<16xf32>
        %max3A_1686 = arith.maximumf %max3A_1685, %mul3A_1682 : vector<16xf32>
        %min3A_1687 = vector.broadcast %jit3A_1684 : f32 to vector<16xf32>
        %min3A_1688 = arith.minimumf %min3A_1687, %max3A_1686 : vector<16xf32>
        %add3A_1689 = arith.constant 0 : i32
        %add3A_1690 = arith.addi %add3A_1689, %scan3A_451 : i32
        %swap3A_1691 = arith.index_cast %add3A_1690 : i32 to index
        %swap3A_1692 = arith.constant 928 : index
        %swap3A_1693 = tpu.vector_load %arg10[%swap3A_1691, %swap3A_1692] {strides = array<i32>} : memref<8x1000xf32, #tpu.memory_space<vmem>>, vector<1x16xf32>,
        %swap3A_1694 = vector.shape_cast %swap3A_1693 : vector<1x16xf32> to vector<16xf32>
        %swap3A_1695 = vector.shape_cast %min3A_1688 : vector<16xf32> to vector<1x16xf32>
        tpu.vector_store %arg10[%swap3A_1691, %swap3A_1692], %swap3A_1695 {strides = array<i32>} : memref<8x1000xf32, #tpu.memory_space<vmem>>, vector<1x16xf32>,
        %get3A_1696 = arith.index_cast %scan3A_451 : i32 to index
        %get3A_1697 = arith.index_cast %squeeze3A_459 : i32 to index
        %get3A_1698 = arith.constant 944 : index
        %get3A_1699 = tpu.vector_load %arg8[%get3A_1696, %get3A_1697, %get3A_1698] {strides = array<i32>} : memref<4x8x1000xf32, #tpu.memory_space<vmem>>, vector<1x1x16xf32>,
        %get3A_1700 = vector.shape_cast %get3A_1699 : vector<1x1x16xf32> to vector<16xf32>
        %mul3A_1701 = arith.constant 5.000000e+01 : f32
        %mul3A_1702 = vector.broadcast %mul3A_1701 : f32 to vector<16xf32>
        %mul3A_1703 = arith.mulf %get3A_1700, %mul3A_1702 : vector<16xf32>
        %jit3A_1704 = arith.constant -2.000000e+03 : f32
        %jit3A_1705 = arith.constant 2.000000e+03 : f32
        %max3A_1706 = vector.broadcast %jit3A_1704 : f32 to vector<16xf32>
        %max3A_1707 = arith.maximumf %max3A_1706, %mul3A_1703 : vector<16xf32>
        %min3A_1708 = vector.broadcast %jit3A_1705 : f32 to vector<16xf32>
        %min3A_1709 = arith.minimumf %min3A_1708, %max3A_1707 : vector<16xf32>
        %add3A_1710 = arith.constant 0 : i32
        %add3A_1711 = arith.addi %add3A_1710, %scan3A_451 : i32
        %swap3A_1712 = arith.index_cast %add3A_1711 : i32 to index
        %swap3A_1713 = arith.constant 944 : index
        %swap3A_1714 = tpu.vector_load %arg10[%swap3A_1712, %swap3A_1713] {strides = array<i32>} : memref<8x1000xf32, #tpu.memory_space<vmem>>, vector<1x16xf32>,
        %swap3A_1715 = vector.shape_cast %swap3A_1714 : vector<1x16xf32> to vector<16xf32>
        %swap3A_1716 = vector.shape_cast %min3A_1709 : vector<16xf32> to vector<1x16xf32>
        tpu.vector_store %arg10[%swap3A_1712, %swap3A_1713], %swap3A_1716 {strides = array<i32>} : memref<8x1000xf32, #tpu.memory_space<vmem>>, vector<1x16xf32>,
        %get3A_1717 = arith.index_cast %scan3A_451 : i32 to index
        %get3A_1718 = arith.index_cast %squeeze3A_459 : i32 to index
        %get3A_1719 = arith.constant 960 : index
        %get3A_1720 = tpu.vector_load %arg8[%get3A_1717, %get3A_1718, %get3A_1719] {strides = array<i32>} : memref<4x8x1000xf32, #tpu.memory_space<vmem>>, vector<1x1x16xf32>,
        %get3A_1721 = vector.shape_cast %get3A_1720 : vector<1x1x16xf32> to vector<16xf32>
        %mul3A_1722 = arith.constant 5.000000e+01 : f32
        %mul3A_1723 = vector.broadcast %mul3A_1722 : f32 to vector<16xf32>
        %mul3A_1724 = arith.mulf %get3A_1721, %mul3A_1723 : vector<16xf32>
        %jit3A_1725 = arith.constant -2.000000e+03 : f32
        %jit3A_1726 = arith.constant 2.000000e+03 : f32
        %max3A_1727 = vector.broadcast %jit3A_1725 : f32 to vector<16xf32>
        %max3A_1728 = arith.maximumf %max3A_1727, %mul3A_1724 : vector<16xf32>
        %min3A_1729 = vector.broadcast %jit3A_1726 : f32 to vector<16xf32>
        %min3A_1730 = arith.minimumf %min3A_1729, %max3A_1728 : vector<16xf32>
        %add3A_1731 = arith.constant 0 : i32
        %add3A_1732 = arith.addi %add3A_1731, %scan3A_451 : i32
        %swap3A_1733 = arith.index_cast %add3A_1732 : i32 to index
        %swap3A_1734 = arith.constant 960 : index
        %swap3A_1735 = tpu.vector_load %arg10[%swap3A_1733, %swap3A_1734] {strides = array<i32>} : memref<8x1000xf32, #tpu.memory_space<vmem>>, vector<1x16xf32>,
        %swap3A_1736 = vector.shape_cast %swap3A_1735 : vector<1x16xf32> to vector<16xf32>
        %swap3A_1737 = vector.shape_cast %min3A_1730 : vector<16xf32> to vector<1x16xf32>
        tpu.vector_store %arg10[%swap3A_1733, %swap3A_1734], %swap3A_1737 {strides = array<i32>} : memref<8x1000xf32, #tpu.memory_space<vmem>>, vector<1x16xf32>,
        %get3A_1738 = arith.index_cast %scan3A_451 : i32 to index
        %get3A_1739 = arith.index_cast %squeeze3A_459 : i32 to index
        %get3A_1740 = arith.constant 976 : index
        %get3A_1741 = tpu.vector_load %arg8[%get3A_1738, %get3A_1739, %get3A_1740] {strides = array<i32>} : memref<4x8x1000xf32, #tpu.memory_space<vmem>>, vector<1x1x16xf32>,
        %get3A_1742 = vector.shape_cast %get3A_1741 : vector<1x1x16xf32> to vector<16xf32>
        %mul3A_1743 = arith.constant 5.000000e+01 : f32
        %mul3A_1744 = vector.broadcast %mul3A_1743 : f32 to vector<16xf32>
        %mul3A_1745 = arith.mulf %get3A_1742, %mul3A_1744 : vector<16xf32>
        %jit3A_1746 = arith.constant -2.000000e+03 : f32
        %jit3A_1747 = arith.constant 2.000000e+03 : f32
        %max3A_1748 = vector.broadcast %jit3A_1746 : f32 to vector<16xf32>
        %max3A_1749 = arith.maximumf %max3A_1748, %mul3A_1745 : vector<16xf32>
        %min3A_1750 = vector.broadcast %jit3A_1747 : f32 to vector<16xf32>
        %min3A_1751 = arith.minimumf %min3A_1750, %max3A_1749 : vector<16xf32>
        %add3A_1752 = arith.constant 0 : i32
        %add3A_1753 = arith.addi %add3A_1752, %scan3A_451 : i32
        %swap3A_1754 = arith.index_cast %add3A_1753 : i32 to index
        %swap3A_1755 = arith.constant 976 : index
        %swap3A_1756 = tpu.vector_load %arg10[%swap3A_1754, %swap3A_1755] {strides = array<i32>} : memref<8x1000xf32, #tpu.memory_space<vmem>>, vector<1x16xf32>,
        %swap3A_1757 = vector.shape_cast %swap3A_1756 : vector<1x16xf32> to vector<16xf32>
        %swap3A_1758 = vector.shape_cast %min3A_1751 : vector<16xf32> to vector<1x16xf32>
        tpu.vector_store %arg10[%swap3A_1754, %swap3A_1755], %swap3A_1758 {strides = array<i32>} : memref<8x1000xf32, #tpu.memory_space<vmem>>, vector<1x16xf32>,
        %get3A_1759 = arith.index_cast %scan3A_451 : i32 to index
        %get3A_1760 = arith.index_cast %squeeze3A_459 : i32 to index
        %get3A_1761 = arith.constant 984 : index
        %get3A_1762 = tpu.vector_load %arg8[%get3A_1759, %get3A_1760, %get3A_1761] {strides = array<i32>} : memref<4x8x1000xf32, #tpu.memory_space<vmem>>, vector<1x1x16xf32>,
        %get3A_1763 = vector.shape_cast %get3A_1762 : vector<1x1x16xf32> to vector<16xf32>
        %mul3A_1764 = arith.constant 5.000000e+01 : f32
        %mul3A_1765 = vector.broadcast %mul3A_1764 : f32 to vector<16xf32>
        %mul3A_1766 = arith.mulf %get3A_1763, %mul3A_1765 : vector<16xf32>
        %jit3A_1767 = arith.constant -2.000000e+03 : f32
        %jit3A_1768 = arith.constant 2.000000e+03 : f32
        %max3A_1769 = vector.broadcast %jit3A_1767 : f32 to vector<16xf32>
        %max3A_1770 = arith.maximumf %max3A_1769, %mul3A_1766 : vector<16xf32>
        %min3A_1771 = vector.broadcast %jit3A_1768 : f32 to vector<16xf32>
        %min3A_1772 = arith.minimumf %min3A_1771, %max3A_1770 : vector<16xf32>
        %add3A_1773 = arith.constant 0 : i32
        %add3A_1774 = arith.addi %add3A_1773, %scan3A_451 : i32
        %swap3A_1775 = arith.index_cast %add3A_1774 : i32 to index
        %swap3A_1776 = arith.constant 984 : index
        %swap3A_1777 = tpu.vector_load %arg10[%swap3A_1775, %swap3A_1776] {strides = array<i32>} : memref<8x1000xf32, #tpu.memory_space<vmem>>, vector<1x16xf32>,
        %swap3A_1778 = vector.shape_cast %swap3A_1777 : vector<1x16xf32> to vector<16xf32>
        %swap3A_1779 = vector.shape_cast %min3A_1772 : vector<16xf32> to vector<1x16xf32>
        tpu.vector_store %arg10[%swap3A_1775, %swap3A_1776], %swap3A_1779 {strides = array<i32>} : memref<8x1000xf32, #tpu.memory_space<vmem>>, vector<1x16xf32>,
      }
      %scan3A_371 = arith.constant 4 : i32
      %lt3A = arith.constant 15 : i32
      %lt3A_372 = arith.cmpi slt, %scan3A_304, %lt3A : i32
      %convert_element_type3A = arith.extui %lt3A_372 : i1 to i32
      %cond3A = arith.constant 0 : i32
      %cond3A_373 = arith.cmpi ne, %convert_element_type3A, %cond3A : i32
      scf.if %cond3A_373 {
        %add3A_451 = arith.constant 2 : i32
        %add3A_452 = arith.addi %mul3A_306, %add3A_451 : i32
        %mul3A_453 = arith.constant 4 : i32
        %mul3A_454 = arith.muli %add3A_452, %mul3A_453 : i32
        %add3A_455 = arith.constant 0 : i32
        %add3A_456 = arith.addi %mul3A_454, %add3A_455 : i32
        %get3A_457 = arith.index_cast %add3A_456 : i32 to index
        %get3A_458 = tpu.vector_load %arg6[%get3A_457] {strides = array<i32>} : memref<144xi32, #tpu.memory_space<vmem>>, vector<16xi32>,
        %get3A_459 = vector.shape_cast %get3A_458 : vector<16xi32> to vector<16xi32>
        %slice3A_460 = vector.extract_strided_slice %get3A_459 {offsets = [0], sizes = [1], strides = [1]} : vector<16xi32> to vector<1xi32>
        %squeeze3A_461 = vector.extract %slice3A_460[0] : i32 from vector<1xi32>
        %mul3A_462 = arith.constant 8 : i32
        %mul3A_463 = arith.muli %squeeze3A_461, %mul3A_462 : i32
        %multiple_of3A_464 = tpu.assume_multiple %mul3A_463, 8 : i32
        %dma_start3A_465 = arith.constant 0 : i32
        %dma_start3A_466 = arith.constant 0 : i32
        %dma_start3A_467 = arith.constant 0 : i32
        %dma_start3A_468 = tpu.memref_slice %arg8[%dma_start3A_465, %dma_start3A_466, %dma_start3A_467] : memref<4x8x1000xf32, #tpu.memory_space<vmem>> -> memref<1x8x1000xf32, #tpu.memory_space<vmem>>
        %dma_start3A_469 = tpu.memref_squeeze %dma_start3A_468 : memref<1x8x1000xf32, #tpu.memory_space<vmem>> -> memref<8x1000xf32, #tpu.memory_space<vmem>>
        %dma_start3A_470 = arith.constant 0 : i32
        %dma_start3A_471 = tpu.memref_slice %arg3[%multiple_of3A_464, %dma_start3A_470] : memref<100000x1000xf32, #tpu.memory_space<hbm>> -> memref<8x1000xf32, #tpu.memory_space<hbm>>
        %dma_start3A_472 = arith.constant 0 : i32
        %dma_start3A_473 = arith.constant 0 : i32
        %dma_start3A_474 = tpu.memref_slice %arg8[%dma_start3A_465, %dma_start3A_472, %dma_start3A_473] : memref<4x8x1000xf32, #tpu.memory_space<vmem>> -> memref<1x8x1000xf32, #tpu.memory_space<vmem>>
        %dma_start3A_475 = tpu.memref_squeeze %dma_start3A_474 : memref<1x8x1000xf32, #tpu.memory_space<vmem>> -> memref<8x1000xf32, #tpu.memory_space<vmem>>
        %dma_start3A_476 = arith.constant 0 : i32
        %dma_start3A_477 = tpu.memref_slice %arg3[%multiple_of3A_464, %dma_start3A_476] : memref<100000x1000xf32, #tpu.memory_space<hbm>> -> memref<8x1000xf32, #tpu.memory_space<hbm>>
        tpu.enqueue_dma source(%dma_start3A_477 : memref<8x1000xf32, #tpu.memory_space<hbm>>) target(%dma_start3A_475 : memref<8x1000xf32, #tpu.memory_space<vmem>>) target_semaphore(%arg11 : memref<!tpu.dma_semaphore, #tpu.memory_space<semaphore_mem>>)
        %mul3A_478 = arith.constant 4 : i32
        %mul3A_479 = arith.muli %add3A_452, %mul3A_478 : i32
        %add3A_480 = arith.constant 1 : i32
        %add3A_481 = arith.addi %mul3A_479, %add3A_480 : i32
        %get3A_482 = arith.index_cast %add3A_481 : i32 to index
        %get3A_483 = tpu.vector_load %arg6[%get3A_482] {strides = array<i32>} : memref<144xi32, #tpu.memory_space<vmem>>, vector<16xi32>,
        %get3A_484 = vector.shape_cast %get3A_483 : vector<16xi32> to vector<16xi32>
        %slice3A_485 = vector.extract_strided_slice %get3A_484 {offsets = [0], sizes = [1], strides = [1]} : vector<16xi32> to vector<1xi32>
        %squeeze3A_486 = vector.extract %slice3A_485[0] : i32 from vector<1xi32>
        %mul3A_487 = arith.constant 8 : i32
        %mul3A_488 = arith.muli %squeeze3A_486, %mul3A_487 : i32
        %multiple_of3A_489 = tpu.assume_multiple %mul3A_488, 8 : i32
        %dma_start3A_490 = arith.constant 1 : i32
        %dma_start3A_491 = arith.constant 0 : i32
        %dma_start3A_492 = arith.constant 0 : i32
        %dma_start3A_493 = tpu.memref_slice %arg8[%dma_start3A_490, %dma_start3A_491, %dma_start3A_492] : memref<4x8x1000xf32, #tpu.memory_space<vmem>> -> memref<1x8x1000xf32, #tpu.memory_space<vmem>>
        %dma_start3A_494 = tpu.memref_squeeze %dma_start3A_493 : memref<1x8x1000xf32, #tpu.memory_space<vmem>> -> memref<8x1000xf32, #tpu.memory_space<vmem>>
        %dma_start3A_495 = arith.constant 0 : i32
        %dma_start3A_496 = tpu.memref_slice %arg3[%multiple_of3A_489, %dma_start3A_495] : memref<100000x1000xf32, #tpu.memory_space<hbm>> -> memref<8x1000xf32, #tpu.memory_space<hbm>>
        %dma_start3A_497 = arith.constant 0 : i32
        %dma_start3A_498 = arith.constant 0 : i32
        %dma_start3A_499 = tpu.memref_slice %arg8[%dma_start3A_490, %dma_start3A_497, %dma_start3A_498] : memref<4x8x1000xf32, #tpu.memory_space<vmem>> -> memref<1x8x1000xf32, #tpu.memory_space<vmem>>
        %dma_start3A_500 = tpu.memref_squeeze %dma_start3A_499 : memref<1x8x1000xf32, #tpu.memory_space<vmem>> -> memref<8x1000xf32, #tpu.memory_space<vmem>>
        %dma_start3A_501 = arith.constant 0 : i32
        %dma_start3A_502 = tpu.memref_slice %arg3[%multiple_of3A_489, %dma_start3A_501] : memref<100000x1000xf32, #tpu.memory_space<hbm>> -> memref<8x1000xf32, #tpu.memory_space<hbm>>
        tpu.enqueue_dma source(%dma_start3A_502 : memref<8x1000xf32, #tpu.memory_space<hbm>>) target(%dma_start3A_500 : memref<8x1000xf32, #tpu.memory_space<vmem>>) target_semaphore(%arg11 : memref<!tpu.dma_semaphore, #tpu.memory_space<semaphore_mem>>)
        %mul3A_503 = arith.constant 4 : i32
        %mul3A_504 = arith.muli %add3A_452, %mul3A_503 : i32
        %add3A_505 = arith.constant 2 : i32
        %add3A_506 = arith.addi %mul3A_504, %add3A_505 : i32
        %get3A_507 = arith.index_cast %add3A_506 : i32 to index
        %get3A_508 = tpu.vector_load %arg6[%get3A_507] {strides = array<i32>} : memref<144xi32, #tpu.memory_space<vmem>>, vector<16xi32>,
        %get3A_509 = vector.shape_cast %get3A_508 : vector<16xi32> to vector<16xi32>
        %slice3A_510 = vector.extract_strided_slice %get3A_509 {offsets = [0], sizes = [1], strides = [1]} : vector<16xi32> to vector<1xi32>
        %squeeze3A_511 = vector.extract %slice3A_510[0] : i32 from vector<1xi32>
        %mul3A_512 = arith.constant 8 : i32
        %mul3A_513 = arith.muli %squeeze3A_511, %mul3A_512 : i32
        %multiple_of3A_514 = tpu.assume_multiple %mul3A_513, 8 : i32
        %dma_start3A_515 = arith.constant 2 : i32
        %dma_start3A_516 = arith.constant 0 : i32
        %dma_start3A_517 = arith.constant 0 : i32
        %dma_start3A_518 = tpu.memref_slice %arg8[%dma_start3A_515, %dma_start3A_516, %dma_start3A_517] : memref<4x8x1000xf32, #tpu.memory_space<vmem>> -> memref<1x8x1000xf32, #tpu.memory_space<vmem>>
        %dma_start3A_519 = tpu.memref_squeeze %dma_start3A_518 : memref<1x8x1000xf32, #tpu.memory_space<vmem>> -> memref<8x1000xf32, #tpu.memory_space<vmem>>
        %dma_start3A_520 = arith.constant 0 : i32
        %dma_start3A_521 = tpu.memref_slice %arg3[%multiple_of3A_514, %dma_start3A_520] : memref<100000x1000xf32, #tpu.memory_space<hbm>> -> memref<8x1000xf32, #tpu.memory_space<hbm>>
        %dma_start3A_522 = arith.constant 0 : i32
        %dma_start3A_523 = arith.constant 0 : i32
        %dma_start3A_524 = tpu.memref_slice %arg8[%dma_start3A_515, %dma_start3A_522, %dma_start3A_523] : memref<4x8x1000xf32, #tpu.memory_space<vmem>> -> memref<1x8x1000xf32, #tpu.memory_space<vmem>>
        %dma_start3A_525 = tpu.memref_squeeze %dma_start3A_524 : memref<1x8x1000xf32, #tpu.memory_space<vmem>> -> memref<8x1000xf32, #tpu.memory_space<vmem>>
        %dma_start3A_526 = arith.constant 0 : i32
        %dma_start3A_527 = tpu.memref_slice %arg3[%multiple_of3A_514, %dma_start3A_526] : memref<100000x1000xf32, #tpu.memory_space<hbm>> -> memref<8x1000xf32, #tpu.memory_space<hbm>>
        tpu.enqueue_dma source(%dma_start3A_527 : memref<8x1000xf32, #tpu.memory_space<hbm>>) target(%dma_start3A_525 : memref<8x1000xf32, #tpu.memory_space<vmem>>) target_semaphore(%arg11 : memref<!tpu.dma_semaphore, #tpu.memory_space<semaphore_mem>>)
        %mul3A_528 = arith.constant 4 : i32
        %mul3A_529 = arith.muli %add3A_452, %mul3A_528 : i32
        %add3A_530 = arith.constant 3 : i32
        %add3A_531 = arith.addi %mul3A_529, %add3A_530 : i32
        %get3A_532 = arith.index_cast %add3A_531 : i32 to index
        %get3A_533 = tpu.vector_load %arg6[%get3A_532] {strides = array<i32>} : memref<144xi32, #tpu.memory_space<vmem>>, vector<16xi32>,
        %get3A_534 = vector.shape_cast %get3A_533 : vector<16xi32> to vector<16xi32>
        %slice3A_535 = vector.extract_strided_slice %get3A_534 {offsets = [0], sizes = [1], strides = [1]} : vector<16xi32> to vector<1xi32>
        %squeeze3A_536 = vector.extract %slice3A_535[0] : i32 from vector<1xi32>
        %mul3A_537 = arith.constant 8 : i32
        %mul3A_538 = arith.muli %squeeze3A_536, %mul3A_537 : i32
        %multiple_of3A_539 = tpu.assume_multiple %mul3A_538, 8 : i32
        %dma_start3A_540 = arith.constant 3 : i32
        %dma_start3A_541 = arith.constant 0 : i32
        %dma_start3A_542 = arith.constant 0 : i32
        %dma_start3A_543 = tpu.memref_slice %arg8[%dma_start3A_540, %dma_start3A_541, %dma_start3A_542] : memref<4x8x1000xf32, #tpu.memory_space<vmem>> -> memref<1x8x1000xf32, #tpu.memory_space<vmem>>
        %dma_start3A_544 = tpu.memref_squeeze %dma_start3A_543 : memref<1x8x1000xf32, #tpu.memory_space<vmem>> -> memref<8x1000xf32, #tpu.memory_space<vmem>>
        %dma_start3A_545 = arith.constant 0 : i32
        %dma_start3A_546 = tpu.memref_slice %arg3[%multiple_of3A_539, %dma_start3A_545] : memref<100000x1000xf32, #tpu.memory_space<hbm>> -> memref<8x1000xf32, #tpu.memory_space<hbm>>
        %dma_start3A_547 = arith.constant 0 : i32
        %dma_start3A_548 = arith.constant 0 : i32
        %dma_start3A_549 = tpu.memref_slice %arg8[%dma_start3A_540, %dma_start3A_547, %dma_start3A_548] : memref<4x8x1000xf32, #tpu.memory_space<vmem>> -> memref<1x8x1000xf32, #tpu.memory_space<vmem>>
        %dma_start3A_550 = tpu.memref_squeeze %dma_start3A_549 : memref<1x8x1000xf32, #tpu.memory_space<vmem>> -> memref<8x1000xf32, #tpu.memory_space<vmem>>
        %dma_start3A_551 = arith.constant 0 : i32
        %dma_start3A_552 = tpu.memref_slice %arg3[%multiple_of3A_539, %dma_start3A_551] : memref<100000x1000xf32, #tpu.memory_space<hbm>> -> memref<8x1000xf32, #tpu.memory_space<hbm>>
        tpu.enqueue_dma source(%dma_start3A_552 : memref<8x1000xf32, #tpu.memory_space<hbm>>) target(%dma_start3A_550 : memref<8x1000xf32, #tpu.memory_space<vmem>>) target_semaphore(%arg11 : memref<!tpu.dma_semaphore, #tpu.memory_space<semaphore_mem>>)
      } else {
      }
      %dma_wait3A_374 = arith.constant 0 : i32
      %dma_wait3A_375 = arith.constant 0 : i32
      %dma_wait3A_376 = arith.constant 0 : i32
      %dma_wait3A_377 = tpu.memref_slice %arg9[%dma_wait3A_374, %dma_wait3A_375, %dma_wait3A_376] : memref<4x8x1000xf32, #tpu.memory_space<vmem>> -> memref<1x8x1000xf32, #tpu.memory_space<vmem>>
      %dma_wait3A_378 = tpu.memref_squeeze %dma_wait3A_377 : memref<1x8x1000xf32, #tpu.memory_space<vmem>> -> memref<8x1000xf32, #tpu.memory_space<vmem>>
      %dma_wait3A_379 = arith.constant 0 : i32
      %dma_wait3A_380 = arith.constant 0 : i32
      %dma_wait3A_381 = tpu.memref_slice %arg3[%dma_wait3A_379, %dma_wait3A_380] : memref<100000x1000xf32, #tpu.memory_space<hbm>> -> memref<8x1000xf32, #tpu.memory_space<hbm>>
      %dma_wait3A_382 = arith.constant 0 : i32
      %dma_wait3A_383 = arith.constant 0 : i32
      %dma_wait3A_384 = tpu.memref_slice %arg9[%dma_wait3A_374, %dma_wait3A_382, %dma_wait3A_383] : memref<4x8x1000xf32, #tpu.memory_space<vmem>> -> memref<1x8x1000xf32, #tpu.memory_space<vmem>>
      %dma_wait3A_385 = tpu.memref_squeeze %dma_wait3A_384 : memref<1x8x1000xf32, #tpu.memory_space<vmem>> -> memref<8x1000xf32, #tpu.memory_space<vmem>>
      %dma_wait3A_386 = arith.constant 0 : i32
      %dma_wait3A_387 = arith.constant 0 : i32
      %dma_wait3A_388 = tpu.memref_slice %arg3[%dma_wait3A_386, %dma_wait3A_387] : memref<100000x1000xf32, #tpu.memory_space<hbm>> -> memref<8x1000xf32, #tpu.memory_space<hbm>>
      tpu.wait_dma2 semaphore(%arg12 : memref<!tpu.dma_semaphore, #tpu.memory_space<semaphore_mem>>) src(%dma_wait3A_388 : memref<8x1000xf32, #tpu.memory_space<hbm>>) dst(%dma_wait3A_385 : memref<8x1000xf32, #tpu.memory_space<vmem>>)
      %dma_wait3A_389 = arith.constant 1 : i32
      %dma_wait3A_390 = arith.constant 0 : i32
      %dma_wait3A_391 = arith.constant 0 : i32
      %dma_wait3A_392 = tpu.memref_slice %arg9[%dma_wait3A_389, %dma_wait3A_390, %dma_wait3A_391] : memref<4x8x1000xf32, #tpu.memory_space<vmem>> -> memref<1x8x1000xf32, #tpu.memory_space<vmem>>
      %dma_wait3A_393 = tpu.memref_squeeze %dma_wait3A_392 : memref<1x8x1000xf32, #tpu.memory_space<vmem>> -> memref<8x1000xf32, #tpu.memory_space<vmem>>
      %dma_wait3A_394 = arith.constant 0 : i32
      %dma_wait3A_395 = arith.constant 0 : i32
      %dma_wait3A_396 = tpu.memref_slice %arg3[%dma_wait3A_394, %dma_wait3A_395] : memref<100000x1000xf32, #tpu.memory_space<hbm>> -> memref<8x1000xf32, #tpu.memory_space<hbm>>
      %dma_wait3A_397 = arith.constant 0 : i32
      %dma_wait3A_398 = arith.constant 0 : i32
      %dma_wait3A_399 = tpu.memref_slice %arg9[%dma_wait3A_389, %dma_wait3A_397, %dma_wait3A_398] : memref<4x8x1000xf32, #tpu.memory_space<vmem>> -> memref<1x8x1000xf32, #tpu.memory_space<vmem>>
      %dma_wait3A_400 = tpu.memref_squeeze %dma_wait3A_399 : memref<1x8x1000xf32, #tpu.memory_space<vmem>> -> memref<8x1000xf32, #tpu.memory_space<vmem>>
      %dma_wait3A_401 = arith.constant 0 : i32
      %dma_wait3A_402 = arith.constant 0 : i32
      %dma_wait3A_403 = tpu.memref_slice %arg3[%dma_wait3A_401, %dma_wait3A_402] : memref<100000x1000xf32, #tpu.memory_space<hbm>> -> memref<8x1000xf32, #tpu.memory_space<hbm>>
      tpu.wait_dma2 semaphore(%arg12 : memref<!tpu.dma_semaphore, #tpu.memory_space<semaphore_mem>>) src(%dma_wait3A_403 : memref<8x1000xf32, #tpu.memory_space<hbm>>) dst(%dma_wait3A_400 : memref<8x1000xf32, #tpu.memory_space<vmem>>)
      %dma_wait3A_404 = arith.constant 2 : i32
      %dma_wait3A_405 = arith.constant 0 : i32
      %dma_wait3A_406 = arith.constant 0 : i32
      %dma_wait3A_407 = tpu.memref_slice %arg9[%dma_wait3A_404, %dma_wait3A_405, %dma_wait3A_406] : memref<4x8x1000xf32, #tpu.memory_space<vmem>> -> memref<1x8x1000xf32, #tpu.memory_space<vmem>>
      %dma_wait3A_408 = tpu.memref_squeeze %dma_wait3A_407 : memref<1x8x1000xf32, #tpu.memory_space<vmem>> -> memref<8x1000xf32, #tpu.memory_space<vmem>>
      %dma_wait3A_409 = arith.constant 0 : i32
      %dma_wait3A_410 = arith.constant 0 : i32
      %dma_wait3A_411 = tpu.memref_slice %arg3[%dma_wait3A_409, %dma_wait3A_410] : memref<100000x1000xf32, #tpu.memory_space<hbm>> -> memref<8x1000xf32, #tpu.memory_space<hbm>>
      %dma_wait3A_412 = arith.constant 0 : i32
      %dma_wait3A_413 = arith.constant 0 : i32
      %dma_wait3A_414 = tpu.memref_slice %arg9[%dma_wait3A_404, %dma_wait3A_412, %dma_wait3A_413] : memref<4x8x1000xf32, #tpu.memory_space<vmem>> -> memref<1x8x1000xf32, #tpu.memory_space<vmem>>
      %dma_wait3A_415 = tpu.memref_squeeze %dma_wait3A_414 : memref<1x8x1000xf32, #tpu.memory_space<vmem>> -> memref<8x1000xf32, #tpu.memory_space<vmem>>
      %dma_wait3A_416 = arith.constant 0 : i32
      %dma_wait3A_417 = arith.constant 0 : i32
      %dma_wait3A_418 = tpu.memref_slice %arg3[%dma_wait3A_416, %dma_wait3A_417] : memref<100000x1000xf32, #tpu.memory_space<hbm>> -> memref<8x1000xf32, #tpu.memory_space<hbm>>
      tpu.wait_dma2 semaphore(%arg12 : memref<!tpu.dma_semaphore, #tpu.memory_space<semaphore_mem>>) src(%dma_wait3A_418 : memref<8x1000xf32, #tpu.memory_space<hbm>>) dst(%dma_wait3A_415 : memref<8x1000xf32, #tpu.memory_space<vmem>>)
      %dma_wait3A_419 = arith.constant 3 : i32
      %dma_wait3A_420 = arith.constant 0 : i32
      %dma_wait3A_421 = arith.constant 0 : i32
      %dma_wait3A_422 = tpu.memref_slice %arg9[%dma_wait3A_419, %dma_wait3A_420, %dma_wait3A_421] : memref<4x8x1000xf32, #tpu.memory_space<vmem>> -> memref<1x8x1000xf32, #tpu.memory_space<vmem>>
      %dma_wait3A_423 = tpu.memref_squeeze %dma_wait3A_422 : memref<1x8x1000xf32, #tpu.memory_space<vmem>> -> memref<8x1000xf32, #tpu.memory_space<vmem>>
      %dma_wait3A_424 = arith.constant 0 : i32
      %dma_wait3A_425 = arith.constant 0 : i32
      %dma_wait3A_426 = tpu.memref_slice %arg3[%dma_wait3A_424, %dma_wait3A_425] : memref<100000x1000xf32, #tpu.memory_space<hbm>> -> memref<8x1000xf32, #tpu.memory_space<hbm>>
      %dma_wait3A_427 = arith.constant 0 : i32
      %dma_wait3A_428 = arith.constant 0 : i32
      %dma_wait3A_429 = tpu.memref_slice %arg9[%dma_wait3A_419, %dma_wait3A_427, %dma_wait3A_428] : memref<4x8x1000xf32, #tpu.memory_space<vmem>> -> memref<1x8x1000xf32, #tpu.memory_space<vmem>>
      %dma_wait3A_430 = tpu.memref_squeeze %dma_wait3A_429 : memref<1x8x1000xf32, #tpu.memory_space<vmem>> -> memref<8x1000xf32, #tpu.memory_space<vmem>>
      %dma_wait3A_431 = arith.constant 0 : i32
      %dma_wait3A_432 = arith.constant 0 : i32
      %dma_wait3A_433 = tpu.memref_slice %arg3[%dma_wait3A_431, %dma_wait3A_432] : memref<100000x1000xf32, #tpu.memory_space<hbm>> -> memref<8x1000xf32, #tpu.memory_space<hbm>>
      tpu.wait_dma2 semaphore(%arg12 : memref<!tpu.dma_semaphore, #tpu.memory_space<semaphore_mem>>) src(%dma_wait3A_433 : memref<8x1000xf32, #tpu.memory_space<hbm>>) dst(%dma_wait3A_430 : memref<8x1000xf32, #tpu.memory_space<vmem>>)
      %add3A_434 = arith.constant 1 : i32
      %add3A_435 = arith.addi %mul3A_306, %add3A_434 : i32
      %scan3A_436 = arith.constant 0 : i32
      %scan3A_437 = arith.constant 0 : i32
      %scan3A_438 = arith.constant 4 : i32
      %scan3A_439 = arith.addi %scan3A_437, %scan3A_438 : i32
      %scan3A_440 = arith.constant 1 : i32
      scf.for %scan3A_451 = %scan3A_437 to %scan3A_439 step %scan3A_440  : i32 {
        %mul3A_452 = arith.constant 4 : i32
        %mul3A_453 = arith.muli %add3A_435, %mul3A_452 : i32
        %add3A_454 = arith.addi %mul3A_453, %scan3A_451 : i32
        %get3A_455 = arith.index_cast %add3A_454 : i32 to index
        %get3A_456 = tpu.vector_load %arg7[%get3A_455] {strides = array<i32>} : memref<144xi32, #tpu.memory_space<vmem>>, vector<16xi32>,
        %get3A_457 = vector.shape_cast %get3A_456 : vector<16xi32> to vector<16xi32>
        %slice3A_458 = vector.extract_strided_slice %get3A_457 {offsets = [0], sizes = [1], strides = [1]} : vector<16xi32> to vector<1xi32>
        %squeeze3A_459 = vector.extract %slice3A_458[0] : i32 from vector<1xi32>
        %get3A_460 = arith.index_cast %scan3A_451 : i32 to index
        %get3A_461 = arith.index_cast %squeeze3A_459 : i32 to index
        %get3A_462 = arith.constant 0 : index
        %get3A_463 = tpu.vector_load %arg9[%get3A_460, %get3A_461, %get3A_462] {strides = array<i32>} : memref<4x8x1000xf32, #tpu.memory_space<vmem>>, vector<1x1x16xf32>,
        %get3A_464 = vector.shape_cast %get3A_463 : vector<1x1x16xf32> to vector<16xf32>
        %mul3A_465 = arith.constant 5.000000e+01 : f32
        %mul3A_466 = vector.broadcast %mul3A_465 : f32 to vector<16xf32>
        %mul3A_467 = arith.mulf %get3A_464, %mul3A_466 : vector<16xf32>
        %jit3A = arith.constant -2.000000e+03 : f32
        %jit3A_468 = arith.constant 2.000000e+03 : f32
        %max3A = vector.broadcast %jit3A : f32 to vector<16xf32>
        %max3A_469 = arith.maximumf %max3A, %mul3A_467 : vector<16xf32>
        %min3A = vector.broadcast %jit3A_468 : f32 to vector<16xf32>
        %min3A_470 = arith.minimumf %min3A, %max3A_469 : vector<16xf32>
        %add3A_471 = arith.constant 4 : i32
        %add3A_472 = arith.addi %add3A_471, %scan3A_451 : i32
        %swap3A_473 = arith.index_cast %add3A_472 : i32 to index
        %swap3A_474 = arith.constant 0 : index
        %swap3A_475 = tpu.vector_load %arg10[%swap3A_473, %swap3A_474] {strides = array<i32>} : memref<8x1000xf32, #tpu.memory_space<vmem>>, vector<1x16xf32>,
        %swap3A_476 = vector.shape_cast %swap3A_475 : vector<1x16xf32> to vector<16xf32>
        %swap3A_477 = vector.shape_cast %min3A_470 : vector<16xf32> to vector<1x16xf32>
        tpu.vector_store %arg10[%swap3A_473, %swap3A_474], %swap3A_477 {strides = array<i32>} : memref<8x1000xf32, #tpu.memory_space<vmem>>, vector<1x16xf32>,
        %get3A_478 = arith.index_cast %scan3A_451 : i32 to index
        %get3A_479 = arith.index_cast %squeeze3A_459 : i32 to index
        %get3A_480 = arith.constant 16 : index
        %get3A_481 = tpu.vector_load %arg9[%get3A_478, %get3A_479, %get3A_480] {strides = array<i32>} : memref<4x8x1000xf32, #tpu.memory_space<vmem>>, vector<1x1x16xf32>,
        %get3A_482 = vector.shape_cast %get3A_481 : vector<1x1x16xf32> to vector<16xf32>
        %mul3A_483 = arith.constant 5.000000e+01 : f32
        %mul3A_484 = vector.broadcast %mul3A_483 : f32 to vector<16xf32>
        %mul3A_485 = arith.mulf %get3A_482, %mul3A_484 : vector<16xf32>
        %jit3A_486 = arith.constant -2.000000e+03 : f32
        %jit3A_487 = arith.constant 2.000000e+03 : f32
        %max3A_488 = vector.broadcast %jit3A_486 : f32 to vector<16xf32>
        %max3A_489 = arith.maximumf %max3A_488, %mul3A_485 : vector<16xf32>
        %min3A_490 = vector.broadcast %jit3A_487 : f32 to vector<16xf32>
        %min3A_491 = arith.minimumf %min3A_490, %max3A_489 : vector<16xf32>
        %add3A_492 = arith.constant 4 : i32
        %add3A_493 = arith.addi %add3A_492, %scan3A_451 : i32
        %swap3A_494 = arith.index_cast %add3A_493 : i32 to index
        %swap3A_495 = arith.constant 16 : index
        %swap3A_496 = tpu.vector_load %arg10[%swap3A_494, %swap3A_495] {strides = array<i32>} : memref<8x1000xf32, #tpu.memory_space<vmem>>, vector<1x16xf32>,
        %swap3A_497 = vector.shape_cast %swap3A_496 : vector<1x16xf32> to vector<16xf32>
        %swap3A_498 = vector.shape_cast %min3A_491 : vector<16xf32> to vector<1x16xf32>
        tpu.vector_store %arg10[%swap3A_494, %swap3A_495], %swap3A_498 {strides = array<i32>} : memref<8x1000xf32, #tpu.memory_space<vmem>>, vector<1x16xf32>,
        %get3A_499 = arith.index_cast %scan3A_451 : i32 to index
        %get3A_500 = arith.index_cast %squeeze3A_459 : i32 to index
        %get3A_501 = arith.constant 32 : index
        %get3A_502 = tpu.vector_load %arg9[%get3A_499, %get3A_500, %get3A_501] {strides = array<i32>} : memref<4x8x1000xf32, #tpu.memory_space<vmem>>, vector<1x1x16xf32>,
        %get3A_503 = vector.shape_cast %get3A_502 : vector<1x1x16xf32> to vector<16xf32>
        %mul3A_504 = arith.constant 5.000000e+01 : f32
        %mul3A_505 = vector.broadcast %mul3A_504 : f32 to vector<16xf32>
        %mul3A_506 = arith.mulf %get3A_503, %mul3A_505 : vector<16xf32>
        %jit3A_507 = arith.constant -2.000000e+03 : f32
        %jit3A_508 = arith.constant 2.000000e+03 : f32
        %max3A_509 = vector.broadcast %jit3A_507 : f32 to vector<16xf32>
        %max3A_510 = arith.maximumf %max3A_509, %mul3A_506 : vector<16xf32>
        %min3A_511 = vector.broadcast %jit3A_508 : f32 to vector<16xf32>
        %min3A_512 = arith.minimumf %min3A_511, %max3A_510 : vector<16xf32>
        %add3A_513 = arith.constant 4 : i32
        %add3A_514 = arith.addi %add3A_513, %scan3A_451 : i32
        %swap3A_515 = arith.index_cast %add3A_514 : i32 to index
        %swap3A_516 = arith.constant 32 : index
        %swap3A_517 = tpu.vector_load %arg10[%swap3A_515, %swap3A_516] {strides = array<i32>} : memref<8x1000xf32, #tpu.memory_space<vmem>>, vector<1x16xf32>,
        %swap3A_518 = vector.shape_cast %swap3A_517 : vector<1x16xf32> to vector<16xf32>
        %swap3A_519 = vector.shape_cast %min3A_512 : vector<16xf32> to vector<1x16xf32>
        tpu.vector_store %arg10[%swap3A_515, %swap3A_516], %swap3A_519 {strides = array<i32>} : memref<8x1000xf32, #tpu.memory_space<vmem>>, vector<1x16xf32>,
        %get3A_520 = arith.index_cast %scan3A_451 : i32 to index
        %get3A_521 = arith.index_cast %squeeze3A_459 : i32 to index
        %get3A_522 = arith.constant 48 : index
        %get3A_523 = tpu.vector_load %arg9[%get3A_520, %get3A_521, %get3A_522] {strides = array<i32>} : memref<4x8x1000xf32, #tpu.memory_space<vmem>>, vector<1x1x16xf32>,
        %get3A_524 = vector.shape_cast %get3A_523 : vector<1x1x16xf32> to vector<16xf32>
        %mul3A_525 = arith.constant 5.000000e+01 : f32
        %mul3A_526 = vector.broadcast %mul3A_525 : f32 to vector<16xf32>
        %mul3A_527 = arith.mulf %get3A_524, %mul3A_526 : vector<16xf32>
        %jit3A_528 = arith.constant -2.000000e+03 : f32
        %jit3A_529 = arith.constant 2.000000e+03 : f32
        %max3A_530 = vector.broadcast %jit3A_528 : f32 to vector<16xf32>
        %max3A_531 = arith.maximumf %max3A_530, %mul3A_527 : vector<16xf32>
        %min3A_532 = vector.broadcast %jit3A_529 : f32 to vector<16xf32>
        %min3A_533 = arith.minimumf %min3A_532, %max3A_531 : vector<16xf32>
        %add3A_534 = arith.constant 4 : i32
        %add3A_535 = arith.addi %add3A_534, %scan3A_451 : i32
        %swap3A_536 = arith.index_cast %add3A_535 : i32 to index
        %swap3A_537 = arith.constant 48 : index
        %swap3A_538 = tpu.vector_load %arg10[%swap3A_536, %swap3A_537] {strides = array<i32>} : memref<8x1000xf32, #tpu.memory_space<vmem>>, vector<1x16xf32>,
        %swap3A_539 = vector.shape_cast %swap3A_538 : vector<1x16xf32> to vector<16xf32>
        %swap3A_540 = vector.shape_cast %min3A_533 : vector<16xf32> to vector<1x16xf32>
        tpu.vector_store %arg10[%swap3A_536, %swap3A_537], %swap3A_540 {strides = array<i32>} : memref<8x1000xf32, #tpu.memory_space<vmem>>, vector<1x16xf32>,
        %get3A_541 = arith.index_cast %scan3A_451 : i32 to index
        %get3A_542 = arith.index_cast %squeeze3A_459 : i32 to index
        %get3A_543 = arith.constant 64 : index
        %get3A_544 = tpu.vector_load %arg9[%get3A_541, %get3A_542, %get3A_543] {strides = array<i32>} : memref<4x8x1000xf32, #tpu.memory_space<vmem>>, vector<1x1x16xf32>,
        %get3A_545 = vector.shape_cast %get3A_544 : vector<1x1x16xf32> to vector<16xf32>
        %mul3A_546 = arith.constant 5.000000e+01 : f32
        %mul3A_547 = vector.broadcast %mul3A_546 : f32 to vector<16xf32>
        %mul3A_548 = arith.mulf %get3A_545, %mul3A_547 : vector<16xf32>
        %jit3A_549 = arith.constant -2.000000e+03 : f32
        %jit3A_550 = arith.constant 2.000000e+03 : f32
        %max3A_551 = vector.broadcast %jit3A_549 : f32 to vector<16xf32>
        %max3A_552 = arith.maximumf %max3A_551, %mul3A_548 : vector<16xf32>
        %min3A_553 = vector.broadcast %jit3A_550 : f32 to vector<16xf32>
        %min3A_554 = arith.minimumf %min3A_553, %max3A_552 : vector<16xf32>
        %add3A_555 = arith.constant 4 : i32
        %add3A_556 = arith.addi %add3A_555, %scan3A_451 : i32
        %swap3A_557 = arith.index_cast %add3A_556 : i32 to index
        %swap3A_558 = arith.constant 64 : index
        %swap3A_559 = tpu.vector_load %arg10[%swap3A_557, %swap3A_558] {strides = array<i32>} : memref<8x1000xf32, #tpu.memory_space<vmem>>, vector<1x16xf32>,
        %swap3A_560 = vector.shape_cast %swap3A_559 : vector<1x16xf32> to vector<16xf32>
        %swap3A_561 = vector.shape_cast %min3A_554 : vector<16xf32> to vector<1x16xf32>
        tpu.vector_store %arg10[%swap3A_557, %swap3A_558], %swap3A_561 {strides = array<i32>} : memref<8x1000xf32, #tpu.memory_space<vmem>>, vector<1x16xf32>,
        %get3A_562 = arith.index_cast %scan3A_451 : i32 to index
        %get3A_563 = arith.index_cast %squeeze3A_459 : i32 to index
        %get3A_564 = arith.constant 80 : index
        %get3A_565 = tpu.vector_load %arg9[%get3A_562, %get3A_563, %get3A_564] {strides = array<i32>} : memref<4x8x1000xf32, #tpu.memory_space<vmem>>, vector<1x1x16xf32>,
        %get3A_566 = vector.shape_cast %get3A_565 : vector<1x1x16xf32> to vector<16xf32>
        %mul3A_567 = arith.constant 5.000000e+01 : f32
        %mul3A_568 = vector.broadcast %mul3A_567 : f32 to vector<16xf32>
        %mul3A_569 = arith.mulf %get3A_566, %mul3A_568 : vector<16xf32>
        %jit3A_570 = arith.constant -2.000000e+03 : f32
        %jit3A_571 = arith.constant 2.000000e+03 : f32
        %max3A_572 = vector.broadcast %jit3A_570 : f32 to vector<16xf32>
        %max3A_573 = arith.maximumf %max3A_572, %mul3A_569 : vector<16xf32>
        %min3A_574 = vector.broadcast %jit3A_571 : f32 to vector<16xf32>
        %min3A_575 = arith.minimumf %min3A_574, %max3A_573 : vector<16xf32>
        %add3A_576 = arith.constant 4 : i32
        %add3A_577 = arith.addi %add3A_576, %scan3A_451 : i32
        %swap3A_578 = arith.index_cast %add3A_577 : i32 to index
        %swap3A_579 = arith.constant 80 : index
        %swap3A_580 = tpu.vector_load %arg10[%swap3A_578, %swap3A_579] {strides = array<i32>} : memref<8x1000xf32, #tpu.memory_space<vmem>>, vector<1x16xf32>,
        %swap3A_581 = vector.shape_cast %swap3A_580 : vector<1x16xf32> to vector<16xf32>
        %swap3A_582 = vector.shape_cast %min3A_575 : vector<16xf32> to vector<1x16xf32>
        tpu.vector_store %arg10[%swap3A_578, %swap3A_579], %swap3A_582 {strides = array<i32>} : memref<8x1000xf32, #tpu.memory_space<vmem>>, vector<1x16xf32>,
        %get3A_583 = arith.index_cast %scan3A_451 : i32 to index
        %get3A_584 = arith.index_cast %squeeze3A_459 : i32 to index
        %get3A_585 = arith.constant 96 : index
        %get3A_586 = tpu.vector_load %arg9[%get3A_583, %get3A_584, %get3A_585] {strides = array<i32>} : memref<4x8x1000xf32, #tpu.memory_space<vmem>>, vector<1x1x16xf32>,
        %get3A_587 = vector.shape_cast %get3A_586 : vector<1x1x16xf32> to vector<16xf32>
        %mul3A_588 = arith.constant 5.000000e+01 : f32
        %mul3A_589 = vector.broadcast %mul3A_588 : f32 to vector<16xf32>
        %mul3A_590 = arith.mulf %get3A_587, %mul3A_589 : vector<16xf32>
        %jit3A_591 = arith.constant -2.000000e+03 : f32
        %jit3A_592 = arith.constant 2.000000e+03 : f32
        %max3A_593 = vector.broadcast %jit3A_591 : f32 to vector<16xf32>
        %max3A_594 = arith.maximumf %max3A_593, %mul3A_590 : vector<16xf32>
        %min3A_595 = vector.broadcast %jit3A_592 : f32 to vector<16xf32>
        %min3A_596 = arith.minimumf %min3A_595, %max3A_594 : vector<16xf32>
        %add3A_597 = arith.constant 4 : i32
        %add3A_598 = arith.addi %add3A_597, %scan3A_451 : i32
        %swap3A_599 = arith.index_cast %add3A_598 : i32 to index
        %swap3A_600 = arith.constant 96 : index
        %swap3A_601 = tpu.vector_load %arg10[%swap3A_599, %swap3A_600] {strides = array<i32>} : memref<8x1000xf32, #tpu.memory_space<vmem>>, vector<1x16xf32>,
        %swap3A_602 = vector.shape_cast %swap3A_601 : vector<1x16xf32> to vector<16xf32>
        %swap3A_603 = vector.shape_cast %min3A_596 : vector<16xf32> to vector<1x16xf32>
        tpu.vector_store %arg10[%swap3A_599, %swap3A_600], %swap3A_603 {strides = array<i32>} : memref<8x1000xf32, #tpu.memory_space<vmem>>, vector<1x16xf32>,
        %get3A_604 = arith.index_cast %scan3A_451 : i32 to index
        %get3A_605 = arith.index_cast %squeeze3A_459 : i32 to index
        %get3A_606 = arith.constant 112 : index
        %get3A_607 = tpu.vector_load %arg9[%get3A_604, %get3A_605, %get3A_606] {strides = array<i32>} : memref<4x8x1000xf32, #tpu.memory_space<vmem>>, vector<1x1x16xf32>,
        %get3A_608 = vector.shape_cast %get3A_607 : vector<1x1x16xf32> to vector<16xf32>
        %mul3A_609 = arith.constant 5.000000e+01 : f32
        %mul3A_610 = vector.broadcast %mul3A_609 : f32 to vector<16xf32>
        %mul3A_611 = arith.mulf %get3A_608, %mul3A_610 : vector<16xf32>
        %jit3A_612 = arith.constant -2.000000e+03 : f32
        %jit3A_613 = arith.constant 2.000000e+03 : f32
        %max3A_614 = vector.broadcast %jit3A_612 : f32 to vector<16xf32>
        %max3A_615 = arith.maximumf %max3A_614, %mul3A_611 : vector<16xf32>
        %min3A_616 = vector.broadcast %jit3A_613 : f32 to vector<16xf32>
        %min3A_617 = arith.minimumf %min3A_616, %max3A_615 : vector<16xf32>
        %add3A_618 = arith.constant 4 : i32
        %add3A_619 = arith.addi %add3A_618, %scan3A_451 : i32
        %swap3A_620 = arith.index_cast %add3A_619 : i32 to index
        %swap3A_621 = arith.constant 112 : index
        %swap3A_622 = tpu.vector_load %arg10[%swap3A_620, %swap3A_621] {strides = array<i32>} : memref<8x1000xf32, #tpu.memory_space<vmem>>, vector<1x16xf32>,
        %swap3A_623 = vector.shape_cast %swap3A_622 : vector<1x16xf32> to vector<16xf32>
        %swap3A_624 = vector.shape_cast %min3A_617 : vector<16xf32> to vector<1x16xf32>
        tpu.vector_store %arg10[%swap3A_620, %swap3A_621], %swap3A_624 {strides = array<i32>} : memref<8x1000xf32, #tpu.memory_space<vmem>>, vector<1x16xf32>,
        %get3A_625 = arith.index_cast %scan3A_451 : i32 to index
        %get3A_626 = arith.index_cast %squeeze3A_459 : i32 to index
        %get3A_627 = arith.constant 128 : index
        %get3A_628 = tpu.vector_load %arg9[%get3A_625, %get3A_626, %get3A_627] {strides = array<i32>} : memref<4x8x1000xf32, #tpu.memory_space<vmem>>, vector<1x1x16xf32>,
        %get3A_629 = vector.shape_cast %get3A_628 : vector<1x1x16xf32> to vector<16xf32>
        %mul3A_630 = arith.constant 5.000000e+01 : f32
        %mul3A_631 = vector.broadcast %mul3A_630 : f32 to vector<16xf32>
        %mul3A_632 = arith.mulf %get3A_629, %mul3A_631 : vector<16xf32>
        %jit3A_633 = arith.constant -2.000000e+03 : f32
        %jit3A_634 = arith.constant 2.000000e+03 : f32
        %max3A_635 = vector.broadcast %jit3A_633 : f32 to vector<16xf32>
        %max3A_636 = arith.maximumf %max3A_635, %mul3A_632 : vector<16xf32>
        %min3A_637 = vector.broadcast %jit3A_634 : f32 to vector<16xf32>
        %min3A_638 = arith.minimumf %min3A_637, %max3A_636 : vector<16xf32>
        %add3A_639 = arith.constant 4 : i32
        %add3A_640 = arith.addi %add3A_639, %scan3A_451 : i32
        %swap3A_641 = arith.index_cast %add3A_640 : i32 to index
        %swap3A_642 = arith.constant 128 : index
        %swap3A_643 = tpu.vector_load %arg10[%swap3A_641, %swap3A_642] {strides = array<i32>} : memref<8x1000xf32, #tpu.memory_space<vmem>>, vector<1x16xf32>,
        %swap3A_644 = vector.shape_cast %swap3A_643 : vector<1x16xf32> to vector<16xf32>
        %swap3A_645 = vector.shape_cast %min3A_638 : vector<16xf32> to vector<1x16xf32>
        tpu.vector_store %arg10[%swap3A_641, %swap3A_642], %swap3A_645 {strides = array<i32>} : memref<8x1000xf32, #tpu.memory_space<vmem>>, vector<1x16xf32>,
        %get3A_646 = arith.index_cast %scan3A_451 : i32 to index
        %get3A_647 = arith.index_cast %squeeze3A_459 : i32 to index
        %get3A_648 = arith.constant 144 : index
        %get3A_649 = tpu.vector_load %arg9[%get3A_646, %get3A_647, %get3A_648] {strides = array<i32>} : memref<4x8x1000xf32, #tpu.memory_space<vmem>>, vector<1x1x16xf32>,
        %get3A_650 = vector.shape_cast %get3A_649 : vector<1x1x16xf32> to vector<16xf32>
        %mul3A_651 = arith.constant 5.000000e+01 : f32
        %mul3A_652 = vector.broadcast %mul3A_651 : f32 to vector<16xf32>
        %mul3A_653 = arith.mulf %get3A_650, %mul3A_652 : vector<16xf32>
        %jit3A_654 = arith.constant -2.000000e+03 : f32
        %jit3A_655 = arith.constant 2.000000e+03 : f32
        %max3A_656 = vector.broadcast %jit3A_654 : f32 to vector<16xf32>
        %max3A_657 = arith.maximumf %max3A_656, %mul3A_653 : vector<16xf32>
        %min3A_658 = vector.broadcast %jit3A_655 : f32 to vector<16xf32>
        %min3A_659 = arith.minimumf %min3A_658, %max3A_657 : vector<16xf32>
        %add3A_660 = arith.constant 4 : i32
        %add3A_661 = arith.addi %add3A_660, %scan3A_451 : i32
        %swap3A_662 = arith.index_cast %add3A_661 : i32 to index
        %swap3A_663 = arith.constant 144 : index
        %swap3A_664 = tpu.vector_load %arg10[%swap3A_662, %swap3A_663] {strides = array<i32>} : memref<8x1000xf32, #tpu.memory_space<vmem>>, vector<1x16xf32>,
        %swap3A_665 = vector.shape_cast %swap3A_664 : vector<1x16xf32> to vector<16xf32>
        %swap3A_666 = vector.shape_cast %min3A_659 : vector<16xf32> to vector<1x16xf32>
        tpu.vector_store %arg10[%swap3A_662, %swap3A_663], %swap3A_666 {strides = array<i32>} : memref<8x1000xf32, #tpu.memory_space<vmem>>, vector<1x16xf32>,
        %get3A_667 = arith.index_cast %scan3A_451 : i32 to index
        %get3A_668 = arith.index_cast %squeeze3A_459 : i32 to index
        %get3A_669 = arith.constant 160 : index
        %get3A_670 = tpu.vector_load %arg9[%get3A_667, %get3A_668, %get3A_669] {strides = array<i32>} : memref<4x8x1000xf32, #tpu.memory_space<vmem>>, vector<1x1x16xf32>,
        %get3A_671 = vector.shape_cast %get3A_670 : vector<1x1x16xf32> to vector<16xf32>
        %mul3A_672 = arith.constant 5.000000e+01 : f32
        %mul3A_673 = vector.broadcast %mul3A_672 : f32 to vector<16xf32>
        %mul3A_674 = arith.mulf %get3A_671, %mul3A_673 : vector<16xf32>
        %jit3A_675 = arith.constant -2.000000e+03 : f32
        %jit3A_676 = arith.constant 2.000000e+03 : f32
        %max3A_677 = vector.broadcast %jit3A_675 : f32 to vector<16xf32>
        %max3A_678 = arith.maximumf %max3A_677, %mul3A_674 : vector<16xf32>
        %min3A_679 = vector.broadcast %jit3A_676 : f32 to vector<16xf32>
        %min3A_680 = arith.minimumf %min3A_679, %max3A_678 : vector<16xf32>
        %add3A_681 = arith.constant 4 : i32
        %add3A_682 = arith.addi %add3A_681, %scan3A_451 : i32
        %swap3A_683 = arith.index_cast %add3A_682 : i32 to index
        %swap3A_684 = arith.constant 160 : index
        %swap3A_685 = tpu.vector_load %arg10[%swap3A_683, %swap3A_684] {strides = array<i32>} : memref<8x1000xf32, #tpu.memory_space<vmem>>, vector<1x16xf32>,
        %swap3A_686 = vector.shape_cast %swap3A_685 : vector<1x16xf32> to vector<16xf32>
        %swap3A_687 = vector.shape_cast %min3A_680 : vector<16xf32> to vector<1x16xf32>
        tpu.vector_store %arg10[%swap3A_683, %swap3A_684], %swap3A_687 {strides = array<i32>} : memref<8x1000xf32, #tpu.memory_space<vmem>>, vector<1x16xf32>,
        %get3A_688 = arith.index_cast %scan3A_451 : i32 to index
        %get3A_689 = arith.index_cast %squeeze3A_459 : i32 to index
        %get3A_690 = arith.constant 176 : index
        %get3A_691 = tpu.vector_load %arg9[%get3A_688, %get3A_689, %get3A_690] {strides = array<i32>} : memref<4x8x1000xf32, #tpu.memory_space<vmem>>, vector<1x1x16xf32>,
        %get3A_692 = vector.shape_cast %get3A_691 : vector<1x1x16xf32> to vector<16xf32>
        %mul3A_693 = arith.constant 5.000000e+01 : f32
        %mul3A_694 = vector.broadcast %mul3A_693 : f32 to vector<16xf32>
        %mul3A_695 = arith.mulf %get3A_692, %mul3A_694 : vector<16xf32>
        %jit3A_696 = arith.constant -2.000000e+03 : f32
        %jit3A_697 = arith.constant 2.000000e+03 : f32
        %max3A_698 = vector.broadcast %jit3A_696 : f32 to vector<16xf32>
        %max3A_699 = arith.maximumf %max3A_698, %mul3A_695 : vector<16xf32>
        %min3A_700 = vector.broadcast %jit3A_697 : f32 to vector<16xf32>
        %min3A_701 = arith.minimumf %min3A_700, %max3A_699 : vector<16xf32>
        %add3A_702 = arith.constant 4 : i32
        %add3A_703 = arith.addi %add3A_702, %scan3A_451 : i32
        %swap3A_704 = arith.index_cast %add3A_703 : i32 to index
        %swap3A_705 = arith.constant 176 : index
        %swap3A_706 = tpu.vector_load %arg10[%swap3A_704, %swap3A_705] {strides = array<i32>} : memref<8x1000xf32, #tpu.memory_space<vmem>>, vector<1x16xf32>,
        %swap3A_707 = vector.shape_cast %swap3A_706 : vector<1x16xf32> to vector<16xf32>
        %swap3A_708 = vector.shape_cast %min3A_701 : vector<16xf32> to vector<1x16xf32>
        tpu.vector_store %arg10[%swap3A_704, %swap3A_705], %swap3A_708 {strides = array<i32>} : memref<8x1000xf32, #tpu.memory_space<vmem>>, vector<1x16xf32>,
        %get3A_709 = arith.index_cast %scan3A_451 : i32 to index
        %get3A_710 = arith.index_cast %squeeze3A_459 : i32 to index
        %get3A_711 = arith.constant 192 : index
        %get3A_712 = tpu.vector_load %arg9[%get3A_709, %get3A_710, %get3A_711] {strides = array<i32>} : memref<4x8x1000xf32, #tpu.memory_space<vmem>>, vector<1x1x16xf32>,
        %get3A_713 = vector.shape_cast %get3A_712 : vector<1x1x16xf32> to vector<16xf32>
        %mul3A_714 = arith.constant 5.000000e+01 : f32
        %mul3A_715 = vector.broadcast %mul3A_714 : f32 to vector<16xf32>
        %mul3A_716 = arith.mulf %get3A_713, %mul3A_715 : vector<16xf32>
        %jit3A_717 = arith.constant -2.000000e+03 : f32
        %jit3A_718 = arith.constant 2.000000e+03 : f32
        %max3A_719 = vector.broadcast %jit3A_717 : f32 to vector<16xf32>
        %max3A_720 = arith.maximumf %max3A_719, %mul3A_716 : vector<16xf32>
        %min3A_721 = vector.broadcast %jit3A_718 : f32 to vector<16xf32>
        %min3A_722 = arith.minimumf %min3A_721, %max3A_720 : vector<16xf32>
        %add3A_723 = arith.constant 4 : i32
        %add3A_724 = arith.addi %add3A_723, %scan3A_451 : i32
        %swap3A_725 = arith.index_cast %add3A_724 : i32 to index
        %swap3A_726 = arith.constant 192 : index
        %swap3A_727 = tpu.vector_load %arg10[%swap3A_725, %swap3A_726] {strides = array<i32>} : memref<8x1000xf32, #tpu.memory_space<vmem>>, vector<1x16xf32>,
        %swap3A_728 = vector.shape_cast %swap3A_727 : vector<1x16xf32> to vector<16xf32>
        %swap3A_729 = vector.shape_cast %min3A_722 : vector<16xf32> to vector<1x16xf32>
        tpu.vector_store %arg10[%swap3A_725, %swap3A_726], %swap3A_729 {strides = array<i32>} : memref<8x1000xf32, #tpu.memory_space<vmem>>, vector<1x16xf32>,
        %get3A_730 = arith.index_cast %scan3A_451 : i32 to index
        %get3A_731 = arith.index_cast %squeeze3A_459 : i32 to index
        %get3A_732 = arith.constant 208 : index
        %get3A_733 = tpu.vector_load %arg9[%get3A_730, %get3A_731, %get3A_732] {strides = array<i32>} : memref<4x8x1000xf32, #tpu.memory_space<vmem>>, vector<1x1x16xf32>,
        %get3A_734 = vector.shape_cast %get3A_733 : vector<1x1x16xf32> to vector<16xf32>
        %mul3A_735 = arith.constant 5.000000e+01 : f32
        %mul3A_736 = vector.broadcast %mul3A_735 : f32 to vector<16xf32>
        %mul3A_737 = arith.mulf %get3A_734, %mul3A_736 : vector<16xf32>
        %jit3A_738 = arith.constant -2.000000e+03 : f32
        %jit3A_739 = arith.constant 2.000000e+03 : f32
        %max3A_740 = vector.broadcast %jit3A_738 : f32 to vector<16xf32>
        %max3A_741 = arith.maximumf %max3A_740, %mul3A_737 : vector<16xf32>
        %min3A_742 = vector.broadcast %jit3A_739 : f32 to vector<16xf32>
        %min3A_743 = arith.minimumf %min3A_742, %max3A_741 : vector<16xf32>
        %add3A_744 = arith.constant 4 : i32
        %add3A_745 = arith.addi %add3A_744, %scan3A_451 : i32
        %swap3A_746 = arith.index_cast %add3A_745 : i32 to index
        %swap3A_747 = arith.constant 208 : index
        %swap3A_748 = tpu.vector_load %arg10[%swap3A_746, %swap3A_747] {strides = array<i32>} : memref<8x1000xf32, #tpu.memory_space<vmem>>, vector<1x16xf32>,
        %swap3A_749 = vector.shape_cast %swap3A_748 : vector<1x16xf32> to vector<16xf32>
        %swap3A_750 = vector.shape_cast %min3A_743 : vector<16xf32> to vector<1x16xf32>
        tpu.vector_store %arg10[%swap3A_746, %swap3A_747], %swap3A_750 {strides = array<i32>} : memref<8x1000xf32, #tpu.memory_space<vmem>>, vector<1x16xf32>,
        %get3A_751 = arith.index_cast %scan3A_451 : i32 to index
        %get3A_752 = arith.index_cast %squeeze3A_459 : i32 to index
        %get3A_753 = arith.constant 224 : index
        %get3A_754 = tpu.vector_load %arg9[%get3A_751, %get3A_752, %get3A_753] {strides = array<i32>} : memref<4x8x1000xf32, #tpu.memory_space<vmem>>, vector<1x1x16xf32>,
        %get3A_755 = vector.shape_cast %get3A_754 : vector<1x1x16xf32> to vector<16xf32>
        %mul3A_756 = arith.constant 5.000000e+01 : f32
        %mul3A_757 = vector.broadcast %mul3A_756 : f32 to vector<16xf32>
        %mul3A_758 = arith.mulf %get3A_755, %mul3A_757 : vector<16xf32>
        %jit3A_759 = arith.constant -2.000000e+03 : f32
        %jit3A_760 = arith.constant 2.000000e+03 : f32
        %max3A_761 = vector.broadcast %jit3A_759 : f32 to vector<16xf32>
        %max3A_762 = arith.maximumf %max3A_761, %mul3A_758 : vector<16xf32>
        %min3A_763 = vector.broadcast %jit3A_760 : f32 to vector<16xf32>
        %min3A_764 = arith.minimumf %min3A_763, %max3A_762 : vector<16xf32>
        %add3A_765 = arith.constant 4 : i32
        %add3A_766 = arith.addi %add3A_765, %scan3A_451 : i32
        %swap3A_767 = arith.index_cast %add3A_766 : i32 to index
        %swap3A_768 = arith.constant 224 : index
        %swap3A_769 = tpu.vector_load %arg10[%swap3A_767, %swap3A_768] {strides = array<i32>} : memref<8x1000xf32, #tpu.memory_space<vmem>>, vector<1x16xf32>,
        %swap3A_770 = vector.shape_cast %swap3A_769 : vector<1x16xf32> to vector<16xf32>
        %swap3A_771 = vector.shape_cast %min3A_764 : vector<16xf32> to vector<1x16xf32>
        tpu.vector_store %arg10[%swap3A_767, %swap3A_768], %swap3A_771 {strides = array<i32>} : memref<8x1000xf32, #tpu.memory_space<vmem>>, vector<1x16xf32>,
        %get3A_772 = arith.index_cast %scan3A_451 : i32 to index
        %get3A_773 = arith.index_cast %squeeze3A_459 : i32 to index
        %get3A_774 = arith.constant 240 : index
        %get3A_775 = tpu.vector_load %arg9[%get3A_772, %get3A_773, %get3A_774] {strides = array<i32>} : memref<4x8x1000xf32, #tpu.memory_space<vmem>>, vector<1x1x16xf32>,
        %get3A_776 = vector.shape_cast %get3A_775 : vector<1x1x16xf32> to vector<16xf32>
        %mul3A_777 = arith.constant 5.000000e+01 : f32
        %mul3A_778 = vector.broadcast %mul3A_777 : f32 to vector<16xf32>
        %mul3A_779 = arith.mulf %get3A_776, %mul3A_778 : vector<16xf32>
        %jit3A_780 = arith.constant -2.000000e+03 : f32
        %jit3A_781 = arith.constant 2.000000e+03 : f32
        %max3A_782 = vector.broadcast %jit3A_780 : f32 to vector<16xf32>
        %max3A_783 = arith.maximumf %max3A_782, %mul3A_779 : vector<16xf32>
        %min3A_784 = vector.broadcast %jit3A_781 : f32 to vector<16xf32>
        %min3A_785 = arith.minimumf %min3A_784, %max3A_783 : vector<16xf32>
        %add3A_786 = arith.constant 4 : i32
        %add3A_787 = arith.addi %add3A_786, %scan3A_451 : i32
        %swap3A_788 = arith.index_cast %add3A_787 : i32 to index
        %swap3A_789 = arith.constant 240 : index
        %swap3A_790 = tpu.vector_load %arg10[%swap3A_788, %swap3A_789] {strides = array<i32>} : memref<8x1000xf32, #tpu.memory_space<vmem>>, vector<1x16xf32>,
        %swap3A_791 = vector.shape_cast %swap3A_790 : vector<1x16xf32> to vector<16xf32>
        %swap3A_792 = vector.shape_cast %min3A_785 : vector<16xf32> to vector<1x16xf32>
        tpu.vector_store %arg10[%swap3A_788, %swap3A_789], %swap3A_792 {strides = array<i32>} : memref<8x1000xf32, #tpu.memory_space<vmem>>, vector<1x16xf32>,
        %get3A_793 = arith.index_cast %scan3A_451 : i32 to index
        %get3A_794 = arith.index_cast %squeeze3A_459 : i32 to index
        %get3A_795 = arith.constant 256 : index
        %get3A_796 = tpu.vector_load %arg9[%get3A_793, %get3A_794, %get3A_795] {strides = array<i32>} : memref<4x8x1000xf32, #tpu.memory_space<vmem>>, vector<1x1x16xf32>,
        %get3A_797 = vector.shape_cast %get3A_796 : vector<1x1x16xf32> to vector<16xf32>
        %mul3A_798 = arith.constant 5.000000e+01 : f32
        %mul3A_799 = vector.broadcast %mul3A_798 : f32 to vector<16xf32>
        %mul3A_800 = arith.mulf %get3A_797, %mul3A_799 : vector<16xf32>
        %jit3A_801 = arith.constant -2.000000e+03 : f32
        %jit3A_802 = arith.constant 2.000000e+03 : f32
        %max3A_803 = vector.broadcast %jit3A_801 : f32 to vector<16xf32>
        %max3A_804 = arith.maximumf %max3A_803, %mul3A_800 : vector<16xf32>
        %min3A_805 = vector.broadcast %jit3A_802 : f32 to vector<16xf32>
        %min3A_806 = arith.minimumf %min3A_805, %max3A_804 : vector<16xf32>
        %add3A_807 = arith.constant 4 : i32
        %add3A_808 = arith.addi %add3A_807, %scan3A_451 : i32
        %swap3A_809 = arith.index_cast %add3A_808 : i32 to index
        %swap3A_810 = arith.constant 256 : index
        %swap3A_811 = tpu.vector_load %arg10[%swap3A_809, %swap3A_810] {strides = array<i32>} : memref<8x1000xf32, #tpu.memory_space<vmem>>, vector<1x16xf32>,
        %swap3A_812 = vector.shape_cast %swap3A_811 : vector<1x16xf32> to vector<16xf32>
        %swap3A_813 = vector.shape_cast %min3A_806 : vector<16xf32> to vector<1x16xf32>
        tpu.vector_store %arg10[%swap3A_809, %swap3A_810], %swap3A_813 {strides = array<i32>} : memref<8x1000xf32, #tpu.memory_space<vmem>>, vector<1x16xf32>,
        %get3A_814 = arith.index_cast %scan3A_451 : i32 to index
        %get3A_815 = arith.index_cast %squeeze3A_459 : i32 to index
        %get3A_816 = arith.constant 272 : index
        %get3A_817 = tpu.vector_load %arg9[%get3A_814, %get3A_815, %get3A_816] {strides = array<i32>} : memref<4x8x1000xf32, #tpu.memory_space<vmem>>, vector<1x1x16xf32>,
        %get3A_818 = vector.shape_cast %get3A_817 : vector<1x1x16xf32> to vector<16xf32>
        %mul3A_819 = arith.constant 5.000000e+01 : f32
        %mul3A_820 = vector.broadcast %mul3A_819 : f32 to vector<16xf32>
        %mul3A_821 = arith.mulf %get3A_818, %mul3A_820 : vector<16xf32>
        %jit3A_822 = arith.constant -2.000000e+03 : f32
        %jit3A_823 = arith.constant 2.000000e+03 : f32
        %max3A_824 = vector.broadcast %jit3A_822 : f32 to vector<16xf32>
        %max3A_825 = arith.maximumf %max3A_824, %mul3A_821 : vector<16xf32>
        %min3A_826 = vector.broadcast %jit3A_823 : f32 to vector<16xf32>
        %min3A_827 = arith.minimumf %min3A_826, %max3A_825 : vector<16xf32>
        %add3A_828 = arith.constant 4 : i32
        %add3A_829 = arith.addi %add3A_828, %scan3A_451 : i32
        %swap3A_830 = arith.index_cast %add3A_829 : i32 to index
        %swap3A_831 = arith.constant 272 : index
        %swap3A_832 = tpu.vector_load %arg10[%swap3A_830, %swap3A_831] {strides = array<i32>} : memref<8x1000xf32, #tpu.memory_space<vmem>>, vector<1x16xf32>,
        %swap3A_833 = vector.shape_cast %swap3A_832 : vector<1x16xf32> to vector<16xf32>
        %swap3A_834 = vector.shape_cast %min3A_827 : vector<16xf32> to vector<1x16xf32>
        tpu.vector_store %arg10[%swap3A_830, %swap3A_831], %swap3A_834 {strides = array<i32>} : memref<8x1000xf32, #tpu.memory_space<vmem>>, vector<1x16xf32>,
        %get3A_835 = arith.index_cast %scan3A_451 : i32 to index
        %get3A_836 = arith.index_cast %squeeze3A_459 : i32 to index
        %get3A_837 = arith.constant 288 : index
        %get3A_838 = tpu.vector_load %arg9[%get3A_835, %get3A_836, %get3A_837] {strides = array<i32>} : memref<4x8x1000xf32, #tpu.memory_space<vmem>>, vector<1x1x16xf32>,
        %get3A_839 = vector.shape_cast %get3A_838 : vector<1x1x16xf32> to vector<16xf32>
        %mul3A_840 = arith.constant 5.000000e+01 : f32
        %mul3A_841 = vector.broadcast %mul3A_840 : f32 to vector<16xf32>
        %mul3A_842 = arith.mulf %get3A_839, %mul3A_841 : vector<16xf32>
        %jit3A_843 = arith.constant -2.000000e+03 : f32
        %jit3A_844 = arith.constant 2.000000e+03 : f32
        %max3A_845 = vector.broadcast %jit3A_843 : f32 to vector<16xf32>
        %max3A_846 = arith.maximumf %max3A_845, %mul3A_842 : vector<16xf32>
        %min3A_847 = vector.broadcast %jit3A_844 : f32 to vector<16xf32>
        %min3A_848 = arith.minimumf %min3A_847, %max3A_846 : vector<16xf32>
        %add3A_849 = arith.constant 4 : i32
        %add3A_850 = arith.addi %add3A_849, %scan3A_451 : i32
        %swap3A_851 = arith.index_cast %add3A_850 : i32 to index
        %swap3A_852 = arith.constant 288 : index
        %swap3A_853 = tpu.vector_load %arg10[%swap3A_851, %swap3A_852] {strides = array<i32>} : memref<8x1000xf32, #tpu.memory_space<vmem>>, vector<1x16xf32>,
        %swap3A_854 = vector.shape_cast %swap3A_853 : vector<1x16xf32> to vector<16xf32>
        %swap3A_855 = vector.shape_cast %min3A_848 : vector<16xf32> to vector<1x16xf32>
        tpu.vector_store %arg10[%swap3A_851, %swap3A_852], %swap3A_855 {strides = array<i32>} : memref<8x1000xf32, #tpu.memory_space<vmem>>, vector<1x16xf32>,
        %get3A_856 = arith.index_cast %scan3A_451 : i32 to index
        %get3A_857 = arith.index_cast %squeeze3A_459 : i32 to index
        %get3A_858 = arith.constant 304 : index
        %get3A_859 = tpu.vector_load %arg9[%get3A_856, %get3A_857, %get3A_858] {strides = array<i32>} : memref<4x8x1000xf32, #tpu.memory_space<vmem>>, vector<1x1x16xf32>,
        %get3A_860 = vector.shape_cast %get3A_859 : vector<1x1x16xf32> to vector<16xf32>
        %mul3A_861 = arith.constant 5.000000e+01 : f32
        %mul3A_862 = vector.broadcast %mul3A_861 : f32 to vector<16xf32>
        %mul3A_863 = arith.mulf %get3A_860, %mul3A_862 : vector<16xf32>
        %jit3A_864 = arith.constant -2.000000e+03 : f32
        %jit3A_865 = arith.constant 2.000000e+03 : f32
        %max3A_866 = vector.broadcast %jit3A_864 : f32 to vector<16xf32>
        %max3A_867 = arith.maximumf %max3A_866, %mul3A_863 : vector<16xf32>
        %min3A_868 = vector.broadcast %jit3A_865 : f32 to vector<16xf32>
        %min3A_869 = arith.minimumf %min3A_868, %max3A_867 : vector<16xf32>
        %add3A_870 = arith.constant 4 : i32
        %add3A_871 = arith.addi %add3A_870, %scan3A_451 : i32
        %swap3A_872 = arith.index_cast %add3A_871 : i32 to index
        %swap3A_873 = arith.constant 304 : index
        %swap3A_874 = tpu.vector_load %arg10[%swap3A_872, %swap3A_873] {strides = array<i32>} : memref<8x1000xf32, #tpu.memory_space<vmem>>, vector<1x16xf32>,
        %swap3A_875 = vector.shape_cast %swap3A_874 : vector<1x16xf32> to vector<16xf32>
        %swap3A_876 = vector.shape_cast %min3A_869 : vector<16xf32> to vector<1x16xf32>
        tpu.vector_store %arg10[%swap3A_872, %swap3A_873], %swap3A_876 {strides = array<i32>} : memref<8x1000xf32, #tpu.memory_space<vmem>>, vector<1x16xf32>,
        %get3A_877 = arith.index_cast %scan3A_451 : i32 to index
        %get3A_878 = arith.index_cast %squeeze3A_459 : i32 to index
        %get3A_879 = arith.constant 320 : index
        %get3A_880 = tpu.vector_load %arg9[%get3A_877, %get3A_878, %get3A_879] {strides = array<i32>} : memref<4x8x1000xf32, #tpu.memory_space<vmem>>, vector<1x1x16xf32>,
        %get3A_881 = vector.shape_cast %get3A_880 : vector<1x1x16xf32> to vector<16xf32>
        %mul3A_882 = arith.constant 5.000000e+01 : f32
        %mul3A_883 = vector.broadcast %mul3A_882 : f32 to vector<16xf32>
        %mul3A_884 = arith.mulf %get3A_881, %mul3A_883 : vector<16xf32>
        %jit3A_885 = arith.constant -2.000000e+03 : f32
        %jit3A_886 = arith.constant 2.000000e+03 : f32
        %max3A_887 = vector.broadcast %jit3A_885 : f32 to vector<16xf32>
        %max3A_888 = arith.maximumf %max3A_887, %mul3A_884 : vector<16xf32>
        %min3A_889 = vector.broadcast %jit3A_886 : f32 to vector<16xf32>
        %min3A_890 = arith.minimumf %min3A_889, %max3A_888 : vector<16xf32>
        %add3A_891 = arith.constant 4 : i32
        %add3A_892 = arith.addi %add3A_891, %scan3A_451 : i32
        %swap3A_893 = arith.index_cast %add3A_892 : i32 to index
        %swap3A_894 = arith.constant 320 : index
        %swap3A_895 = tpu.vector_load %arg10[%swap3A_893, %swap3A_894] {strides = array<i32>} : memref<8x1000xf32, #tpu.memory_space<vmem>>, vector<1x16xf32>,
        %swap3A_896 = vector.shape_cast %swap3A_895 : vector<1x16xf32> to vector<16xf32>
        %swap3A_897 = vector.shape_cast %min3A_890 : vector<16xf32> to vector<1x16xf32>
        tpu.vector_store %arg10[%swap3A_893, %swap3A_894], %swap3A_897 {strides = array<i32>} : memref<8x1000xf32, #tpu.memory_space<vmem>>, vector<1x16xf32>,
        %get3A_898 = arith.index_cast %scan3A_451 : i32 to index
        %get3A_899 = arith.index_cast %squeeze3A_459 : i32 to index
        %get3A_900 = arith.constant 336 : index
        %get3A_901 = tpu.vector_load %arg9[%get3A_898, %get3A_899, %get3A_900] {strides = array<i32>} : memref<4x8x1000xf32, #tpu.memory_space<vmem>>, vector<1x1x16xf32>,
        %get3A_902 = vector.shape_cast %get3A_901 : vector<1x1x16xf32> to vector<16xf32>
        %mul3A_903 = arith.constant 5.000000e+01 : f32
        %mul3A_904 = vector.broadcast %mul3A_903 : f32 to vector<16xf32>
        %mul3A_905 = arith.mulf %get3A_902, %mul3A_904 : vector<16xf32>
        %jit3A_906 = arith.constant -2.000000e+03 : f32
        %jit3A_907 = arith.constant 2.000000e+03 : f32
        %max3A_908 = vector.broadcast %jit3A_906 : f32 to vector<16xf32>
        %max3A_909 = arith.maximumf %max3A_908, %mul3A_905 : vector<16xf32>
        %min3A_910 = vector.broadcast %jit3A_907 : f32 to vector<16xf32>
        %min3A_911 = arith.minimumf %min3A_910, %max3A_909 : vector<16xf32>
        %add3A_912 = arith.constant 4 : i32
        %add3A_913 = arith.addi %add3A_912, %scan3A_451 : i32
        %swap3A_914 = arith.index_cast %add3A_913 : i32 to index
        %swap3A_915 = arith.constant 336 : index
        %swap3A_916 = tpu.vector_load %arg10[%swap3A_914, %swap3A_915] {strides = array<i32>} : memref<8x1000xf32, #tpu.memory_space<vmem>>, vector<1x16xf32>,
        %swap3A_917 = vector.shape_cast %swap3A_916 : vector<1x16xf32> to vector<16xf32>
        %swap3A_918 = vector.shape_cast %min3A_911 : vector<16xf32> to vector<1x16xf32>
        tpu.vector_store %arg10[%swap3A_914, %swap3A_915], %swap3A_918 {strides = array<i32>} : memref<8x1000xf32, #tpu.memory_space<vmem>>, vector<1x16xf32>,
        %get3A_919 = arith.index_cast %scan3A_451 : i32 to index
        %get3A_920 = arith.index_cast %squeeze3A_459 : i32 to index
        %get3A_921 = arith.constant 352 : index
        %get3A_922 = tpu.vector_load %arg9[%get3A_919, %get3A_920, %get3A_921] {strides = array<i32>} : memref<4x8x1000xf32, #tpu.memory_space<vmem>>, vector<1x1x16xf32>,
        %get3A_923 = vector.shape_cast %get3A_922 : vector<1x1x16xf32> to vector<16xf32>
        %mul3A_924 = arith.constant 5.000000e+01 : f32
        %mul3A_925 = vector.broadcast %mul3A_924 : f32 to vector<16xf32>
        %mul3A_926 = arith.mulf %get3A_923, %mul3A_925 : vector<16xf32>
        %jit3A_927 = arith.constant -2.000000e+03 : f32
        %jit3A_928 = arith.constant 2.000000e+03 : f32
        %max3A_929 = vector.broadcast %jit3A_927 : f32 to vector<16xf32>
        %max3A_930 = arith.maximumf %max3A_929, %mul3A_926 : vector<16xf32>
        %min3A_931 = vector.broadcast %jit3A_928 : f32 to vector<16xf32>
        %min3A_932 = arith.minimumf %min3A_931, %max3A_930 : vector<16xf32>
        %add3A_933 = arith.constant 4 : i32
        %add3A_934 = arith.addi %add3A_933, %scan3A_451 : i32
        %swap3A_935 = arith.index_cast %add3A_934 : i32 to index
        %swap3A_936 = arith.constant 352 : index
        %swap3A_937 = tpu.vector_load %arg10[%swap3A_935, %swap3A_936] {strides = array<i32>} : memref<8x1000xf32, #tpu.memory_space<vmem>>, vector<1x16xf32>,
        %swap3A_938 = vector.shape_cast %swap3A_937 : vector<1x16xf32> to vector<16xf32>
        %swap3A_939 = vector.shape_cast %min3A_932 : vector<16xf32> to vector<1x16xf32>
        tpu.vector_store %arg10[%swap3A_935, %swap3A_936], %swap3A_939 {strides = array<i32>} : memref<8x1000xf32, #tpu.memory_space<vmem>>, vector<1x16xf32>,
        %get3A_940 = arith.index_cast %scan3A_451 : i32 to index
        %get3A_941 = arith.index_cast %squeeze3A_459 : i32 to index
        %get3A_942 = arith.constant 368 : index
        %get3A_943 = tpu.vector_load %arg9[%get3A_940, %get3A_941, %get3A_942] {strides = array<i32>} : memref<4x8x1000xf32, #tpu.memory_space<vmem>>, vector<1x1x16xf32>,
        %get3A_944 = vector.shape_cast %get3A_943 : vector<1x1x16xf32> to vector<16xf32>
        %mul3A_945 = arith.constant 5.000000e+01 : f32
        %mul3A_946 = vector.broadcast %mul3A_945 : f32 to vector<16xf32>
        %mul3A_947 = arith.mulf %get3A_944, %mul3A_946 : vector<16xf32>
        %jit3A_948 = arith.constant -2.000000e+03 : f32
        %jit3A_949 = arith.constant 2.000000e+03 : f32
        %max3A_950 = vector.broadcast %jit3A_948 : f32 to vector<16xf32>
        %max3A_951 = arith.maximumf %max3A_950, %mul3A_947 : vector<16xf32>
        %min3A_952 = vector.broadcast %jit3A_949 : f32 to vector<16xf32>
        %min3A_953 = arith.minimumf %min3A_952, %max3A_951 : vector<16xf32>
        %add3A_954 = arith.constant 4 : i32
        %add3A_955 = arith.addi %add3A_954, %scan3A_451 : i32
        %swap3A_956 = arith.index_cast %add3A_955 : i32 to index
        %swap3A_957 = arith.constant 368 : index
        %swap3A_958 = tpu.vector_load %arg10[%swap3A_956, %swap3A_957] {strides = array<i32>} : memref<8x1000xf32, #tpu.memory_space<vmem>>, vector<1x16xf32>,
        %swap3A_959 = vector.shape_cast %swap3A_958 : vector<1x16xf32> to vector<16xf32>
        %swap3A_960 = vector.shape_cast %min3A_953 : vector<16xf32> to vector<1x16xf32>
        tpu.vector_store %arg10[%swap3A_956, %swap3A_957], %swap3A_960 {strides = array<i32>} : memref<8x1000xf32, #tpu.memory_space<vmem>>, vector<1x16xf32>,
        %get3A_961 = arith.index_cast %scan3A_451 : i32 to index
        %get3A_962 = arith.index_cast %squeeze3A_459 : i32 to index
        %get3A_963 = arith.constant 384 : index
        %get3A_964 = tpu.vector_load %arg9[%get3A_961, %get3A_962, %get3A_963] {strides = array<i32>} : memref<4x8x1000xf32, #tpu.memory_space<vmem>>, vector<1x1x16xf32>,
        %get3A_965 = vector.shape_cast %get3A_964 : vector<1x1x16xf32> to vector<16xf32>
        %mul3A_966 = arith.constant 5.000000e+01 : f32
        %mul3A_967 = vector.broadcast %mul3A_966 : f32 to vector<16xf32>
        %mul3A_968 = arith.mulf %get3A_965, %mul3A_967 : vector<16xf32>
        %jit3A_969 = arith.constant -2.000000e+03 : f32
        %jit3A_970 = arith.constant 2.000000e+03 : f32
        %max3A_971 = vector.broadcast %jit3A_969 : f32 to vector<16xf32>
        %max3A_972 = arith.maximumf %max3A_971, %mul3A_968 : vector<16xf32>
        %min3A_973 = vector.broadcast %jit3A_970 : f32 to vector<16xf32>
        %min3A_974 = arith.minimumf %min3A_973, %max3A_972 : vector<16xf32>
        %add3A_975 = arith.constant 4 : i32
        %add3A_976 = arith.addi %add3A_975, %scan3A_451 : i32
        %swap3A_977 = arith.index_cast %add3A_976 : i32 to index
        %swap3A_978 = arith.constant 384 : index
        %swap3A_979 = tpu.vector_load %arg10[%swap3A_977, %swap3A_978] {strides = array<i32>} : memref<8x1000xf32, #tpu.memory_space<vmem>>, vector<1x16xf32>,
        %swap3A_980 = vector.shape_cast %swap3A_979 : vector<1x16xf32> to vector<16xf32>
        %swap3A_981 = vector.shape_cast %min3A_974 : vector<16xf32> to vector<1x16xf32>
        tpu.vector_store %arg10[%swap3A_977, %swap3A_978], %swap3A_981 {strides = array<i32>} : memref<8x1000xf32, #tpu.memory_space<vmem>>, vector<1x16xf32>,
        %get3A_982 = arith.index_cast %scan3A_451 : i32 to index
        %get3A_983 = arith.index_cast %squeeze3A_459 : i32 to index
        %get3A_984 = arith.constant 400 : index
        %get3A_985 = tpu.vector_load %arg9[%get3A_982, %get3A_983, %get3A_984] {strides = array<i32>} : memref<4x8x1000xf32, #tpu.memory_space<vmem>>, vector<1x1x16xf32>,
        %get3A_986 = vector.shape_cast %get3A_985 : vector<1x1x16xf32> to vector<16xf32>
        %mul3A_987 = arith.constant 5.000000e+01 : f32
        %mul3A_988 = vector.broadcast %mul3A_987 : f32 to vector<16xf32>
        %mul3A_989 = arith.mulf %get3A_986, %mul3A_988 : vector<16xf32>
        %jit3A_990 = arith.constant -2.000000e+03 : f32
        %jit3A_991 = arith.constant 2.000000e+03 : f32
        %max3A_992 = vector.broadcast %jit3A_990 : f32 to vector<16xf32>
        %max3A_993 = arith.maximumf %max3A_992, %mul3A_989 : vector<16xf32>
        %min3A_994 = vector.broadcast %jit3A_991 : f32 to vector<16xf32>
        %min3A_995 = arith.minimumf %min3A_994, %max3A_993 : vector<16xf32>
        %add3A_996 = arith.constant 4 : i32
        %add3A_997 = arith.addi %add3A_996, %scan3A_451 : i32
        %swap3A_998 = arith.index_cast %add3A_997 : i32 to index
        %swap3A_999 = arith.constant 400 : index
        %swap3A_1000 = tpu.vector_load %arg10[%swap3A_998, %swap3A_999] {strides = array<i32>} : memref<8x1000xf32, #tpu.memory_space<vmem>>, vector<1x16xf32>,
        %swap3A_1001 = vector.shape_cast %swap3A_1000 : vector<1x16xf32> to vector<16xf32>
        %swap3A_1002 = vector.shape_cast %min3A_995 : vector<16xf32> to vector<1x16xf32>
        tpu.vector_store %arg10[%swap3A_998, %swap3A_999], %swap3A_1002 {strides = array<i32>} : memref<8x1000xf32, #tpu.memory_space<vmem>>, vector<1x16xf32>,
        %get3A_1003 = arith.index_cast %scan3A_451 : i32 to index
        %get3A_1004 = arith.index_cast %squeeze3A_459 : i32 to index
        %get3A_1005 = arith.constant 416 : index
        %get3A_1006 = tpu.vector_load %arg9[%get3A_1003, %get3A_1004, %get3A_1005] {strides = array<i32>} : memref<4x8x1000xf32, #tpu.memory_space<vmem>>, vector<1x1x16xf32>,
        %get3A_1007 = vector.shape_cast %get3A_1006 : vector<1x1x16xf32> to vector<16xf32>
        %mul3A_1008 = arith.constant 5.000000e+01 : f32
        %mul3A_1009 = vector.broadcast %mul3A_1008 : f32 to vector<16xf32>
        %mul3A_1010 = arith.mulf %get3A_1007, %mul3A_1009 : vector<16xf32>
        %jit3A_1011 = arith.constant -2.000000e+03 : f32
        %jit3A_1012 = arith.constant 2.000000e+03 : f32
        %max3A_1013 = vector.broadcast %jit3A_1011 : f32 to vector<16xf32>
        %max3A_1014 = arith.maximumf %max3A_1013, %mul3A_1010 : vector<16xf32>
        %min3A_1015 = vector.broadcast %jit3A_1012 : f32 to vector<16xf32>
        %min3A_1016 = arith.minimumf %min3A_1015, %max3A_1014 : vector<16xf32>
        %add3A_1017 = arith.constant 4 : i32
        %add3A_1018 = arith.addi %add3A_1017, %scan3A_451 : i32
        %swap3A_1019 = arith.index_cast %add3A_1018 : i32 to index
        %swap3A_1020 = arith.constant 416 : index
        %swap3A_1021 = tpu.vector_load %arg10[%swap3A_1019, %swap3A_1020] {strides = array<i32>} : memref<8x1000xf32, #tpu.memory_space<vmem>>, vector<1x16xf32>,
        %swap3A_1022 = vector.shape_cast %swap3A_1021 : vector<1x16xf32> to vector<16xf32>
        %swap3A_1023 = vector.shape_cast %min3A_1016 : vector<16xf32> to vector<1x16xf32>
        tpu.vector_store %arg10[%swap3A_1019, %swap3A_1020], %swap3A_1023 {strides = array<i32>} : memref<8x1000xf32, #tpu.memory_space<vmem>>, vector<1x16xf32>,
        %get3A_1024 = arith.index_cast %scan3A_451 : i32 to index
        %get3A_1025 = arith.index_cast %squeeze3A_459 : i32 to index
        %get3A_1026 = arith.constant 432 : index
        %get3A_1027 = tpu.vector_load %arg9[%get3A_1024, %get3A_1025, %get3A_1026] {strides = array<i32>} : memref<4x8x1000xf32, #tpu.memory_space<vmem>>, vector<1x1x16xf32>,
        %get3A_1028 = vector.shape_cast %get3A_1027 : vector<1x1x16xf32> to vector<16xf32>
        %mul3A_1029 = arith.constant 5.000000e+01 : f32
        %mul3A_1030 = vector.broadcast %mul3A_1029 : f32 to vector<16xf32>
        %mul3A_1031 = arith.mulf %get3A_1028, %mul3A_1030 : vector<16xf32>
        %jit3A_1032 = arith.constant -2.000000e+03 : f32
        %jit3A_1033 = arith.constant 2.000000e+03 : f32
        %max3A_1034 = vector.broadcast %jit3A_1032 : f32 to vector<16xf32>
        %max3A_1035 = arith.maximumf %max3A_1034, %mul3A_1031 : vector<16xf32>
        %min3A_1036 = vector.broadcast %jit3A_1033 : f32 to vector<16xf32>
        %min3A_1037 = arith.minimumf %min3A_1036, %max3A_1035 : vector<16xf32>
        %add3A_1038 = arith.constant 4 : i32
        %add3A_1039 = arith.addi %add3A_1038, %scan3A_451 : i32
        %swap3A_1040 = arith.index_cast %add3A_1039 : i32 to index
        %swap3A_1041 = arith.constant 432 : index
        %swap3A_1042 = tpu.vector_load %arg10[%swap3A_1040, %swap3A_1041] {strides = array<i32>} : memref<8x1000xf32, #tpu.memory_space<vmem>>, vector<1x16xf32>,
        %swap3A_1043 = vector.shape_cast %swap3A_1042 : vector<1x16xf32> to vector<16xf32>
        %swap3A_1044 = vector.shape_cast %min3A_1037 : vector<16xf32> to vector<1x16xf32>
        tpu.vector_store %arg10[%swap3A_1040, %swap3A_1041], %swap3A_1044 {strides = array<i32>} : memref<8x1000xf32, #tpu.memory_space<vmem>>, vector<1x16xf32>,
        %get3A_1045 = arith.index_cast %scan3A_451 : i32 to index
        %get3A_1046 = arith.index_cast %squeeze3A_459 : i32 to index
        %get3A_1047 = arith.constant 448 : index
        %get3A_1048 = tpu.vector_load %arg9[%get3A_1045, %get3A_1046, %get3A_1047] {strides = array<i32>} : memref<4x8x1000xf32, #tpu.memory_space<vmem>>, vector<1x1x16xf32>,
        %get3A_1049 = vector.shape_cast %get3A_1048 : vector<1x1x16xf32> to vector<16xf32>
        %mul3A_1050 = arith.constant 5.000000e+01 : f32
        %mul3A_1051 = vector.broadcast %mul3A_1050 : f32 to vector<16xf32>
        %mul3A_1052 = arith.mulf %get3A_1049, %mul3A_1051 : vector<16xf32>
        %jit3A_1053 = arith.constant -2.000000e+03 : f32
        %jit3A_1054 = arith.constant 2.000000e+03 : f32
        %max3A_1055 = vector.broadcast %jit3A_1053 : f32 to vector<16xf32>
        %max3A_1056 = arith.maximumf %max3A_1055, %mul3A_1052 : vector<16xf32>
        %min3A_1057 = vector.broadcast %jit3A_1054 : f32 to vector<16xf32>
        %min3A_1058 = arith.minimumf %min3A_1057, %max3A_1056 : vector<16xf32>
        %add3A_1059 = arith.constant 4 : i32
        %add3A_1060 = arith.addi %add3A_1059, %scan3A_451 : i32
        %swap3A_1061 = arith.index_cast %add3A_1060 : i32 to index
        %swap3A_1062 = arith.constant 448 : index
        %swap3A_1063 = tpu.vector_load %arg10[%swap3A_1061, %swap3A_1062] {strides = array<i32>} : memref<8x1000xf32, #tpu.memory_space<vmem>>, vector<1x16xf32>,
        %swap3A_1064 = vector.shape_cast %swap3A_1063 : vector<1x16xf32> to vector<16xf32>
        %swap3A_1065 = vector.shape_cast %min3A_1058 : vector<16xf32> to vector<1x16xf32>
        tpu.vector_store %arg10[%swap3A_1061, %swap3A_1062], %swap3A_1065 {strides = array<i32>} : memref<8x1000xf32, #tpu.memory_space<vmem>>, vector<1x16xf32>,
        %get3A_1066 = arith.index_cast %scan3A_451 : i32 to index
        %get3A_1067 = arith.index_cast %squeeze3A_459 : i32 to index
        %get3A_1068 = arith.constant 464 : index
        %get3A_1069 = tpu.vector_load %arg9[%get3A_1066, %get3A_1067, %get3A_1068] {strides = array<i32>} : memref<4x8x1000xf32, #tpu.memory_space<vmem>>, vector<1x1x16xf32>,
        %get3A_1070 = vector.shape_cast %get3A_1069 : vector<1x1x16xf32> to vector<16xf32>
        %mul3A_1071 = arith.constant 5.000000e+01 : f32
        %mul3A_1072 = vector.broadcast %mul3A_1071 : f32 to vector<16xf32>
        %mul3A_1073 = arith.mulf %get3A_1070, %mul3A_1072 : vector<16xf32>
        %jit3A_1074 = arith.constant -2.000000e+03 : f32
        %jit3A_1075 = arith.constant 2.000000e+03 : f32
        %max3A_1076 = vector.broadcast %jit3A_1074 : f32 to vector<16xf32>
        %max3A_1077 = arith.maximumf %max3A_1076, %mul3A_1073 : vector<16xf32>
        %min3A_1078 = vector.broadcast %jit3A_1075 : f32 to vector<16xf32>
        %min3A_1079 = arith.minimumf %min3A_1078, %max3A_1077 : vector<16xf32>
        %add3A_1080 = arith.constant 4 : i32
        %add3A_1081 = arith.addi %add3A_1080, %scan3A_451 : i32
        %swap3A_1082 = arith.index_cast %add3A_1081 : i32 to index
        %swap3A_1083 = arith.constant 464 : index
        %swap3A_1084 = tpu.vector_load %arg10[%swap3A_1082, %swap3A_1083] {strides = array<i32>} : memref<8x1000xf32, #tpu.memory_space<vmem>>, vector<1x16xf32>,
        %swap3A_1085 = vector.shape_cast %swap3A_1084 : vector<1x16xf32> to vector<16xf32>
        %swap3A_1086 = vector.shape_cast %min3A_1079 : vector<16xf32> to vector<1x16xf32>
        tpu.vector_store %arg10[%swap3A_1082, %swap3A_1083], %swap3A_1086 {strides = array<i32>} : memref<8x1000xf32, #tpu.memory_space<vmem>>, vector<1x16xf32>,
        %get3A_1087 = arith.index_cast %scan3A_451 : i32 to index
        %get3A_1088 = arith.index_cast %squeeze3A_459 : i32 to index
        %get3A_1089 = arith.constant 480 : index
        %get3A_1090 = tpu.vector_load %arg9[%get3A_1087, %get3A_1088, %get3A_1089] {strides = array<i32>} : memref<4x8x1000xf32, #tpu.memory_space<vmem>>, vector<1x1x16xf32>,
        %get3A_1091 = vector.shape_cast %get3A_1090 : vector<1x1x16xf32> to vector<16xf32>
        %mul3A_1092 = arith.constant 5.000000e+01 : f32
        %mul3A_1093 = vector.broadcast %mul3A_1092 : f32 to vector<16xf32>
        %mul3A_1094 = arith.mulf %get3A_1091, %mul3A_1093 : vector<16xf32>
        %jit3A_1095 = arith.constant -2.000000e+03 : f32
        %jit3A_1096 = arith.constant 2.000000e+03 : f32
        %max3A_1097 = vector.broadcast %jit3A_1095 : f32 to vector<16xf32>
        %max3A_1098 = arith.maximumf %max3A_1097, %mul3A_1094 : vector<16xf32>
        %min3A_1099 = vector.broadcast %jit3A_1096 : f32 to vector<16xf32>
        %min3A_1100 = arith.minimumf %min3A_1099, %max3A_1098 : vector<16xf32>
        %add3A_1101 = arith.constant 4 : i32
        %add3A_1102 = arith.addi %add3A_1101, %scan3A_451 : i32
        %swap3A_1103 = arith.index_cast %add3A_1102 : i32 to index
        %swap3A_1104 = arith.constant 480 : index
        %swap3A_1105 = tpu.vector_load %arg10[%swap3A_1103, %swap3A_1104] {strides = array<i32>} : memref<8x1000xf32, #tpu.memory_space<vmem>>, vector<1x16xf32>,
        %swap3A_1106 = vector.shape_cast %swap3A_1105 : vector<1x16xf32> to vector<16xf32>
        %swap3A_1107 = vector.shape_cast %min3A_1100 : vector<16xf32> to vector<1x16xf32>
        tpu.vector_store %arg10[%swap3A_1103, %swap3A_1104], %swap3A_1107 {strides = array<i32>} : memref<8x1000xf32, #tpu.memory_space<vmem>>, vector<1x16xf32>,
        %get3A_1108 = arith.index_cast %scan3A_451 : i32 to index
        %get3A_1109 = arith.index_cast %squeeze3A_459 : i32 to index
        %get3A_1110 = arith.constant 496 : index
        %get3A_1111 = tpu.vector_load %arg9[%get3A_1108, %get3A_1109, %get3A_1110] {strides = array<i32>} : memref<4x8x1000xf32, #tpu.memory_space<vmem>>, vector<1x1x16xf32>,
        %get3A_1112 = vector.shape_cast %get3A_1111 : vector<1x1x16xf32> to vector<16xf32>
        %mul3A_1113 = arith.constant 5.000000e+01 : f32
        %mul3A_1114 = vector.broadcast %mul3A_1113 : f32 to vector<16xf32>
        %mul3A_1115 = arith.mulf %get3A_1112, %mul3A_1114 : vector<16xf32>
        %jit3A_1116 = arith.constant -2.000000e+03 : f32
        %jit3A_1117 = arith.constant 2.000000e+03 : f32
        %max3A_1118 = vector.broadcast %jit3A_1116 : f32 to vector<16xf32>
        %max3A_1119 = arith.maximumf %max3A_1118, %mul3A_1115 : vector<16xf32>
        %min3A_1120 = vector.broadcast %jit3A_1117 : f32 to vector<16xf32>
        %min3A_1121 = arith.minimumf %min3A_1120, %max3A_1119 : vector<16xf32>
        %add3A_1122 = arith.constant 4 : i32
        %add3A_1123 = arith.addi %add3A_1122, %scan3A_451 : i32
        %swap3A_1124 = arith.index_cast %add3A_1123 : i32 to index
        %swap3A_1125 = arith.constant 496 : index
        %swap3A_1126 = tpu.vector_load %arg10[%swap3A_1124, %swap3A_1125] {strides = array<i32>} : memref<8x1000xf32, #tpu.memory_space<vmem>>, vector<1x16xf32>,
        %swap3A_1127 = vector.shape_cast %swap3A_1126 : vector<1x16xf32> to vector<16xf32>
        %swap3A_1128 = vector.shape_cast %min3A_1121 : vector<16xf32> to vector<1x16xf32>
        tpu.vector_store %arg10[%swap3A_1124, %swap3A_1125], %swap3A_1128 {strides = array<i32>} : memref<8x1000xf32, #tpu.memory_space<vmem>>, vector<1x16xf32>,
        %get3A_1129 = arith.index_cast %scan3A_451 : i32 to index
        %get3A_1130 = arith.index_cast %squeeze3A_459 : i32 to index
        %get3A_1131 = arith.constant 512 : index
        %get3A_1132 = tpu.vector_load %arg9[%get3A_1129, %get3A_1130, %get3A_1131] {strides = array<i32>} : memref<4x8x1000xf32, #tpu.memory_space<vmem>>, vector<1x1x16xf32>,
        %get3A_1133 = vector.shape_cast %get3A_1132 : vector<1x1x16xf32> to vector<16xf32>
        %mul3A_1134 = arith.constant 5.000000e+01 : f32
        %mul3A_1135 = vector.broadcast %mul3A_1134 : f32 to vector<16xf32>
        %mul3A_1136 = arith.mulf %get3A_1133, %mul3A_1135 : vector<16xf32>
        %jit3A_1137 = arith.constant -2.000000e+03 : f32
        %jit3A_1138 = arith.constant 2.000000e+03 : f32
        %max3A_1139 = vector.broadcast %jit3A_1137 : f32 to vector<16xf32>
        %max3A_1140 = arith.maximumf %max3A_1139, %mul3A_1136 : vector<16xf32>
        %min3A_1141 = vector.broadcast %jit3A_1138 : f32 to vector<16xf32>
        %min3A_1142 = arith.minimumf %min3A_1141, %max3A_1140 : vector<16xf32>
        %add3A_1143 = arith.constant 4 : i32
        %add3A_1144 = arith.addi %add3A_1143, %scan3A_451 : i32
        %swap3A_1145 = arith.index_cast %add3A_1144 : i32 to index
        %swap3A_1146 = arith.constant 512 : index
        %swap3A_1147 = tpu.vector_load %arg10[%swap3A_1145, %swap3A_1146] {strides = array<i32>} : memref<8x1000xf32, #tpu.memory_space<vmem>>, vector<1x16xf32>,
        %swap3A_1148 = vector.shape_cast %swap3A_1147 : vector<1x16xf32> to vector<16xf32>
        %swap3A_1149 = vector.shape_cast %min3A_1142 : vector<16xf32> to vector<1x16xf32>
        tpu.vector_store %arg10[%swap3A_1145, %swap3A_1146], %swap3A_1149 {strides = array<i32>} : memref<8x1000xf32, #tpu.memory_space<vmem>>, vector<1x16xf32>,
        %get3A_1150 = arith.index_cast %scan3A_451 : i32 to index
        %get3A_1151 = arith.index_cast %squeeze3A_459 : i32 to index
        %get3A_1152 = arith.constant 528 : index
        %get3A_1153 = tpu.vector_load %arg9[%get3A_1150, %get3A_1151, %get3A_1152] {strides = array<i32>} : memref<4x8x1000xf32, #tpu.memory_space<vmem>>, vector<1x1x16xf32>,
        %get3A_1154 = vector.shape_cast %get3A_1153 : vector<1x1x16xf32> to vector<16xf32>
        %mul3A_1155 = arith.constant 5.000000e+01 : f32
        %mul3A_1156 = vector.broadcast %mul3A_1155 : f32 to vector<16xf32>
        %mul3A_1157 = arith.mulf %get3A_1154, %mul3A_1156 : vector<16xf32>
        %jit3A_1158 = arith.constant -2.000000e+03 : f32
        %jit3A_1159 = arith.constant 2.000000e+03 : f32
        %max3A_1160 = vector.broadcast %jit3A_1158 : f32 to vector<16xf32>
        %max3A_1161 = arith.maximumf %max3A_1160, %mul3A_1157 : vector<16xf32>
        %min3A_1162 = vector.broadcast %jit3A_1159 : f32 to vector<16xf32>
        %min3A_1163 = arith.minimumf %min3A_1162, %max3A_1161 : vector<16xf32>
        %add3A_1164 = arith.constant 4 : i32
        %add3A_1165 = arith.addi %add3A_1164, %scan3A_451 : i32
        %swap3A_1166 = arith.index_cast %add3A_1165 : i32 to index
        %swap3A_1167 = arith.constant 528 : index
        %swap3A_1168 = tpu.vector_load %arg10[%swap3A_1166, %swap3A_1167] {strides = array<i32>} : memref<8x1000xf32, #tpu.memory_space<vmem>>, vector<1x16xf32>,
        %swap3A_1169 = vector.shape_cast %swap3A_1168 : vector<1x16xf32> to vector<16xf32>
        %swap3A_1170 = vector.shape_cast %min3A_1163 : vector<16xf32> to vector<1x16xf32>
        tpu.vector_store %arg10[%swap3A_1166, %swap3A_1167], %swap3A_1170 {strides = array<i32>} : memref<8x1000xf32, #tpu.memory_space<vmem>>, vector<1x16xf32>,
        %get3A_1171 = arith.index_cast %scan3A_451 : i32 to index
        %get3A_1172 = arith.index_cast %squeeze3A_459 : i32 to index
        %get3A_1173 = arith.constant 544 : index
        %get3A_1174 = tpu.vector_load %arg9[%get3A_1171, %get3A_1172, %get3A_1173] {strides = array<i32>} : memref<4x8x1000xf32, #tpu.memory_space<vmem>>, vector<1x1x16xf32>,
        %get3A_1175 = vector.shape_cast %get3A_1174 : vector<1x1x16xf32> to vector<16xf32>
        %mul3A_1176 = arith.constant 5.000000e+01 : f32
        %mul3A_1177 = vector.broadcast %mul3A_1176 : f32 to vector<16xf32>
        %mul3A_1178 = arith.mulf %get3A_1175, %mul3A_1177 : vector<16xf32>
        %jit3A_1179 = arith.constant -2.000000e+03 : f32
        %jit3A_1180 = arith.constant 2.000000e+03 : f32
        %max3A_1181 = vector.broadcast %jit3A_1179 : f32 to vector<16xf32>
        %max3A_1182 = arith.maximumf %max3A_1181, %mul3A_1178 : vector<16xf32>
        %min3A_1183 = vector.broadcast %jit3A_1180 : f32 to vector<16xf32>
        %min3A_1184 = arith.minimumf %min3A_1183, %max3A_1182 : vector<16xf32>
        %add3A_1185 = arith.constant 4 : i32
        %add3A_1186 = arith.addi %add3A_1185, %scan3A_451 : i32
        %swap3A_1187 = arith.index_cast %add3A_1186 : i32 to index
        %swap3A_1188 = arith.constant 544 : index
        %swap3A_1189 = tpu.vector_load %arg10[%swap3A_1187, %swap3A_1188] {strides = array<i32>} : memref<8x1000xf32, #tpu.memory_space<vmem>>, vector<1x16xf32>,
        %swap3A_1190 = vector.shape_cast %swap3A_1189 : vector<1x16xf32> to vector<16xf32>
        %swap3A_1191 = vector.shape_cast %min3A_1184 : vector<16xf32> to vector<1x16xf32>
        tpu.vector_store %arg10[%swap3A_1187, %swap3A_1188], %swap3A_1191 {strides = array<i32>} : memref<8x1000xf32, #tpu.memory_space<vmem>>, vector<1x16xf32>,
        %get3A_1192 = arith.index_cast %scan3A_451 : i32 to index
        %get3A_1193 = arith.index_cast %squeeze3A_459 : i32 to index
        %get3A_1194 = arith.constant 560 : index
        %get3A_1195 = tpu.vector_load %arg9[%get3A_1192, %get3A_1193, %get3A_1194] {strides = array<i32>} : memref<4x8x1000xf32, #tpu.memory_space<vmem>>, vector<1x1x16xf32>,
        %get3A_1196 = vector.shape_cast %get3A_1195 : vector<1x1x16xf32> to vector<16xf32>
        %mul3A_1197 = arith.constant 5.000000e+01 : f32
        %mul3A_1198 = vector.broadcast %mul3A_1197 : f32 to vector<16xf32>
        %mul3A_1199 = arith.mulf %get3A_1196, %mul3A_1198 : vector<16xf32>
        %jit3A_1200 = arith.constant -2.000000e+03 : f32
        %jit3A_1201 = arith.constant 2.000000e+03 : f32
        %max3A_1202 = vector.broadcast %jit3A_1200 : f32 to vector<16xf32>
        %max3A_1203 = arith.maximumf %max3A_1202, %mul3A_1199 : vector<16xf32>
        %min3A_1204 = vector.broadcast %jit3A_1201 : f32 to vector<16xf32>
        %min3A_1205 = arith.minimumf %min3A_1204, %max3A_1203 : vector<16xf32>
        %add3A_1206 = arith.constant 4 : i32
        %add3A_1207 = arith.addi %add3A_1206, %scan3A_451 : i32
        %swap3A_1208 = arith.index_cast %add3A_1207 : i32 to index
        %swap3A_1209 = arith.constant 560 : index
        %swap3A_1210 = tpu.vector_load %arg10[%swap3A_1208, %swap3A_1209] {strides = array<i32>} : memref<8x1000xf32, #tpu.memory_space<vmem>>, vector<1x16xf32>,
        %swap3A_1211 = vector.shape_cast %swap3A_1210 : vector<1x16xf32> to vector<16xf32>
        %swap3A_1212 = vector.shape_cast %min3A_1205 : vector<16xf32> to vector<1x16xf32>
        tpu.vector_store %arg10[%swap3A_1208, %swap3A_1209], %swap3A_1212 {strides = array<i32>} : memref<8x1000xf32, #tpu.memory_space<vmem>>, vector<1x16xf32>,
        %get3A_1213 = arith.index_cast %scan3A_451 : i32 to index
        %get3A_1214 = arith.index_cast %squeeze3A_459 : i32 to index
        %get3A_1215 = arith.constant 576 : index
        %get3A_1216 = tpu.vector_load %arg9[%get3A_1213, %get3A_1214, %get3A_1215] {strides = array<i32>} : memref<4x8x1000xf32, #tpu.memory_space<vmem>>, vector<1x1x16xf32>,
        %get3A_1217 = vector.shape_cast %get3A_1216 : vector<1x1x16xf32> to vector<16xf32>
        %mul3A_1218 = arith.constant 5.000000e+01 : f32
        %mul3A_1219 = vector.broadcast %mul3A_1218 : f32 to vector<16xf32>
        %mul3A_1220 = arith.mulf %get3A_1217, %mul3A_1219 : vector<16xf32>
        %jit3A_1221 = arith.constant -2.000000e+03 : f32
        %jit3A_1222 = arith.constant 2.000000e+03 : f32
        %max3A_1223 = vector.broadcast %jit3A_1221 : f32 to vector<16xf32>
        %max3A_1224 = arith.maximumf %max3A_1223, %mul3A_1220 : vector<16xf32>
        %min3A_1225 = vector.broadcast %jit3A_1222 : f32 to vector<16xf32>
        %min3A_1226 = arith.minimumf %min3A_1225, %max3A_1224 : vector<16xf32>
        %add3A_1227 = arith.constant 4 : i32
        %add3A_1228 = arith.addi %add3A_1227, %scan3A_451 : i32
        %swap3A_1229 = arith.index_cast %add3A_1228 : i32 to index
        %swap3A_1230 = arith.constant 576 : index
        %swap3A_1231 = tpu.vector_load %arg10[%swap3A_1229, %swap3A_1230] {strides = array<i32>} : memref<8x1000xf32, #tpu.memory_space<vmem>>, vector<1x16xf32>,
        %swap3A_1232 = vector.shape_cast %swap3A_1231 : vector<1x16xf32> to vector<16xf32>
        %swap3A_1233 = vector.shape_cast %min3A_1226 : vector<16xf32> to vector<1x16xf32>
        tpu.vector_store %arg10[%swap3A_1229, %swap3A_1230], %swap3A_1233 {strides = array<i32>} : memref<8x1000xf32, #tpu.memory_space<vmem>>, vector<1x16xf32>,
        %get3A_1234 = arith.index_cast %scan3A_451 : i32 to index
        %get3A_1235 = arith.index_cast %squeeze3A_459 : i32 to index
        %get3A_1236 = arith.constant 592 : index
        %get3A_1237 = tpu.vector_load %arg9[%get3A_1234, %get3A_1235, %get3A_1236] {strides = array<i32>} : memref<4x8x1000xf32, #tpu.memory_space<vmem>>, vector<1x1x16xf32>,
        %get3A_1238 = vector.shape_cast %get3A_1237 : vector<1x1x16xf32> to vector<16xf32>
        %mul3A_1239 = arith.constant 5.000000e+01 : f32
        %mul3A_1240 = vector.broadcast %mul3A_1239 : f32 to vector<16xf32>
        %mul3A_1241 = arith.mulf %get3A_1238, %mul3A_1240 : vector<16xf32>
        %jit3A_1242 = arith.constant -2.000000e+03 : f32
        %jit3A_1243 = arith.constant 2.000000e+03 : f32
        %max3A_1244 = vector.broadcast %jit3A_1242 : f32 to vector<16xf32>
        %max3A_1245 = arith.maximumf %max3A_1244, %mul3A_1241 : vector<16xf32>
        %min3A_1246 = vector.broadcast %jit3A_1243 : f32 to vector<16xf32>
        %min3A_1247 = arith.minimumf %min3A_1246, %max3A_1245 : vector<16xf32>
        %add3A_1248 = arith.constant 4 : i32
        %add3A_1249 = arith.addi %add3A_1248, %scan3A_451 : i32
        %swap3A_1250 = arith.index_cast %add3A_1249 : i32 to index
        %swap3A_1251 = arith.constant 592 : index
        %swap3A_1252 = tpu.vector_load %arg10[%swap3A_1250, %swap3A_1251] {strides = array<i32>} : memref<8x1000xf32, #tpu.memory_space<vmem>>, vector<1x16xf32>,
        %swap3A_1253 = vector.shape_cast %swap3A_1252 : vector<1x16xf32> to vector<16xf32>
        %swap3A_1254 = vector.shape_cast %min3A_1247 : vector<16xf32> to vector<1x16xf32>
        tpu.vector_store %arg10[%swap3A_1250, %swap3A_1251], %swap3A_1254 {strides = array<i32>} : memref<8x1000xf32, #tpu.memory_space<vmem>>, vector<1x16xf32>,
        %get3A_1255 = arith.index_cast %scan3A_451 : i32 to index
        %get3A_1256 = arith.index_cast %squeeze3A_459 : i32 to index
        %get3A_1257 = arith.constant 608 : index
        %get3A_1258 = tpu.vector_load %arg9[%get3A_1255, %get3A_1256, %get3A_1257] {strides = array<i32>} : memref<4x8x1000xf32, #tpu.memory_space<vmem>>, vector<1x1x16xf32>,
        %get3A_1259 = vector.shape_cast %get3A_1258 : vector<1x1x16xf32> to vector<16xf32>
        %mul3A_1260 = arith.constant 5.000000e+01 : f32
        %mul3A_1261 = vector.broadcast %mul3A_1260 : f32 to vector<16xf32>
        %mul3A_1262 = arith.mulf %get3A_1259, %mul3A_1261 : vector<16xf32>
        %jit3A_1263 = arith.constant -2.000000e+03 : f32
        %jit3A_1264 = arith.constant 2.000000e+03 : f32
        %max3A_1265 = vector.broadcast %jit3A_1263 : f32 to vector<16xf32>
        %max3A_1266 = arith.maximumf %max3A_1265, %mul3A_1262 : vector<16xf32>
        %min3A_1267 = vector.broadcast %jit3A_1264 : f32 to vector<16xf32>
        %min3A_1268 = arith.minimumf %min3A_1267, %max3A_1266 : vector<16xf32>
        %add3A_1269 = arith.constant 4 : i32
        %add3A_1270 = arith.addi %add3A_1269, %scan3A_451 : i32
        %swap3A_1271 = arith.index_cast %add3A_1270 : i32 to index
        %swap3A_1272 = arith.constant 608 : index
        %swap3A_1273 = tpu.vector_load %arg10[%swap3A_1271, %swap3A_1272] {strides = array<i32>} : memref<8x1000xf32, #tpu.memory_space<vmem>>, vector<1x16xf32>,
        %swap3A_1274 = vector.shape_cast %swap3A_1273 : vector<1x16xf32> to vector<16xf32>
        %swap3A_1275 = vector.shape_cast %min3A_1268 : vector<16xf32> to vector<1x16xf32>
        tpu.vector_store %arg10[%swap3A_1271, %swap3A_1272], %swap3A_1275 {strides = array<i32>} : memref<8x1000xf32, #tpu.memory_space<vmem>>, vector<1x16xf32>,
        %get3A_1276 = arith.index_cast %scan3A_451 : i32 to index
        %get3A_1277 = arith.index_cast %squeeze3A_459 : i32 to index
        %get3A_1278 = arith.constant 624 : index
        %get3A_1279 = tpu.vector_load %arg9[%get3A_1276, %get3A_1277, %get3A_1278] {strides = array<i32>} : memref<4x8x1000xf32, #tpu.memory_space<vmem>>, vector<1x1x16xf32>,
        %get3A_1280 = vector.shape_cast %get3A_1279 : vector<1x1x16xf32> to vector<16xf32>
        %mul3A_1281 = arith.constant 5.000000e+01 : f32
        %mul3A_1282 = vector.broadcast %mul3A_1281 : f32 to vector<16xf32>
        %mul3A_1283 = arith.mulf %get3A_1280, %mul3A_1282 : vector<16xf32>
        %jit3A_1284 = arith.constant -2.000000e+03 : f32
        %jit3A_1285 = arith.constant 2.000000e+03 : f32
        %max3A_1286 = vector.broadcast %jit3A_1284 : f32 to vector<16xf32>
        %max3A_1287 = arith.maximumf %max3A_1286, %mul3A_1283 : vector<16xf32>
        %min3A_1288 = vector.broadcast %jit3A_1285 : f32 to vector<16xf32>
        %min3A_1289 = arith.minimumf %min3A_1288, %max3A_1287 : vector<16xf32>
        %add3A_1290 = arith.constant 4 : i32
        %add3A_1291 = arith.addi %add3A_1290, %scan3A_451 : i32
        %swap3A_1292 = arith.index_cast %add3A_1291 : i32 to index
        %swap3A_1293 = arith.constant 624 : index
        %swap3A_1294 = tpu.vector_load %arg10[%swap3A_1292, %swap3A_1293] {strides = array<i32>} : memref<8x1000xf32, #tpu.memory_space<vmem>>, vector<1x16xf32>,
        %swap3A_1295 = vector.shape_cast %swap3A_1294 : vector<1x16xf32> to vector<16xf32>
        %swap3A_1296 = vector.shape_cast %min3A_1289 : vector<16xf32> to vector<1x16xf32>
        tpu.vector_store %arg10[%swap3A_1292, %swap3A_1293], %swap3A_1296 {strides = array<i32>} : memref<8x1000xf32, #tpu.memory_space<vmem>>, vector<1x16xf32>,
        %get3A_1297 = arith.index_cast %scan3A_451 : i32 to index
        %get3A_1298 = arith.index_cast %squeeze3A_459 : i32 to index
        %get3A_1299 = arith.constant 640 : index
        %get3A_1300 = tpu.vector_load %arg9[%get3A_1297, %get3A_1298, %get3A_1299] {strides = array<i32>} : memref<4x8x1000xf32, #tpu.memory_space<vmem>>, vector<1x1x16xf32>,
        %get3A_1301 = vector.shape_cast %get3A_1300 : vector<1x1x16xf32> to vector<16xf32>
        %mul3A_1302 = arith.constant 5.000000e+01 : f32
        %mul3A_1303 = vector.broadcast %mul3A_1302 : f32 to vector<16xf32>
        %mul3A_1304 = arith.mulf %get3A_1301, %mul3A_1303 : vector<16xf32>
        %jit3A_1305 = arith.constant -2.000000e+03 : f32
        %jit3A_1306 = arith.constant 2.000000e+03 : f32
        %max3A_1307 = vector.broadcast %jit3A_1305 : f32 to vector<16xf32>
        %max3A_1308 = arith.maximumf %max3A_1307, %mul3A_1304 : vector<16xf32>
        %min3A_1309 = vector.broadcast %jit3A_1306 : f32 to vector<16xf32>
        %min3A_1310 = arith.minimumf %min3A_1309, %max3A_1308 : vector<16xf32>
        %add3A_1311 = arith.constant 4 : i32
        %add3A_1312 = arith.addi %add3A_1311, %scan3A_451 : i32
        %swap3A_1313 = arith.index_cast %add3A_1312 : i32 to index
        %swap3A_1314 = arith.constant 640 : index
        %swap3A_1315 = tpu.vector_load %arg10[%swap3A_1313, %swap3A_1314] {strides = array<i32>} : memref<8x1000xf32, #tpu.memory_space<vmem>>, vector<1x16xf32>,
        %swap3A_1316 = vector.shape_cast %swap3A_1315 : vector<1x16xf32> to vector<16xf32>
        %swap3A_1317 = vector.shape_cast %min3A_1310 : vector<16xf32> to vector<1x16xf32>
        tpu.vector_store %arg10[%swap3A_1313, %swap3A_1314], %swap3A_1317 {strides = array<i32>} : memref<8x1000xf32, #tpu.memory_space<vmem>>, vector<1x16xf32>,
        %get3A_1318 = arith.index_cast %scan3A_451 : i32 to index
        %get3A_1319 = arith.index_cast %squeeze3A_459 : i32 to index
        %get3A_1320 = arith.constant 656 : index
        %get3A_1321 = tpu.vector_load %arg9[%get3A_1318, %get3A_1319, %get3A_1320] {strides = array<i32>} : memref<4x8x1000xf32, #tpu.memory_space<vmem>>, vector<1x1x16xf32>,
        %get3A_1322 = vector.shape_cast %get3A_1321 : vector<1x1x16xf32> to vector<16xf32>
        %mul3A_1323 = arith.constant 5.000000e+01 : f32
        %mul3A_1324 = vector.broadcast %mul3A_1323 : f32 to vector<16xf32>
        %mul3A_1325 = arith.mulf %get3A_1322, %mul3A_1324 : vector<16xf32>
        %jit3A_1326 = arith.constant -2.000000e+03 : f32
        %jit3A_1327 = arith.constant 2.000000e+03 : f32
        %max3A_1328 = vector.broadcast %jit3A_1326 : f32 to vector<16xf32>
        %max3A_1329 = arith.maximumf %max3A_1328, %mul3A_1325 : vector<16xf32>
        %min3A_1330 = vector.broadcast %jit3A_1327 : f32 to vector<16xf32>
        %min3A_1331 = arith.minimumf %min3A_1330, %max3A_1329 : vector<16xf32>
        %add3A_1332 = arith.constant 4 : i32
        %add3A_1333 = arith.addi %add3A_1332, %scan3A_451 : i32
        %swap3A_1334 = arith.index_cast %add3A_1333 : i32 to index
        %swap3A_1335 = arith.constant 656 : index
        %swap3A_1336 = tpu.vector_load %arg10[%swap3A_1334, %swap3A_1335] {strides = array<i32>} : memref<8x1000xf32, #tpu.memory_space<vmem>>, vector<1x16xf32>,
        %swap3A_1337 = vector.shape_cast %swap3A_1336 : vector<1x16xf32> to vector<16xf32>
        %swap3A_1338 = vector.shape_cast %min3A_1331 : vector<16xf32> to vector<1x16xf32>
        tpu.vector_store %arg10[%swap3A_1334, %swap3A_1335], %swap3A_1338 {strides = array<i32>} : memref<8x1000xf32, #tpu.memory_space<vmem>>, vector<1x16xf32>,
        %get3A_1339 = arith.index_cast %scan3A_451 : i32 to index
        %get3A_1340 = arith.index_cast %squeeze3A_459 : i32 to index
        %get3A_1341 = arith.constant 672 : index
        %get3A_1342 = tpu.vector_load %arg9[%get3A_1339, %get3A_1340, %get3A_1341] {strides = array<i32>} : memref<4x8x1000xf32, #tpu.memory_space<vmem>>, vector<1x1x16xf32>,
        %get3A_1343 = vector.shape_cast %get3A_1342 : vector<1x1x16xf32> to vector<16xf32>
        %mul3A_1344 = arith.constant 5.000000e+01 : f32
        %mul3A_1345 = vector.broadcast %mul3A_1344 : f32 to vector<16xf32>
        %mul3A_1346 = arith.mulf %get3A_1343, %mul3A_1345 : vector<16xf32>
        %jit3A_1347 = arith.constant -2.000000e+03 : f32
        %jit3A_1348 = arith.constant 2.000000e+03 : f32
        %max3A_1349 = vector.broadcast %jit3A_1347 : f32 to vector<16xf32>
        %max3A_1350 = arith.maximumf %max3A_1349, %mul3A_1346 : vector<16xf32>
        %min3A_1351 = vector.broadcast %jit3A_1348 : f32 to vector<16xf32>
        %min3A_1352 = arith.minimumf %min3A_1351, %max3A_1350 : vector<16xf32>
        %add3A_1353 = arith.constant 4 : i32
        %add3A_1354 = arith.addi %add3A_1353, %scan3A_451 : i32
        %swap3A_1355 = arith.index_cast %add3A_1354 : i32 to index
        %swap3A_1356 = arith.constant 672 : index
        %swap3A_1357 = tpu.vector_load %arg10[%swap3A_1355, %swap3A_1356] {strides = array<i32>} : memref<8x1000xf32, #tpu.memory_space<vmem>>, vector<1x16xf32>,
        %swap3A_1358 = vector.shape_cast %swap3A_1357 : vector<1x16xf32> to vector<16xf32>
        %swap3A_1359 = vector.shape_cast %min3A_1352 : vector<16xf32> to vector<1x16xf32>
        tpu.vector_store %arg10[%swap3A_1355, %swap3A_1356], %swap3A_1359 {strides = array<i32>} : memref<8x1000xf32, #tpu.memory_space<vmem>>, vector<1x16xf32>,
        %get3A_1360 = arith.index_cast %scan3A_451 : i32 to index
        %get3A_1361 = arith.index_cast %squeeze3A_459 : i32 to index
        %get3A_1362 = arith.constant 688 : index
        %get3A_1363 = tpu.vector_load %arg9[%get3A_1360, %get3A_1361, %get3A_1362] {strides = array<i32>} : memref<4x8x1000xf32, #tpu.memory_space<vmem>>, vector<1x1x16xf32>,
        %get3A_1364 = vector.shape_cast %get3A_1363 : vector<1x1x16xf32> to vector<16xf32>
        %mul3A_1365 = arith.constant 5.000000e+01 : f32
        %mul3A_1366 = vector.broadcast %mul3A_1365 : f32 to vector<16xf32>
        %mul3A_1367 = arith.mulf %get3A_1364, %mul3A_1366 : vector<16xf32>
        %jit3A_1368 = arith.constant -2.000000e+03 : f32
        %jit3A_1369 = arith.constant 2.000000e+03 : f32
        %max3A_1370 = vector.broadcast %jit3A_1368 : f32 to vector<16xf32>
        %max3A_1371 = arith.maximumf %max3A_1370, %mul3A_1367 : vector<16xf32>
        %min3A_1372 = vector.broadcast %jit3A_1369 : f32 to vector<16xf32>
        %min3A_1373 = arith.minimumf %min3A_1372, %max3A_1371 : vector<16xf32>
        %add3A_1374 = arith.constant 4 : i32
        %add3A_1375 = arith.addi %add3A_1374, %scan3A_451 : i32
        %swap3A_1376 = arith.index_cast %add3A_1375 : i32 to index
        %swap3A_1377 = arith.constant 688 : index
        %swap3A_1378 = tpu.vector_load %arg10[%swap3A_1376, %swap3A_1377] {strides = array<i32>} : memref<8x1000xf32, #tpu.memory_space<vmem>>, vector<1x16xf32>,
        %swap3A_1379 = vector.shape_cast %swap3A_1378 : vector<1x16xf32> to vector<16xf32>
        %swap3A_1380 = vector.shape_cast %min3A_1373 : vector<16xf32> to vector<1x16xf32>
        tpu.vector_store %arg10[%swap3A_1376, %swap3A_1377], %swap3A_1380 {strides = array<i32>} : memref<8x1000xf32, #tpu.memory_space<vmem>>, vector<1x16xf32>,
        %get3A_1381 = arith.index_cast %scan3A_451 : i32 to index
        %get3A_1382 = arith.index_cast %squeeze3A_459 : i32 to index
        %get3A_1383 = arith.constant 704 : index
        %get3A_1384 = tpu.vector_load %arg9[%get3A_1381, %get3A_1382, %get3A_1383] {strides = array<i32>} : memref<4x8x1000xf32, #tpu.memory_space<vmem>>, vector<1x1x16xf32>,
        %get3A_1385 = vector.shape_cast %get3A_1384 : vector<1x1x16xf32> to vector<16xf32>
        %mul3A_1386 = arith.constant 5.000000e+01 : f32
        %mul3A_1387 = vector.broadcast %mul3A_1386 : f32 to vector<16xf32>
        %mul3A_1388 = arith.mulf %get3A_1385, %mul3A_1387 : vector<16xf32>
        %jit3A_1389 = arith.constant -2.000000e+03 : f32
        %jit3A_1390 = arith.constant 2.000000e+03 : f32
        %max3A_1391 = vector.broadcast %jit3A_1389 : f32 to vector<16xf32>
        %max3A_1392 = arith.maximumf %max3A_1391, %mul3A_1388 : vector<16xf32>
        %min3A_1393 = vector.broadcast %jit3A_1390 : f32 to vector<16xf32>
        %min3A_1394 = arith.minimumf %min3A_1393, %max3A_1392 : vector<16xf32>
        %add3A_1395 = arith.constant 4 : i32
        %add3A_1396 = arith.addi %add3A_1395, %scan3A_451 : i32
        %swap3A_1397 = arith.index_cast %add3A_1396 : i32 to index
        %swap3A_1398 = arith.constant 704 : index
        %swap3A_1399 = tpu.vector_load %arg10[%swap3A_1397, %swap3A_1398] {strides = array<i32>} : memref<8x1000xf32, #tpu.memory_space<vmem>>, vector<1x16xf32>,
        %swap3A_1400 = vector.shape_cast %swap3A_1399 : vector<1x16xf32> to vector<16xf32>
        %swap3A_1401 = vector.shape_cast %min3A_1394 : vector<16xf32> to vector<1x16xf32>
        tpu.vector_store %arg10[%swap3A_1397, %swap3A_1398], %swap3A_1401 {strides = array<i32>} : memref<8x1000xf32, #tpu.memory_space<vmem>>, vector<1x16xf32>,
        %get3A_1402 = arith.index_cast %scan3A_451 : i32 to index
        %get3A_1403 = arith.index_cast %squeeze3A_459 : i32 to index
        %get3A_1404 = arith.constant 720 : index
        %get3A_1405 = tpu.vector_load %arg9[%get3A_1402, %get3A_1403, %get3A_1404] {strides = array<i32>} : memref<4x8x1000xf32, #tpu.memory_space<vmem>>, vector<1x1x16xf32>,
        %get3A_1406 = vector.shape_cast %get3A_1405 : vector<1x1x16xf32> to vector<16xf32>
        %mul3A_1407 = arith.constant 5.000000e+01 : f32
        %mul3A_1408 = vector.broadcast %mul3A_1407 : f32 to vector<16xf32>
        %mul3A_1409 = arith.mulf %get3A_1406, %mul3A_1408 : vector<16xf32>
        %jit3A_1410 = arith.constant -2.000000e+03 : f32
        %jit3A_1411 = arith.constant 2.000000e+03 : f32
        %max3A_1412 = vector.broadcast %jit3A_1410 : f32 to vector<16xf32>
        %max3A_1413 = arith.maximumf %max3A_1412, %mul3A_1409 : vector<16xf32>
        %min3A_1414 = vector.broadcast %jit3A_1411 : f32 to vector<16xf32>
        %min3A_1415 = arith.minimumf %min3A_1414, %max3A_1413 : vector<16xf32>
        %add3A_1416 = arith.constant 4 : i32
        %add3A_1417 = arith.addi %add3A_1416, %scan3A_451 : i32
        %swap3A_1418 = arith.index_cast %add3A_1417 : i32 to index
        %swap3A_1419 = arith.constant 720 : index
        %swap3A_1420 = tpu.vector_load %arg10[%swap3A_1418, %swap3A_1419] {strides = array<i32>} : memref<8x1000xf32, #tpu.memory_space<vmem>>, vector<1x16xf32>,
        %swap3A_1421 = vector.shape_cast %swap3A_1420 : vector<1x16xf32> to vector<16xf32>
        %swap3A_1422 = vector.shape_cast %min3A_1415 : vector<16xf32> to vector<1x16xf32>
        tpu.vector_store %arg10[%swap3A_1418, %swap3A_1419], %swap3A_1422 {strides = array<i32>} : memref<8x1000xf32, #tpu.memory_space<vmem>>, vector<1x16xf32>,
        %get3A_1423 = arith.index_cast %scan3A_451 : i32 to index
        %get3A_1424 = arith.index_cast %squeeze3A_459 : i32 to index
        %get3A_1425 = arith.constant 736 : index
        %get3A_1426 = tpu.vector_load %arg9[%get3A_1423, %get3A_1424, %get3A_1425] {strides = array<i32>} : memref<4x8x1000xf32, #tpu.memory_space<vmem>>, vector<1x1x16xf32>,
        %get3A_1427 = vector.shape_cast %get3A_1426 : vector<1x1x16xf32> to vector<16xf32>
        %mul3A_1428 = arith.constant 5.000000e+01 : f32
        %mul3A_1429 = vector.broadcast %mul3A_1428 : f32 to vector<16xf32>
        %mul3A_1430 = arith.mulf %get3A_1427, %mul3A_1429 : vector<16xf32>
        %jit3A_1431 = arith.constant -2.000000e+03 : f32
        %jit3A_1432 = arith.constant 2.000000e+03 : f32
        %max3A_1433 = vector.broadcast %jit3A_1431 : f32 to vector<16xf32>
        %max3A_1434 = arith.maximumf %max3A_1433, %mul3A_1430 : vector<16xf32>
        %min3A_1435 = vector.broadcast %jit3A_1432 : f32 to vector<16xf32>
        %min3A_1436 = arith.minimumf %min3A_1435, %max3A_1434 : vector<16xf32>
        %add3A_1437 = arith.constant 4 : i32
        %add3A_1438 = arith.addi %add3A_1437, %scan3A_451 : i32
        %swap3A_1439 = arith.index_cast %add3A_1438 : i32 to index
        %swap3A_1440 = arith.constant 736 : index
        %swap3A_1441 = tpu.vector_load %arg10[%swap3A_1439, %swap3A_1440] {strides = array<i32>} : memref<8x1000xf32, #tpu.memory_space<vmem>>, vector<1x16xf32>,
        %swap3A_1442 = vector.shape_cast %swap3A_1441 : vector<1x16xf32> to vector<16xf32>
        %swap3A_1443 = vector.shape_cast %min3A_1436 : vector<16xf32> to vector<1x16xf32>
        tpu.vector_store %arg10[%swap3A_1439, %swap3A_1440], %swap3A_1443 {strides = array<i32>} : memref<8x1000xf32, #tpu.memory_space<vmem>>, vector<1x16xf32>,
        %get3A_1444 = arith.index_cast %scan3A_451 : i32 to index
        %get3A_1445 = arith.index_cast %squeeze3A_459 : i32 to index
        %get3A_1446 = arith.constant 752 : index
        %get3A_1447 = tpu.vector_load %arg9[%get3A_1444, %get3A_1445, %get3A_1446] {strides = array<i32>} : memref<4x8x1000xf32, #tpu.memory_space<vmem>>, vector<1x1x16xf32>,
        %get3A_1448 = vector.shape_cast %get3A_1447 : vector<1x1x16xf32> to vector<16xf32>
        %mul3A_1449 = arith.constant 5.000000e+01 : f32
        %mul3A_1450 = vector.broadcast %mul3A_1449 : f32 to vector<16xf32>
        %mul3A_1451 = arith.mulf %get3A_1448, %mul3A_1450 : vector<16xf32>
        %jit3A_1452 = arith.constant -2.000000e+03 : f32
        %jit3A_1453 = arith.constant 2.000000e+03 : f32
        %max3A_1454 = vector.broadcast %jit3A_1452 : f32 to vector<16xf32>
        %max3A_1455 = arith.maximumf %max3A_1454, %mul3A_1451 : vector<16xf32>
        %min3A_1456 = vector.broadcast %jit3A_1453 : f32 to vector<16xf32>
        %min3A_1457 = arith.minimumf %min3A_1456, %max3A_1455 : vector<16xf32>
        %add3A_1458 = arith.constant 4 : i32
        %add3A_1459 = arith.addi %add3A_1458, %scan3A_451 : i32
        %swap3A_1460 = arith.index_cast %add3A_1459 : i32 to index
        %swap3A_1461 = arith.constant 752 : index
        %swap3A_1462 = tpu.vector_load %arg10[%swap3A_1460, %swap3A_1461] {strides = array<i32>} : memref<8x1000xf32, #tpu.memory_space<vmem>>, vector<1x16xf32>,
        %swap3A_1463 = vector.shape_cast %swap3A_1462 : vector<1x16xf32> to vector<16xf32>
        %swap3A_1464 = vector.shape_cast %min3A_1457 : vector<16xf32> to vector<1x16xf32>
        tpu.vector_store %arg10[%swap3A_1460, %swap3A_1461], %swap3A_1464 {strides = array<i32>} : memref<8x1000xf32, #tpu.memory_space<vmem>>, vector<1x16xf32>,
        %get3A_1465 = arith.index_cast %scan3A_451 : i32 to index
        %get3A_1466 = arith.index_cast %squeeze3A_459 : i32 to index
        %get3A_1467 = arith.constant 768 : index
        %get3A_1468 = tpu.vector_load %arg9[%get3A_1465, %get3A_1466, %get3A_1467] {strides = array<i32>} : memref<4x8x1000xf32, #tpu.memory_space<vmem>>, vector<1x1x16xf32>,
        %get3A_1469 = vector.shape_cast %get3A_1468 : vector<1x1x16xf32> to vector<16xf32>
        %mul3A_1470 = arith.constant 5.000000e+01 : f32
        %mul3A_1471 = vector.broadcast %mul3A_1470 : f32 to vector<16xf32>
        %mul3A_1472 = arith.mulf %get3A_1469, %mul3A_1471 : vector<16xf32>
        %jit3A_1473 = arith.constant -2.000000e+03 : f32
        %jit3A_1474 = arith.constant 2.000000e+03 : f32
        %max3A_1475 = vector.broadcast %jit3A_1473 : f32 to vector<16xf32>
        %max3A_1476 = arith.maximumf %max3A_1475, %mul3A_1472 : vector<16xf32>
        %min3A_1477 = vector.broadcast %jit3A_1474 : f32 to vector<16xf32>
        %min3A_1478 = arith.minimumf %min3A_1477, %max3A_1476 : vector<16xf32>
        %add3A_1479 = arith.constant 4 : i32
        %add3A_1480 = arith.addi %add3A_1479, %scan3A_451 : i32
        %swap3A_1481 = arith.index_cast %add3A_1480 : i32 to index
        %swap3A_1482 = arith.constant 768 : index
        %swap3A_1483 = tpu.vector_load %arg10[%swap3A_1481, %swap3A_1482] {strides = array<i32>} : memref<8x1000xf32, #tpu.memory_space<vmem>>, vector<1x16xf32>,
        %swap3A_1484 = vector.shape_cast %swap3A_1483 : vector<1x16xf32> to vector<16xf32>
        %swap3A_1485 = vector.shape_cast %min3A_1478 : vector<16xf32> to vector<1x16xf32>
        tpu.vector_store %arg10[%swap3A_1481, %swap3A_1482], %swap3A_1485 {strides = array<i32>} : memref<8x1000xf32, #tpu.memory_space<vmem>>, vector<1x16xf32>,
        %get3A_1486 = arith.index_cast %scan3A_451 : i32 to index
        %get3A_1487 = arith.index_cast %squeeze3A_459 : i32 to index
        %get3A_1488 = arith.constant 784 : index
        %get3A_1489 = tpu.vector_load %arg9[%get3A_1486, %get3A_1487, %get3A_1488] {strides = array<i32>} : memref<4x8x1000xf32, #tpu.memory_space<vmem>>, vector<1x1x16xf32>,
        %get3A_1490 = vector.shape_cast %get3A_1489 : vector<1x1x16xf32> to vector<16xf32>
        %mul3A_1491 = arith.constant 5.000000e+01 : f32
        %mul3A_1492 = vector.broadcast %mul3A_1491 : f32 to vector<16xf32>
        %mul3A_1493 = arith.mulf %get3A_1490, %mul3A_1492 : vector<16xf32>
        %jit3A_1494 = arith.constant -2.000000e+03 : f32
        %jit3A_1495 = arith.constant 2.000000e+03 : f32
        %max3A_1496 = vector.broadcast %jit3A_1494 : f32 to vector<16xf32>
        %max3A_1497 = arith.maximumf %max3A_1496, %mul3A_1493 : vector<16xf32>
        %min3A_1498 = vector.broadcast %jit3A_1495 : f32 to vector<16xf32>
        %min3A_1499 = arith.minimumf %min3A_1498, %max3A_1497 : vector<16xf32>
        %add3A_1500 = arith.constant 4 : i32
        %add3A_1501 = arith.addi %add3A_1500, %scan3A_451 : i32
        %swap3A_1502 = arith.index_cast %add3A_1501 : i32 to index
        %swap3A_1503 = arith.constant 784 : index
        %swap3A_1504 = tpu.vector_load %arg10[%swap3A_1502, %swap3A_1503] {strides = array<i32>} : memref<8x1000xf32, #tpu.memory_space<vmem>>, vector<1x16xf32>,
        %swap3A_1505 = vector.shape_cast %swap3A_1504 : vector<1x16xf32> to vector<16xf32>
        %swap3A_1506 = vector.shape_cast %min3A_1499 : vector<16xf32> to vector<1x16xf32>
        tpu.vector_store %arg10[%swap3A_1502, %swap3A_1503], %swap3A_1506 {strides = array<i32>} : memref<8x1000xf32, #tpu.memory_space<vmem>>, vector<1x16xf32>,
        %get3A_1507 = arith.index_cast %scan3A_451 : i32 to index
        %get3A_1508 = arith.index_cast %squeeze3A_459 : i32 to index
        %get3A_1509 = arith.constant 800 : index
        %get3A_1510 = tpu.vector_load %arg9[%get3A_1507, %get3A_1508, %get3A_1509] {strides = array<i32>} : memref<4x8x1000xf32, #tpu.memory_space<vmem>>, vector<1x1x16xf32>,
        %get3A_1511 = vector.shape_cast %get3A_1510 : vector<1x1x16xf32> to vector<16xf32>
        %mul3A_1512 = arith.constant 5.000000e+01 : f32
        %mul3A_1513 = vector.broadcast %mul3A_1512 : f32 to vector<16xf32>
        %mul3A_1514 = arith.mulf %get3A_1511, %mul3A_1513 : vector<16xf32>
        %jit3A_1515 = arith.constant -2.000000e+03 : f32
        %jit3A_1516 = arith.constant 2.000000e+03 : f32
        %max3A_1517 = vector.broadcast %jit3A_1515 : f32 to vector<16xf32>
        %max3A_1518 = arith.maximumf %max3A_1517, %mul3A_1514 : vector<16xf32>
        %min3A_1519 = vector.broadcast %jit3A_1516 : f32 to vector<16xf32>
        %min3A_1520 = arith.minimumf %min3A_1519, %max3A_1518 : vector<16xf32>
        %add3A_1521 = arith.constant 4 : i32
        %add3A_1522 = arith.addi %add3A_1521, %scan3A_451 : i32
        %swap3A_1523 = arith.index_cast %add3A_1522 : i32 to index
        %swap3A_1524 = arith.constant 800 : index
        %swap3A_1525 = tpu.vector_load %arg10[%swap3A_1523, %swap3A_1524] {strides = array<i32>} : memref<8x1000xf32, #tpu.memory_space<vmem>>, vector<1x16xf32>,
        %swap3A_1526 = vector.shape_cast %swap3A_1525 : vector<1x16xf32> to vector<16xf32>
        %swap3A_1527 = vector.shape_cast %min3A_1520 : vector<16xf32> to vector<1x16xf32>
        tpu.vector_store %arg10[%swap3A_1523, %swap3A_1524], %swap3A_1527 {strides = array<i32>} : memref<8x1000xf32, #tpu.memory_space<vmem>>, vector<1x16xf32>,
        %get3A_1528 = arith.index_cast %scan3A_451 : i32 to index
        %get3A_1529 = arith.index_cast %squeeze3A_459 : i32 to index
        %get3A_1530 = arith.constant 816 : index
        %get3A_1531 = tpu.vector_load %arg9[%get3A_1528, %get3A_1529, %get3A_1530] {strides = array<i32>} : memref<4x8x1000xf32, #tpu.memory_space<vmem>>, vector<1x1x16xf32>,
        %get3A_1532 = vector.shape_cast %get3A_1531 : vector<1x1x16xf32> to vector<16xf32>
        %mul3A_1533 = arith.constant 5.000000e+01 : f32
        %mul3A_1534 = vector.broadcast %mul3A_1533 : f32 to vector<16xf32>
        %mul3A_1535 = arith.mulf %get3A_1532, %mul3A_1534 : vector<16xf32>
        %jit3A_1536 = arith.constant -2.000000e+03 : f32
        %jit3A_1537 = arith.constant 2.000000e+03 : f32
        %max3A_1538 = vector.broadcast %jit3A_1536 : f32 to vector<16xf32>
        %max3A_1539 = arith.maximumf %max3A_1538, %mul3A_1535 : vector<16xf32>
        %min3A_1540 = vector.broadcast %jit3A_1537 : f32 to vector<16xf32>
        %min3A_1541 = arith.minimumf %min3A_1540, %max3A_1539 : vector<16xf32>
        %add3A_1542 = arith.constant 4 : i32
        %add3A_1543 = arith.addi %add3A_1542, %scan3A_451 : i32
        %swap3A_1544 = arith.index_cast %add3A_1543 : i32 to index
        %swap3A_1545 = arith.constant 816 : index
        %swap3A_1546 = tpu.vector_load %arg10[%swap3A_1544, %swap3A_1545] {strides = array<i32>} : memref<8x1000xf32, #tpu.memory_space<vmem>>, vector<1x16xf32>,
        %swap3A_1547 = vector.shape_cast %swap3A_1546 : vector<1x16xf32> to vector<16xf32>
        %swap3A_1548 = vector.shape_cast %min3A_1541 : vector<16xf32> to vector<1x16xf32>
        tpu.vector_store %arg10[%swap3A_1544, %swap3A_1545], %swap3A_1548 {strides = array<i32>} : memref<8x1000xf32, #tpu.memory_space<vmem>>, vector<1x16xf32>,
        %get3A_1549 = arith.index_cast %scan3A_451 : i32 to index
        %get3A_1550 = arith.index_cast %squeeze3A_459 : i32 to index
        %get3A_1551 = arith.constant 832 : index
        %get3A_1552 = tpu.vector_load %arg9[%get3A_1549, %get3A_1550, %get3A_1551] {strides = array<i32>} : memref<4x8x1000xf32, #tpu.memory_space<vmem>>, vector<1x1x16xf32>,
        %get3A_1553 = vector.shape_cast %get3A_1552 : vector<1x1x16xf32> to vector<16xf32>
        %mul3A_1554 = arith.constant 5.000000e+01 : f32
        %mul3A_1555 = vector.broadcast %mul3A_1554 : f32 to vector<16xf32>
        %mul3A_1556 = arith.mulf %get3A_1553, %mul3A_1555 : vector<16xf32>
        %jit3A_1557 = arith.constant -2.000000e+03 : f32
        %jit3A_1558 = arith.constant 2.000000e+03 : f32
        %max3A_1559 = vector.broadcast %jit3A_1557 : f32 to vector<16xf32>
        %max3A_1560 = arith.maximumf %max3A_1559, %mul3A_1556 : vector<16xf32>
        %min3A_1561 = vector.broadcast %jit3A_1558 : f32 to vector<16xf32>
        %min3A_1562 = arith.minimumf %min3A_1561, %max3A_1560 : vector<16xf32>
        %add3A_1563 = arith.constant 4 : i32
        %add3A_1564 = arith.addi %add3A_1563, %scan3A_451 : i32
        %swap3A_1565 = arith.index_cast %add3A_1564 : i32 to index
        %swap3A_1566 = arith.constant 832 : index
        %swap3A_1567 = tpu.vector_load %arg10[%swap3A_1565, %swap3A_1566] {strides = array<i32>} : memref<8x1000xf32, #tpu.memory_space<vmem>>, vector<1x16xf32>,
        %swap3A_1568 = vector.shape_cast %swap3A_1567 : vector<1x16xf32> to vector<16xf32>
        %swap3A_1569 = vector.shape_cast %min3A_1562 : vector<16xf32> to vector<1x16xf32>
        tpu.vector_store %arg10[%swap3A_1565, %swap3A_1566], %swap3A_1569 {strides = array<i32>} : memref<8x1000xf32, #tpu.memory_space<vmem>>, vector<1x16xf32>,
        %get3A_1570 = arith.index_cast %scan3A_451 : i32 to index
        %get3A_1571 = arith.index_cast %squeeze3A_459 : i32 to index
        %get3A_1572 = arith.constant 848 : index
        %get3A_1573 = tpu.vector_load %arg9[%get3A_1570, %get3A_1571, %get3A_1572] {strides = array<i32>} : memref<4x8x1000xf32, #tpu.memory_space<vmem>>, vector<1x1x16xf32>,
        %get3A_1574 = vector.shape_cast %get3A_1573 : vector<1x1x16xf32> to vector<16xf32>
        %mul3A_1575 = arith.constant 5.000000e+01 : f32
        %mul3A_1576 = vector.broadcast %mul3A_1575 : f32 to vector<16xf32>
        %mul3A_1577 = arith.mulf %get3A_1574, %mul3A_1576 : vector<16xf32>
        %jit3A_1578 = arith.constant -2.000000e+03 : f32
        %jit3A_1579 = arith.constant 2.000000e+03 : f32
        %max3A_1580 = vector.broadcast %jit3A_1578 : f32 to vector<16xf32>
        %max3A_1581 = arith.maximumf %max3A_1580, %mul3A_1577 : vector<16xf32>
        %min3A_1582 = vector.broadcast %jit3A_1579 : f32 to vector<16xf32>
        %min3A_1583 = arith.minimumf %min3A_1582, %max3A_1581 : vector<16xf32>
        %add3A_1584 = arith.constant 4 : i32
        %add3A_1585 = arith.addi %add3A_1584, %scan3A_451 : i32
        %swap3A_1586 = arith.index_cast %add3A_1585 : i32 to index
        %swap3A_1587 = arith.constant 848 : index
        %swap3A_1588 = tpu.vector_load %arg10[%swap3A_1586, %swap3A_1587] {strides = array<i32>} : memref<8x1000xf32, #tpu.memory_space<vmem>>, vector<1x16xf32>,
        %swap3A_1589 = vector.shape_cast %swap3A_1588 : vector<1x16xf32> to vector<16xf32>
        %swap3A_1590 = vector.shape_cast %min3A_1583 : vector<16xf32> to vector<1x16xf32>
        tpu.vector_store %arg10[%swap3A_1586, %swap3A_1587], %swap3A_1590 {strides = array<i32>} : memref<8x1000xf32, #tpu.memory_space<vmem>>, vector<1x16xf32>,
        %get3A_1591 = arith.index_cast %scan3A_451 : i32 to index
        %get3A_1592 = arith.index_cast %squeeze3A_459 : i32 to index
        %get3A_1593 = arith.constant 864 : index
        %get3A_1594 = tpu.vector_load %arg9[%get3A_1591, %get3A_1592, %get3A_1593] {strides = array<i32>} : memref<4x8x1000xf32, #tpu.memory_space<vmem>>, vector<1x1x16xf32>,
        %get3A_1595 = vector.shape_cast %get3A_1594 : vector<1x1x16xf32> to vector<16xf32>
        %mul3A_1596 = arith.constant 5.000000e+01 : f32
        %mul3A_1597 = vector.broadcast %mul3A_1596 : f32 to vector<16xf32>
        %mul3A_1598 = arith.mulf %get3A_1595, %mul3A_1597 : vector<16xf32>
        %jit3A_1599 = arith.constant -2.000000e+03 : f32
        %jit3A_1600 = arith.constant 2.000000e+03 : f32
        %max3A_1601 = vector.broadcast %jit3A_1599 : f32 to vector<16xf32>
        %max3A_1602 = arith.maximumf %max3A_1601, %mul3A_1598 : vector<16xf32>
        %min3A_1603 = vector.broadcast %jit3A_1600 : f32 to vector<16xf32>
        %min3A_1604 = arith.minimumf %min3A_1603, %max3A_1602 : vector<16xf32>
        %add3A_1605 = arith.constant 4 : i32
        %add3A_1606 = arith.addi %add3A_1605, %scan3A_451 : i32
        %swap3A_1607 = arith.index_cast %add3A_1606 : i32 to index
        %swap3A_1608 = arith.constant 864 : index
        %swap3A_1609 = tpu.vector_load %arg10[%swap3A_1607, %swap3A_1608] {strides = array<i32>} : memref<8x1000xf32, #tpu.memory_space<vmem>>, vector<1x16xf32>,
        %swap3A_1610 = vector.shape_cast %swap3A_1609 : vector<1x16xf32> to vector<16xf32>
        %swap3A_1611 = vector.shape_cast %min3A_1604 : vector<16xf32> to vector<1x16xf32>
        tpu.vector_store %arg10[%swap3A_1607, %swap3A_1608], %swap3A_1611 {strides = array<i32>} : memref<8x1000xf32, #tpu.memory_space<vmem>>, vector<1x16xf32>,
        %get3A_1612 = arith.index_cast %scan3A_451 : i32 to index
        %get3A_1613 = arith.index_cast %squeeze3A_459 : i32 to index
        %get3A_1614 = arith.constant 880 : index
        %get3A_1615 = tpu.vector_load %arg9[%get3A_1612, %get3A_1613, %get3A_1614] {strides = array<i32>} : memref<4x8x1000xf32, #tpu.memory_space<vmem>>, vector<1x1x16xf32>,
        %get3A_1616 = vector.shape_cast %get3A_1615 : vector<1x1x16xf32> to vector<16xf32>
        %mul3A_1617 = arith.constant 5.000000e+01 : f32
        %mul3A_1618 = vector.broadcast %mul3A_1617 : f32 to vector<16xf32>
        %mul3A_1619 = arith.mulf %get3A_1616, %mul3A_1618 : vector<16xf32>
        %jit3A_1620 = arith.constant -2.000000e+03 : f32
        %jit3A_1621 = arith.constant 2.000000e+03 : f32
        %max3A_1622 = vector.broadcast %jit3A_1620 : f32 to vector<16xf32>
        %max3A_1623 = arith.maximumf %max3A_1622, %mul3A_1619 : vector<16xf32>
        %min3A_1624 = vector.broadcast %jit3A_1621 : f32 to vector<16xf32>
        %min3A_1625 = arith.minimumf %min3A_1624, %max3A_1623 : vector<16xf32>
        %add3A_1626 = arith.constant 4 : i32
        %add3A_1627 = arith.addi %add3A_1626, %scan3A_451 : i32
        %swap3A_1628 = arith.index_cast %add3A_1627 : i32 to index
        %swap3A_1629 = arith.constant 880 : index
        %swap3A_1630 = tpu.vector_load %arg10[%swap3A_1628, %swap3A_1629] {strides = array<i32>} : memref<8x1000xf32, #tpu.memory_space<vmem>>, vector<1x16xf32>,
        %swap3A_1631 = vector.shape_cast %swap3A_1630 : vector<1x16xf32> to vector<16xf32>
        %swap3A_1632 = vector.shape_cast %min3A_1625 : vector<16xf32> to vector<1x16xf32>
        tpu.vector_store %arg10[%swap3A_1628, %swap3A_1629], %swap3A_1632 {strides = array<i32>} : memref<8x1000xf32, #tpu.memory_space<vmem>>, vector<1x16xf32>,
        %get3A_1633 = arith.index_cast %scan3A_451 : i32 to index
        %get3A_1634 = arith.index_cast %squeeze3A_459 : i32 to index
        %get3A_1635 = arith.constant 896 : index
        %get3A_1636 = tpu.vector_load %arg9[%get3A_1633, %get3A_1634, %get3A_1635] {strides = array<i32>} : memref<4x8x1000xf32, #tpu.memory_space<vmem>>, vector<1x1x16xf32>,
        %get3A_1637 = vector.shape_cast %get3A_1636 : vector<1x1x16xf32> to vector<16xf32>
        %mul3A_1638 = arith.constant 5.000000e+01 : f32
        %mul3A_1639 = vector.broadcast %mul3A_1638 : f32 to vector<16xf32>
        %mul3A_1640 = arith.mulf %get3A_1637, %mul3A_1639 : vector<16xf32>
        %jit3A_1641 = arith.constant -2.000000e+03 : f32
        %jit3A_1642 = arith.constant 2.000000e+03 : f32
        %max3A_1643 = vector.broadcast %jit3A_1641 : f32 to vector<16xf32>
        %max3A_1644 = arith.maximumf %max3A_1643, %mul3A_1640 : vector<16xf32>
        %min3A_1645 = vector.broadcast %jit3A_1642 : f32 to vector<16xf32>
        %min3A_1646 = arith.minimumf %min3A_1645, %max3A_1644 : vector<16xf32>
        %add3A_1647 = arith.constant 4 : i32
        %add3A_1648 = arith.addi %add3A_1647, %scan3A_451 : i32
        %swap3A_1649 = arith.index_cast %add3A_1648 : i32 to index
        %swap3A_1650 = arith.constant 896 : index
        %swap3A_1651 = tpu.vector_load %arg10[%swap3A_1649, %swap3A_1650] {strides = array<i32>} : memref<8x1000xf32, #tpu.memory_space<vmem>>, vector<1x16xf32>,
        %swap3A_1652 = vector.shape_cast %swap3A_1651 : vector<1x16xf32> to vector<16xf32>
        %swap3A_1653 = vector.shape_cast %min3A_1646 : vector<16xf32> to vector<1x16xf32>
        tpu.vector_store %arg10[%swap3A_1649, %swap3A_1650], %swap3A_1653 {strides = array<i32>} : memref<8x1000xf32, #tpu.memory_space<vmem>>, vector<1x16xf32>,
        %get3A_1654 = arith.index_cast %scan3A_451 : i32 to index
        %get3A_1655 = arith.index_cast %squeeze3A_459 : i32 to index
        %get3A_1656 = arith.constant 912 : index
        %get3A_1657 = tpu.vector_load %arg9[%get3A_1654, %get3A_1655, %get3A_1656] {strides = array<i32>} : memref<4x8x1000xf32, #tpu.memory_space<vmem>>, vector<1x1x16xf32>,
        %get3A_1658 = vector.shape_cast %get3A_1657 : vector<1x1x16xf32> to vector<16xf32>
        %mul3A_1659 = arith.constant 5.000000e+01 : f32
        %mul3A_1660 = vector.broadcast %mul3A_1659 : f32 to vector<16xf32>
        %mul3A_1661 = arith.mulf %get3A_1658, %mul3A_1660 : vector<16xf32>
        %jit3A_1662 = arith.constant -2.000000e+03 : f32
        %jit3A_1663 = arith.constant 2.000000e+03 : f32
        %max3A_1664 = vector.broadcast %jit3A_1662 : f32 to vector<16xf32>
        %max3A_1665 = arith.maximumf %max3A_1664, %mul3A_1661 : vector<16xf32>
        %min3A_1666 = vector.broadcast %jit3A_1663 : f32 to vector<16xf32>
        %min3A_1667 = arith.minimumf %min3A_1666, %max3A_1665 : vector<16xf32>
        %add3A_1668 = arith.constant 4 : i32
        %add3A_1669 = arith.addi %add3A_1668, %scan3A_451 : i32
        %swap3A_1670 = arith.index_cast %add3A_1669 : i32 to index
        %swap3A_1671 = arith.constant 912 : index
        %swap3A_1672 = tpu.vector_load %arg10[%swap3A_1670, %swap3A_1671] {strides = array<i32>} : memref<8x1000xf32, #tpu.memory_space<vmem>>, vector<1x16xf32>,
        %swap3A_1673 = vector.shape_cast %swap3A_1672 : vector<1x16xf32> to vector<16xf32>
        %swap3A_1674 = vector.shape_cast %min3A_1667 : vector<16xf32> to vector<1x16xf32>
        tpu.vector_store %arg10[%swap3A_1670, %swap3A_1671], %swap3A_1674 {strides = array<i32>} : memref<8x1000xf32, #tpu.memory_space<vmem>>, vector<1x16xf32>,
        %get3A_1675 = arith.index_cast %scan3A_451 : i32 to index
        %get3A_1676 = arith.index_cast %squeeze3A_459 : i32 to index
        %get3A_1677 = arith.constant 928 : index
        %get3A_1678 = tpu.vector_load %arg9[%get3A_1675, %get3A_1676, %get3A_1677] {strides = array<i32>} : memref<4x8x1000xf32, #tpu.memory_space<vmem>>, vector<1x1x16xf32>,
        %get3A_1679 = vector.shape_cast %get3A_1678 : vector<1x1x16xf32> to vector<16xf32>
        %mul3A_1680 = arith.constant 5.000000e+01 : f32
        %mul3A_1681 = vector.broadcast %mul3A_1680 : f32 to vector<16xf32>
        %mul3A_1682 = arith.mulf %get3A_1679, %mul3A_1681 : vector<16xf32>
        %jit3A_1683 = arith.constant -2.000000e+03 : f32
        %jit3A_1684 = arith.constant 2.000000e+03 : f32
        %max3A_1685 = vector.broadcast %jit3A_1683 : f32 to vector<16xf32>
        %max3A_1686 = arith.maximumf %max3A_1685, %mul3A_1682 : vector<16xf32>
        %min3A_1687 = vector.broadcast %jit3A_1684 : f32 to vector<16xf32>
        %min3A_1688 = arith.minimumf %min3A_1687, %max3A_1686 : vector<16xf32>
        %add3A_1689 = arith.constant 4 : i32
        %add3A_1690 = arith.addi %add3A_1689, %scan3A_451 : i32
        %swap3A_1691 = arith.index_cast %add3A_1690 : i32 to index
        %swap3A_1692 = arith.constant 928 : index
        %swap3A_1693 = tpu.vector_load %arg10[%swap3A_1691, %swap3A_1692] {strides = array<i32>} : memref<8x1000xf32, #tpu.memory_space<vmem>>, vector<1x16xf32>,
        %swap3A_1694 = vector.shape_cast %swap3A_1693 : vector<1x16xf32> to vector<16xf32>
        %swap3A_1695 = vector.shape_cast %min3A_1688 : vector<16xf32> to vector<1x16xf32>
        tpu.vector_store %arg10[%swap3A_1691, %swap3A_1692], %swap3A_1695 {strides = array<i32>} : memref<8x1000xf32, #tpu.memory_space<vmem>>, vector<1x16xf32>,
        %get3A_1696 = arith.index_cast %scan3A_451 : i32 to index
        %get3A_1697 = arith.index_cast %squeeze3A_459 : i32 to index
        %get3A_1698 = arith.constant 944 : index
        %get3A_1699 = tpu.vector_load %arg9[%get3A_1696, %get3A_1697, %get3A_1698] {strides = array<i32>} : memref<4x8x1000xf32, #tpu.memory_space<vmem>>, vector<1x1x16xf32>,
        %get3A_1700 = vector.shape_cast %get3A_1699 : vector<1x1x16xf32> to vector<16xf32>
        %mul3A_1701 = arith.constant 5.000000e+01 : f32
        %mul3A_1702 = vector.broadcast %mul3A_1701 : f32 to vector<16xf32>
        %mul3A_1703 = arith.mulf %get3A_1700, %mul3A_1702 : vector<16xf32>
        %jit3A_1704 = arith.constant -2.000000e+03 : f32
        %jit3A_1705 = arith.constant 2.000000e+03 : f32
        %max3A_1706 = vector.broadcast %jit3A_1704 : f32 to vector<16xf32>
        %max3A_1707 = arith.maximumf %max3A_1706, %mul3A_1703 : vector<16xf32>
        %min3A_1708 = vector.broadcast %jit3A_1705 : f32 to vector<16xf32>
        %min3A_1709 = arith.minimumf %min3A_1708, %max3A_1707 : vector<16xf32>
        %add3A_1710 = arith.constant 4 : i32
        %add3A_1711 = arith.addi %add3A_1710, %scan3A_451 : i32
        %swap3A_1712 = arith.index_cast %add3A_1711 : i32 to index
        %swap3A_1713 = arith.constant 944 : index
        %swap3A_1714 = tpu.vector_load %arg10[%swap3A_1712, %swap3A_1713] {strides = array<i32>} : memref<8x1000xf32, #tpu.memory_space<vmem>>, vector<1x16xf32>,
        %swap3A_1715 = vector.shape_cast %swap3A_1714 : vector<1x16xf32> to vector<16xf32>
        %swap3A_1716 = vector.shape_cast %min3A_1709 : vector<16xf32> to vector<1x16xf32>
        tpu.vector_store %arg10[%swap3A_1712, %swap3A_1713], %swap3A_1716 {strides = array<i32>} : memref<8x1000xf32, #tpu.memory_space<vmem>>, vector<1x16xf32>,
        %get3A_1717 = arith.index_cast %scan3A_451 : i32 to index
        %get3A_1718 = arith.index_cast %squeeze3A_459 : i32 to index
        %get3A_1719 = arith.constant 960 : index
        %get3A_1720 = tpu.vector_load %arg9[%get3A_1717, %get3A_1718, %get3A_1719] {strides = array<i32>} : memref<4x8x1000xf32, #tpu.memory_space<vmem>>, vector<1x1x16xf32>,
        %get3A_1721 = vector.shape_cast %get3A_1720 : vector<1x1x16xf32> to vector<16xf32>
        %mul3A_1722 = arith.constant 5.000000e+01 : f32
        %mul3A_1723 = vector.broadcast %mul3A_1722 : f32 to vector<16xf32>
        %mul3A_1724 = arith.mulf %get3A_1721, %mul3A_1723 : vector<16xf32>
        %jit3A_1725 = arith.constant -2.000000e+03 : f32
        %jit3A_1726 = arith.constant 2.000000e+03 : f32
        %max3A_1727 = vector.broadcast %jit3A_1725 : f32 to vector<16xf32>
        %max3A_1728 = arith.maximumf %max3A_1727, %mul3A_1724 : vector<16xf32>
        %min3A_1729 = vector.broadcast %jit3A_1726 : f32 to vector<16xf32>
        %min3A_1730 = arith.minimumf %min3A_1729, %max3A_1728 : vector<16xf32>
        %add3A_1731 = arith.constant 4 : i32
        %add3A_1732 = arith.addi %add3A_1731, %scan3A_451 : i32
        %swap3A_1733 = arith.index_cast %add3A_1732 : i32 to index
        %swap3A_1734 = arith.constant 960 : index
        %swap3A_1735 = tpu.vector_load %arg10[%swap3A_1733, %swap3A_1734] {strides = array<i32>} : memref<8x1000xf32, #tpu.memory_space<vmem>>, vector<1x16xf32>,
        %swap3A_1736 = vector.shape_cast %swap3A_1735 : vector<1x16xf32> to vector<16xf32>
        %swap3A_1737 = vector.shape_cast %min3A_1730 : vector<16xf32> to vector<1x16xf32>
        tpu.vector_store %arg10[%swap3A_1733, %swap3A_1734], %swap3A_1737 {strides = array<i32>} : memref<8x1000xf32, #tpu.memory_space<vmem>>, vector<1x16xf32>,
        %get3A_1738 = arith.index_cast %scan3A_451 : i32 to index
        %get3A_1739 = arith.index_cast %squeeze3A_459 : i32 to index
        %get3A_1740 = arith.constant 976 : index
        %get3A_1741 = tpu.vector_load %arg9[%get3A_1738, %get3A_1739, %get3A_1740] {strides = array<i32>} : memref<4x8x1000xf32, #tpu.memory_space<vmem>>, vector<1x1x16xf32>,
        %get3A_1742 = vector.shape_cast %get3A_1741 : vector<1x1x16xf32> to vector<16xf32>
        %mul3A_1743 = arith.constant 5.000000e+01 : f32
        %mul3A_1744 = vector.broadcast %mul3A_1743 : f32 to vector<16xf32>
        %mul3A_1745 = arith.mulf %get3A_1742, %mul3A_1744 : vector<16xf32>
        %jit3A_1746 = arith.constant -2.000000e+03 : f32
        %jit3A_1747 = arith.constant 2.000000e+03 : f32
        %max3A_1748 = vector.broadcast %jit3A_1746 : f32 to vector<16xf32>
        %max3A_1749 = arith.maximumf %max3A_1748, %mul3A_1745 : vector<16xf32>
        %min3A_1750 = vector.broadcast %jit3A_1747 : f32 to vector<16xf32>
        %min3A_1751 = arith.minimumf %min3A_1750, %max3A_1749 : vector<16xf32>
        %add3A_1752 = arith.constant 4 : i32
        %add3A_1753 = arith.addi %add3A_1752, %scan3A_451 : i32
        %swap3A_1754 = arith.index_cast %add3A_1753 : i32 to index
        %swap3A_1755 = arith.constant 976 : index
        %swap3A_1756 = tpu.vector_load %arg10[%swap3A_1754, %swap3A_1755] {strides = array<i32>} : memref<8x1000xf32, #tpu.memory_space<vmem>>, vector<1x16xf32>,
        %swap3A_1757 = vector.shape_cast %swap3A_1756 : vector<1x16xf32> to vector<16xf32>
        %swap3A_1758 = vector.shape_cast %min3A_1751 : vector<16xf32> to vector<1x16xf32>
        tpu.vector_store %arg10[%swap3A_1754, %swap3A_1755], %swap3A_1758 {strides = array<i32>} : memref<8x1000xf32, #tpu.memory_space<vmem>>, vector<1x16xf32>,
        %get3A_1759 = arith.index_cast %scan3A_451 : i32 to index
        %get3A_1760 = arith.index_cast %squeeze3A_459 : i32 to index
        %get3A_1761 = arith.constant 984 : index
        %get3A_1762 = tpu.vector_load %arg9[%get3A_1759, %get3A_1760, %get3A_1761] {strides = array<i32>} : memref<4x8x1000xf32, #tpu.memory_space<vmem>>, vector<1x1x16xf32>,
        %get3A_1763 = vector.shape_cast %get3A_1762 : vector<1x1x16xf32> to vector<16xf32>
        %mul3A_1764 = arith.constant 5.000000e+01 : f32
        %mul3A_1765 = vector.broadcast %mul3A_1764 : f32 to vector<16xf32>
        %mul3A_1766 = arith.mulf %get3A_1763, %mul3A_1765 : vector<16xf32>
        %jit3A_1767 = arith.constant -2.000000e+03 : f32
        %jit3A_1768 = arith.constant 2.000000e+03 : f32
        %max3A_1769 = vector.broadcast %jit3A_1767 : f32 to vector<16xf32>
        %max3A_1770 = arith.maximumf %max3A_1769, %mul3A_1766 : vector<16xf32>
        %min3A_1771 = vector.broadcast %jit3A_1768 : f32 to vector<16xf32>
        %min3A_1772 = arith.minimumf %min3A_1771, %max3A_1770 : vector<16xf32>
        %add3A_1773 = arith.constant 4 : i32
        %add3A_1774 = arith.addi %add3A_1773, %scan3A_451 : i32
        %swap3A_1775 = arith.index_cast %add3A_1774 : i32 to index
        %swap3A_1776 = arith.constant 984 : index
        %swap3A_1777 = tpu.vector_load %arg10[%swap3A_1775, %swap3A_1776] {strides = array<i32>} : memref<8x1000xf32, #tpu.memory_space<vmem>>, vector<1x16xf32>,
        %swap3A_1778 = vector.shape_cast %swap3A_1777 : vector<1x16xf32> to vector<16xf32>
        %swap3A_1779 = vector.shape_cast %min3A_1772 : vector<16xf32> to vector<1x16xf32>
        tpu.vector_store %arg10[%swap3A_1775, %swap3A_1776], %swap3A_1779 {strides = array<i32>} : memref<8x1000xf32, #tpu.memory_space<vmem>>, vector<1x16xf32>,
      }
      %scan3A_441 = arith.constant 4 : i32
      %lt3A_442 = arith.constant 15 : i32
      %lt3A_443 = arith.cmpi slt, %scan3A_304, %lt3A_442 : i32
      %convert_element_type3A_444 = arith.extui %lt3A_443 : i1 to i32
      %cond3A_445 = arith.constant 0 : i32
      %cond3A_446 = arith.cmpi ne, %convert_element_type3A_444, %cond3A_445 : i32
      scf.if %cond3A_446 {
        %add3A_451 = arith.constant 3 : i32
        %add3A_452 = arith.addi %mul3A_306, %add3A_451 : i32
        %mul3A_453 = arith.constant 4 : i32
        %mul3A_454 = arith.muli %add3A_452, %mul3A_453 : i32
        %add3A_455 = arith.constant 0 : i32
        %add3A_456 = arith.addi %mul3A_454, %add3A_455 : i32
        %get3A_457 = arith.index_cast %add3A_456 : i32 to index
        %get3A_458 = tpu.vector_load %arg6[%get3A_457] {strides = array<i32>} : memref<144xi32, #tpu.memory_space<vmem>>, vector<16xi32>,
        %get3A_459 = vector.shape_cast %get3A_458 : vector<16xi32> to vector<16xi32>
        %slice3A_460 = vector.extract_strided_slice %get3A_459 {offsets = [0], sizes = [1], strides = [1]} : vector<16xi32> to vector<1xi32>
        %squeeze3A_461 = vector.extract %slice3A_460[0] : i32 from vector<1xi32>
        %mul3A_462 = arith.constant 8 : i32
        %mul3A_463 = arith.muli %squeeze3A_461, %mul3A_462 : i32
        %multiple_of3A_464 = tpu.assume_multiple %mul3A_463, 8 : i32
        %dma_start3A_465 = arith.constant 0 : i32
        %dma_start3A_466 = arith.constant 0 : i32
        %dma_start3A_467 = arith.constant 0 : i32
        %dma_start3A_468 = tpu.memref_slice %arg9[%dma_start3A_465, %dma_start3A_466, %dma_start3A_467] : memref<4x8x1000xf32, #tpu.memory_space<vmem>> -> memref<1x8x1000xf32, #tpu.memory_space<vmem>>
        %dma_start3A_469 = tpu.memref_squeeze %dma_start3A_468 : memref<1x8x1000xf32, #tpu.memory_space<vmem>> -> memref<8x1000xf32, #tpu.memory_space<vmem>>
        %dma_start3A_470 = arith.constant 0 : i32
        %dma_start3A_471 = tpu.memref_slice %arg3[%multiple_of3A_464, %dma_start3A_470] : memref<100000x1000xf32, #tpu.memory_space<hbm>> -> memref<8x1000xf32, #tpu.memory_space<hbm>>
        %dma_start3A_472 = arith.constant 0 : i32
        %dma_start3A_473 = arith.constant 0 : i32
        %dma_start3A_474 = tpu.memref_slice %arg9[%dma_start3A_465, %dma_start3A_472, %dma_start3A_473] : memref<4x8x1000xf32, #tpu.memory_space<vmem>> -> memref<1x8x1000xf32, #tpu.memory_space<vmem>>
        %dma_start3A_475 = tpu.memref_squeeze %dma_start3A_474 : memref<1x8x1000xf32, #tpu.memory_space<vmem>> -> memref<8x1000xf32, #tpu.memory_space<vmem>>
        %dma_start3A_476 = arith.constant 0 : i32
        %dma_start3A_477 = tpu.memref_slice %arg3[%multiple_of3A_464, %dma_start3A_476] : memref<100000x1000xf32, #tpu.memory_space<hbm>> -> memref<8x1000xf32, #tpu.memory_space<hbm>>
        tpu.enqueue_dma source(%dma_start3A_477 : memref<8x1000xf32, #tpu.memory_space<hbm>>) target(%dma_start3A_475 : memref<8x1000xf32, #tpu.memory_space<vmem>>) target_semaphore(%arg12 : memref<!tpu.dma_semaphore, #tpu.memory_space<semaphore_mem>>)
        %mul3A_478 = arith.constant 4 : i32
        %mul3A_479 = arith.muli %add3A_452, %mul3A_478 : i32
        %add3A_480 = arith.constant 1 : i32
        %add3A_481 = arith.addi %mul3A_479, %add3A_480 : i32
        %get3A_482 = arith.index_cast %add3A_481 : i32 to index
        %get3A_483 = tpu.vector_load %arg6[%get3A_482] {strides = array<i32>} : memref<144xi32, #tpu.memory_space<vmem>>, vector<16xi32>,
        %get3A_484 = vector.shape_cast %get3A_483 : vector<16xi32> to vector<16xi32>
        %slice3A_485 = vector.extract_strided_slice %get3A_484 {offsets = [0], sizes = [1], strides = [1]} : vector<16xi32> to vector<1xi32>
        %squeeze3A_486 = vector.extract %slice3A_485[0] : i32 from vector<1xi32>
        %mul3A_487 = arith.constant 8 : i32
        %mul3A_488 = arith.muli %squeeze3A_486, %mul3A_487 : i32
        %multiple_of3A_489 = tpu.assume_multiple %mul3A_488, 8 : i32
        %dma_start3A_490 = arith.constant 1 : i32
        %dma_start3A_491 = arith.constant 0 : i32
        %dma_start3A_492 = arith.constant 0 : i32
        %dma_start3A_493 = tpu.memref_slice %arg9[%dma_start3A_490, %dma_start3A_491, %dma_start3A_492] : memref<4x8x1000xf32, #tpu.memory_space<vmem>> -> memref<1x8x1000xf32, #tpu.memory_space<vmem>>
        %dma_start3A_494 = tpu.memref_squeeze %dma_start3A_493 : memref<1x8x1000xf32, #tpu.memory_space<vmem>> -> memref<8x1000xf32, #tpu.memory_space<vmem>>
        %dma_start3A_495 = arith.constant 0 : i32
        %dma_start3A_496 = tpu.memref_slice %arg3[%multiple_of3A_489, %dma_start3A_495] : memref<100000x1000xf32, #tpu.memory_space<hbm>> -> memref<8x1000xf32, #tpu.memory_space<hbm>>
        %dma_start3A_497 = arith.constant 0 : i32
        %dma_start3A_498 = arith.constant 0 : i32
        %dma_start3A_499 = tpu.memref_slice %arg9[%dma_start3A_490, %dma_start3A_497, %dma_start3A_498] : memref<4x8x1000xf32, #tpu.memory_space<vmem>> -> memref<1x8x1000xf32, #tpu.memory_space<vmem>>
        %dma_start3A_500 = tpu.memref_squeeze %dma_start3A_499 : memref<1x8x1000xf32, #tpu.memory_space<vmem>> -> memref<8x1000xf32, #tpu.memory_space<vmem>>
        %dma_start3A_501 = arith.constant 0 : i32
        %dma_start3A_502 = tpu.memref_slice %arg3[%multiple_of3A_489, %dma_start3A_501] : memref<100000x1000xf32, #tpu.memory_space<hbm>> -> memref<8x1000xf32, #tpu.memory_space<hbm>>
        tpu.enqueue_dma source(%dma_start3A_502 : memref<8x1000xf32, #tpu.memory_space<hbm>>) target(%dma_start3A_500 : memref<8x1000xf32, #tpu.memory_space<vmem>>) target_semaphore(%arg12 : memref<!tpu.dma_semaphore, #tpu.memory_space<semaphore_mem>>)
        %mul3A_503 = arith.constant 4 : i32
        %mul3A_504 = arith.muli %add3A_452, %mul3A_503 : i32
        %add3A_505 = arith.constant 2 : i32
        %add3A_506 = arith.addi %mul3A_504, %add3A_505 : i32
        %get3A_507 = arith.index_cast %add3A_506 : i32 to index
        %get3A_508 = tpu.vector_load %arg6[%get3A_507] {strides = array<i32>} : memref<144xi32, #tpu.memory_space<vmem>>, vector<16xi32>,
        %get3A_509 = vector.shape_cast %get3A_508 : vector<16xi32> to vector<16xi32>
        %slice3A_510 = vector.extract_strided_slice %get3A_509 {offsets = [0], sizes = [1], strides = [1]} : vector<16xi32> to vector<1xi32>
        %squeeze3A_511 = vector.extract %slice3A_510[0] : i32 from vector<1xi32>
        %mul3A_512 = arith.constant 8 : i32
        %mul3A_513 = arith.muli %squeeze3A_511, %mul3A_512 : i32
        %multiple_of3A_514 = tpu.assume_multiple %mul3A_513, 8 : i32
        %dma_start3A_515 = arith.constant 2 : i32
        %dma_start3A_516 = arith.constant 0 : i32
        %dma_start3A_517 = arith.constant 0 : i32
        %dma_start3A_518 = tpu.memref_slice %arg9[%dma_start3A_515, %dma_start3A_516, %dma_start3A_517] : memref<4x8x1000xf32, #tpu.memory_space<vmem>> -> memref<1x8x1000xf32, #tpu.memory_space<vmem>>
        %dma_start3A_519 = tpu.memref_squeeze %dma_start3A_518 : memref<1x8x1000xf32, #tpu.memory_space<vmem>> -> memref<8x1000xf32, #tpu.memory_space<vmem>>
        %dma_start3A_520 = arith.constant 0 : i32
        %dma_start3A_521 = tpu.memref_slice %arg3[%multiple_of3A_514, %dma_start3A_520] : memref<100000x1000xf32, #tpu.memory_space<hbm>> -> memref<8x1000xf32, #tpu.memory_space<hbm>>
        %dma_start3A_522 = arith.constant 0 : i32
        %dma_start3A_523 = arith.constant 0 : i32
        %dma_start3A_524 = tpu.memref_slice %arg9[%dma_start3A_515, %dma_start3A_522, %dma_start3A_523] : memref<4x8x1000xf32, #tpu.memory_space<vmem>> -> memref<1x8x1000xf32, #tpu.memory_space<vmem>>
        %dma_start3A_525 = tpu.memref_squeeze %dma_start3A_524 : memref<1x8x1000xf32, #tpu.memory_space<vmem>> -> memref<8x1000xf32, #tpu.memory_space<vmem>>
        %dma_start3A_526 = arith.constant 0 : i32
        %dma_start3A_527 = tpu.memref_slice %arg3[%multiple_of3A_514, %dma_start3A_526] : memref<100000x1000xf32, #tpu.memory_space<hbm>> -> memref<8x1000xf32, #tpu.memory_space<hbm>>
        tpu.enqueue_dma source(%dma_start3A_527 : memref<8x1000xf32, #tpu.memory_space<hbm>>) target(%dma_start3A_525 : memref<8x1000xf32, #tpu.memory_space<vmem>>) target_semaphore(%arg12 : memref<!tpu.dma_semaphore, #tpu.memory_space<semaphore_mem>>)
        %mul3A_528 = arith.constant 4 : i32
        %mul3A_529 = arith.muli %add3A_452, %mul3A_528 : i32
        %add3A_530 = arith.constant 3 : i32
        %add3A_531 = arith.addi %mul3A_529, %add3A_530 : i32
        %get3A_532 = arith.index_cast %add3A_531 : i32 to index
        %get3A_533 = tpu.vector_load %arg6[%get3A_532] {strides = array<i32>} : memref<144xi32, #tpu.memory_space<vmem>>, vector<16xi32>,
        %get3A_534 = vector.shape_cast %get3A_533 : vector<16xi32> to vector<16xi32>
        %slice3A_535 = vector.extract_strided_slice %get3A_534 {offsets = [0], sizes = [1], strides = [1]} : vector<16xi32> to vector<1xi32>
        %squeeze3A_536 = vector.extract %slice3A_535[0] : i32 from vector<1xi32>
        %mul3A_537 = arith.constant 8 : i32
        %mul3A_538 = arith.muli %squeeze3A_536, %mul3A_537 : i32
        %multiple_of3A_539 = tpu.assume_multiple %mul3A_538, 8 : i32
        %dma_start3A_540 = arith.constant 3 : i32
        %dma_start3A_541 = arith.constant 0 : i32
        %dma_start3A_542 = arith.constant 0 : i32
        %dma_start3A_543 = tpu.memref_slice %arg9[%dma_start3A_540, %dma_start3A_541, %dma_start3A_542] : memref<4x8x1000xf32, #tpu.memory_space<vmem>> -> memref<1x8x1000xf32, #tpu.memory_space<vmem>>
        %dma_start3A_544 = tpu.memref_squeeze %dma_start3A_543 : memref<1x8x1000xf32, #tpu.memory_space<vmem>> -> memref<8x1000xf32, #tpu.memory_space<vmem>>
        %dma_start3A_545 = arith.constant 0 : i32
        %dma_start3A_546 = tpu.memref_slice %arg3[%multiple_of3A_539, %dma_start3A_545] : memref<100000x1000xf32, #tpu.memory_space<hbm>> -> memref<8x1000xf32, #tpu.memory_space<hbm>>
        %dma_start3A_547 = arith.constant 0 : i32
        %dma_start3A_548 = arith.constant 0 : i32
        %dma_start3A_549 = tpu.memref_slice %arg9[%dma_start3A_540, %dma_start3A_547, %dma_start3A_548] : memref<4x8x1000xf32, #tpu.memory_space<vmem>> -> memref<1x8x1000xf32, #tpu.memory_space<vmem>>
        %dma_start3A_550 = tpu.memref_squeeze %dma_start3A_549 : memref<1x8x1000xf32, #tpu.memory_space<vmem>> -> memref<8x1000xf32, #tpu.memory_space<vmem>>
        %dma_start3A_551 = arith.constant 0 : i32
        %dma_start3A_552 = tpu.memref_slice %arg3[%multiple_of3A_539, %dma_start3A_551] : memref<100000x1000xf32, #tpu.memory_space<hbm>> -> memref<8x1000xf32, #tpu.memory_space<hbm>>
        tpu.enqueue_dma source(%dma_start3A_552 : memref<8x1000xf32, #tpu.memory_space<hbm>>) target(%dma_start3A_550 : memref<8x1000xf32, #tpu.memory_space<vmem>>) target_semaphore(%arg12 : memref<!tpu.dma_semaphore, #tpu.memory_space<semaphore_mem>>)
      } else {
      }
      %mul3A_447 = arith.constant 8 : i32
      %mul3A_448 = arith.muli %scan3A_304, %mul3A_447 : i32
      %add3A_449 = arith.addi %mul3A_2, %mul3A_448 : i32
      %multiple_of3A_450 = tpu.assume_multiple %add3A_449, 8 : i32
      "tpu.region"() ({
        %run_scoped3A = tpu.sem_alloc : memref<!tpu.dma_semaphore, #tpu.memory_space<semaphore_mem>>
        %dma_start3A_451 = arith.constant 0 : i32
        %dma_start3A_452 = tpu.memref_slice %arg4[%multiple_of3A_450, %dma_start3A_451] : memref<4096x1000xf32, #tpu.memory_space<hbm>> -> memref<8x1000xf32, #tpu.memory_space<hbm>>
        %dma_start3A_453 = arith.constant 0 : i32
        %dma_start3A_454 = tpu.memref_slice %arg4[%multiple_of3A_450, %dma_start3A_453] : memref<4096x1000xf32, #tpu.memory_space<hbm>> -> memref<8x1000xf32, #tpu.memory_space<hbm>>
        tpu.enqueue_dma source(%arg10 : memref<8x1000xf32, #tpu.memory_space<vmem>>) target(%dma_start3A_454 : memref<8x1000xf32, #tpu.memory_space<hbm>>) target_semaphore(%run_scoped3A : memref<!tpu.dma_semaphore, #tpu.memory_space<semaphore_mem>>)
        %dma_wait3A_455 = arith.constant 0 : i32
        %dma_wait3A_456 = tpu.memref_slice %arg4[%multiple_of3A_450, %dma_wait3A_455] : memref<4096x1000xf32, #tpu.memory_space<hbm>> -> memref<8x1000xf32, #tpu.memory_space<hbm>>
        %dma_wait3A_457 = arith.constant 0 : i32
        %dma_wait3A_458 = tpu.memref_slice %arg4[%multiple_of3A_450, %dma_wait3A_457] : memref<4096x1000xf32, #tpu.memory_space<hbm>> -> memref<8x1000xf32, #tpu.memory_space<hbm>>
        tpu.wait_dma2 semaphore(%run_scoped3A : memref<!tpu.dma_semaphore, #tpu.memory_space<semaphore_mem>>) src(%arg10 : memref<8x1000xf32, #tpu.memory_space<vmem>>) dst(%dma_wait3A_458 : memref<8x1000xf32, #tpu.memory_space<hbm>>)
        tpu.yield
      }) : () -> ()
    }
    %scan3A_303 = arith.constant 16 : i32
    return
  }
}

</mosaic_0001>

<sc_bundles>
// kernel: kernel.3.cloned.1.call-start
scs
__scs_entry_jumppad:
0x0: {  	(pc) =	sbr.rel $0x88, $3  }
0x1: {  	(tag) =	ssettag $0x0;
	lr =	simm.s32 $0x1  }
0x2: {  	[smem:$0x3F9F] =	sst lr;
	_ =	strace $0xD0000000  }
0x3: {  	_ = 	snop  }
0x4: {  	_ = 	snop  }
0x5: {  	_ = 	snop  }
0x6: {  	_ = 	snop  }
0x7: {  	_ = 	snop  }
__scs_overlays_trampoline_lowered:
0x8: {  	[smem:$0x3FAE] =	sst s0  }
0x9: {  	[smem:$0x3FAF] =	sst s1  }
0xa: {  	[smem:$0x3FB0] =	sst s2  }
0xb: {  	[smem:$0x3FB1] =	sst s3  }
0xc: {  	[smem:$0x3FB2] =	sst s4  }
0xd: {  	[smem:$0x3FB3] =	sst s5  }
0xe: {  	[smem:$0x3FB4] =	sst s6  }
0xf: {  	[smem:$0x3FB5] =	sst s7  }
0x10: {  	[smem:$0x3FB6] =	sst s8  }
0x11: {  	[smem:$0x3FB7] =	sst s9;
	s0 =	simm.s32 @!p0 $0x0  }
0x12: {  	s1 =	sld [smem:$0x3F9D];
	s0 =	simm.s32 @p0 $0x1  }
0x13: {  	[smem:$0x3FB8] =	sst s0;
	s0 =	simm.s32 @!p1 $0x0  }
0x14: {  	s2 =	sld [smem:$0x3F9C];
	s0 =	simm.s32 @p1 $0x1  }
0x15: {  	[smem:$0x3FB9] =	sst s0;
	s0 =	simm.s32 @!p2 $0x0  }
0x16: {  	s3 =	sld [smem:$0x3FDB];
	s0 =	simm.s32 @p2 $0x1  }
0x17: {  	s4 =	simm.s32 $0x1BF5;
	[smem:$0x3FBB] =	sst s0  }
0x18: {  	s0 =	sld [smem:$0x3F9E];
	_ =	swait.ge [sflag:s4], $0x0  }
0x19: {  	s7 =	sld [smem:$0x3F9F]  }
0x1a: {  	s8 =	sadd.s32 $0xFFFFE003, lr  }
0x1b: {  	s9 =	sadd.s32 $0xFFFFFEF7, lr;
	s5 =	simm.s32 $0xFFFFFFFF;
	p2 =	slt.u32 s8, $0xFFFFF086  }
0x1c: {  	p1 =	slt.u32 s9, $0xF7A;
	s5 =	simm.s32 @!p2 $0x0  }
0x1d: {  	s5 =	simm.s32 @p1 $0x1;
	p0 =	seq.s32 s7, s2  }
0x1e: {  	s7 =	smul.u32 @!p0 $0xF7A, s2;
	p2 =	seq.s32 @!p0 s5, $0x0  }
0x1f: {  	s9 =	smul.u32 $0xF7A, s1;
	s8 =	simm.s32 @!p0 $0x1BF5;
	p2 =	por !p2, p0  }
0x20: {  	[sflag:s8] =	ssyncset.s32 @!p0 $0xFFFFF086;
	s6 =	sadd.s32 @!p0 s3, s7;
	s7 =	simm.s32 @!p0 $0x108  }
0x21: {  	s3 =	sadd.s32 s3, s9;
	s6 =	sadd.s32 @!p0 $0x88, s6;
	s7 =	simm.s32 @p2 $0x1082  }
0x22: {  	[simem:s7], [sflag:s8] =	dma.local @!p0 [hbm:s6], $0xF7A  }
0x23: {  	s9 =	sor.u32 $0xD0000000, s2;
	s6 =	simm.s32 $0x108;
	_ =	swait.ge @!p0 [sflag:s8], $0x0  }
0x24: {  	s3 =	sadd.s32 $0x88, s3;
	s6 =	simm.s32 @!p1 $0x1082;
	[sflag:s4] =	ssyncset.s32 $0xFFFFF086  }
0x25: {  	[simem:s6], [sflag:s4] =	dma.local [hbm:s3], $0xF7A  }
0x26: {  	[smem:$0x3F9F] =	sst s1;
	(tag) =	ssettag s2;
	_ =	strace s9  }
0x27: {  	s1 =	sld [smem:$0x3FAF]  }
0x28: {  	s2 =	sld [smem:$0x3FB0]  }
0x29: {  	s4 =	sld [smem:$0x3FB2]  }
0x2a: {  	p0 =	seq.s32 s5, $0x0;
	s5 =	sld [smem:$0x3FB3]  }
0x2b: {  	s6 =	sld [smem:$0x3FB4]  }
0x2c: {  	s7 =	sld [smem:$0x3FB5]  }
0x2d: {  	s3 =	simm.s32 $0x108;
	s8 =	sld [smem:$0x3FB6]  }
0x2e: {  	s3 =	simm.s32 @!p0 $0x1082;
	s9 =	sld [smem:$0x3FB7]  }
0x2f: {  	lr =	sadd.s32 s0, s3;
	s0 =	sld [smem:$0x3FAE]  }
0x30: {  	s3 =	sld [smem:$0x3FB1]  }
0x31: {  	[smem:$0x3FBA] =	sst s10  }
0x32: {  	s10 =	sld [smem:$0x3FB8];
	_ =	sdelay $0x3  }
0x33: {  	p0 =	seq.s32 s10, $0x1;
	s10 =	sld [smem:$0x3FBA];
	_ =	sdelay $0x3  }
0x34: {  	[smem:$0x3FBA] =	sst s10  }
0x35: {  	s10 =	sld [smem:$0x3FB9];
	_ =	sdelay $0x3  }
0x36: {  	p1 =	seq.s32 s10, $0x1;
	s10 =	sld [smem:$0x3FBA];
	_ =	sdelay $0x3  }
0x37: {  	[smem:$0x3FBA] =	sst s10  }
0x38: {  	s10 =	sld [smem:$0x3FBB]  }
0x39: {  	_ = 	snop;
	(pc) =	sbr.ind lr, $3  }
0x3a: {  	_ = 	snop  }
0x3b: {  	_ = 	snop  }
0x3c: {  	p2 =	seq.s32 s10, $0x1;
	s10 =	sld [smem:$0x3FBA]  }
0x3d: {  	_ =	shalt  }
0x3e: {  	_ =	shalt  }
0x3f: {  	_ =	shalt  }
0x40: {  	_ =	shalt  }
0x41: {  	_ =	shalt  }
0x42: {  	_ =	shalt  }
0x43: {  	_ =	shalt  }
0x44: {  	_ =	shalt  }
0x45: {  	_ =	shalt  }
0x46: {  	_ =	shalt  }
0x47: {  	_ =	shalt  }
0x48: {  	_ =	shalt  }
0x49: {  	_ =	shalt  }
0x4a: {  	_ =	shalt  }
0x4b: {  	_ =	shalt  }
0x4c: {  	_ =	shalt  }
0x4d: {  	_ =	shalt  }
0x4e: {  	_ =	shalt  }
0x4f: {  	_ =	shalt  }
0x50: {  	_ =	shalt  }
0x51: {  	_ =	shalt  }
0x52: {  	_ =	shalt  }
0x53: {  	_ =	shalt  }
0x54: {  	_ =	shalt  }
0x55: {  	_ =	shalt  }
0x56: {  	_ =	shalt  }
0x57: {  	_ =	shalt  }
0x58: {  	_ =	shalt  }
0x59: {  	_ =	shalt  }
0x5a: {  	_ =	shalt  }
0x5b: {  	_ =	shalt  }
0x5c: {  	_ =	shalt  }
0x5d: {  	_ =	shalt  }
0x5e: {  	_ =	shalt  }
0x5f: {  	_ =	shalt  }
0x60: {  	_ =	shalt  }
0x61: {  	_ =	shalt  }
0x62: {  	_ =	shalt  }
0x63: {  	_ =	shalt  }
0x64: {  	_ =	shalt  }
0x65: {  	_ =	shalt  }
0x66: {  	_ =	shalt  }
0x67: {  	_ =	shalt  }
0x68: {  	_ =	shalt  }
0x69: {  	_ =	shalt  }
0x6a: {  	_ =	shalt  }
0x6b: {  	_ =	shalt  }
0x6c: {  	_ =	shalt  }
0x6d: {  	_ =	shalt  }
0x6e: {  	_ =	shalt  }
0x6f: {  	_ =	shalt  }
0x70: {  	_ =	shalt  }
0x71: {  	_ =	shalt  }
0x72: {  	_ =	shalt  }
0x73: {  	_ =	shalt  }
0x74: {  	_ =	shalt  }
0x75: {  	_ =	shalt  }
0x76: {  	_ =	shalt  }
0x77: {  	_ =	shalt  }
0x78: {  	_ =	shalt  }
0x79: {  	_ =	shalt  }
0x7a: {  	_ =	shalt  }
0x7b: {  	_ =	shalt  }
0x7c: {  	_ =	shalt  }
0x7d: {  	_ =	shalt  }
0x7e: {  	_ =	shalt  }
0x7f: {  	_ =	shalt  }
0x80: {  	_ =	shalt  }
0x81: {  	_ =	shalt  }
0x82: {  	_ =	shalt  }
0x83: {  	_ =	shalt  }
0x84: {  	_ =	shalt  }
0x85: {  	_ =	shalt  }
0x86: {  	_ =	shalt  }
0x87: {  	_ =	shalt  }
.Lfunc_end0:
.L_simem_size_0:
called_computation_lowered:
.L_overlay_start_0:
0x88: {  	s2 =	sld [smem:$0x3FD9]  }
0x89: {  	s3 =	sld [smem:$0x3FFE];
	_ =	sdelay $0x1  }
0x8a: {  	s1 =	srdreg.scid  }
0x8b: {  	s0 =	sand.u32 $0x1, s1  }
0x8c: {  	s17 =	sshll.u32 s0, $0xA;
	s2 =	sadd.s32 s3, s2  }
0x8d: {  	s2 =	sadd.s32 s2, s17  }
0x8e: {  	[smem:$0x3FC6] =	sst s2  }
0x8f: {  	_ = 	snop  }
0x90: {  	s2 =	sld [smem:$0x3FC9];
	(tm) =	ssettm $0x1  }
0x91: {  	s18 =	sld [smem:$0x3FFB];
	_ =	sdelay $0x3  }
0x92: {  	_ =	strace s18  }
0x93: {  	s3 =	sld [smem:$0x3FFC];
	_ =	sdelay $0x3  }
0x94: {  	_ =	strace s3  }
0x95: {  	s3 =	sld [smem:$0x3FFD];
	_ =	sdelay $0x3  }
0x96: {  	_ =	strace s3  }
0x97: {  	_ =	strace $0x8FFFFFFF  }
0x98: {  	s19 =	sld [smem:$0x3FDB];
	_ =	sdelay $0x1  }
0x99: {  	s4 =	simm.s32 $_scs_section_size  }
0x9a: {  	s5 =	simm.s32 $_size__tile_overlayer_lowered;
	s6 =	simm.s32 $_tile_overlayer_lowered  }
0x9b: {  	s22 =	simm.s32 $0x1BFF;
	s21 =	sshll.u32 s6, $0x1;
	s3 =	sadd.s32 s4, s19  }
0x9c: {  	s7 =	simm.s32 $0x0;
	s20 =	sshll.u32 s5, $0x1;
	s5 =	sadd.s32 s21, s3  }
0x9d: {  	[timem:s7], [sflag:s22] =	dma.local [hbm:s5], s20  }
0x9e: {  	_ =	swait.ge [sflag:s22], s20  }
0x9f: {  	s4 =	ssub.s32 $0x0, s20;
	[sflag:s22] =	ssyncset.done $0x0  }
0xa0: {  	[sflag:s22] =	ssyncadd.s32 s4;
	_ =	sdelay $0x1  }
0xa1: {  	s23 =	simm.s32 $0x1B8B  }
0xa2: {  	_ =	swait.ge [sflag:s23], $0x1  }
0xa3: {  	[sflag:s23] =	ssyncset.done $0x0  }
0xa4: {  	s25 =	simm.s32 $0x1B8E;
	s24 =	sld [smem:$0x3FFE];
	[sflag:s23] =	ssyncadd.s32 $0xFFFFFFFF  }
0xa5: {  	s26 =	simm.s32 $execute0_lowered;
	[smem:$0x3FD2] =	sst s25  }
0xa6: {  	s5 =	sshll.u32 s26, $0x1;
	_ =	strace $0x80000046;
	[dreg:$0x1] =	wrdreg $0xFFFFFFFF  }
0xa7: {  	s28 =	simm.s32 $_size_execute0_lowered;
	s3 =	sadd.s32 s3, s5;
	[dreg:$0x0] =	wrdreg $0x0  }
0xa8: {  	s5 =	sshll.u32 s28, $0x1;
	[dreg:$0x2] =	wrdreg s3  }
0xa9: {  	[dreg:$0x3] =	wrdreg s5  }
0xaa: {  	[dreg:$0x4] =	wrdreg $0xC0  }
0xab: {  	_ =	task [dreg:s7], $0x5FFFF  }
0xac: {  	[dreg:$0x1] =	wrdreg $0xFFFFFFFF  }
0xad: {  	[dreg:$0x0] =	wrdreg $0x60  }
0xae: {  	[dreg:$0x2] =	wrdreg s2  }
0xaf: {  	[dreg:$0x3] =	wrdreg s24  }
0xb0: {  	[dreg:$0x4] =	wrdreg $0x9  }
0xb1: {  	_ =	task.clear_ibuf [dreg:s7], $0x5FFFF;
	_ =	strace $0x90000046  }
0xb2: {  	s29 =	simm.s32 $0x9;
	_ =	strace $0x80000048  }
0xb3: {  	_ =	swait.ge [sflag:s29], $0x1  }
0xb4: {  	[sflag:s29] =	ssyncadd.s32 $0xFFFFFFFF  }
0xb5: {  	_ =	strace $0x90000048  }
0xb6: {  	_ =	sfence  }
0xb7: {  	s30 =	sld [smem:$0x0];
	_ =	sdelay $0x2  }
0xb8: {  	s31 =	sshll.u32 s1, $0xD;
	s1 =	sshrl.u32 s1, $0x2  }
0xb9: {  	s3 =	sand.u32 $0x4000, s31;
	s1 =	sadd.s32 s1, s30  }
0xba: {  	s0 =	sor.u32 s3, s0;
	s1 =	sshll.u32 s1, $0x11  }
0xbb: {  	s0 =	sor.u32 s1, s0  }
0xbc: {  	s0 =	sadd.s32 $0x8F2B, s0  }
0xbd: {  	[sflag:s0] =	ssyncadd.remote.s32 $0x1  }
0xbe: {  	_ =	sfence.sel $0xFFFF  }
0xbf: {  	[dreg:$0x0] =	wrdreg $0xFFFFFFFF;
	(pc) =	sbr.abs _section_cstart, $3  }
0xc0: {  	[dreg:$0x1] =	wrdreg $0xFFFFFFFF  }
0xc1: {  	_ =	task.clear_ibuf [dreg:s7], $0x2FFFF;
	_ =	strace $0x9FFFFFFF  }
0xc2: {  	(tm) =	ssettm $0x7FFFFFFF  }
0xc3: {  	_ =	shalt  }
tec
execute0_lowered:
.L_overlay_start_1:
0x0: {  	(tag) =	ssettag $0x1  }
0x1: {  	s6 =	rddreg [dreg:$0x0]  }
0x2: {  	s4 =	rddreg [dreg:$0x1];
	s1 =	simm.s32 $0x0;
	s2 =	srdreg.scid  }
0x3: {  	s10 =	simm.s32 $0x2280;
	s11 =	simm.s32 $0x4280;
	s12 =	simm.s32 $0x6280  }
0x4: {  	s13 =	simm.s32 $0x8280;
	s14 =	simm.s32 $0xA280;
	s15 =	simm.s32 $0xC280  }
0x5: {  	s16 =	simm.s32 $0xE280;
	s17 =	simm.s32 $0x1;
	s18 =	simm.s32 $0x2  }
0x6: {  	s19 =	simm.s32 $0x10280;
	s20 =	simm.s32 $0x0;
	[smem:$0x7FF] =	sst s1  }
0x7: {  	s5 =	sand.u32 $0x1, s2;
	s3 =	sadd.s32 $0x400, s4;
	s2 =	stileid.u32  }
0x8: {  	s4 =	sadd.s32 $0xC35400, s4;
	_ =	strace $0x80000047;
	s7 =	ssub.s32 $0x2, s5  }
0x9: {  	s9 =	sshll.u32 s2, $0x5;
	s5 =	sshll.u32 s5, $0x4;
	s8 =	sshrl.u32 s7, $0x1  }
0xa: {  	s5 =	sor.u32 s5, s9;
	s9 =	simm.s32 $0x280;
	s7 =	ssub.s32 s7, s8  }
0xb: {  	s6 =	sadd.s32 s6, s5;
	s8 =	simm.s32 $0x3;
	s7 =	smax.u32 s7, $0x1  }
.LBB2_1:
0xc: {  	[tilespmem:s1], [sflag:$0x3] =	stream.linear.gather [hbm4b:s6+s1], $0x80, $0x38;
	[tilespmem:$0x12280] =	vst v63  }
0xd: {  	_ =	swait.ge [sflag:s8], $0x80  }
0xe: {  	[sflag:s8] =	ssyncset.done $0x0  }
0xf: {  	[sflag:s8] =	ssyncadd.s32 $0xFFFFFF80  }
0x10: {  	v0 =	vld [tilespmem:$0x0];
	_ =	sdelay $0x4  }
0x11: {  	v1 =	vshrl.u32 v0, $0x3  }
0x12: {  	[tilespmem:$0x80] =	vst v1  }
0x13: {  	v1 =	vld [tilespmem:$0x80];
	_ =	sdelay $0x3  }
0x14: {  	v2 =	vld [tilespmem:$0x10]  }
0x15: {  	(v2sf) =	vpush v1, $0x0  }
0x16: {  	v38 =	vld [tilespmem:$0x20];
	_ =	sdelay $0x1  }
0x17: {  	v3 =	vld [tilespmem:$0x30];
	v0 =	vand.u32 $0x7, v0  }
0x18: {  	v39 =	vshrl.u32 v2, $0x3;
	[tilespmem:$0x180] =	vst v0  }
0x19: {  	v41 =	vld [tilespmem:$0x40];
	v40 =	vand.u32 $0x7, v2;
	[tilespmem:$0x90] =	vst v39  }
0x1a: {  	v42 =	vshrl.u32 v38, $0x3;
	[tilespmem:$0x190] =	vst v40  }
0x1b: {  	v44 =	vld [tilespmem:$0x50];
	v43 =	vand.u32 $0x7, v38;
	[tilespmem:$0xA0] =	vst v42  }
0x1c: {  	v45 =	vshrl.u32 v3, $0x3;
	[tilespmem:$0x1A0] =	vst v43  }
0x1d: {  	v47 =	vld [tilespmem:$0x60];
	v46 =	vand.u32 $0x7, v3;
	[tilespmem:$0xB0] =	vst v45  }
0x1e: {  	v48 =	vshrl.u32 v41, $0x3;
	[tilespmem:$0x1B0] =	vst v46  }
0x1f: {  	v50 =	vld [tilespmem:$0x70];
	v49 =	vand.u32 $0x7, v41;
	[tilespmem:$0xC0] =	vst v48  }
0x20: {  	v51 =	vshrl.u32 v44, $0x3;
	[tilespmem:$0x1C0] =	vst v49  }
0x21: {  	v52 =	vand.u32 $0x7, v44;
	[tilespmem:$0xD0] =	vst v51  }
0x22: {  	v53 =	vshrl.u32 v47, $0x3;
	[tilespmem:$0x1D0] =	vst v52  }
0x23: {  	v54 =	vand.u32 $0x7, v47;
	[tilespmem:$0xE0] =	vst v53;
	s21 =	spop (v2sf)  }
0x24: {  	v55 =	vshrl.u32 v50, $0x3;
	[tilespmem:$0x1E0] =	vst v54;
	s21 =	sshll.u32 s21, $0xA  }
0x25: {  	v56 =	vand.u32 $0x7, v50;
	[tilespmem:$0xF0] =	vst v55;
	s21 =	sand.u32 $0x1FFFFC00, s21  }
0x26: {  	[tilespmem:$0x1F0] =	vst v56;
	s21 =	sadd.s32 s3, s21  }
0x27: {  	[tilespmem:s9], [sflag:$0x1] =	stream.linear.gather [hbm4b:s21+s1], $0x2000, $0x38;
	[tilespmem:$0x12280] =	vst v63  }
0x28: {  	v57 =	vld [tilespmem:$0x81];
	_ =	sdelay $0x4  }
0x29: {  	(v2sf) =	vpush v57, $0x0;
	_ =	sdelay $0xe  }
0x2a: {  	s24 =	spop (v2sf)  }
0x2b: {  	s21 =	sshll.u32 s24, $0xA  }
0x2c: {  	s21 =	sand.u32 $0x1FFFFC00, s21  }
0x2d: {  	s21 =	sadd.s32 s3, s21  }
0x2e: {  	[tilespmem:s10], [sflag:$0x1] =	stream.linear.gather [hbm4b:s21+s1], $0x2000, $0x38;
	[tilespmem:$0x12280] =	vst v63  }
0x2f: {  	v58 =	vld [tilespmem:$0x82];
	_ =	sdelay $0x4  }
0x30: {  	(v2sf) =	vpush v58, $0x0;
	_ =	sdelay $0xe  }
0x31: {  	s25 =	spop (v2sf)  }
0x32: {  	s21 =	sshll.u32 s25, $0xA  }
0x33: {  	s21 =	sand.u32 $0x1FFFFC00, s21  }
0x34: {  	s21 =	sadd.s32 s3, s21  }
0x35: {  	[tilespmem:s11], [sflag:$0x1] =	stream.linear.gather [hbm4b:s21+s1], $0x2000, $0x38;
	[tilespmem:$0x12280] =	vst v63  }
0x36: {  	v59 =	vld [tilespmem:$0x83];
	_ =	sdelay $0x4  }
0x37: {  	(v2sf) =	vpush v59, $0x0;
	_ =	sdelay $0xe  }
0x38: {  	s26 =	spop (v2sf)  }
0x39: {  	s21 =	sshll.u32 s26, $0xA  }
0x3a: {  	s21 =	sand.u32 $0x1FFFFC00, s21  }
0x3b: {  	s21 =	sadd.s32 s3, s21  }
0x3c: {  	[tilespmem:s12], [sflag:$0x1] =	stream.linear.gather [hbm4b:s21+s1], $0x2000, $0x38;
	[tilespmem:$0x12280] =	vst v63  }
0x3d: {  	v60 =	vld [tilespmem:$0x84];
	_ =	sdelay $0x4  }
0x3e: {  	(v2sf) =	vpush v60, $0x0;
	_ =	sdelay $0xe  }
0x3f: {  	s28 =	spop (v2sf)  }
0x40: {  	s21 =	sshll.u32 s28, $0xA  }
0x41: {  	s21 =	sand.u32 $0x1FFFFC00, s21  }
0x42: {  	s21 =	sadd.s32 s3, s21  }
0x43: {  	[tilespmem:s13], [sflag:$0x2] =	stream.linear.gather [hbm4b:s21+s1], $0x2000, $0x38;
	[tilespmem:$0x12280] =	vst v63  }
0x44: {  	v61 =	vld [tilespmem:$0x85];
	_ =	sdelay $0x4  }
0x45: {  	(v2sf) =	vpush v61, $0x0;
	_ =	sdelay $0xe  }
0x46: {  	s29 =	spop (v2sf)  }
0x47: {  	s21 =	sshll.u32 s29, $0xA  }
0x48: {  	s21 =	sand.u32 $0x1FFFFC00, s21  }
0x49: {  	s21 =	sadd.s32 s3, s21  }
0x4a: {  	[tilespmem:s14], [sflag:$0x2] =	stream.linear.gather [hbm4b:s21+s1], $0x2000, $0x38;
	[tilespmem:$0x12280] =	vst v63  }
0x4b: {  	v62 =	vld [tilespmem:$0x86];
	_ =	sdelay $0x4  }
0x4c: {  	(v2sf) =	vpush v62, $0x0;
	_ =	sdelay $0xe  }
0x4d: {  	s30 =	spop (v2sf)  }
0x4e: {  	s21 =	sshll.u32 s30, $0xA  }
0x4f: {  	s21 =	sand.u32 $0x1FFFFC00, s21  }
0x50: {  	s21 =	sadd.s32 s3, s21  }
0x51: {  	[tilespmem:s15], [sflag:$0x2] =	stream.linear.gather [hbm4b:s21+s1], $0x2000, $0x38;
	[tilespmem:$0x12280] =	vst v63  }
0x52: {  	v63 =	vld [tilespmem:$0x87];
	_ =	sdelay $0x4  }
0x53: {  	(v2sf) =	vpush v63, $0x0;
	_ =	sdelay $0xe  }
0x54: {  	s31 =	spop (v2sf)  }
0x55: {  	s21 =	sshll.u32 s31, $0xA  }
0x56: {  	s21 =	sand.u32 $0x1FFFFC00, s21  }
0x57: {  	s21 =	sadd.s32 s3, s21  }
0x58: {  	[tilespmem:s16], [sflag:$0x2] =	stream.linear.gather [hbm4b:s21+s1], $0x2000, $0x38;
	[tilespmem:$0x12280] =	vst v63  }
0x59: {  	s22 =	simm.s32 $0x184;
	s23 =	simm.s32 $0x0;
	s21 =	simm.s32 $0x180  }
.LBB2_2:
0x5a: {  	_ =	swait.ge [sflag:s17], $0x2000  }
0x5b: {  	[sflag:s17] =	ssyncset.done $0x0  }
0x5c: {  	[sflag:s17] =	ssyncadd.s32 $0xFFFFE000  }
0x5d: {  	_ =	swait.ge [sflag:s17], $0x2000  }
0x5e: {  	[sflag:s17] =	ssyncset.done $0x0  }
0x5f: {  	[sflag:s17] =	ssyncadd.s32 $0xFFFFE000  }
0x60: {  	_ =	swait.ge [sflag:s17], $0x2000  }
0x61: {  	[sflag:s17] =	ssyncset.done $0x0  }
0x62: {  	[sflag:s17] =	ssyncadd.s32 $0xFFFFE000  }
0x63: {  	_ =	swait.ge [sflag:s17], $0x2000  }
0x64: {  	[sflag:s17] =	ssyncset.done $0x0  }
0x65: {  	[sflag:s17] =	ssyncadd.s32 $0xFFFFE000  }
0x66: {  	v0 =	vld [tilespmem:s21+$0x0];
	_ =	sdelay $0x4  }
0x67: {  	(v2sf) =	vpush v0, $0x0;
	_ =	sdelay $0xe  }
0x68: {  	s24 =	spop (v2sf)  }
0x69: {  	s25 =	sshll.u32 s24, $0xC;
	s24 =	sand.u32 $0x7, s24  }
0x6a: {  	s25 =	sand.u32 $0xFFFF8000, s25;
	s24 =	sshll.u32 s24, $0x9  }
0x6b: {  	s26 =	sor.u32 s24, s25  }
0x6c: {  	s24 =	sadd.s32 $0x0, s26  }
0x6d: {  	s31 =	sshra.s32 s24, $0x2  }
0x6e: {  	v0 =	vld [tilespmem:s31+$0x280];
	_ =	sdelay $0x4  }
0x6f: {  	v0 =	vmul.f32 $5.000000000e+01, v0;
	_ =	sdelay $0x1  }
0x70: {  	v0 =	vmax.f32 v0, $-2.000000000e+03  }
0x71: {  	s26 =	sshra.s32 s26, $0x2;
	s24 =	simm.s32 $0x11280;
	v0 =	vmin.f32 v0, $2.000000000e+03  }
0x72: {  	s26 =	sadd.s32 $0x0, s26;
	[tilespmem:s24+$0xFFFFF000] =	vst v0  }
0x73: {  	v0 =	vld [tilespmem:s26+$0x290];
	_ =	sdelay $0x4  }
0x74: {  	v0 =	vmul.f32 $5.000000000e+01, v0;
	_ =	sdelay $0x1  }
0x75: {  	v0 =	vmax.f32 v0, $-2.000000000e+03  }
0x76: {  	v0 =	vmin.f32 v0, $2.000000000e+03  }
0x77: {  	[tilespmem:s24+$0xFFFFF010] =	vst v0  }
0x78: {  	v0 =	vld [tilespmem:s26+$0x2A0];
	_ =	sdelay $0x4  }
0x79: {  	v0 =	vmul.f32 $5.000000000e+01, v0;
	_ =	sdelay $0x1  }
0x7a: {  	v0 =	vmax.f32 v0, $-2.000000000e+03  }
0x7b: {  	v0 =	vmin.f32 v0, $2.000000000e+03  }
0x7c: {  	[tilespmem:s24+$0xFFFFF020] =	vst v0  }
0x7d: {  	v0 =	vld [tilespmem:s26+$0x2B0];
	_ =	sdelay $0x4  }
0x7e: {  	v0 =	vmul.f32 $5.000000000e+01, v0;
	_ =	sdelay $0x1  }
0x7f: {  	v0 =	vmax.f32 v0, $-2.000000000e+03  }
0x80: {  	v0 =	vmin.f32 v0, $2.000000000e+03  }
0x81: {  	[tilespmem:s24+$0xFFFFF030] =	vst v0  }
0x82: {  	v0 =	vld [tilespmem:s26+$0x2C0];
	_ =	sdelay $0x4  }
0x83: {  	v0 =	vmul.f32 $5.000000000e+01, v0;
	_ =	sdelay $0x1  }
0x84: {  	v0 =	vmax.f32 v0, $-2.000000000e+03  }
0x85: {  	v0 =	vmin.f32 v0, $2.000000000e+03  }
0x86: {  	[tilespmem:s24+$0xFFFFF040] =	vst v0  }
0x87: {  	v0 =	vld [tilespmem:s26+$0x2D0];
	_ =	sdelay $0x4  }
0x88: {  	v0 =	vmul.f32 $5.000000000e+01, v0;
	_ =	sdelay $0x1  }
0x89: {  	v0 =	vmax.f32 v0, $-2.000000000e+03  }
0x8a: {  	v0 =	vmin.f32 v0, $2.000000000e+03  }
0x8b: {  	[tilespmem:s24+$0xFFFFF050] =	vst v0  }
0x8c: {  	v0 =	vld [tilespmem:s26+$0x2E0];
	_ =	sdelay $0x4  }
0x8d: {  	v0 =	vmul.f32 $5.000000000e+01, v0;
	_ =	sdelay $0x1  }
0x8e: {  	v0 =	vmax.f32 v0, $-2.000000000e+03  }
0x8f: {  	v0 =	vmin.f32 v0, $2.000000000e+03  }
0x90: {  	[tilespmem:s24+$0xFFFFF060] =	vst v0  }
0x91: {  	v0 =	vld [tilespmem:s26+$0x2F0];
	_ =	sdelay $0x4  }
0x92: {  	v0 =	vmul.f32 $5.000000000e+01, v0;
	_ =	sdelay $0x1  }
0x93: {  	v0 =	vmax.f32 v0, $-2.000000000e+03  }
0x94: {  	v0 =	vmin.f32 v0, $2.000000000e+03  }
0x95: {  	[tilespmem:s24+$0xFFFFF070] =	vst v0  }
0x96: {  	v0 =	vld [tilespmem:s26+$0x680];
	_ =	sdelay $0x4  }
0x97: {  	v0 =	vmul.f32 $5.000000000e+01, v0;
	_ =	sdelay $0x1  }
0x98: {  	v0 =	vmax.f32 v0, $-2.000000000e+03  }
0x99: {  	v0 =	vmin.f32 v0, $2.000000000e+03  }
0x9a: {  	[tilespmem:s24+$0xFFFFF400] =	vst v0  }
0x9b: {  	v0 =	vld [tilespmem:s26+$0x690];
	_ =	sdelay $0x4  }
0x9c: {  	v0 =	vmul.f32 $5.000000000e+01, v0;
	_ =	sdelay $0x1  }
0x9d: {  	v0 =	vmax.f32 v0, $-2.000000000e+03  }
0x9e: {  	v0 =	vmin.f32 v0, $2.000000000e+03  }
0x9f: {  	[tilespmem:s24+$0xFFFFF410] =	vst v0  }
0xa0: {  	v0 =	vld [tilespmem:s26+$0x6A0];
	_ =	sdelay $0x4  }
0xa1: {  	v0 =	vmul.f32 $5.000000000e+01, v0;
	_ =	sdelay $0x1  }
0xa2: {  	v0 =	vmax.f32 v0, $-2.000000000e+03  }
0xa3: {  	v0 =	vmin.f32 v0, $2.000000000e+03  }
0xa4: {  	[tilespmem:s24+$0xFFFFF420] =	vst v0  }
0xa5: {  	v0 =	vld [tilespmem:s26+$0x6B0];
	_ =	sdelay $0x4  }
0xa6: {  	v0 =	vmul.f32 $5.000000000e+01, v0;
	_ =	sdelay $0x1  }
0xa7: {  	v0 =	vmax.f32 v0, $-2.000000000e+03  }
0xa8: {  	v0 =	vmin.f32 v0, $2.000000000e+03  }
0xa9: {  	[tilespmem:s24+$0xFFFFF430] =	vst v0  }
0xaa: {  	v0 =	vld [tilespmem:s26+$0x6C0];
	_ =	sdelay $0x4  }
0xab: {  	v0 =	vmul.f32 $5.000000000e+01, v0;
	_ =	sdelay $0x1  }
0xac: {  	v0 =	vmax.f32 v0, $-2.000000000e+03  }
0xad: {  	v0 =	vmin.f32 v0, $2.000000000e+03  }
0xae: {  	[tilespmem:s24+$0xFFFFF440] =	vst v0  }
0xaf: {  	v0 =	vld [tilespmem:s26+$0x6D0];
	_ =	sdelay $0x4  }
0xb0: {  	v0 =	vmul.f32 $5.000000000e+01, v0;
	_ =	sdelay $0x1  }
0xb1: {  	v0 =	vmax.f32 v0, $-2.000000000e+03  }
0xb2: {  	v0 =	vmin.f32 v0, $2.000000000e+03  }
0xb3: {  	[tilespmem:s24+$0xFFFFF450] =	vst v0  }
0xb4: {  	v0 =	vld [tilespmem:s26+$0x6E0];
	_ =	sdelay $0x4  }
0xb5: {  	v0 =	vmul.f32 $5.000000000e+01, v0;
	_ =	sdelay $0x1  }
0xb6: {  	v0 =	vmax.f32 v0, $-2.000000000e+03  }
0xb7: {  	v0 =	vmin.f32 v0, $2.000000000e+03  }
0xb8: {  	[tilespmem:s24+$0xFFFFF460] =	vst v0  }
0xb9: {  	v0 =	vld [tilespmem:s26+$0x6F0];
	_ =	sdelay $0x4  }
0xba: {  	v0 =	vmul.f32 $5.000000000e+01, v0;
	_ =	sdelay $0x1  }
0xbb: {  	v0 =	vmax.f32 v0, $-2.000000000e+03  }
0xbc: {  	v0 =	vmin.f32 v0, $2.000000000e+03  }
0xbd: {  	[tilespmem:s24+$0xFFFFF470] =	vst v0  }
0xbe: {  	v0 =	vld [tilespmem:s26+$0xA80];
	_ =	sdelay $0x4  }
0xbf: {  	v0 =	vmul.f32 $5.000000000e+01, v0;
	_ =	sdelay $0x1  }
0xc0: {  	v0 =	vmax.f32 v0, $-2.000000000e+03  }
0xc1: {  	v0 =	vmin.f32 v0, $2.000000000e+03  }
0xc2: {  	[tilespmem:s24+$0xFFFFF800] =	vst v0  }
0xc3: {  	v0 =	vld [tilespmem:s26+$0xA90];
	_ =	sdelay $0x4  }
0xc4: {  	v0 =	vmul.f32 $5.000000000e+01, v0;
	_ =	sdelay $0x1  }
0xc5: {  	v0 =	vmax.f32 v0, $-2.000000000e+03  }
0xc6: {  	v0 =	vmin.f32 v0, $2.000000000e+03  }
0xc7: {  	[tilespmem:s24+$0xFFFFF810] =	vst v0  }
0xc8: {  	v0 =	vld [tilespmem:s26+$0xAA0];
	_ =	sdelay $0x4  }
0xc9: {  	v0 =	vmul.f32 $5.000000000e+01, v0;
	_ =	sdelay $0x1  }
0xca: {  	v0 =	vmax.f32 v0, $-2.000000000e+03  }
0xcb: {  	v0 =	vmin.f32 v0, $2.000000000e+03  }
0xcc: {  	[tilespmem:s24+$0xFFFFF820] =	vst v0  }
0xcd: {  	v0 =	vld [tilespmem:s26+$0xAB0];
	_ =	sdelay $0x4  }
0xce: {  	v0 =	vmul.f32 $5.000000000e+01, v0;
	_ =	sdelay $0x1  }
0xcf: {  	v0 =	vmax.f32 v0, $-2.000000000e+03  }
0xd0: {  	v0 =	vmin.f32 v0, $2.000000000e+03  }
0xd1: {  	[tilespmem:s24+$0xFFFFF830] =	vst v0  }
0xd2: {  	v0 =	vld [tilespmem:s26+$0xAC0];
	_ =	sdelay $0x4  }
0xd3: {  	v0 =	vmul.f32 $5.000000000e+01, v0;
	_ =	sdelay $0x1  }
0xd4: {  	v0 =	vmax.f32 v0, $-2.000000000e+03  }
0xd5: {  	v0 =	vmin.f32 v0, $2.000000000e+03  }
0xd6: {  	[tilespmem:s24+$0xFFFFF840] =	vst v0  }
0xd7: {  	v0 =	vld [tilespmem:s26+$0xAD0];
	_ =	sdelay $0x4  }
0xd8: {  	v0 =	vmul.f32 $5.000000000e+01, v0;
	_ =	sdelay $0x1  }
0xd9: {  	v0 =	vmax.f32 v0, $-2.000000000e+03  }
0xda: {  	v0 =	vmin.f32 v0, $2.000000000e+03  }
0xdb: {  	[tilespmem:s24+$0xFFFFF850] =	vst v0  }
0xdc: {  	v0 =	vld [tilespmem:s26+$0xAE0];
	_ =	sdelay $0x4  }
0xdd: {  	v0 =	vmul.f32 $5.000000000e+01, v0;
	_ =	sdelay $0x1  }
0xde: {  	v0 =	vmax.f32 v0, $-2.000000000e+03  }
0xdf: {  	v0 =	vmin.f32 v0, $2.000000000e+03  }
0xe0: {  	[tilespmem:s24+$0xFFFFF860] =	vst v0  }
0xe1: {  	v0 =	vld [tilespmem:s26+$0xAF0];
	_ =	sdelay $0x4  }
0xe2: {  	v0 =	vmul.f32 $5.000000000e+01, v0;
	_ =	sdelay $0x1  }
0xe3: {  	v0 =	vmax.f32 v0, $-2.000000000e+03  }
0xe4: {  	v0 =	vmin.f32 v0, $2.000000000e+03  }
0xe5: {  	[tilespmem:s24+$0xFFFFF870] =	vst v0  }
0xe6: {  	v0 =	vld [tilespmem:s26+$0xE80];
	_ =	sdelay $0x4  }
0xe7: {  	v0 =	vmul.f32 $5.000000000e+01, v0;
	_ =	sdelay $0x1  }
0xe8: {  	v0 =	vmax.f32 v0, $-2.000000000e+03  }
0xe9: {  	v0 =	vmin.f32 v0, $2.000000000e+03  }
0xea: {  	[tilespmem:s24+$0xFFFFFC00] =	vst v0  }
0xeb: {  	v0 =	vld [tilespmem:s26+$0xE90];
	_ =	sdelay $0x4  }
0xec: {  	v0 =	vmul.f32 $5.000000000e+01, v0;
	_ =	sdelay $0x1  }
0xed: {  	v0 =	vmax.f32 v0, $-2.000000000e+03  }
0xee: {  	v0 =	vmin.f32 v0, $2.000000000e+03  }
0xef: {  	[tilespmem:s24+$0xFFFFFC10] =	vst v0  }
0xf0: {  	v0 =	vld [tilespmem:s26+$0xEA0];
	_ =	sdelay $0x4  }
0xf1: {  	v0 =	vmul.f32 $5.000000000e+01, v0;
	_ =	sdelay $0x1  }
0xf2: {  	v0 =	vmax.f32 v0, $-2.000000000e+03  }
0xf3: {  	v0 =	vmin.f32 v0, $2.000000000e+03  }
0xf4: {  	[tilespmem:s24+$0xFFFFFC20] =	vst v0  }
0xf5: {  	v0 =	vld [tilespmem:s26+$0xEB0];
	_ =	sdelay $0x4  }
0xf6: {  	v0 =	vmul.f32 $5.000000000e+01, v0;
	_ =	sdelay $0x1  }
0xf7: {  	v0 =	vmax.f32 v0, $-2.000000000e+03  }
0xf8: {  	v0 =	vmin.f32 v0, $2.000000000e+03  }
0xf9: {  	[tilespmem:s24+$0xFFFFFC30] =	vst v0  }
0xfa: {  	v0 =	vld [tilespmem:s26+$0xEC0];
	_ =	sdelay $0x4  }
0xfb: {  	v0 =	vmul.f32 $5.000000000e+01, v0;
	_ =	sdelay $0x1  }
0xfc: {  	v0 =	vmax.f32 v0, $-2.000000000e+03  }
0xfd: {  	v0 =	vmin.f32 v0, $2.000000000e+03  }
0xfe: {  	[tilespmem:s24+$0xFFFFFC40] =	vst v0  }
0xff: {  	v0 =	vld [tilespmem:s26+$0xED0];
	_ =	sdelay $0x4  }
0x100: {  	v0 =	vmul.f32 $5.000000000e+01, v0;
	_ =	sdelay $0x1  }
0x101: {  	v0 =	vmax.f32 v0, $-2.000000000e+03  }
0x102: {  	v0 =	vmin.f32 v0, $2.000000000e+03  }
0x103: {  	[tilespmem:s24+$0xFFFFFC50] =	vst v0  }
0x104: {  	v0 =	vld [tilespmem:s26+$0xEE0];
	_ =	sdelay $0x4  }
0x105: {  	v0 =	vmul.f32 $5.000000000e+01, v0;
	_ =	sdelay $0x1  }
0x106: {  	v0 =	vmax.f32 v0, $-2.000000000e+03  }
0x107: {  	v0 =	vmin.f32 v0, $2.000000000e+03  }
0x108: {  	[tilespmem:s24+$0xFFFFFC60] =	vst v0  }
0x109: {  	v0 =	vld [tilespmem:s26+$0xEF0];
	_ =	sdelay $0x4  }
0x10a: {  	v0 =	vmul.f32 $5.000000000e+01, v0;
	_ =	sdelay $0x1  }
0x10b: {  	v0 =	vmax.f32 v0, $-2.000000000e+03  }
0x10c: {  	v0 =	vmin.f32 v0, $2.000000000e+03  }
0x10d: {  	[tilespmem:s24+$0xFFFFFC70] =	vst v0  }
0x10e: {  	v0 =	vld [tilespmem:s26+$0x1280];
	_ =	sdelay $0x4  }
0x10f: {  	v0 =	vmul.f32 $5.000000000e+01, v0;
	_ =	sdelay $0x1  }
0x110: {  	v0 =	vmax.f32 v0, $-2.000000000e+03  }
0x111: {  	v0 =	vmin.f32 v0, $2.000000000e+03  }
0x112: {  	[tilespmem:s24+$0x0] =	vst v0  }
0x113: {  	v0 =	vld [tilespmem:s26+$0x1290];
	_ =	sdelay $0x4  }
0x114: {  	v0 =	vmul.f32 $5.000000000e+01, v0;
	_ =	sdelay $0x1  }
0x115: {  	v0 =	vmax.f32 v0, $-2.000000000e+03  }
0x116: {  	v0 =	vmin.f32 v0, $2.000000000e+03  }
0x117: {  	[tilespmem:s24+$0x10] =	vst v0  }
0x118: {  	v0 =	vld [tilespmem:s26+$0x12A0];
	_ =	sdelay $0x4  }
0x119: {  	v0 =	vmul.f32 $5.000000000e+01, v0;
	_ =	sdelay $0x1  }
0x11a: {  	v0 =	vmax.f32 v0, $-2.000000000e+03  }
0x11b: {  	v0 =	vmin.f32 v0, $2.000000000e+03  }
0x11c: {  	[tilespmem:s24+$0x20] =	vst v0  }
0x11d: {  	v0 =	vld [tilespmem:s26+$0x12B0];
	_ =	sdelay $0x4  }
0x11e: {  	v0 =	vmul.f32 $5.000000000e+01, v0;
	_ =	sdelay $0x1  }
0x11f: {  	v0 =	vmax.f32 v0, $-2.000000000e+03  }
0x120: {  	v0 =	vmin.f32 v0, $2.000000000e+03  }
0x121: {  	[tilespmem:s24+$0x30] =	vst v0  }
0x122: {  	v0 =	vld [tilespmem:s26+$0x12C0];
	_ =	sdelay $0x4  }
0x123: {  	v0 =	vmul.f32 $5.000000000e+01, v0;
	_ =	sdelay $0x1  }
0x124: {  	v0 =	vmax.f32 v0, $-2.000000000e+03  }
0x125: {  	v0 =	vmin.f32 v0, $2.000000000e+03  }
0x126: {  	[tilespmem:s24+$0x40] =	vst v0  }
0x127: {  	v0 =	vld [tilespmem:s26+$0x12D0];
	_ =	sdelay $0x4  }
0x128: {  	v0 =	vmul.f32 $5.000000000e+01, v0;
	_ =	sdelay $0x1  }
0x129: {  	v0 =	vmax.f32 v0, $-2.000000000e+03  }
0x12a: {  	v0 =	vmin.f32 v0, $2.000000000e+03  }
0x12b: {  	[tilespmem:s24+$0x50] =	vst v0  }
0x12c: {  	v0 =	vld [tilespmem:s26+$0x12E0];
	_ =	sdelay $0x4  }
0x12d: {  	v0 =	vmul.f32 $5.000000000e+01, v0;
	_ =	sdelay $0x1  }
0x12e: {  	v0 =	vmax.f32 v0, $-2.000000000e+03  }
0x12f: {  	v0 =	vmin.f32 v0, $2.000000000e+03  }
0x130: {  	[tilespmem:s24+$0x60] =	vst v0  }
0x131: {  	v0 =	vld [tilespmem:s26+$0x12F0];
	_ =	sdelay $0x4  }
0x132: {  	v0 =	vmul.f32 $5.000000000e+01, v0;
	_ =	sdelay $0x1  }
0x133: {  	v0 =	vmax.f32 v0, $-2.000000000e+03  }
0x134: {  	v0 =	vmin.f32 v0, $2.000000000e+03  }
0x135: {  	[tilespmem:s24+$0x70] =	vst v0  }
0x136: {  	v0 =	vld [tilespmem:s26+$0x1680];
	_ =	sdelay $0x4  }
0x137: {  	v0 =	vmul.f32 $5.000000000e+01, v0;
	_ =	sdelay $0x1  }
0x138: {  	v0 =	vmax.f32 v0, $-2.000000000e+03  }
0x139: {  	v0 =	vmin.f32 v0, $2.000000000e+03  }
0x13a: {  	[tilespmem:s24+$0x400] =	vst v0  }
0x13b: {  	v0 =	vld [tilespmem:s26+$0x1690];
	_ =	sdelay $0x4  }
0x13c: {  	v0 =	vmul.f32 $5.000000000e+01, v0;
	_ =	sdelay $0x1  }
0x13d: {  	v0 =	vmax.f32 v0, $-2.000000000e+03  }
0x13e: {  	v0 =	vmin.f32 v0, $2.000000000e+03  }
0x13f: {  	[tilespmem:s24+$0x410] =	vst v0  }
0x140: {  	v0 =	vld [tilespmem:s26+$0x16A0];
	_ =	sdelay $0x4  }
0x141: {  	v0 =	vmul.f32 $5.000000000e+01, v0;
	_ =	sdelay $0x1  }
0x142: {  	v0 =	vmax.f32 v0, $-2.000000000e+03  }
0x143: {  	v0 =	vmin.f32 v0, $2.000000000e+03  }
0x144: {  	[tilespmem:s24+$0x420] =	vst v0  }
0x145: {  	v0 =	vld [tilespmem:s26+$0x16B0];
	_ =	sdelay $0x4  }
0x146: {  	v0 =	vmul.f32 $5.000000000e+01, v0;
	_ =	sdelay $0x1  }
0x147: {  	v0 =	vmax.f32 v0, $-2.000000000e+03  }
0x148: {  	v0 =	vmin.f32 v0, $2.000000000e+03  }
0x149: {  	[tilespmem:s24+$0x430] =	vst v0  }
0x14a: {  	v0 =	vld [tilespmem:s26+$0x16C0];
	_ =	sdelay $0x4  }
0x14b: {  	v0 =	vmul.f32 $5.000000000e+01, v0;
	_ =	sdelay $0x1  }
0x14c: {  	v0 =	vmax.f32 v0, $-2.000000000e+03  }
0x14d: {  	v0 =	vmin.f32 v0, $2.000000000e+03  }
0x14e: {  	[tilespmem:s24+$0x440] =	vst v0  }
0x14f: {  	v0 =	vld [tilespmem:s26+$0x16D0];
	_ =	sdelay $0x4  }
0x150: {  	v0 =	vmul.f32 $5.000000000e+01, v0;
	_ =	sdelay $0x1  }
0x151: {  	v0 =	vmax.f32 v0, $-2.000000000e+03  }
0x152: {  	v0 =	vmin.f32 v0, $2.000000000e+03  }
0x153: {  	[tilespmem:s24+$0x450] =	vst v0  }
0x154: {  	v0 =	vld [tilespmem:s26+$0x16E0];
	_ =	sdelay $0x4  }
0x155: {  	v0 =	vmul.f32 $5.000000000e+01, v0;
	_ =	sdelay $0x1  }
0x156: {  	v0 =	vmax.f32 v0, $-2.000000000e+03  }
0x157: {  	v0 =	vmin.f32 v0, $2.000000000e+03  }
0x158: {  	[tilespmem:s24+$0x460] =	vst v0  }
0x159: {  	v0 =	vld [tilespmem:s26+$0x16F0];
	_ =	sdelay $0x4  }
0x15a: {  	v0 =	vmul.f32 $5.000000000e+01, v0;
	_ =	sdelay $0x1  }
0x15b: {  	v0 =	vmax.f32 v0, $-2.000000000e+03  }
0x15c: {  	v0 =	vmin.f32 v0, $2.000000000e+03  }
0x15d: {  	[tilespmem:s24+$0x470] =	vst v0  }
0x15e: {  	v0 =	vld [tilespmem:s26+$0x1A80];
	_ =	sdelay $0x4  }
0x15f: {  	v0 =	vmul.f32 $5.000000000e+01, v0;
	_ =	sdelay $0x1  }
0x160: {  	v0 =	vmax.f32 v0, $-2.000000000e+03  }
0x161: {  	v0 =	vmin.f32 v0, $2.000000000e+03  }
0x162: {  	[tilespmem:s24+$0x800] =	vst v0  }
0x163: {  	v0 =	vld [tilespmem:s26+$0x1A90];
	_ =	sdelay $0x4  }
0x164: {  	v0 =	vmul.f32 $5.000000000e+01, v0;
	_ =	sdelay $0x1  }
0x165: {  	v0 =	vmax.f32 v0, $-2.000000000e+03  }
0x166: {  	v0 =	vmin.f32 v0, $2.000000000e+03  }
0x167: {  	[tilespmem:s24+$0x810] =	vst v0  }
0x168: {  	v0 =	vld [tilespmem:s26+$0x1AA0];
	_ =	sdelay $0x4  }
0x169: {  	v0 =	vmul.f32 $5.000000000e+01, v0;
	_ =	sdelay $0x1  }
0x16a: {  	v0 =	vmax.f32 v0, $-2.000000000e+03  }
0x16b: {  	v0 =	vmin.f32 v0, $2.000000000e+03  }
0x16c: {  	[tilespmem:s24+$0x820] =	vst v0  }
0x16d: {  	v0 =	vld [tilespmem:s26+$0x1AB0];
	_ =	sdelay $0x4  }
0x16e: {  	v0 =	vmul.f32 $5.000000000e+01, v0;
	_ =	sdelay $0x1  }
0x16f: {  	v0 =	vmax.f32 v0, $-2.000000000e+03  }
0x170: {  	v0 =	vmin.f32 v0, $2.000000000e+03  }
0x171: {  	[tilespmem:s24+$0x830] =	vst v0  }
0x172: {  	v0 =	vld [tilespmem:s26+$0x1AC0];
	_ =	sdelay $0x4  }
0x173: {  	v0 =	vmul.f32 $5.000000000e+01, v0;
	_ =	sdelay $0x1  }
0x174: {  	v0 =	vmax.f32 v0, $-2.000000000e+03  }
0x175: {  	v0 =	vmin.f32 v0, $2.000000000e+03  }
0x176: {  	[tilespmem:s24+$0x840] =	vst v0  }
0x177: {  	v0 =	vld [tilespmem:s26+$0x1AD0];
	_ =	sdelay $0x4  }
0x178: {  	v0 =	vmul.f32 $5.000000000e+01, v0;
	_ =	sdelay $0x1  }
0x179: {  	v0 =	vmax.f32 v0, $-2.000000000e+03  }
0x17a: {  	v0 =	vmin.f32 v0, $2.000000000e+03  }
0x17b: {  	[tilespmem:s24+$0x850] =	vst v0  }
0x17c: {  	v0 =	vld [tilespmem:s26+$0x1AE0];
	_ =	sdelay $0x4  }
0x17d: {  	v0 =	vmul.f32 $5.000000000e+01, v0;
	_ =	sdelay $0x1  }
0x17e: {  	v0 =	vmax.f32 v0, $-2.000000000e+03  }
0x17f: {  	v0 =	vmin.f32 v0, $2.000000000e+03  }
0x180: {  	[tilespmem:s24+$0x860] =	vst v0  }
0x181: {  	v0 =	vld [tilespmem:s26+$0x1AF0];
	_ =	sdelay $0x4  }
0x182: {  	v0 =	vmul.f32 $5.000000000e+01, v0;
	_ =	sdelay $0x1  }
0x183: {  	v0 =	vmax.f32 v0, $-2.000000000e+03  }
0x184: {  	v0 =	vmin.f32 v0, $2.000000000e+03  }
0x185: {  	[tilespmem:s24+$0x870] =	vst v0  }
0x186: {  	v0 =	vld [tilespmem:s26+$0x1E80];
	_ =	sdelay $0x4  }
0x187: {  	v0 =	vmul.f32 $5.000000000e+01, v0;
	_ =	sdelay $0x1  }
0x188: {  	v0 =	vmax.f32 v0, $-2.000000000e+03  }
0x189: {  	v0 =	vmin.f32 v0, $2.000000000e+03  }
0x18a: {  	[tilespmem:s24+$0xC00] =	vst v0  }
0x18b: {  	v0 =	vld [tilespmem:s26+$0x1E90];
	_ =	sdelay $0x4  }
0x18c: {  	v0 =	vmul.f32 $5.000000000e+01, v0;
	_ =	sdelay $0x1  }
0x18d: {  	v0 =	vmax.f32 v0, $-2.000000000e+03  }
0x18e: {  	v0 =	vmin.f32 v0, $2.000000000e+03  }
0x18f: {  	[tilespmem:s24+$0xC10] =	vst v0  }
0x190: {  	v0 =	vld [tilespmem:s26+$0x1EA0];
	_ =	sdelay $0x4  }
0x191: {  	v0 =	vmul.f32 $5.000000000e+01, v0;
	_ =	sdelay $0x1  }
0x192: {  	v0 =	vmax.f32 v0, $-2.000000000e+03  }
0x193: {  	v0 =	vmin.f32 v0, $2.000000000e+03  }
0x194: {  	[tilespmem:s24+$0xC20] =	vst v0  }
0x195: {  	v0 =	vld [tilespmem:s26+$0x1EB0];
	_ =	sdelay $0x4  }
0x196: {  	v0 =	vmul.f32 $5.000000000e+01, v0;
	_ =	sdelay $0x1  }
0x197: {  	v0 =	vmax.f32 v0, $-2.000000000e+03  }
0x198: {  	v0 =	vmin.f32 v0, $2.000000000e+03  }
0x199: {  	[tilespmem:s24+$0xC30] =	vst v0  }
0x19a: {  	v0 =	vld [tilespmem:s26+$0x1EC0];
	_ =	sdelay $0x4  }
0x19b: {  	v0 =	vmul.f32 $5.000000000e+01, v0;
	_ =	sdelay $0x1  }
0x19c: {  	v0 =	vmax.f32 v0, $-2.000000000e+03  }
0x19d: {  	v0 =	vmin.f32 v0, $2.000000000e+03  }
0x19e: {  	[tilespmem:s24+$0xC40] =	vst v0  }
0x19f: {  	v0 =	vld [tilespmem:s26+$0x1ED0];
	_ =	sdelay $0x4  }
0x1a0: {  	v0 =	vmul.f32 $5.000000000e+01, v0;
	_ =	sdelay $0x1  }
0x1a1: {  	v0 =	vmax.f32 v0, $-2.000000000e+03  }
0x1a2: {  	v0 =	vmin.f32 v0, $2.000000000e+03  }
0x1a3: {  	[tilespmem:s24+$0xC50] =	vst v0  }
0x1a4: {  	v0 =	vld.msk [tilespmem:s31+$0x1EE0], $0xff  }
0x1a5: {  	v1 =	vld [tilespmem:s26+$0x1ED0];
	_ =	sdelay $0x3  }
0x1a6: {  	v0 =	vmul.f32 $5.000000000e+01, v0  }
0x1a7: {  	v1 =	vmul.f32 $5.000000000e+01, v1  }
0x1a8: {  	v0 =	vmax.f32 v0, $-2.000000000e+03  }
0x1a9: {  	v1 =	vmax.f32 v1, $-2.000000000e+03;
	v0 =	vmin.f32 v0, $2.000000000e+03  }
0x1aa: {  	v1 =	vmin.f32 v1, $2.000000000e+03;
	[tilespmem:s24+$0xC60] =	vst.msk $0xff, v0  }
0x1ab: {  	s28 =	sadd.s32 $0x1, s21;
	[tilespmem:s24+$0xC50] =	vst v1  }
0x1ac: {  	s29 =	simm.s32 $0x10000;
	s25 =	sshll.u32 s23, $0x5;
	s26 =	simm.s32 $0x8000;
	v0 =	vld [tilespmem:s28+$0x0]  }
.LBB2_3:
0x1ad: {  	p0 =	sne.s32 s29, $0x18000;
	_ =	sdelay $0x3  }
0x1ae: {  	(v2sf) =	vpush v0, $0x0;
	_ =	sdelay $0xe  }
0x1af: {  	s30 =	spop (v2sf)  }
0x1b0: {  	s31 =	sshll.u32 s30, $0xC;
	s30 =	sand.u32 $0x7, s30  }
0x1b1: {  	s31 =	sand.u32 $0xFFFF8000, s31;
	s30 =	sshll.u32 s30, $0x9  }
0x1b2: {  	s30 =	sor.u32 s30, s31  }
0x1b3: {  	s31 =	sadd.s32 s30, s26;
	s0 =	sshra.s32 s30, $0x2  }
0x1b4: {  	s30 =	sshra.s32 s31, $0x2  }
0x1b5: {  	v0 =	vld [tilespmem:s30+$0x280];
	_ =	sdelay $0x4  }
0x1b6: {  	v0 =	vmul.f32 $5.000000000e+01, v0;
	_ =	sdelay $0x1  }
0x1b7: {  	v0 =	vmax.f32 v0, $-2.000000000e+03  }
0x1b8: {  	s24 =	sadd.s32 $0x80, s24;
	s31 =	sshra.s32 s26, $0x2;
	s26 =	smov.u32 s29;
	v0 =	vmin.f32 v0, $2.000000000e+03  }
0x1b9: {  	s31 =	sadd.s32 s31, s0;
	[tilespmem:s24+$0xFFFFF000] =	vst v0  }
0x1ba: {  	v0 =	vld [tilespmem:s31+$0x290];
	_ =	sdelay $0x4  }
0x1bb: {  	v0 =	vmul.f32 $5.000000000e+01, v0;
	_ =	sdelay $0x1  }
0x1bc: {  	v0 =	vmax.f32 v0, $-2.000000000e+03  }
0x1bd: {  	v0 =	vmin.f32 v0, $2.000000000e+03  }
0x1be: {  	[tilespmem:s24+$0xFFFFF010] =	vst v0  }
0x1bf: {  	v0 =	vld [tilespmem:s31+$0x2A0];
	_ =	sdelay $0x4  }
0x1c0: {  	v0 =	vmul.f32 $5.000000000e+01, v0;
	_ =	sdelay $0x1  }
0x1c1: {  	v0 =	vmax.f32 v0, $-2.000000000e+03  }
0x1c2: {  	v0 =	vmin.f32 v0, $2.000000000e+03  }
0x1c3: {  	[tilespmem:s24+$0xFFFFF020] =	vst v0  }
0x1c4: {  	v0 =	vld [tilespmem:s31+$0x2B0];
	_ =	sdelay $0x4  }
0x1c5: {  	v0 =	vmul.f32 $5.000000000e+01, v0;
	_ =	sdelay $0x1  }
0x1c6: {  	v0 =	vmax.f32 v0, $-2.000000000e+03  }
0x1c7: {  	v0 =	vmin.f32 v0, $2.000000000e+03  }
0x1c8: {  	[tilespmem:s24+$0xFFFFF030] =	vst v0  }
0x1c9: {  	v0 =	vld [tilespmem:s31+$0x2C0];
	_ =	sdelay $0x4  }
0x1ca: {  	v0 =	vmul.f32 $5.000000000e+01, v0;
	_ =	sdelay $0x1  }
0x1cb: {  	v0 =	vmax.f32 v0, $-2.000000000e+03  }
0x1cc: {  	v0 =	vmin.f32 v0, $2.000000000e+03  }
0x1cd: {  	[tilespmem:s24+$0xFFFFF040] =	vst v0  }
0x1ce: {  	v0 =	vld [tilespmem:s31+$0x2D0];
	_ =	sdelay $0x4  }
0x1cf: {  	v0 =	vmul.f32 $5.000000000e+01, v0;
	_ =	sdelay $0x1  }
0x1d0: {  	v0 =	vmax.f32 v0, $-2.000000000e+03  }
0x1d1: {  	v0 =	vmin.f32 v0, $2.000000000e+03  }
0x1d2: {  	[tilespmem:s24+$0xFFFFF050] =	vst v0  }
0x1d3: {  	v0 =	vld [tilespmem:s31+$0x2E0];
	_ =	sdelay $0x4  }
0x1d4: {  	v0 =	vmul.f32 $5.000000000e+01, v0;
	_ =	sdelay $0x1  }
0x1d5: {  	v0 =	vmax.f32 v0, $-2.000000000e+03  }
0x1d6: {  	v0 =	vmin.f32 v0, $2.000000000e+03  }
0x1d7: {  	[tilespmem:s24+$0xFFFFF060] =	vst v0  }
0x1d8: {  	v0 =	vld [tilespmem:s31+$0x2F0];
	_ =	sdelay $0x4  }
0x1d9: {  	v0 =	vmul.f32 $5.000000000e+01, v0;
	_ =	sdelay $0x1  }
0x1da: {  	v0 =	vmax.f32 v0, $-2.000000000e+03  }
0x1db: {  	v0 =	vmin.f32 v0, $2.000000000e+03  }
0x1dc: {  	[tilespmem:s24+$0xFFFFF070] =	vst v0  }
0x1dd: {  	v0 =	vld [tilespmem:s31+$0x680];
	_ =	sdelay $0x4  }
0x1de: {  	v0 =	vmul.f32 $5.000000000e+01, v0;
	_ =	sdelay $0x1  }
0x1df: {  	v0 =	vmax.f32 v0, $-2.000000000e+03  }
0x1e0: {  	v0 =	vmin.f32 v0, $2.000000000e+03  }
0x1e1: {  	[tilespmem:s24+$0xFFFFF400] =	vst v0  }
0x1e2: {  	v0 =	vld [tilespmem:s31+$0x690];
	_ =	sdelay $0x4  }
0x1e3: {  	v0 =	vmul.f32 $5.000000000e+01, v0;
	_ =	sdelay $0x1  }
0x1e4: {  	v0 =	vmax.f32 v0, $-2.000000000e+03  }
0x1e5: {  	v0 =	vmin.f32 v0, $2.000000000e+03  }
0x1e6: {  	[tilespmem:s24+$0xFFFFF410] =	vst v0  }
0x1e7: {  	v0 =	vld [tilespmem:s31+$0x6A0];
	_ =	sdelay $0x4  }
0x1e8: {  	v0 =	vmul.f32 $5.000000000e+01, v0;
	_ =	sdelay $0x1  }
0x1e9: {  	v0 =	vmax.f32 v0, $-2.000000000e+03  }
0x1ea: {  	v0 =	vmin.f32 v0, $2.000000000e+03  }
0x1eb: {  	[tilespmem:s24+$0xFFFFF420] =	vst v0  }
0x1ec: {  	v0 =	vld [tilespmem:s31+$0x6B0];
	_ =	sdelay $0x4  }
0x1ed: {  	v0 =	vmul.f32 $5.000000000e+01, v0;
	_ =	sdelay $0x1  }
0x1ee: {  	v0 =	vmax.f32 v0, $-2.000000000e+03  }
0x1ef: {  	v0 =	vmin.f32 v0, $2.000000000e+03  }
0x1f0: {  	[tilespmem:s24+$0xFFFFF430] =	vst v0  }
0x1f1: {  	v0 =	vld [tilespmem:s31+$0x6C0];
	_ =	sdelay $0x4  }
0x1f2: {  	v0 =	vmul.f32 $5.000000000e+01, v0;
	_ =	sdelay $0x1  }
0x1f3: {  	v0 =	vmax.f32 v0, $-2.000000000e+03  }
0x1f4: {  	v0 =	vmin.f32 v0, $2.000000000e+03  }
0x1f5: {  	[tilespmem:s24+$0xFFFFF440] =	vst v0  }
0x1f6: {  	v0 =	vld [tilespmem:s31+$0x6D0];
	_ =	sdelay $0x4  }
0x1f7: {  	v0 =	vmul.f32 $5.000000000e+01, v0;
	_ =	sdelay $0x1  }
0x1f8: {  	v0 =	vmax.f32 v0, $-2.000000000e+03  }
0x1f9: {  	v0 =	vmin.f32 v0, $2.000000000e+03  }
0x1fa: {  	[tilespmem:s24+$0xFFFFF450] =	vst v0  }
0x1fb: {  	v0 =	vld [tilespmem:s31+$0x6E0];
	_ =	sdelay $0x4  }
0x1fc: {  	v0 =	vmul.f32 $5.000000000e+01, v0;
	_ =	sdelay $0x1  }
0x1fd: {  	v0 =	vmax.f32 v0, $-2.000000000e+03  }
0x1fe: {  	v0 =	vmin.f32 v0, $2.000000000e+03  }
0x1ff: {  	[tilespmem:s24+$0xFFFFF460] =	vst v0  }
0x200: {  	v0 =	vld [tilespmem:s31+$0x6F0];
	_ =	sdelay $0x4  }
0x201: {  	v0 =	vmul.f32 $5.000000000e+01, v0;
	_ =	sdelay $0x1  }
0x202: {  	v0 =	vmax.f32 v0, $-2.000000000e+03  }
0x203: {  	v0 =	vmin.f32 v0, $2.000000000e+03  }
0x204: {  	[tilespmem:s24+$0xFFFFF470] =	vst v0  }
0x205: {  	v0 =	vld [tilespmem:s31+$0xA80];
	_ =	sdelay $0x4  }
0x206: {  	v0 =	vmul.f32 $5.000000000e+01, v0;
	_ =	sdelay $0x1  }
0x207: {  	v0 =	vmax.f32 v0, $-2.000000000e+03  }
0x208: {  	v0 =	vmin.f32 v0, $2.000000000e+03  }
0x209: {  	[tilespmem:s24+$0xFFFFF800] =	vst v0  }
0x20a: {  	v0 =	vld [tilespmem:s31+$0xA90];
	_ =	sdelay $0x4  }
0x20b: {  	v0 =	vmul.f32 $5.000000000e+01, v0;
	_ =	sdelay $0x1  }
0x20c: {  	v0 =	vmax.f32 v0, $-2.000000000e+03  }
0x20d: {  	v0 =	vmin.f32 v0, $2.000000000e+03  }
0x20e: {  	[tilespmem:s24+$0xFFFFF810] =	vst v0  }
0x20f: {  	v0 =	vld [tilespmem:s31+$0xAA0];
	_ =	sdelay $0x4  }
0x210: {  	v0 =	vmul.f32 $5.000000000e+01, v0;
	_ =	sdelay $0x1  }
0x211: {  	v0 =	vmax.f32 v0, $-2.000000000e+03  }
0x212: {  	v0 =	vmin.f32 v0, $2.000000000e+03  }
0x213: {  	[tilespmem:s24+$0xFFFFF820] =	vst v0  }
0x214: {  	v0 =	vld [tilespmem:s31+$0xAB0];
	_ =	sdelay $0x4  }
0x215: {  	v0 =	vmul.f32 $5.000000000e+01, v0;
	_ =	sdelay $0x1  }
0x216: {  	v0 =	vmax.f32 v0, $-2.000000000e+03  }
0x217: {  	v0 =	vmin.f32 v0, $2.000000000e+03  }
0x218: {  	[tilespmem:s24+$0xFFFFF830] =	vst v0  }
0x219: {  	v0 =	vld [tilespmem:s31+$0xAC0];
	_ =	sdelay $0x4  }
0x21a: {  	v0 =	vmul.f32 $5.000000000e+01, v0;
	_ =	sdelay $0x1  }
0x21b: {  	v0 =	vmax.f32 v0, $-2.000000000e+03  }
0x21c: {  	v0 =	vmin.f32 v0, $2.000000000e+03  }
0x21d: {  	[tilespmem:s24+$0xFFFFF840] =	vst v0  }
0x21e: {  	v0 =	vld [tilespmem:s31+$0xAD0];
	_ =	sdelay $0x4  }
0x21f: {  	v0 =	vmul.f32 $5.000000000e+01, v0;
	_ =	sdelay $0x1  }
0x220: {  	v0 =	vmax.f32 v0, $-2.000000000e+03  }
0x221: {  	v0 =	vmin.f32 v0, $2.000000000e+03  }
0x222: {  	[tilespmem:s24+$0xFFFFF850] =	vst v0  }
0x223: {  	v0 =	vld [tilespmem:s31+$0xAE0];
	_ =	sdelay $0x4  }
0x224: {  	v0 =	vmul.f32 $5.000000000e+01, v0;
	_ =	sdelay $0x1  }
0x225: {  	v0 =	vmax.f32 v0, $-2.000000000e+03  }
0x226: {  	v0 =	vmin.f32 v0, $2.000000000e+03  }
0x227: {  	[tilespmem:s24+$0xFFFFF860] =	vst v0  }
0x228: {  	v0 =	vld [tilespmem:s31+$0xAF0];
	_ =	sdelay $0x4  }
0x229: {  	v0 =	vmul.f32 $5.000000000e+01, v0;
	_ =	sdelay $0x1  }
0x22a: {  	v0 =	vmax.f32 v0, $-2.000000000e+03  }
0x22b: {  	v0 =	vmin.f32 v0, $2.000000000e+03  }
0x22c: {  	[tilespmem:s24+$0xFFFFF870] =	vst v0  }
0x22d: {  	v0 =	vld [tilespmem:s31+$0xE80];
	_ =	sdelay $0x4  }
0x22e: {  	v0 =	vmul.f32 $5.000000000e+01, v0;
	_ =	sdelay $0x1  }
0x22f: {  	v0 =	vmax.f32 v0, $-2.000000000e+03  }
0x230: {  	v0 =	vmin.f32 v0, $2.000000000e+03  }
0x231: {  	[tilespmem:s24+$0xFFFFFC00] =	vst v0  }
0x232: {  	v0 =	vld [tilespmem:s31+$0xE90];
	_ =	sdelay $0x4  }
0x233: {  	v0 =	vmul.f32 $5.000000000e+01, v0;
	_ =	sdelay $0x1  }
0x234: {  	v0 =	vmax.f32 v0, $-2.000000000e+03  }
0x235: {  	v0 =	vmin.f32 v0, $2.000000000e+03  }
0x236: {  	[tilespmem:s24+$0xFFFFFC10] =	vst v0  }
0x237: {  	v0 =	vld [tilespmem:s31+$0xEA0];
	_ =	sdelay $0x4  }
0x238: {  	v0 =	vmul.f32 $5.000000000e+01, v0;
	_ =	sdelay $0x1  }
0x239: {  	v0 =	vmax.f32 v0, $-2.000000000e+03  }
0x23a: {  	v0 =	vmin.f32 v0, $2.000000000e+03  }
0x23b: {  	[tilespmem:s24+$0xFFFFFC20] =	vst v0  }
0x23c: {  	v0 =	vld [tilespmem:s31+$0xEB0];
	_ =	sdelay $0x4  }
0x23d: {  	v0 =	vmul.f32 $5.000000000e+01, v0;
	_ =	sdelay $0x1  }
0x23e: {  	v0 =	vmax.f32 v0, $-2.000000000e+03  }
0x23f: {  	v0 =	vmin.f32 v0, $2.000000000e+03  }
0x240: {  	[tilespmem:s24+$0xFFFFFC30] =	vst v0  }
0x241: {  	v0 =	vld [tilespmem:s31+$0xEC0];
	_ =	sdelay $0x4  }
0x242: {  	v0 =	vmul.f32 $5.000000000e+01, v0;
	_ =	sdelay $0x1  }
0x243: {  	v0 =	vmax.f32 v0, $-2.000000000e+03  }
0x244: {  	v0 =	vmin.f32 v0, $2.000000000e+03  }
0x245: {  	[tilespmem:s24+$0xFFFFFC40] =	vst v0  }
0x246: {  	v0 =	vld [tilespmem:s31+$0xED0];
	_ =	sdelay $0x4  }
0x247: {  	v0 =	vmul.f32 $5.000000000e+01, v0;
	_ =	sdelay $0x1  }
0x248: {  	v0 =	vmax.f32 v0, $-2.000000000e+03  }
0x249: {  	v0 =	vmin.f32 v0, $2.000000000e+03  }
0x24a: {  	[tilespmem:s24+$0xFFFFFC50] =	vst v0  }
0x24b: {  	v0 =	vld [tilespmem:s31+$0xEE0];
	_ =	sdelay $0x4  }
0x24c: {  	v0 =	vmul.f32 $5.000000000e+01, v0;
	_ =	sdelay $0x1  }
0x24d: {  	v0 =	vmax.f32 v0, $-2.000000000e+03  }
0x24e: {  	v0 =	vmin.f32 v0, $2.000000000e+03  }
0x24f: {  	[tilespmem:s24+$0xFFFFFC60] =	vst v0  }
0x250: {  	v0 =	vld [tilespmem:s31+$0xEF0];
	_ =	sdelay $0x4  }
0x251: {  	v0 =	vmul.f32 $5.000000000e+01, v0;
	_ =	sdelay $0x1  }
0x252: {  	v0 =	vmax.f32 v0, $-2.000000000e+03  }
0x253: {  	v0 =	vmin.f32 v0, $2.000000000e+03  }
0x254: {  	[tilespmem:s24+$0xFFFFFC70] =	vst v0  }
0x255: {  	v0 =	vld [tilespmem:s31+$0x1280];
	_ =	sdelay $0x4  }
0x256: {  	v0 =	vmul.f32 $5.000000000e+01, v0;
	_ =	sdelay $0x1  }
0x257: {  	v0 =	vmax.f32 v0, $-2.000000000e+03  }
0x258: {  	v0 =	vmin.f32 v0, $2.000000000e+03  }
0x259: {  	[tilespmem:s24+$0x0] =	vst v0  }
0x25a: {  	v0 =	vld [tilespmem:s31+$0x1290];
	_ =	sdelay $0x4  }
0x25b: {  	v0 =	vmul.f32 $5.000000000e+01, v0;
	_ =	sdelay $0x1  }
0x25c: {  	v0 =	vmax.f32 v0, $-2.000000000e+03  }
0x25d: {  	v0 =	vmin.f32 v0, $2.000000000e+03  }
0x25e: {  	[tilespmem:s24+$0x10] =	vst v0  }
0x25f: {  	v0 =	vld [tilespmem:s31+$0x12A0];
	_ =	sdelay $0x4  }
0x260: {  	v0 =	vmul.f32 $5.000000000e+01, v0;
	_ =	sdelay $0x1  }
0x261: {  	v0 =	vmax.f32 v0, $-2.000000000e+03  }
0x262: {  	v0 =	vmin.f32 v0, $2.000000000e+03  }
0x263: {  	[tilespmem:s24+$0x20] =	vst v0  }
0x264: {  	v0 =	vld [tilespmem:s31+$0x12B0];
	_ =	sdelay $0x4  }
0x265: {  	v0 =	vmul.f32 $5.000000000e+01, v0;
	_ =	sdelay $0x1  }
0x266: {  	v0 =	vmax.f32 v0, $-2.000000000e+03  }
0x267: {  	v0 =	vmin.f32 v0, $2.000000000e+03  }
0x268: {  	[tilespmem:s24+$0x30] =	vst v0  }
0x269: {  	v0 =	vld [tilespmem:s31+$0x12C0];
	_ =	sdelay $0x4  }
0x26a: {  	v0 =	vmul.f32 $5.000000000e+01, v0;
	_ =	sdelay $0x1  }
0x26b: {  	v0 =	vmax.f32 v0, $-2.000000000e+03  }
0x26c: {  	v0 =	vmin.f32 v0, $2.000000000e+03  }
0x26d: {  	[tilespmem:s24+$0x40] =	vst v0  }
0x26e: {  	v0 =	vld [tilespmem:s31+$0x12D0];
	_ =	sdelay $0x4  }
0x26f: {  	v0 =	vmul.f32 $5.000000000e+01, v0;
	_ =	sdelay $0x1  }
0x270: {  	v0 =	vmax.f32 v0, $-2.000000000e+03  }
0x271: {  	v0 =	vmin.f32 v0, $2.000000000e+03  }
0x272: {  	[tilespmem:s24+$0x50] =	vst v0  }
0x273: {  	v0 =	vld [tilespmem:s31+$0x12E0];
	_ =	sdelay $0x4  }
0x274: {  	v0 =	vmul.f32 $5.000000000e+01, v0;
	_ =	sdelay $0x1  }
0x275: {  	v0 =	vmax.f32 v0, $-2.000000000e+03  }
0x276: {  	v0 =	vmin.f32 v0, $2.000000000e+03  }
0x277: {  	[tilespmem:s24+$0x60] =	vst v0  }
0x278: {  	v0 =	vld [tilespmem:s31+$0x12F0];
	_ =	sdelay $0x4  }
0x279: {  	v0 =	vmul.f32 $5.000000000e+01, v0;
	_ =	sdelay $0x1  }
0x27a: {  	v0 =	vmax.f32 v0, $-2.000000000e+03  }
0x27b: {  	v0 =	vmin.f32 v0, $2.000000000e+03  }
0x27c: {  	[tilespmem:s24+$0x70] =	vst v0  }
0x27d: {  	v0 =	vld [tilespmem:s31+$0x1680];
	_ =	sdelay $0x4  }
0x27e: {  	v0 =	vmul.f32 $5.000000000e+01, v0;
	_ =	sdelay $0x1  }
0x27f: {  	v0 =	vmax.f32 v0, $-2.000000000e+03  }
0x280: {  	v0 =	vmin.f32 v0, $2.000000000e+03  }
0x281: {  	[tilespmem:s24+$0x400] =	vst v0  }
0x282: {  	v0 =	vld [tilespmem:s31+$0x1690];
	_ =	sdelay $0x4  }
0x283: {  	v0 =	vmul.f32 $5.000000000e+01, v0;
	_ =	sdelay $0x1  }
0x284: {  	v0 =	vmax.f32 v0, $-2.000000000e+03  }
0x285: {  	v0 =	vmin.f32 v0, $2.000000000e+03  }
0x286: {  	[tilespmem:s24+$0x410] =	vst v0  }
0x287: {  	v0 =	vld [tilespmem:s31+$0x16A0];
	_ =	sdelay $0x4  }
0x288: {  	v0 =	vmul.f32 $5.000000000e+01, v0;
	_ =	sdelay $0x1  }
0x289: {  	v0 =	vmax.f32 v0, $-2.000000000e+03  }
0x28a: {  	v0 =	vmin.f32 v0, $2.000000000e+03  }
0x28b: {  	[tilespmem:s24+$0x420] =	vst v0  }
0x28c: {  	v0 =	vld [tilespmem:s31+$0x16B0];
	_ =	sdelay $0x4  }
0x28d: {  	v0 =	vmul.f32 $5.000000000e+01, v0;
	_ =	sdelay $0x1  }
0x28e: {  	v0 =	vmax.f32 v0, $-2.000000000e+03  }
0x28f: {  	v0 =	vmin.f32 v0, $2.000000000e+03  }
0x290: {  	[tilespmem:s24+$0x430] =	vst v0  }
0x291: {  	v0 =	vld [tilespmem:s31+$0x16C0];
	_ =	sdelay $0x4  }
0x292: {  	v0 =	vmul.f32 $5.000000000e+01, v0;
	_ =	sdelay $0x1  }
0x293: {  	v0 =	vmax.f32 v0, $-2.000000000e+03  }
0x294: {  	v0 =	vmin.f32 v0, $2.000000000e+03  }
0x295: {  	[tilespmem:s24+$0x440] =	vst v0  }
0x296: {  	v0 =	vld [tilespmem:s31+$0x16D0];
	_ =	sdelay $0x4  }
0x297: {  	v0 =	vmul.f32 $5.000000000e+01, v0;
	_ =	sdelay $0x1  }
0x298: {  	v0 =	vmax.f32 v0, $-2.000000000e+03  }
0x299: {  	v0 =	vmin.f32 v0, $2.000000000e+03  }
0x29a: {  	[tilespmem:s24+$0x450] =	vst v0  }
0x29b: {  	v0 =	vld [tilespmem:s31+$0x16E0];
	_ =	sdelay $0x4  }
0x29c: {  	v0 =	vmul.f32 $5.000000000e+01, v0;
	_ =	sdelay $0x1  }
0x29d: {  	v0 =	vmax.f32 v0, $-2.000000000e+03  }
0x29e: {  	v0 =	vmin.f32 v0, $2.000000000e+03  }
0x29f: {  	[tilespmem:s24+$0x460] =	vst v0  }
0x2a0: {  	v0 =	vld [tilespmem:s31+$0x16F0];
	_ =	sdelay $0x4  }
0x2a1: {  	v0 =	vmul.f32 $5.000000000e+01, v0;
	_ =	sdelay $0x1  }
0x2a2: {  	v0 =	vmax.f32 v0, $-2.000000000e+03  }
0x2a3: {  	v0 =	vmin.f32 v0, $2.000000000e+03  }
0x2a4: {  	[tilespmem:s24+$0x470] =	vst v0  }
0x2a5: {  	v0 =	vld [tilespmem:s31+$0x1A80];
	_ =	sdelay $0x4  }
0x2a6: {  	v0 =	vmul.f32 $5.000000000e+01, v0;
	_ =	sdelay $0x1  }
0x2a7: {  	v0 =	vmax.f32 v0, $-2.000000000e+03  }
0x2a8: {  	v0 =	vmin.f32 v0, $2.000000000e+03  }
0x2a9: {  	[tilespmem:s24+$0x800] =	vst v0  }
0x2aa: {  	v0 =	vld [tilespmem:s31+$0x1A90];
	_ =	sdelay $0x4  }
0x2ab: {  	v0 =	vmul.f32 $5.000000000e+01, v0;
	_ =	sdelay $0x1  }
0x2ac: {  	v0 =	vmax.f32 v0, $-2.000000000e+03  }
0x2ad: {  	v0 =	vmin.f32 v0, $2.000000000e+03  }
0x2ae: {  	[tilespmem:s24+$0x810] =	vst v0  }
0x2af: {  	v0 =	vld [tilespmem:s31+$0x1AA0];
	_ =	sdelay $0x4  }
0x2b0: {  	v0 =	vmul.f32 $5.000000000e+01, v0;
	_ =	sdelay $0x1  }
0x2b1: {  	v0 =	vmax.f32 v0, $-2.000000000e+03  }
0x2b2: {  	v0 =	vmin.f32 v0, $2.000000000e+03  }
0x2b3: {  	[tilespmem:s24+$0x820] =	vst v0  }
0x2b4: {  	v0 =	vld [tilespmem:s31+$0x1AB0];
	_ =	sdelay $0x4  }
0x2b5: {  	v0 =	vmul.f32 $5.000000000e+01, v0;
	_ =	sdelay $0x1  }
0x2b6: {  	v0 =	vmax.f32 v0, $-2.000000000e+03  }
0x2b7: {  	v0 =	vmin.f32 v0, $2.000000000e+03  }
0x2b8: {  	[tilespmem:s24+$0x830] =	vst v0  }
0x2b9: {  	v0 =	vld [tilespmem:s31+$0x1AC0];
	_ =	sdelay $0x4  }
0x2ba: {  	v0 =	vmul.f32 $5.000000000e+01, v0;
	_ =	sdelay $0x1  }
0x2bb: {  	v0 =	vmax.f32 v0, $-2.000000000e+03  }
0x2bc: {  	v0 =	vmin.f32 v0, $2.000000000e+03  }
0x2bd: {  	[tilespmem:s24+$0x840] =	vst v0  }
0x2be: {  	v0 =	vld [tilespmem:s31+$0x1AD0];
	_ =	sdelay $0x4  }
0x2bf: {  	v0 =	vmul.f32 $5.000000000e+01, v0;
	_ =	sdelay $0x1  }
0x2c0: {  	v0 =	vmax.f32 v0, $-2.000000000e+03  }
0x2c1: {  	v0 =	vmin.f32 v0, $2.000000000e+03  }
0x2c2: {  	[tilespmem:s24+$0x850] =	vst v0  }
0x2c3: {  	v0 =	vld [tilespmem:s31+$0x1AE0];
	_ =	sdelay $0x4  }
0x2c4: {  	v0 =	vmul.f32 $5.000000000e+01, v0;
	_ =	sdelay $0x1  }
0x2c5: {  	v0 =	vmax.f32 v0, $-2.000000000e+03  }
0x2c6: {  	v0 =	vmin.f32 v0, $2.000000000e+03  }
0x2c7: {  	[tilespmem:s24+$0x860] =	vst v0  }
0x2c8: {  	v0 =	vld [tilespmem:s31+$0x1AF0];
	_ =	sdelay $0x4  }
0x2c9: {  	v0 =	vmul.f32 $5.000000000e+01, v0;
	_ =	sdelay $0x1  }
0x2ca: {  	v0 =	vmax.f32 v0, $-2.000000000e+03  }
0x2cb: {  	v0 =	vmin.f32 v0, $2.000000000e+03  }
0x2cc: {  	[tilespmem:s24+$0x870] =	vst v0  }
0x2cd: {  	v0 =	vld [tilespmem:s31+$0x1E80];
	_ =	sdelay $0x4  }
0x2ce: {  	v0 =	vmul.f32 $5.000000000e+01, v0;
	_ =	sdelay $0x1  }
0x2cf: {  	v0 =	vmax.f32 v0, $-2.000000000e+03  }
0x2d0: {  	v0 =	vmin.f32 v0, $2.000000000e+03  }
0x2d1: {  	[tilespmem:s24+$0xC00] =	vst v0  }
0x2d2: {  	v0 =	vld [tilespmem:s31+$0x1E90];
	_ =	sdelay $0x4  }
0x2d3: {  	v0 =	vmul.f32 $5.000000000e+01, v0;
	_ =	sdelay $0x1  }
0x2d4: {  	v0 =	vmax.f32 v0, $-2.000000000e+03  }
0x2d5: {  	v0 =	vmin.f32 v0, $2.000000000e+03  }
0x2d6: {  	[tilespmem:s24+$0xC10] =	vst v0  }
0x2d7: {  	v0 =	vld [tilespmem:s31+$0x1EA0];
	_ =	sdelay $0x4  }
0x2d8: {  	v0 =	vmul.f32 $5.000000000e+01, v0;
	_ =	sdelay $0x1  }
0x2d9: {  	v0 =	vmax.f32 v0, $-2.000000000e+03  }
0x2da: {  	v0 =	vmin.f32 v0, $2.000000000e+03  }
0x2db: {  	[tilespmem:s24+$0xC20] =	vst v0  }
0x2dc: {  	v0 =	vld [tilespmem:s31+$0x1EB0];
	_ =	sdelay $0x4  }
0x2dd: {  	v0 =	vmul.f32 $5.000000000e+01, v0;
	_ =	sdelay $0x1  }
0x2de: {  	v0 =	vmax.f32 v0, $-2.000000000e+03  }
0x2df: {  	v0 =	vmin.f32 v0, $2.000000000e+03  }
0x2e0: {  	[tilespmem:s24+$0xC30] =	vst v0  }
0x2e1: {  	v0 =	vld [tilespmem:s31+$0x1EC0];
	_ =	sdelay $0x4  }
0x2e2: {  	v0 =	vmul.f32 $5.000000000e+01, v0;
	_ =	sdelay $0x1  }
0x2e3: {  	v0 =	vmax.f32 v0, $-2.000000000e+03  }
0x2e4: {  	v0 =	vmin.f32 v0, $2.000000000e+03  }
0x2e5: {  	[tilespmem:s24+$0xC40] =	vst v0  }
0x2e6: {  	v0 =	vld [tilespmem:s31+$0x1ED0];
	_ =	sdelay $0x4  }
0x2e7: {  	v0 =	vmul.f32 $5.000000000e+01, v0;
	_ =	sdelay $0x1  }
0x2e8: {  	v0 =	vmax.f32 v0, $-2.000000000e+03  }
0x2e9: {  	v0 =	vmin.f32 v0, $2.000000000e+03  }
0x2ea: {  	[tilespmem:s24+$0xC50] =	vst v0  }
0x2eb: {  	v0 =	vld.msk [tilespmem:s30+$0x1EE0], $0xff  }
0x2ec: {  	v1 =	vld [tilespmem:s31+$0x1ED0];
	_ =	sdelay $0x3  }
0x2ed: {  	v0 =	vmul.f32 $5.000000000e+01, v0  }
0x2ee: {  	v1 =	vmul.f32 $5.000000000e+01, v1  }
.Ltmp0:
0x2ef: {  	v0 =	vmax.f32 v0, $-2.000000000e+03;
	(pc) =	sbr.rel @p0 .LBB2_3-.Ltmp0, $4  }
0x2f0: {  	v1 =	vmax.f32 v1, $-2.000000000e+03;
	v0 =	vmin.f32 v0, $2.000000000e+03  }
0x2f1: {  	v1 =	vmin.f32 v1, $2.000000000e+03;
	[tilespmem:s24+$0xC60] =	vst.msk $0xff, v0  }
0x2f2: {  	s28 =	sadd.s32 $0x1, s28;
	[tilespmem:s24+$0xC50] =	vst v1  }
0x2f3: {  	s29 =	sadd.s32 $0x8000, s29;
	v0 =	vld [tilespmem:s28+$0x0]  }
0x2f4: {  	_ =	sdelay $0x3  }
0x2f5: {  	(v2sf) =	vpush v0, $0x0;
	_ =	sdelay $0xe  }
0x2f6: {  	s0 =	spop (v2sf)  }
0x2f7: {  	s28 =	sshll.u32 s0, $0xC;
	s0 =	sand.u32 $0x7, s0  }
0x2f8: {  	s28 =	sand.u32 $0xFFFF8000, s28;
	s0 =	sshll.u32 s0, $0x9  }
0x2f9: {  	s0 =	sor.u32 s0, s28  }
0x2fa: {  	s28 =	sadd.s32 s0, s26  }
0x2fb: {  	s28 =	sshra.s32 s28, $0x2  }
0x2fc: {  	v0 =	vld [tilespmem:s28+$0x280];
	_ =	sdelay $0x4  }
0x2fd: {  	v0 =	vmul.f32 $5.000000000e+01, v0;
	_ =	sdelay $0x1  }
0x2fe: {  	v0 =	vmax.f32 v0, $-2.000000000e+03  }
0x2ff: {  	s31 =	sshra.s32 s26, $0x2;
	s24 =	sadd.s32 $0x80, s24;
	s0 =	sshra.s32 s0, $0x2;
	v0 =	vmin.f32 v0, $2.000000000e+03  }
0x300: {  	s26 =	sadd.s32 s31, s0;
	[tilespmem:s24+$0xFFFFF000] =	vst v0  }
0x301: {  	v0 =	vld [tilespmem:s26+$0x290];
	_ =	sdelay $0x4  }
0x302: {  	v0 =	vmul.f32 $5.000000000e+01, v0;
	_ =	sdelay $0x1  }
0x303: {  	v0 =	vmax.f32 v0, $-2.000000000e+03  }
0x304: {  	v0 =	vmin.f32 v0, $2.000000000e+03  }
0x305: {  	[tilespmem:s24+$0xFFFFF010] =	vst v0  }
0x306: {  	v0 =	vld [tilespmem:s26+$0x2A0];
	_ =	sdelay $0x4  }
0x307: {  	v0 =	vmul.f32 $5.000000000e+01, v0;
	_ =	sdelay $0x1  }
0x308: {  	v0 =	vmax.f32 v0, $-2.000000000e+03  }
0x309: {  	v0 =	vmin.f32 v0, $2.000000000e+03  }
0x30a: {  	[tilespmem:s24+$0xFFFFF020] =	vst v0  }
0x30b: {  	v0 =	vld [tilespmem:s26+$0x2B0];
	_ =	sdelay $0x4  }
0x30c: {  	v0 =	vmul.f32 $5.000000000e+01, v0;
	_ =	sdelay $0x1  }
0x30d: {  	v0 =	vmax.f32 v0, $-2.000000000e+03  }
0x30e: {  	v0 =	vmin.f32 v0, $2.000000000e+03  }
0x30f: {  	[tilespmem:s24+$0xFFFFF030] =	vst v0  }
0x310: {  	v0 =	vld [tilespmem:s26+$0x2C0];
	_ =	sdelay $0x4  }
0x311: {  	v0 =	vmul.f32 $5.000000000e+01, v0;
	_ =	sdelay $0x1  }
0x312: {  	v0 =	vmax.f32 v0, $-2.000000000e+03  }
0x313: {  	v0 =	vmin.f32 v0, $2.000000000e+03  }
0x314: {  	[tilespmem:s24+$0xFFFFF040] =	vst v0  }
0x315: {  	v0 =	vld [tilespmem:s26+$0x2D0];
	_ =	sdelay $0x4  }
0x316: {  	v0 =	vmul.f32 $5.000000000e+01, v0;
	_ =	sdelay $0x1  }
0x317: {  	v0 =	vmax.f32 v0, $-2.000000000e+03  }
0x318: {  	v0 =	vmin.f32 v0, $2.000000000e+03  }
0x319: {  	[tilespmem:s24+$0xFFFFF050] =	vst v0  }
0x31a: {  	v0 =	vld [tilespmem:s26+$0x2E0];
	_ =	sdelay $0x4  }
0x31b: {  	v0 =	vmul.f32 $5.000000000e+01, v0;
	_ =	sdelay $0x1  }
0x31c: {  	v0 =	vmax.f32 v0, $-2.000000000e+03  }
0x31d: {  	v0 =	vmin.f32 v0, $2.000000000e+03  }
0x31e: {  	[tilespmem:s24+$0xFFFFF060] =	vst v0  }
0x31f: {  	v0 =	vld [tilespmem:s26+$0x2F0];
	_ =	sdelay $0x4  }
0x320: {  	v0 =	vmul.f32 $5.000000000e+01, v0;
	_ =	sdelay $0x1  }
0x321: {  	v0 =	vmax.f32 v0, $-2.000000000e+03  }
0x322: {  	v0 =	vmin.f32 v0, $2.000000000e+03  }
0x323: {  	[tilespmem:s24+$0xFFFFF070] =	vst v0  }
0x324: {  	v0 =	vld [tilespmem:s26+$0x680];
	_ =	sdelay $0x4  }
0x325: {  	v0 =	vmul.f32 $5.000000000e+01, v0;
	_ =	sdelay $0x1  }
0x326: {  	v0 =	vmax.f32 v0, $-2.000000000e+03  }
0x327: {  	v0 =	vmin.f32 v0, $2.000000000e+03  }
0x328: {  	[tilespmem:s24+$0xFFFFF400] =	vst v0  }
0x329: {  	v0 =	vld [tilespmem:s26+$0x690];
	_ =	sdelay $0x4  }
0x32a: {  	v0 =	vmul.f32 $5.000000000e+01, v0;
	_ =	sdelay $0x1  }
0x32b: {  	v0 =	vmax.f32 v0, $-2.000000000e+03  }
0x32c: {  	v0 =	vmin.f32 v0, $2.000000000e+03  }
0x32d: {  	[tilespmem:s24+$0xFFFFF410] =	vst v0  }
0x32e: {  	v0 =	vld [tilespmem:s26+$0x6A0];
	_ =	sdelay $0x4  }
0x32f: {  	v0 =	vmul.f32 $5.000000000e+01, v0;
	_ =	sdelay $0x1  }
0x330: {  	v0 =	vmax.f32 v0, $-2.000000000e+03  }
0x331: {  	v0 =	vmin.f32 v0, $2.000000000e+03  }
0x332: {  	[tilespmem:s24+$0xFFFFF420] =	vst v0  }
0x333: {  	v0 =	vld [tilespmem:s26+$0x6B0];
	_ =	sdelay $0x4  }
0x334: {  	v0 =	vmul.f32 $5.000000000e+01, v0;
	_ =	sdelay $0x1  }
0x335: {  	v0 =	vmax.f32 v0, $-2.000000000e+03  }
0x336: {  	v0 =	vmin.f32 v0, $2.000000000e+03  }
0x337: {  	[tilespmem:s24+$0xFFFFF430] =	vst v0  }
0x338: {  	v0 =	vld [tilespmem:s26+$0x6C0];
	_ =	sdelay $0x4  }
0x339: {  	v0 =	vmul.f32 $5.000000000e+01, v0;
	_ =	sdelay $0x1  }
0x33a: {  	v0 =	vmax.f32 v0, $-2.000000000e+03  }
0x33b: {  	v0 =	vmin.f32 v0, $2.000000000e+03  }
0x33c: {  	[tilespmem:s24+$0xFFFFF440] =	vst v0  }
0x33d: {  	v0 =	vld [tilespmem:s26+$0x6D0];
	_ =	sdelay $0x4  }
0x33e: {  	v0 =	vmul.f32 $5.000000000e+01, v0;
	_ =	sdelay $0x1  }
0x33f: {  	v0 =	vmax.f32 v0, $-2.000000000e+03  }
0x340: {  	v0 =	vmin.f32 v0, $2.000000000e+03  }
0x341: {  	[tilespmem:s24+$0xFFFFF450] =	vst v0  }
0x342: {  	v0 =	vld [tilespmem:s26+$0x6E0];
	_ =	sdelay $0x4  }
0x343: {  	v0 =	vmul.f32 $5.000000000e+01, v0;
	_ =	sdelay $0x1  }
0x344: {  	v0 =	vmax.f32 v0, $-2.000000000e+03  }
0x345: {  	v0 =	vmin.f32 v0, $2.000000000e+03  }
0x346: {  	[tilespmem:s24+$0xFFFFF460] =	vst v0  }
0x347: {  	v0 =	vld [tilespmem:s26+$0x6F0];
	_ =	sdelay $0x4  }
0x348: {  	v0 =	vmul.f32 $5.000000000e+01, v0;
	_ =	sdelay $0x1  }
0x349: {  	v0 =	vmax.f32 v0, $-2.000000000e+03  }
0x34a: {  	v0 =	vmin.f32 v0, $2.000000000e+03  }
0x34b: {  	[tilespmem:s24+$0xFFFFF470] =	vst v0  }
0x34c: {  	v0 =	vld [tilespmem:s26+$0xA80];
	_ =	sdelay $0x4  }
0x34d: {  	v0 =	vmul.f32 $5.000000000e+01, v0;
	_ =	sdelay $0x1  }
0x34e: {  	v0 =	vmax.f32 v0, $-2.000000000e+03  }
0x34f: {  	v0 =	vmin.f32 v0, $2.000000000e+03  }
0x350: {  	[tilespmem:s24+$0xFFFFF800] =	vst v0  }
0x351: {  	v0 =	vld [tilespmem:s26+$0xA90];
	_ =	sdelay $0x4  }
0x352: {  	v0 =	vmul.f32 $5.000000000e+01, v0;
	_ =	sdelay $0x1  }
0x353: {  	v0 =	vmax.f32 v0, $-2.000000000e+03  }
0x354: {  	v0 =	vmin.f32 v0, $2.000000000e+03  }
0x355: {  	[tilespmem:s24+$0xFFFFF810] =	vst v0  }
0x356: {  	v0 =	vld [tilespmem:s26+$0xAA0];
	_ =	sdelay $0x4  }
0x357: {  	v0 =	vmul.f32 $5.000000000e+01, v0;
	_ =	sdelay $0x1  }
0x358: {  	v0 =	vmax.f32 v0, $-2.000000000e+03  }
0x359: {  	v0 =	vmin.f32 v0, $2.000000000e+03  }
0x35a: {  	[tilespmem:s24+$0xFFFFF820] =	vst v0  }
0x35b: {  	v0 =	vld [tilespmem:s26+$0xAB0];
	_ =	sdelay $0x4  }
0x35c: {  	v0 =	vmul.f32 $5.000000000e+01, v0;
	_ =	sdelay $0x1  }
0x35d: {  	v0 =	vmax.f32 v0, $-2.000000000e+03  }
0x35e: {  	v0 =	vmin.f32 v0, $2.000000000e+03  }
0x35f: {  	[tilespmem:s24+$0xFFFFF830] =	vst v0  }
0x360: {  	v0 =	vld [tilespmem:s26+$0xAC0];
	_ =	sdelay $0x4  }
0x361: {  	v0 =	vmul.f32 $5.000000000e+01, v0;
	_ =	sdelay $0x1  }
0x362: {  	v0 =	vmax.f32 v0, $-2.000000000e+03  }
0x363: {  	v0 =	vmin.f32 v0, $2.000000000e+03  }
0x364: {  	[tilespmem:s24+$0xFFFFF840] =	vst v0  }
0x365: {  	v0 =	vld [tilespmem:s26+$0xAD0];
	_ =	sdelay $0x4  }
0x366: {  	v0 =	vmul.f32 $5.000000000e+01, v0;
	_ =	sdelay $0x1  }
0x367: {  	v0 =	vmax.f32 v0, $-2.000000000e+03  }
0x368: {  	v0 =	vmin.f32 v0, $2.000000000e+03  }
0x369: {  	[tilespmem:s24+$0xFFFFF850] =	vst v0  }
0x36a: {  	v0 =	vld [tilespmem:s26+$0xAE0];
	_ =	sdelay $0x4  }
0x36b: {  	v0 =	vmul.f32 $5.000000000e+01, v0;
	_ =	sdelay $0x1  }
0x36c: {  	v0 =	vmax.f32 v0, $-2.000000000e+03  }
0x36d: {  	v0 =	vmin.f32 v0, $2.000000000e+03  }
0x36e: {  	[tilespmem:s24+$0xFFFFF860] =	vst v0  }
0x36f: {  	v0 =	vld [tilespmem:s26+$0xAF0];
	_ =	sdelay $0x4  }
0x370: {  	v0 =	vmul.f32 $5.000000000e+01, v0;
	_ =	sdelay $0x1  }
0x371: {  	v0 =	vmax.f32 v0, $-2.000000000e+03  }
0x372: {  	v0 =	vmin.f32 v0, $2.000000000e+03  }
0x373: {  	[tilespmem:s24+$0xFFFFF870] =	vst v0  }
0x374: {  	v0 =	vld [tilespmem:s26+$0xE80];
	_ =	sdelay $0x4  }
0x375: {  	v0 =	vmul.f32 $5.000000000e+01, v0;
	_ =	sdelay $0x1  }
0x376: {  	v0 =	vmax.f32 v0, $-2.000000000e+03  }
0x377: {  	v0 =	vmin.f32 v0, $2.000000000e+03  }
0x378: {  	[tilespmem:s24+$0xFFFFFC00] =	vst v0  }
0x379: {  	v0 =	vld [tilespmem:s26+$0xE90];
	_ =	sdelay $0x4  }
0x37a: {  	v0 =	vmul.f32 $5.000000000e+01, v0;
	_ =	sdelay $0x1  }
0x37b: {  	v0 =	vmax.f32 v0, $-2.000000000e+03  }
0x37c: {  	v0 =	vmin.f32 v0, $2.000000000e+03  }
0x37d: {  	[tilespmem:s24+$0xFFFFFC10] =	vst v0  }
0x37e: {  	v0 =	vld [tilespmem:s26+$0xEA0];
	_ =	sdelay $0x4  }
0x37f: {  	v0 =	vmul.f32 $5.000000000e+01, v0;
	_ =	sdelay $0x1  }
0x380: {  	v0 =	vmax.f32 v0, $-2.000000000e+03  }
0x381: {  	v0 =	vmin.f32 v0, $2.000000000e+03  }
0x382: {  	[tilespmem:s24+$0xFFFFFC20] =	vst v0  }
0x383: {  	v0 =	vld [tilespmem:s26+$0xEB0];
	_ =	sdelay $0x4  }
0x384: {  	v0 =	vmul.f32 $5.000000000e+01, v0;
	_ =	sdelay $0x1  }
0x385: {  	v0 =	vmax.f32 v0, $-2.000000000e+03  }
0x386: {  	v0 =	vmin.f32 v0, $2.000000000e+03  }
0x387: {  	[tilespmem:s24+$0xFFFFFC30] =	vst v0  }
0x388: {  	v0 =	vld [tilespmem:s26+$0xEC0];
	_ =	sdelay $0x4  }
0x389: {  	v0 =	vmul.f32 $5.000000000e+01, v0;
	_ =	sdelay $0x1  }
0x38a: {  	v0 =	vmax.f32 v0, $-2.000000000e+03  }
0x38b: {  	v0 =	vmin.f32 v0, $2.000000000e+03  }
0x38c: {  	[tilespmem:s24+$0xFFFFFC40] =	vst v0  }
0x38d: {  	v0 =	vld [tilespmem:s26+$0xED0];
	_ =	sdelay $0x4  }
0x38e: {  	v0 =	vmul.f32 $5.000000000e+01, v0;
	_ =	sdelay $0x1  }
0x38f: {  	v0 =	vmax.f32 v0, $-2.000000000e+03  }
0x390: {  	v0 =	vmin.f32 v0, $2.000000000e+03  }
0x391: {  	[tilespmem:s24+$0xFFFFFC50] =	vst v0  }
0x392: {  	v0 =	vld [tilespmem:s26+$0xEE0];
	_ =	sdelay $0x4  }
0x393: {  	v0 =	vmul.f32 $5.000000000e+01, v0;
	_ =	sdelay $0x1  }
0x394: {  	v0 =	vmax.f32 v0, $-2.000000000e+03  }
0x395: {  	v0 =	vmin.f32 v0, $2.000000000e+03  }
0x396: {  	[tilespmem:s24+$0xFFFFFC60] =	vst v0  }
0x397: {  	v0 =	vld [tilespmem:s26+$0xEF0];
	_ =	sdelay $0x4  }
0x398: {  	v0 =	vmul.f32 $5.000000000e+01, v0;
	_ =	sdelay $0x1  }
0x399: {  	v0 =	vmax.f32 v0, $-2.000000000e+03  }
0x39a: {  	v0 =	vmin.f32 v0, $2.000000000e+03  }
0x39b: {  	[tilespmem:s24+$0xFFFFFC70] =	vst v0  }
0x39c: {  	v0 =	vld [tilespmem:s26+$0x1280];
	_ =	sdelay $0x4  }
0x39d: {  	v0 =	vmul.f32 $5.000000000e+01, v0;
	_ =	sdelay $0x1  }
0x39e: {  	v0 =	vmax.f32 v0, $-2.000000000e+03  }
0x39f: {  	v0 =	vmin.f32 v0, $2.000000000e+03  }
0x3a0: {  	[tilespmem:s24+$0x0] =	vst v0  }
0x3a1: {  	v0 =	vld [tilespmem:s26+$0x1290];
	_ =	sdelay $0x4  }
0x3a2: {  	v0 =	vmul.f32 $5.000000000e+01, v0;
	_ =	sdelay $0x1  }
0x3a3: {  	v0 =	vmax.f32 v0, $-2.000000000e+03  }
0x3a4: {  	v0 =	vmin.f32 v0, $2.000000000e+03  }
0x3a5: {  	[tilespmem:s24+$0x10] =	vst v0  }
0x3a6: {  	v0 =	vld [tilespmem:s26+$0x12A0];
	_ =	sdelay $0x4  }
0x3a7: {  	v0 =	vmul.f32 $5.000000000e+01, v0;
	_ =	sdelay $0x1  }
0x3a8: {  	v0 =	vmax.f32 v0, $-2.000000000e+03  }
0x3a9: {  	v0 =	vmin.f32 v0, $2.000000000e+03  }
0x3aa: {  	[tilespmem:s24+$0x20] =	vst v0  }
0x3ab: {  	v0 =	vld [tilespmem:s26+$0x12B0];
	_ =	sdelay $0x4  }
0x3ac: {  	v0 =	vmul.f32 $5.000000000e+01, v0;
	_ =	sdelay $0x1  }
0x3ad: {  	v0 =	vmax.f32 v0, $-2.000000000e+03  }
0x3ae: {  	v0 =	vmin.f32 v0, $2.000000000e+03  }
0x3af: {  	[tilespmem:s24+$0x30] =	vst v0  }
0x3b0: {  	v0 =	vld [tilespmem:s26+$0x12C0];
	_ =	sdelay $0x4  }
0x3b1: {  	v0 =	vmul.f32 $5.000000000e+01, v0;
	_ =	sdelay $0x1  }
0x3b2: {  	v0 =	vmax.f32 v0, $-2.000000000e+03  }
0x3b3: {  	v0 =	vmin.f32 v0, $2.000000000e+03  }
0x3b4: {  	[tilespmem:s24+$0x40] =	vst v0  }
0x3b5: {  	v0 =	vld [tilespmem:s26+$0x12D0];
	_ =	sdelay $0x4  }
0x3b6: {  	v0 =	vmul.f32 $5.000000000e+01, v0;
	_ =	sdelay $0x1  }
0x3b7: {  	v0 =	vmax.f32 v0, $-2.000000000e+03  }
0x3b8: {  	v0 =	vmin.f32 v0, $2.000000000e+03  }
0x3b9: {  	[tilespmem:s24+$0x50] =	vst v0  }
0x3ba: {  	v0 =	vld [tilespmem:s26+$0x12E0];
	_ =	sdelay $0x4  }
0x3bb: {  	v0 =	vmul.f32 $5.000000000e+01, v0;
	_ =	sdelay $0x1  }
0x3bc: {  	v0 =	vmax.f32 v0, $-2.000000000e+03  }
0x3bd: {  	v0 =	vmin.f32 v0, $2.000000000e+03  }
0x3be: {  	[tilespmem:s24+$0x60] =	vst v0  }
0x3bf: {  	v0 =	vld [tilespmem:s26+$0x12F0];
	_ =	sdelay $0x4  }
0x3c0: {  	v0 =	vmul.f32 $5.000000000e+01, v0;
	_ =	sdelay $0x1  }
0x3c1: {  	v0 =	vmax.f32 v0, $-2.000000000e+03  }
0x3c2: {  	v0 =	vmin.f32 v0, $2.000000000e+03  }
0x3c3: {  	[tilespmem:s24+$0x70] =	vst v0  }
0x3c4: {  	v0 =	vld [tilespmem:s26+$0x1680];
	_ =	sdelay $0x4  }
0x3c5: {  	v0 =	vmul.f32 $5.000000000e+01, v0;
	_ =	sdelay $0x1  }
0x3c6: {  	v0 =	vmax.f32 v0, $-2.000000000e+03  }
0x3c7: {  	v0 =	vmin.f32 v0, $2.000000000e+03  }
0x3c8: {  	[tilespmem:s24+$0x400] =	vst v0  }
0x3c9: {  	v0 =	vld [tilespmem:s26+$0x1690];
	_ =	sdelay $0x4  }
0x3ca: {  	v0 =	vmul.f32 $5.000000000e+01, v0;
	_ =	sdelay $0x1  }
0x3cb: {  	v0 =	vmax.f32 v0, $-2.000000000e+03  }
0x3cc: {  	v0 =	vmin.f32 v0, $2.000000000e+03  }
0x3cd: {  	[tilespmem:s24+$0x410] =	vst v0  }
0x3ce: {  	v0 =	vld [tilespmem:s26+$0x16A0];
	_ =	sdelay $0x4  }
0x3cf: {  	v0 =	vmul.f32 $5.000000000e+01, v0;
	_ =	sdelay $0x1  }
0x3d0: {  	v0 =	vmax.f32 v0, $-2.000000000e+03  }
0x3d1: {  	v0 =	vmin.f32 v0, $2.000000000e+03  }
0x3d2: {  	[tilespmem:s24+$0x420] =	vst v0  }
0x3d3: {  	v0 =	vld [tilespmem:s26+$0x16B0];
	_ =	sdelay $0x4  }
0x3d4: {  	v0 =	vmul.f32 $5.000000000e+01, v0;
	_ =	sdelay $0x1  }
0x3d5: {  	v0 =	vmax.f32 v0, $-2.000000000e+03  }
0x3d6: {  	v0 =	vmin.f32 v0, $2.000000000e+03  }
0x3d7: {  	[tilespmem:s24+$0x430] =	vst v0  }
0x3d8: {  	v0 =	vld [tilespmem:s26+$0x16C0];
	_ =	sdelay $0x4  }
0x3d9: {  	v0 =	vmul.f32 $5.000000000e+01, v0;
	_ =	sdelay $0x1  }
0x3da: {  	v0 =	vmax.f32 v0, $-2.000000000e+03  }
0x3db: {  	v0 =	vmin.f32 v0, $2.000000000e+03  }
0x3dc: {  	[tilespmem:s24+$0x440] =	vst v0  }
0x3dd: {  	v0 =	vld [tilespmem:s26+$0x16D0];
	_ =	sdelay $0x4  }
0x3de: {  	v0 =	vmul.f32 $5.000000000e+01, v0;
	_ =	sdelay $0x1  }
0x3df: {  	v0 =	vmax.f32 v0, $-2.000000000e+03  }
0x3e0: {  	v0 =	vmin.f32 v0, $2.000000000e+03  }
0x3e1: {  	[tilespmem:s24+$0x450] =	vst v0  }
0x3e2: {  	v0 =	vld [tilespmem:s26+$0x16E0];
	_ =	sdelay $0x4  }
0x3e3: {  	v0 =	vmul.f32 $5.000000000e+01, v0;
	_ =	sdelay $0x1  }
0x3e4: {  	v0 =	vmax.f32 v0, $-2.000000000e+03  }
0x3e5: {  	v0 =	vmin.f32 v0, $2.000000000e+03  }
0x3e6: {  	[tilespmem:s24+$0x460] =	vst v0  }
0x3e7: {  	v0 =	vld [tilespmem:s26+$0x16F0];
	_ =	sdelay $0x4  }
0x3e8: {  	v0 =	vmul.f32 $5.000000000e+01, v0;
	_ =	sdelay $0x1  }
0x3e9: {  	v0 =	vmax.f32 v0, $-2.000000000e+03  }
0x3ea: {  	v0 =	vmin.f32 v0, $2.000000000e+03  }
0x3eb: {  	[tilespmem:s24+$0x470] =	vst v0  }
0x3ec: {  	v0 =	vld [tilespmem:s26+$0x1A80];
	_ =	sdelay $0x4  }
0x3ed: {  	v0 =	vmul.f32 $5.000000000e+01, v0;
	_ =	sdelay $0x1  }
0x3ee: {  	v0 =	vmax.f32 v0, $-2.000000000e+03  }
0x3ef: {  	v0 =	vmin.f32 v0, $2.000000000e+03  }
0x3f0: {  	[tilespmem:s24+$0x800] =	vst v0  }
0x3f1: {  	v0 =	vld [tilespmem:s26+$0x1A90];
	_ =	sdelay $0x4  }
0x3f2: {  	v0 =	vmul.f32 $5.000000000e+01, v0;
	_ =	sdelay $0x1  }
0x3f3: {  	v0 =	vmax.f32 v0, $-2.000000000e+03  }
0x3f4: {  	v0 =	vmin.f32 v0, $2.000000000e+03  }
0x3f5: {  	[tilespmem:s24+$0x810] =	vst v0  }
0x3f6: {  	v0 =	vld [tilespmem:s26+$0x1AA0];
	_ =	sdelay $0x4  }
0x3f7: {  	v0 =	vmul.f32 $5.000000000e+01, v0;
	_ =	sdelay $0x1  }
0x3f8: {  	v0 =	vmax.f32 v0, $-2.000000000e+03  }
0x3f9: {  	v0 =	vmin.f32 v0, $2.000000000e+03  }
0x3fa: {  	[tilespmem:s24+$0x820] =	vst v0  }
0x3fb: {  	v0 =	vld [tilespmem:s26+$0x1AB0];
	_ =	sdelay $0x4  }
0x3fc: {  	v0 =	vmul.f32 $5.000000000e+01, v0;
	_ =	sdelay $0x1  }
0x3fd: {  	v0 =	vmax.f32 v0, $-2.000000000e+03  }
0x3fe: {  	v0 =	vmin.f32 v0, $2.000000000e+03  }
0x3ff: {  	[tilespmem:s24+$0x830] =	vst v0  }
0x400: {  	v0 =	vld [tilespmem:s26+$0x1AC0];
	_ =	sdelay $0x4  }
0x401: {  	v0 =	vmul.f32 $5.000000000e+01, v0;
	_ =	sdelay $0x1  }
0x402: {  	v0 =	vmax.f32 v0, $-2.000000000e+03  }
0x403: {  	v0 =	vmin.f32 v0, $2.000000000e+03  }
0x404: {  	[tilespmem:s24+$0x840] =	vst v0  }
0x405: {  	v0 =	vld [tilespmem:s26+$0x1AD0];
	_ =	sdelay $0x4  }
0x406: {  	v0 =	vmul.f32 $5.000000000e+01, v0;
	_ =	sdelay $0x1  }
0x407: {  	v0 =	vmax.f32 v0, $-2.000000000e+03  }
0x408: {  	v0 =	vmin.f32 v0, $2.000000000e+03  }
0x409: {  	[tilespmem:s24+$0x850] =	vst v0  }
0x40a: {  	v0 =	vld [tilespmem:s26+$0x1AE0];
	_ =	sdelay $0x4  }
0x40b: {  	v0 =	vmul.f32 $5.000000000e+01, v0;
	_ =	sdelay $0x1  }
0x40c: {  	v0 =	vmax.f32 v0, $-2.000000000e+03  }
0x40d: {  	v0 =	vmin.f32 v0, $2.000000000e+03  }
0x40e: {  	[tilespmem:s24+$0x860] =	vst v0  }
0x40f: {  	v0 =	vld [tilespmem:s26+$0x1AF0];
	_ =	sdelay $0x4  }
0x410: {  	v0 =	vmul.f32 $5.000000000e+01, v0;
	_ =	sdelay $0x1  }
0x411: {  	v0 =	vmax.f32 v0, $-2.000000000e+03  }
0x412: {  	v0 =	vmin.f32 v0, $2.000000000e+03  }
0x413: {  	[tilespmem:s24+$0x870] =	vst v0  }
0x414: {  	v0 =	vld [tilespmem:s26+$0x1E80];
	_ =	sdelay $0x4  }
0x415: {  	v0 =	vmul.f32 $5.000000000e+01, v0;
	_ =	sdelay $0x1  }
0x416: {  	v0 =	vmax.f32 v0, $-2.000000000e+03  }
0x417: {  	v0 =	vmin.f32 v0, $2.000000000e+03  }
0x418: {  	[tilespmem:s24+$0xC00] =	vst v0  }
0x419: {  	v0 =	vld [tilespmem:s26+$0x1E90];
	_ =	sdelay $0x4  }
0x41a: {  	v0 =	vmul.f32 $5.000000000e+01, v0;
	_ =	sdelay $0x1  }
0x41b: {  	v0 =	vmax.f32 v0, $-2.000000000e+03  }
0x41c: {  	v0 =	vmin.f32 v0, $2.000000000e+03  }
0x41d: {  	[tilespmem:s24+$0xC10] =	vst v0  }
0x41e: {  	v0 =	vld [tilespmem:s26+$0x1EA0];
	_ =	sdelay $0x4  }
0x41f: {  	v0 =	vmul.f32 $5.000000000e+01, v0;
	_ =	sdelay $0x1  }
0x420: {  	v0 =	vmax.f32 v0, $-2.000000000e+03  }
0x421: {  	v0 =	vmin.f32 v0, $2.000000000e+03  }
0x422: {  	[tilespmem:s24+$0xC20] =	vst v0  }
0x423: {  	v0 =	vld [tilespmem:s26+$0x1EB0];
	_ =	sdelay $0x4  }
0x424: {  	v0 =	vmul.f32 $5.000000000e+01, v0;
	_ =	sdelay $0x1  }
0x425: {  	v0 =	vmax.f32 v0, $-2.000000000e+03  }
0x426: {  	v0 =	vmin.f32 v0, $2.000000000e+03  }
0x427: {  	[tilespmem:s24+$0xC30] =	vst v0  }
0x428: {  	v0 =	vld [tilespmem:s26+$0x1EC0];
	_ =	sdelay $0x4  }
0x429: {  	v0 =	vmul.f32 $5.000000000e+01, v0;
	_ =	sdelay $0x1  }
0x42a: {  	v0 =	vmax.f32 v0, $-2.000000000e+03  }
0x42b: {  	v0 =	vmin.f32 v0, $2.000000000e+03  }
0x42c: {  	[tilespmem:s24+$0xC40] =	vst v0  }
0x42d: {  	v0 =	vld [tilespmem:s26+$0x1ED0];
	_ =	sdelay $0x4  }
0x42e: {  	v0 =	vmul.f32 $5.000000000e+01, v0;
	_ =	sdelay $0x1  }
0x42f: {  	v0 =	vmax.f32 v0, $-2.000000000e+03  }
0x430: {  	v0 =	vmin.f32 v0, $2.000000000e+03  }
0x431: {  	[tilespmem:s24+$0xC50] =	vst v0  }
0x432: {  	v0 =	vld.msk [tilespmem:s28+$0x1EE0], $0xff  }
0x433: {  	v1 =	vld [tilespmem:s26+$0x1ED0];
	_ =	sdelay $0x3  }
0x434: {  	v0 =	vmul.f32 $5.000000000e+01, v0  }
0x435: {  	v1 =	vmul.f32 $5.000000000e+01, v1  }
0x436: {  	v0 =	vmax.f32 v0, $-2.000000000e+03  }
0x437: {  	v1 =	vmax.f32 v1, $-2.000000000e+03;
	v0 =	vmin.f32 v0, $2.000000000e+03  }
0x438: {  	p0 =	seq.s32 s23, $0xF;
	v1 =	vmin.f32 v1, $2.000000000e+03;
	[tilespmem:s24+$0xC60] =	vst.msk $0xff, v0  }
0x439: {  	[tilespmem:s24+$0xC50] =	vst v1;
	s24 =	sshrl.u32 @!p0 s25, $0x2  }
0x43a: {  	v0 =	vld @!p0 [tilespmem:s24+$0x88];
	_ =	sdelay $0x4  }
0x43b: {  	(v2sf) =	vpush @!p0 v0, $0x0;
	_ =	sdelay $0xe  }
0x43c: {  	s0 =	spop @!p0 (v2sf)  }
0x43d: {  	s0 =	sshll.u32 @!p0 s0, $0xA  }
0x43e: {  	s0 =	sand.u32 @!p0 $0x1FFFFC00, s0  }
0x43f: {  	s26 =	simm.s32 @!p0 $0x280;
	s25 =	simm.s32 @!p0 $0x0;
	s0 =	sadd.s32 @!p0 s3, s0  }
0x440: {  	[tilespmem:s26], [sflag:$0x1] =	stream.linear.gather @!p0 [hbm4b:s0+s25], $0x2000, $0x38;
	[tilespmem:$0x12280] =	vst v63  }
0x441: {  	v0 =	vld @!p0 [tilespmem:s24+$0x89];
	_ =	sdelay $0x4  }
0x442: {  	(v2sf) =	vpush @!p0 v0, $0x0;
	_ =	sdelay $0xe  }
0x443: {  	s0 =	spop @!p0 (v2sf)  }
0x444: {  	s0 =	sshll.u32 @!p0 s0, $0xA  }
0x445: {  	s0 =	sand.u32 @!p0 $0x1FFFFC00, s0  }
0x446: {  	s26 =	simm.s32 @!p0 $0x2280;
	s0 =	sadd.s32 @!p0 s3, s0  }
0x447: {  	[tilespmem:s26], [sflag:$0x1] =	stream.linear.gather @!p0 [hbm4b:s0+s25], $0x2000, $0x38;
	[tilespmem:$0x12280] =	vst v63  }
0x448: {  	v0 =	vld @!p0 [tilespmem:s24+$0x8A];
	_ =	sdelay $0x4  }
0x449: {  	(v2sf) =	vpush @!p0 v0, $0x0;
	_ =	sdelay $0xe  }
0x44a: {  	s0 =	spop @!p0 (v2sf)  }
0x44b: {  	s0 =	sshll.u32 @!p0 s0, $0xA  }
0x44c: {  	s0 =	sand.u32 @!p0 $0x1FFFFC00, s0  }
0x44d: {  	s26 =	simm.s32 @!p0 $0x4280;
	s0 =	sadd.s32 @!p0 s3, s0  }
0x44e: {  	[tilespmem:s26], [sflag:$0x1] =	stream.linear.gather @!p0 [hbm4b:s0+s25], $0x2000, $0x38;
	[tilespmem:$0x12280] =	vst v63  }
0x44f: {  	v0 =	vld @!p0 [tilespmem:s24+$0x8B];
	_ =	sdelay $0x4  }
0x450: {  	(v2sf) =	vpush @!p0 v0, $0x0;
	_ =	sdelay $0xe  }
0x451: {  	s0 =	spop @!p0 (v2sf)  }
0x452: {  	s0 =	sshll.u32 @!p0 s0, $0xA  }
0x453: {  	s0 =	sand.u32 @!p0 $0x1FFFFC00, s0  }
0x454: {  	s26 =	simm.s32 @!p0 $0x6280;
	s0 =	sadd.s32 @!p0 s3, s0  }
0x455: {  	[tilespmem:s26], [sflag:$0x1] =	stream.linear.gather @!p0 [hbm4b:s0+s25], $0x2000, $0x38;
	[tilespmem:$0x12280] =	vst v63  }
0x456: {  	_ =	swait.ge [sflag:s18], $0x2000  }
0x457: {  	[sflag:s18] =	ssyncset.done $0x0  }
0x458: {  	[sflag:s18] =	ssyncadd.s32 $0xFFFFE000  }
0x459: {  	_ =	swait.ge [sflag:s18], $0x2000  }
0x45a: {  	[sflag:s18] =	ssyncset.done $0x0  }
0x45b: {  	[sflag:s18] =	ssyncadd.s32 $0xFFFFE000  }
0x45c: {  	_ =	swait.ge [sflag:s18], $0x2000  }
0x45d: {  	[sflag:s18] =	ssyncset.done $0x0  }
0x45e: {  	[sflag:s18] =	ssyncadd.s32 $0xFFFFE000  }
0x45f: {  	_ =	swait.ge [sflag:s18], $0x2000  }
0x460: {  	[sflag:s18] =	ssyncset.done $0x0  }
0x461: {  	[sflag:s18] =	ssyncadd.s32 $0xFFFFE000  }
0x462: {  	v0 =	vld [tilespmem:s22+$0x0];
	_ =	sdelay $0x4  }
0x463: {  	(v2sf) =	vpush v0, $0x0;
	_ =	sdelay $0xe  }
0x464: {  	s26 =	spop (v2sf)  }
0x465: {  	s30 =	sshll.u32 s26, $0xC;
	s0 =	sand.u32 $0x7, s26  }
0x466: {  	s25 =	sand.u32 $0xFFFF8000, s30;
	s0 =	sshll.u32 s0, $0x9  }
0x467: {  	s0 =	sor.u32 s0, s25  }
0x468: {  	s25 =	sadd.s32 $0x0, s0  }
0x469: {  	s31 =	sshra.s32 s25, $0x2  }
0x46a: {  	v0 =	vld [tilespmem:s31+$0x8280];
	_ =	sdelay $0x4  }
0x46b: {  	v0 =	vmul.f32 $5.000000000e+01, v0;
	_ =	sdelay $0x1  }
0x46c: {  	v0 =	vmax.f32 v0, $-2.000000000e+03  }
0x46d: {  	s0 =	sshra.s32 s0, $0x2;
	s25 =	simm.s32 $0x11480;
	v0 =	vmin.f32 v0, $2.000000000e+03  }
0x46e: {  	s28 =	sadd.s32 $0x0, s0;
	[tilespmem:s25+$0xFFFFF000] =	vst v0  }
0x46f: {  	v0 =	vld [tilespmem:s28+$0x8290];
	_ =	sdelay $0x4  }
0x470: {  	v0 =	vmul.f32 $5.000000000e+01, v0;
	_ =	sdelay $0x1  }
0x471: {  	v0 =	vmax.f32 v0, $-2.000000000e+03  }
0x472: {  	v0 =	vmin.f32 v0, $2.000000000e+03  }
0x473: {  	[tilespmem:s25+$0xFFFFF010] =	vst v0  }
0x474: {  	v0 =	vld [tilespmem:s28+$0x82A0];
	_ =	sdelay $0x4  }
0x475: {  	v0 =	vmul.f32 $5.000000000e+01, v0;
	_ =	sdelay $0x1  }
0x476: {  	v0 =	vmax.f32 v0, $-2.000000000e+03  }
0x477: {  	v0 =	vmin.f32 v0, $2.000000000e+03  }
0x478: {  	[tilespmem:s25+$0xFFFFF020] =	vst v0  }
0x479: {  	v0 =	vld [tilespmem:s28+$0x82B0];
	_ =	sdelay $0x4  }
0x47a: {  	v0 =	vmul.f32 $5.000000000e+01, v0;
	_ =	sdelay $0x1  }
0x47b: {  	v0 =	vmax.f32 v0, $-2.000000000e+03  }
0x47c: {  	v0 =	vmin.f32 v0, $2.000000000e+03  }
0x47d: {  	[tilespmem:s25+$0xFFFFF030] =	vst v0  }
0x47e: {  	v0 =	vld [tilespmem:s28+$0x82C0];
	_ =	sdelay $0x4  }
0x47f: {  	v0 =	vmul.f32 $5.000000000e+01, v0;
	_ =	sdelay $0x1  }
0x480: {  	v0 =	vmax.f32 v0, $-2.000000000e+03  }
0x481: {  	v0 =	vmin.f32 v0, $2.000000000e+03  }
0x482: {  	[tilespmem:s25+$0xFFFFF040] =	vst v0  }
0x483: {  	v0 =	vld [tilespmem:s28+$0x82D0];
	_ =	sdelay $0x4  }
0x484: {  	v0 =	vmul.f32 $5.000000000e+01, v0;
	_ =	sdelay $0x1  }
0x485: {  	v0 =	vmax.f32 v0, $-2.000000000e+03  }
0x486: {  	v0 =	vmin.f32 v0, $2.000000000e+03  }
0x487: {  	[tilespmem:s25+$0xFFFFF050] =	vst v0  }
0x488: {  	v0 =	vld [tilespmem:s28+$0x82E0];
	_ =	sdelay $0x4  }
0x489: {  	v0 =	vmul.f32 $5.000000000e+01, v0;
	_ =	sdelay $0x1  }
0x48a: {  	v0 =	vmax.f32 v0, $-2.000000000e+03  }
0x48b: {  	v0 =	vmin.f32 v0, $2.000000000e+03  }
0x48c: {  	[tilespmem:s25+$0xFFFFF060] =	vst v0  }
0x48d: {  	v0 =	vld [tilespmem:s28+$0x82F0];
	_ =	sdelay $0x4  }
0x48e: {  	v0 =	vmul.f32 $5.000000000e+01, v0;
	_ =	sdelay $0x1  }
0x48f: {  	v0 =	vmax.f32 v0, $-2.000000000e+03  }
0x490: {  	v0 =	vmin.f32 v0, $2.000000000e+03  }
0x491: {  	[tilespmem:s25+$0xFFFFF070] =	vst v0  }
0x492: {  	v0 =	vld [tilespmem:s28+$0x8680];
	_ =	sdelay $0x4  }
0x493: {  	v0 =	vmul.f32 $5.000000000e+01, v0;
	_ =	sdelay $0x1  }
0x494: {  	v0 =	vmax.f32 v0, $-2.000000000e+03  }
0x495: {  	v0 =	vmin.f32 v0, $2.000000000e+03  }
0x496: {  	[tilespmem:s25+$0xFFFFF400] =	vst v0  }
0x497: {  	v0 =	vld [tilespmem:s28+$0x8690];
	_ =	sdelay $0x4  }
0x498: {  	v0 =	vmul.f32 $5.000000000e+01, v0;
	_ =	sdelay $0x1  }
0x499: {  	v0 =	vmax.f32 v0, $-2.000000000e+03  }
0x49a: {  	v0 =	vmin.f32 v0, $2.000000000e+03  }
0x49b: {  	[tilespmem:s25+$0xFFFFF410] =	vst v0  }
0x49c: {  	v0 =	vld [tilespmem:s28+$0x86A0];
	_ =	sdelay $0x4  }
0x49d: {  	v0 =	vmul.f32 $5.000000000e+01, v0;
	_ =	sdelay $0x1  }
0x49e: {  	v0 =	vmax.f32 v0, $-2.000000000e+03  }
0x49f: {  	v0 =	vmin.f32 v0, $2.000000000e+03  }
0x4a0: {  	[tilespmem:s25+$0xFFFFF420] =	vst v0  }
0x4a1: {  	v0 =	vld [tilespmem:s28+$0x86B0];
	_ =	sdelay $0x4  }
0x4a2: {  	v0 =	vmul.f32 $5.000000000e+01, v0;
	_ =	sdelay $0x1  }
0x4a3: {  	v0 =	vmax.f32 v0, $-2.000000000e+03  }
0x4a4: {  	v0 =	vmin.f32 v0, $2.000000000e+03  }
0x4a5: {  	[tilespmem:s25+$0xFFFFF430] =	vst v0  }
0x4a6: {  	v0 =	vld [tilespmem:s28+$0x86C0];
	_ =	sdelay $0x4  }
0x4a7: {  	v0 =	vmul.f32 $5.000000000e+01, v0;
	_ =	sdelay $0x1  }
0x4a8: {  	v0 =	vmax.f32 v0, $-2.000000000e+03  }
0x4a9: {  	v0 =	vmin.f32 v0, $2.000000000e+03  }
0x4aa: {  	[tilespmem:s25+$0xFFFFF440] =	vst v0  }
0x4ab: {  	v0 =	vld [tilespmem:s28+$0x86D0];
	_ =	sdelay $0x4  }
0x4ac: {  	v0 =	vmul.f32 $5.000000000e+01, v0;
	_ =	sdelay $0x1  }
0x4ad: {  	v0 =	vmax.f32 v0, $-2.000000000e+03  }
0x4ae: {  	v0 =	vmin.f32 v0, $2.000000000e+03  }
0x4af: {  	[tilespmem:s25+$0xFFFFF450] =	vst v0  }
0x4b0: {  	v0 =	vld [tilespmem:s28+$0x86E0];
	_ =	sdelay $0x4  }
0x4b1: {  	v0 =	vmul.f32 $5.000000000e+01, v0;
	_ =	sdelay $0x1  }
0x4b2: {  	v0 =	vmax.f32 v0, $-2.000000000e+03  }
0x4b3: {  	v0 =	vmin.f32 v0, $2.000000000e+03  }
0x4b4: {  	[tilespmem:s25+$0xFFFFF460] =	vst v0  }
0x4b5: {  	v0 =	vld [tilespmem:s28+$0x86F0];
	_ =	sdelay $0x4  }
0x4b6: {  	v0 =	vmul.f32 $5.000000000e+01, v0;
	_ =	sdelay $0x1  }
0x4b7: {  	v0 =	vmax.f32 v0, $-2.000000000e+03  }
0x4b8: {  	v0 =	vmin.f32 v0, $2.000000000e+03  }
0x4b9: {  	[tilespmem:s25+$0xFFFFF470] =	vst v0  }
0x4ba: {  	v0 =	vld [tilespmem:s28+$0x8A80];
	_ =	sdelay $0x4  }
0x4bb: {  	v0 =	vmul.f32 $5.000000000e+01, v0;
	_ =	sdelay $0x1  }
0x4bc: {  	v0 =	vmax.f32 v0, $-2.000000000e+03  }
0x4bd: {  	v0 =	vmin.f32 v0, $2.000000000e+03  }
0x4be: {  	[tilespmem:s25+$0xFFFFF800] =	vst v0  }
0x4bf: {  	v0 =	vld [tilespmem:s28+$0x8A90];
	_ =	sdelay $0x4  }
0x4c0: {  	v0 =	vmul.f32 $5.000000000e+01, v0;
	_ =	sdelay $0x1  }
0x4c1: {  	v0 =	vmax.f32 v0, $-2.000000000e+03  }
0x4c2: {  	v0 =	vmin.f32 v0, $2.000000000e+03  }
0x4c3: {  	[tilespmem:s25+$0xFFFFF810] =	vst v0  }
0x4c4: {  	v0 =	vld [tilespmem:s28+$0x8AA0];
	_ =	sdelay $0x4  }
0x4c5: {  	v0 =	vmul.f32 $5.000000000e+01, v0;
	_ =	sdelay $0x1  }
0x4c6: {  	v0 =	vmax.f32 v0, $-2.000000000e+03  }
0x4c7: {  	v0 =	vmin.f32 v0, $2.000000000e+03  }
0x4c8: {  	[tilespmem:s25+$0xFFFFF820] =	vst v0  }
0x4c9: {  	v0 =	vld [tilespmem:s28+$0x8AB0];
	_ =	sdelay $0x4  }
0x4ca: {  	v0 =	vmul.f32 $5.000000000e+01, v0;
	_ =	sdelay $0x1  }
0x4cb: {  	v0 =	vmax.f32 v0, $-2.000000000e+03  }
0x4cc: {  	v0 =	vmin.f32 v0, $2.000000000e+03  }
0x4cd: {  	[tilespmem:s25+$0xFFFFF830] =	vst v0  }
0x4ce: {  	v0 =	vld [tilespmem:s28+$0x8AC0];
	_ =	sdelay $0x4  }
0x4cf: {  	v0 =	vmul.f32 $5.000000000e+01, v0;
	_ =	sdelay $0x1  }
0x4d0: {  	v0 =	vmax.f32 v0, $-2.000000000e+03  }
0x4d1: {  	v0 =	vmin.f32 v0, $2.000000000e+03  }
0x4d2: {  	[tilespmem:s25+$0xFFFFF840] =	vst v0  }
0x4d3: {  	v0 =	vld [tilespmem:s28+$0x8AD0];
	_ =	sdelay $0x4  }
0x4d4: {  	v0 =	vmul.f32 $5.000000000e+01, v0;
	_ =	sdelay $0x1  }
0x4d5: {  	v0 =	vmax.f32 v0, $-2.000000000e+03  }
0x4d6: {  	v0 =	vmin.f32 v0, $2.000000000e+03  }
0x4d7: {  	[tilespmem:s25+$0xFFFFF850] =	vst v0  }
0x4d8: {  	v0 =	vld [tilespmem:s28+$0x8AE0];
	_ =	sdelay $0x4  }
0x4d9: {  	v0 =	vmul.f32 $5.000000000e+01, v0;
	_ =	sdelay $0x1  }
0x4da: {  	v0 =	vmax.f32 v0, $-2.000000000e+03  }
0x4db: {  	v0 =	vmin.f32 v0, $2.000000000e+03  }
0x4dc: {  	[tilespmem:s25+$0xFFFFF860] =	vst v0  }
0x4dd: {  	v0 =	vld [tilespmem:s28+$0x8AF0];
	_ =	sdelay $0x4  }
0x4de: {  	v0 =	vmul.f32 $5.000000000e+01, v0;
	_ =	sdelay $0x1  }
0x4df: {  	v0 =	vmax.f32 v0, $-2.000000000e+03  }
0x4e0: {  	v0 =	vmin.f32 v0, $2.000000000e+03  }
0x4e1: {  	[tilespmem:s25+$0xFFFFF870] =	vst v0  }
0x4e2: {  	v0 =	vld [tilespmem:s28+$0x8E80];
	_ =	sdelay $0x4  }
0x4e3: {  	v0 =	vmul.f32 $5.000000000e+01, v0;
	_ =	sdelay $0x1  }
0x4e4: {  	v0 =	vmax.f32 v0, $-2.000000000e+03  }
0x4e5: {  	v0 =	vmin.f32 v0, $2.000000000e+03  }
0x4e6: {  	[tilespmem:s25+$0xFFFFFC00] =	vst v0  }
0x4e7: {  	v0 =	vld [tilespmem:s28+$0x8E90];
	_ =	sdelay $0x4  }
0x4e8: {  	v0 =	vmul.f32 $5.000000000e+01, v0;
	_ =	sdelay $0x1  }
0x4e9: {  	v0 =	vmax.f32 v0, $-2.000000000e+03  }
0x4ea: {  	v0 =	vmin.f32 v0, $2.000000000e+03  }
0x4eb: {  	[tilespmem:s25+$0xFFFFFC10] =	vst v0  }
0x4ec: {  	v0 =	vld [tilespmem:s28+$0x8EA0];
	_ =	sdelay $0x4  }
0x4ed: {  	v0 =	vmul.f32 $5.000000000e+01, v0;
	_ =	sdelay $0x1  }
0x4ee: {  	v0 =	vmax.f32 v0, $-2.000000000e+03  }
0x4ef: {  	v0 =	vmin.f32 v0, $2.000000000e+03  }
0x4f0: {  	[tilespmem:s25+$0xFFFFFC20] =	vst v0  }
0x4f1: {  	v0 =	vld [tilespmem:s28+$0x8EB0];
	_ =	sdelay $0x4  }
0x4f2: {  	v0 =	vmul.f32 $5.000000000e+01, v0;
	_ =	sdelay $0x1  }
0x4f3: {  	v0 =	vmax.f32 v0, $-2.000000000e+03  }
0x4f4: {  	v0 =	vmin.f32 v0, $2.000000000e+03  }
0x4f5: {  	[tilespmem:s25+$0xFFFFFC30] =	vst v0  }
0x4f6: {  	v0 =	vld [tilespmem:s28+$0x8EC0];
	_ =	sdelay $0x4  }
0x4f7: {  	v0 =	vmul.f32 $5.000000000e+01, v0;
	_ =	sdelay $0x1  }
0x4f8: {  	v0 =	vmax.f32 v0, $-2.000000000e+03  }
0x4f9: {  	v0 =	vmin.f32 v0, $2.000000000e+03  }
0x4fa: {  	[tilespmem:s25+$0xFFFFFC40] =	vst v0  }
0x4fb: {  	v0 =	vld [tilespmem:s28+$0x8ED0];
	_ =	sdelay $0x4  }
0x4fc: {  	v0 =	vmul.f32 $5.000000000e+01, v0;
	_ =	sdelay $0x1  }
0x4fd: {  	v0 =	vmax.f32 v0, $-2.000000000e+03  }
0x4fe: {  	v0 =	vmin.f32 v0, $2.000000000e+03  }
0x4ff: {  	[tilespmem:s25+$0xFFFFFC50] =	vst v0  }
0x500: {  	v0 =	vld [tilespmem:s28+$0x8EE0];
	_ =	sdelay $0x4  }
0x501: {  	v0 =	vmul.f32 $5.000000000e+01, v0;
	_ =	sdelay $0x1  }
0x502: {  	v0 =	vmax.f32 v0, $-2.000000000e+03  }
0x503: {  	v0 =	vmin.f32 v0, $2.000000000e+03  }
0x504: {  	[tilespmem:s25+$0xFFFFFC60] =	vst v0  }
0x505: {  	v0 =	vld [tilespmem:s28+$0x8EF0];
	_ =	sdelay $0x4  }
0x506: {  	v0 =	vmul.f32 $5.000000000e+01, v0;
	_ =	sdelay $0x1  }
0x507: {  	v0 =	vmax.f32 v0, $-2.000000000e+03  }
0x508: {  	v0 =	vmin.f32 v0, $2.000000000e+03  }
0x509: {  	[tilespmem:s25+$0xFFFFFC70] =	vst v0  }
0x50a: {  	v0 =	vld [tilespmem:s28+$0x9280];
	_ =	sdelay $0x4  }
0x50b: {  	v0 =	vmul.f32 $5.000000000e+01, v0;
	_ =	sdelay $0x1  }
0x50c: {  	v0 =	vmax.f32 v0, $-2.000000000e+03  }
0x50d: {  	v0 =	vmin.f32 v0, $2.000000000e+03  }
0x50e: {  	[tilespmem:s25+$0x0] =	vst v0  }
0x50f: {  	v0 =	vld [tilespmem:s28+$0x9290];
	_ =	sdelay $0x4  }
0x510: {  	v0 =	vmul.f32 $5.000000000e+01, v0;
	_ =	sdelay $0x1  }
0x511: {  	v0 =	vmax.f32 v0, $-2.000000000e+03  }
0x512: {  	v0 =	vmin.f32 v0, $2.000000000e+03  }
0x513: {  	[tilespmem:s25+$0x10] =	vst v0  }
0x514: {  	v0 =	vld [tilespmem:s28+$0x92A0];
	_ =	sdelay $0x4  }
0x515: {  	v0 =	vmul.f32 $5.000000000e+01, v0;
	_ =	sdelay $0x1  }
0x516: {  	v0 =	vmax.f32 v0, $-2.000000000e+03  }
0x517: {  	v0 =	vmin.f32 v0, $2.000000000e+03  }
0x518: {  	[tilespmem:s25+$0x20] =	vst v0  }
0x519: {  	v0 =	vld [tilespmem:s28+$0x92B0];
	_ =	sdelay $0x4  }
0x51a: {  	v0 =	vmul.f32 $5.000000000e+01, v0;
	_ =	sdelay $0x1  }
0x51b: {  	v0 =	vmax.f32 v0, $-2.000000000e+03  }
0x51c: {  	v0 =	vmin.f32 v0, $2.000000000e+03  }
0x51d: {  	[tilespmem:s25+$0x30] =	vst v0  }
0x51e: {  	v0 =	vld [tilespmem:s28+$0x92C0];
	_ =	sdelay $0x4  }
0x51f: {  	v0 =	vmul.f32 $5.000000000e+01, v0;
	_ =	sdelay $0x1  }
0x520: {  	v0 =	vmax.f32 v0, $-2.000000000e+03  }
0x521: {  	v0 =	vmin.f32 v0, $2.000000000e+03  }
0x522: {  	[tilespmem:s25+$0x40] =	vst v0  }
0x523: {  	v0 =	vld [tilespmem:s28+$0x92D0];
	_ =	sdelay $0x4  }
0x524: {  	v0 =	vmul.f32 $5.000000000e+01, v0;
	_ =	sdelay $0x1  }
0x525: {  	v0 =	vmax.f32 v0, $-2.000000000e+03  }
0x526: {  	v0 =	vmin.f32 v0, $2.000000000e+03  }
0x527: {  	[tilespmem:s25+$0x50] =	vst v0  }
0x528: {  	v0 =	vld [tilespmem:s28+$0x92E0];
	_ =	sdelay $0x4  }
0x529: {  	v0 =	vmul.f32 $5.000000000e+01, v0;
	_ =	sdelay $0x1  }
0x52a: {  	v0 =	vmax.f32 v0, $-2.000000000e+03  }
0x52b: {  	v0 =	vmin.f32 v0, $2.000000000e+03  }
0x52c: {  	[tilespmem:s25+$0x60] =	vst v0  }
0x52d: {  	v0 =	vld [tilespmem:s28+$0x92F0];
	_ =	sdelay $0x4  }
0x52e: {  	v0 =	vmul.f32 $5.000000000e+01, v0;
	_ =	sdelay $0x1  }
0x52f: {  	v0 =	vmax.f32 v0, $-2.000000000e+03  }
0x530: {  	v0 =	vmin.f32 v0, $2.000000000e+03  }
0x531: {  	[tilespmem:s25+$0x70] =	vst v0  }
0x532: {  	v0 =	vld [tilespmem:s28+$0x9680];
	_ =	sdelay $0x4  }
0x533: {  	v0 =	vmul.f32 $5.000000000e+01, v0;
	_ =	sdelay $0x1  }
0x534: {  	v0 =	vmax.f32 v0, $-2.000000000e+03  }
0x535: {  	v0 =	vmin.f32 v0, $2.000000000e+03  }
0x536: {  	[tilespmem:s25+$0x400] =	vst v0  }
0x537: {  	v0 =	vld [tilespmem:s28+$0x9690];
	_ =	sdelay $0x4  }
0x538: {  	v0 =	vmul.f32 $5.000000000e+01, v0;
	_ =	sdelay $0x1  }
0x539: {  	v0 =	vmax.f32 v0, $-2.000000000e+03  }
0x53a: {  	v0 =	vmin.f32 v0, $2.000000000e+03  }
0x53b: {  	[tilespmem:s25+$0x410] =	vst v0  }
0x53c: {  	v0 =	vld [tilespmem:s28+$0x96A0];
	_ =	sdelay $0x4  }
0x53d: {  	v0 =	vmul.f32 $5.000000000e+01, v0;
	_ =	sdelay $0x1  }
0x53e: {  	v0 =	vmax.f32 v0, $-2.000000000e+03  }
0x53f: {  	v0 =	vmin.f32 v0, $2.000000000e+03  }
0x540: {  	[tilespmem:s25+$0x420] =	vst v0  }
0x541: {  	v0 =	vld [tilespmem:s28+$0x96B0];
	_ =	sdelay $0x4  }
0x542: {  	v0 =	vmul.f32 $5.000000000e+01, v0;
	_ =	sdelay $0x1  }
0x543: {  	v0 =	vmax.f32 v0, $-2.000000000e+03  }
0x544: {  	v0 =	vmin.f32 v0, $2.000000000e+03  }
0x545: {  	[tilespmem:s25+$0x430] =	vst v0  }
0x546: {  	v0 =	vld [tilespmem:s28+$0x96C0];
	_ =	sdelay $0x4  }
0x547: {  	v0 =	vmul.f32 $5.000000000e+01, v0;
	_ =	sdelay $0x1  }
0x548: {  	v0 =	vmax.f32 v0, $-2.000000000e+03  }
0x549: {  	v0 =	vmin.f32 v0, $2.000000000e+03  }
0x54a: {  	[tilespmem:s25+$0x440] =	vst v0  }
0x54b: {  	v0 =	vld [tilespmem:s28+$0x96D0];
	_ =	sdelay $0x4  }
0x54c: {  	v0 =	vmul.f32 $5.000000000e+01, v0;
	_ =	sdelay $0x1  }
0x54d: {  	v0 =	vmax.f32 v0, $-2.000000000e+03  }
0x54e: {  	v0 =	vmin.f32 v0, $2.000000000e+03  }
0x54f: {  	[tilespmem:s25+$0x450] =	vst v0  }
0x550: {  	v0 =	vld [tilespmem:s28+$0x96E0];
	_ =	sdelay $0x4  }
0x551: {  	v0 =	vmul.f32 $5.000000000e+01, v0;
	_ =	sdelay $0x1  }
0x552: {  	v0 =	vmax.f32 v0, $-2.000000000e+03  }
0x553: {  	v0 =	vmin.f32 v0, $2.000000000e+03  }
0x554: {  	[tilespmem:s25+$0x460] =	vst v0  }
0x555: {  	v0 =	vld [tilespmem:s28+$0x96F0];
	_ =	sdelay $0x4  }
0x556: {  	v0 =	vmul.f32 $5.000000000e+01, v0;
	_ =	sdelay $0x1  }
0x557: {  	v0 =	vmax.f32 v0, $-2.000000000e+03  }
0x558: {  	v0 =	vmin.f32 v0, $2.000000000e+03  }
0x559: {  	[tilespmem:s25+$0x470] =	vst v0  }
0x55a: {  	v0 =	vld [tilespmem:s28+$0x9A80];
	_ =	sdelay $0x4  }
0x55b: {  	v0 =	vmul.f32 $5.000000000e+01, v0;
	_ =	sdelay $0x1  }
0x55c: {  	v0 =	vmax.f32 v0, $-2.000000000e+03  }
0x55d: {  	v0 =	vmin.f32 v0, $2.000000000e+03  }
0x55e: {  	[tilespmem:s25+$0x800] =	vst v0  }
0x55f: {  	v0 =	vld [tilespmem:s28+$0x9A90];
	_ =	sdelay $0x4  }
0x560: {  	v0 =	vmul.f32 $5.000000000e+01, v0;
	_ =	sdelay $0x1  }
0x561: {  	v0 =	vmax.f32 v0, $-2.000000000e+03  }
0x562: {  	v0 =	vmin.f32 v0, $2.000000000e+03  }
0x563: {  	[tilespmem:s25+$0x810] =	vst v0  }
0x564: {  	v0 =	vld [tilespmem:s28+$0x9AA0];
	_ =	sdelay $0x4  }
0x565: {  	v0 =	vmul.f32 $5.000000000e+01, v0;
	_ =	sdelay $0x1  }
0x566: {  	v0 =	vmax.f32 v0, $-2.000000000e+03  }
0x567: {  	v0 =	vmin.f32 v0, $2.000000000e+03  }
0x568: {  	[tilespmem:s25+$0x820] =	vst v0  }
0x569: {  	v0 =	vld [tilespmem:s28+$0x9AB0];
	_ =	sdelay $0x4  }
0x56a: {  	v0 =	vmul.f32 $5.000000000e+01, v0;
	_ =	sdelay $0x1  }
0x56b: {  	v0 =	vmax.f32 v0, $-2.000000000e+03  }
0x56c: {  	v0 =	vmin.f32 v0, $2.000000000e+03  }
0x56d: {  	[tilespmem:s25+$0x830] =	vst v0  }
0x56e: {  	v0 =	vld [tilespmem:s28+$0x9AC0];
	_ =	sdelay $0x4  }
0x56f: {  	v0 =	vmul.f32 $5.000000000e+01, v0;
	_ =	sdelay $0x1  }
0x570: {  	v0 =	vmax.f32 v0, $-2.000000000e+03  }
0x571: {  	v0 =	vmin.f32 v0, $2.000000000e+03  }
0x572: {  	[tilespmem:s25+$0x840] =	vst v0  }
0x573: {  	v0 =	vld [tilespmem:s28+$0x9AD0];
	_ =	sdelay $0x4  }
0x574: {  	v0 =	vmul.f32 $5.000000000e+01, v0;
	_ =	sdelay $0x1  }
0x575: {  	v0 =	vmax.f32 v0, $-2.000000000e+03  }
0x576: {  	v0 =	vmin.f32 v0, $2.000000000e+03  }
0x577: {  	[tilespmem:s25+$0x850] =	vst v0  }
0x578: {  	v0 =	vld [tilespmem:s28+$0x9AE0];
	_ =	sdelay $0x4  }
0x579: {  	v0 =	vmul.f32 $5.000000000e+01, v0;
	_ =	sdelay $0x1  }
0x57a: {  	v0 =	vmax.f32 v0, $-2.000000000e+03  }
0x57b: {  	v0 =	vmin.f32 v0, $2.000000000e+03  }
0x57c: {  	[tilespmem:s25+$0x860] =	vst v0  }
0x57d: {  	v0 =	vld [tilespmem:s28+$0x9AF0];
	_ =	sdelay $0x4  }
0x57e: {  	v0 =	vmul.f32 $5.000000000e+01, v0;
	_ =	sdelay $0x1  }
0x57f: {  	v0 =	vmax.f32 v0, $-2.000000000e+03  }
0x580: {  	v0 =	vmin.f32 v0, $2.000000000e+03  }
0x581: {  	[tilespmem:s25+$0x870] =	vst v0  }
0x582: {  	v0 =	vld [tilespmem:s28+$0x9E80];
	_ =	sdelay $0x4  }
0x583: {  	v0 =	vmul.f32 $5.000000000e+01, v0;
	_ =	sdelay $0x1  }
0x584: {  	v0 =	vmax.f32 v0, $-2.000000000e+03  }
0x585: {  	v0 =	vmin.f32 v0, $2.000000000e+03  }
0x586: {  	[tilespmem:s25+$0xC00] =	vst v0  }
0x587: {  	v0 =	vld [tilespmem:s28+$0x9E90];
	_ =	sdelay $0x4  }
0x588: {  	v0 =	vmul.f32 $5.000000000e+01, v0;
	_ =	sdelay $0x1  }
0x589: {  	v0 =	vmax.f32 v0, $-2.000000000e+03  }
0x58a: {  	v0 =	vmin.f32 v0, $2.000000000e+03  }
0x58b: {  	[tilespmem:s25+$0xC10] =	vst v0  }
0x58c: {  	v0 =	vld [tilespmem:s28+$0x9EA0];
	_ =	sdelay $0x4  }
0x58d: {  	v0 =	vmul.f32 $5.000000000e+01, v0;
	_ =	sdelay $0x1  }
0x58e: {  	v0 =	vmax.f32 v0, $-2.000000000e+03  }
0x58f: {  	v0 =	vmin.f32 v0, $2.000000000e+03  }
0x590: {  	[tilespmem:s25+$0xC20] =	vst v0  }
0x591: {  	v0 =	vld [tilespmem:s28+$0x9EB0];
	_ =	sdelay $0x4  }
0x592: {  	v0 =	vmul.f32 $5.000000000e+01, v0;
	_ =	sdelay $0x1  }
0x593: {  	v0 =	vmax.f32 v0, $-2.000000000e+03  }
0x594: {  	v0 =	vmin.f32 v0, $2.000000000e+03  }
0x595: {  	[tilespmem:s25+$0xC30] =	vst v0  }
0x596: {  	v0 =	vld [tilespmem:s28+$0x9EC0];
	_ =	sdelay $0x4  }
0x597: {  	v0 =	vmul.f32 $5.000000000e+01, v0;
	_ =	sdelay $0x1  }
0x598: {  	v0 =	vmax.f32 v0, $-2.000000000e+03  }
0x599: {  	v0 =	vmin.f32 v0, $2.000000000e+03  }
0x59a: {  	[tilespmem:s25+$0xC40] =	vst v0  }
0x59b: {  	v0 =	vld [tilespmem:s28+$0x9ED0];
	_ =	sdelay $0x4  }
0x59c: {  	v0 =	vmul.f32 $5.000000000e+01, v0;
	_ =	sdelay $0x1  }
0x59d: {  	v0 =	vmax.f32 v0, $-2.000000000e+03  }
0x59e: {  	v0 =	vmin.f32 v0, $2.000000000e+03  }
0x59f: {  	[tilespmem:s25+$0xC50] =	vst v0  }
0x5a0: {  	v0 =	vld.msk [tilespmem:s31+$0x9EE0], $0xff  }
0x5a1: {  	v1 =	vld [tilespmem:s28+$0x9ED0];
	_ =	sdelay $0x3  }
0x5a2: {  	v0 =	vmul.f32 $5.000000000e+01, v0  }
0x5a3: {  	v1 =	vmul.f32 $5.000000000e+01, v1  }
0x5a4: {  	v0 =	vmax.f32 v0, $-2.000000000e+03  }
0x5a5: {  	v1 =	vmax.f32 v1, $-2.000000000e+03;
	v0 =	vmin.f32 v0, $2.000000000e+03  }
0x5a6: {  	v1 =	vmin.f32 v1, $2.000000000e+03;
	[tilespmem:s25+$0xC60] =	vst.msk $0xff, v0  }
0x5a7: {  	s28 =	sadd.s32 $0x1, s22;
	[tilespmem:s25+$0xC50] =	vst v1  }
0x5a8: {  	s29 =	simm.s32 $0x10000;
	s26 =	simm.s32 $0x8000;
	v0 =	vld [tilespmem:s28+$0x0]  }
.LBB2_5:
0x5a9: {  	p1 =	sne.s32 s29, $0x18000;
	_ =	sdelay $0x3  }
0x5aa: {  	(v2sf) =	vpush v0, $0x0;
	_ =	sdelay $0xe  }
0x5ab: {  	s0 =	spop (v2sf)  }
0x5ac: {  	s30 =	sshll.u32 s0, $0xC;
	s0 =	sand.u32 $0x7, s0  }
0x5ad: {  	s30 =	sand.u32 $0xFFFF8000, s30;
	s0 =	sshll.u32 s0, $0x9  }
0x5ae: {  	s0 =	sor.u32 s0, s30  }
0x5af: {  	s30 =	sadd.s32 s0, s26;
	s0 =	sshra.s32 s0, $0x2  }
0x5b0: {  	s30 =	sshra.s32 s30, $0x2  }
0x5b1: {  	v0 =	vld [tilespmem:s30+$0x8280];
	_ =	sdelay $0x4  }
0x5b2: {  	v0 =	vmul.f32 $5.000000000e+01, v0;
	_ =	sdelay $0x1  }
0x5b3: {  	v0 =	vmax.f32 v0, $-2.000000000e+03  }
0x5b4: {  	s31 =	sshra.s32 s26, $0x2;
	s25 =	sadd.s32 $0x80, s25;
	s26 =	smov.u32 s29;
	v0 =	vmin.f32 v0, $2.000000000e+03  }
0x5b5: {  	s31 =	sadd.s32 s31, s0;
	[tilespmem:s25+$0xFFFFF000] =	vst v0  }
0x5b6: {  	v0 =	vld [tilespmem:s31+$0x8290];
	_ =	sdelay $0x4  }
0x5b7: {  	v0 =	vmul.f32 $5.000000000e+01, v0;
	_ =	sdelay $0x1  }
0x5b8: {  	v0 =	vmax.f32 v0, $-2.000000000e+03  }
0x5b9: {  	v0 =	vmin.f32 v0, $2.000000000e+03  }
0x5ba: {  	[tilespmem:s25+$0xFFFFF010] =	vst v0  }
0x5bb: {  	v0 =	vld [tilespmem:s31+$0x82A0];
	_ =	sdelay $0x4  }
0x5bc: {  	v0 =	vmul.f32 $5.000000000e+01, v0;
	_ =	sdelay $0x1  }
0x5bd: {  	v0 =	vmax.f32 v0, $-2.000000000e+03  }
0x5be: {  	v0 =	vmin.f32 v0, $2.000000000e+03  }
0x5bf: {  	[tilespmem:s25+$0xFFFFF020] =	vst v0  }
0x5c0: {  	v0 =	vld [tilespmem:s31+$0x82B0];
	_ =	sdelay $0x4  }
0x5c1: {  	v0 =	vmul.f32 $5.000000000e+01, v0;
	_ =	sdelay $0x1  }
0x5c2: {  	v0 =	vmax.f32 v0, $-2.000000000e+03  }
0x5c3: {  	v0 =	vmin.f32 v0, $2.000000000e+03  }
0x5c4: {  	[tilespmem:s25+$0xFFFFF030] =	vst v0  }
0x5c5: {  	v0 =	vld [tilespmem:s31+$0x82C0];
	_ =	sdelay $0x4  }
0x5c6: {  	v0 =	vmul.f32 $5.000000000e+01, v0;
	_ =	sdelay $0x1  }
0x5c7: {  	v0 =	vmax.f32 v0, $-2.000000000e+03  }
0x5c8: {  	v0 =	vmin.f32 v0, $2.000000000e+03  }
0x5c9: {  	[tilespmem:s25+$0xFFFFF040] =	vst v0  }
0x5ca: {  	v0 =	vld [tilespmem:s31+$0x82D0];
	_ =	sdelay $0x4  }
0x5cb: {  	v0 =	vmul.f32 $5.000000000e+01, v0;
	_ =	sdelay $0x1  }
0x5cc: {  	v0 =	vmax.f32 v0, $-2.000000000e+03  }
0x5cd: {  	v0 =	vmin.f32 v0, $2.000000000e+03  }
0x5ce: {  	[tilespmem:s25+$0xFFFFF050] =	vst v0  }
0x5cf: {  	v0 =	vld [tilespmem:s31+$0x82E0];
	_ =	sdelay $0x4  }
0x5d0: {  	v0 =	vmul.f32 $5.000000000e+01, v0;
	_ =	sdelay $0x1  }
0x5d1: {  	v0 =	vmax.f32 v0, $-2.000000000e+03  }
0x5d2: {  	v0 =	vmin.f32 v0, $2.000000000e+03  }
0x5d3: {  	[tilespmem:s25+$0xFFFFF060] =	vst v0  }
0x5d4: {  	v0 =	vld [tilespmem:s31+$0x82F0];
	_ =	sdelay $0x4  }
0x5d5: {  	v0 =	vmul.f32 $5.000000000e+01, v0;
	_ =	sdelay $0x1  }
0x5d6: {  	v0 =	vmax.f32 v0, $-2.000000000e+03  }
0x5d7: {  	v0 =	vmin.f32 v0, $2.000000000e+03  }
0x5d8: {  	[tilespmem:s25+$0xFFFFF070] =	vst v0  }
0x5d9: {  	v0 =	vld [tilespmem:s31+$0x8680];
	_ =	sdelay $0x4  }
0x5da: {  	v0 =	vmul.f32 $5.000000000e+01, v0;
	_ =	sdelay $0x1  }
0x5db: {  	v0 =	vmax.f32 v0, $-2.000000000e+03  }
0x5dc: {  	v0 =	vmin.f32 v0, $2.000000000e+03  }
0x5dd: {  	[tilespmem:s25+$0xFFFFF400] =	vst v0  }
0x5de: {  	v0 =	vld [tilespmem:s31+$0x8690];
	_ =	sdelay $0x4  }
0x5df: {  	v0 =	vmul.f32 $5.000000000e+01, v0;
	_ =	sdelay $0x1  }
0x5e0: {  	v0 =	vmax.f32 v0, $-2.000000000e+03  }
0x5e1: {  	v0 =	vmin.f32 v0, $2.000000000e+03  }
0x5e2: {  	[tilespmem:s25+$0xFFFFF410] =	vst v0  }
0x5e3: {  	v0 =	vld [tilespmem:s31+$0x86A0];
	_ =	sdelay $0x4  }
0x5e4: {  	v0 =	vmul.f32 $5.000000000e+01, v0;
	_ =	sdelay $0x1  }
0x5e5: {  	v0 =	vmax.f32 v0, $-2.000000000e+03  }
0x5e6: {  	v0 =	vmin.f32 v0, $2.000000000e+03  }
0x5e7: {  	[tilespmem:s25+$0xFFFFF420] =	vst v0  }
0x5e8: {  	v0 =	vld [tilespmem:s31+$0x86B0];
	_ =	sdelay $0x4  }
0x5e9: {  	v0 =	vmul.f32 $5.000000000e+01, v0;
	_ =	sdelay $0x1  }
0x5ea: {  	v0 =	vmax.f32 v0, $-2.000000000e+03  }
0x5eb: {  	v0 =	vmin.f32 v0, $2.000000000e+03  }
0x5ec: {  	[tilespmem:s25+$0xFFFFF430] =	vst v0  }
0x5ed: {  	v0 =	vld [tilespmem:s31+$0x86C0];
	_ =	sdelay $0x4  }
0x5ee: {  	v0 =	vmul.f32 $5.000000000e+01, v0;
	_ =	sdelay $0x1  }
0x5ef: {  	v0 =	vmax.f32 v0, $-2.000000000e+03  }
0x5f0: {  	v0 =	vmin.f32 v0, $2.000000000e+03  }
0x5f1: {  	[tilespmem:s25+$0xFFFFF440] =	vst v0  }
0x5f2: {  	v0 =	vld [tilespmem:s31+$0x86D0];
	_ =	sdelay $0x4  }
0x5f3: {  	v0 =	vmul.f32 $5.000000000e+01, v0;
	_ =	sdelay $0x1  }
0x5f4: {  	v0 =	vmax.f32 v0, $-2.000000000e+03  }
0x5f5: {  	v0 =	vmin.f32 v0, $2.000000000e+03  }
0x5f6: {  	[tilespmem:s25+$0xFFFFF450] =	vst v0  }
0x5f7: {  	v0 =	vld [tilespmem:s31+$0x86E0];
	_ =	sdelay $0x4  }
0x5f8: {  	v0 =	vmul.f32 $5.000000000e+01, v0;
	_ =	sdelay $0x1  }
0x5f9: {  	v0 =	vmax.f32 v0, $-2.000000000e+03  }
0x5fa: {  	v0 =	vmin.f32 v0, $2.000000000e+03  }
0x5fb: {  	[tilespmem:s25+$0xFFFFF460] =	vst v0  }
0x5fc: {  	v0 =	vld [tilespmem:s31+$0x86F0];
	_ =	sdelay $0x4  }
0x5fd: {  	v0 =	vmul.f32 $5.000000000e+01, v0;
	_ =	sdelay $0x1  }
0x5fe: {  	v0 =	vmax.f32 v0, $-2.000000000e+03  }
0x5ff: {  	v0 =	vmin.f32 v0, $2.000000000e+03  }
0x600: {  	[tilespmem:s25+$0xFFFFF470] =	vst v0  }
0x601: {  	v0 =	vld [tilespmem:s31+$0x8A80];
	_ =	sdelay $0x4  }
0x602: {  	v0 =	vmul.f32 $5.000000000e+01, v0;
	_ =	sdelay $0x1  }
0x603: {  	v0 =	vmax.f32 v0, $-2.000000000e+03  }
0x604: {  	v0 =	vmin.f32 v0, $2.000000000e+03  }
0x605: {  	[tilespmem:s25+$0xFFFFF800] =	vst v0  }
0x606: {  	v0 =	vld [tilespmem:s31+$0x8A90];
	_ =	sdelay $0x4  }
0x607: {  	v0 =	vmul.f32 $5.000000000e+01, v0;
	_ =	sdelay $0x1  }
0x608: {  	v0 =	vmax.f32 v0, $-2.000000000e+03  }
0x609: {  	v0 =	vmin.f32 v0, $2.000000000e+03  }
0x60a: {  	[tilespmem:s25+$0xFFFFF810] =	vst v0  }
0x60b: {  	v0 =	vld [tilespmem:s31+$0x8AA0];
	_ =	sdelay $0x4  }
0x60c: {  	v0 =	vmul.f32 $5.000000000e+01, v0;
	_ =	sdelay $0x1  }
0x60d: {  	v0 =	vmax.f32 v0, $-2.000000000e+03  }
0x60e: {  	v0 =	vmin.f32 v0, $2.000000000e+03  }
0x60f: {  	[tilespmem:s25+$0xFFFFF820] =	vst v0  }
0x610: {  	v0 =	vld [tilespmem:s31+$0x8AB0];
	_ =	sdelay $0x4  }
0x611: {  	v0 =	vmul.f32 $5.000000000e+01, v0;
	_ =	sdelay $0x1  }
0x612: {  	v0 =	vmax.f32 v0, $-2.000000000e+03  }
0x613: {  	v0 =	vmin.f32 v0, $2.000000000e+03  }
0x614: {  	[tilespmem:s25+$0xFFFFF830] =	vst v0  }
0x615: {  	v0 =	vld [tilespmem:s31+$0x8AC0];
	_ =	sdelay $0x4  }
0x616: {  	v0 =	vmul.f32 $5.000000000e+01, v0;
	_ =	sdelay $0x1  }
0x617: {  	v0 =	vmax.f32 v0, $-2.000000000e+03  }
0x618: {  	v0 =	vmin.f32 v0, $2.000000000e+03  }
0x619: {  	[tilespmem:s25+$0xFFFFF840] =	vst v0  }
0x61a: {  	v0 =	vld [tilespmem:s31+$0x8AD0];
	_ =	sdelay $0x4  }
0x61b: {  	v0 =	vmul.f32 $5.000000000e+01, v0;
	_ =	sdelay $0x1  }
0x61c: {  	v0 =	vmax.f32 v0, $-2.000000000e+03  }
0x61d: {  	v0 =	vmin.f32 v0, $2.000000000e+03  }
0x61e: {  	[tilespmem:s25+$0xFFFFF850] =	vst v0  }
0x61f: {  	v0 =	vld [tilespmem:s31+$0x8AE0];
	_ =	sdelay $0x4  }
0x620: {  	v0 =	vmul.f32 $5.000000000e+01, v0;
	_ =	sdelay $0x1  }
0x621: {  	v0 =	vmax.f32 v0, $-2.000000000e+03  }
0x622: {  	v0 =	vmin.f32 v0, $2.000000000e+03  }
0x623: {  	[tilespmem:s25+$0xFFFFF860] =	vst v0  }
0x624: {  	v0 =	vld [tilespmem:s31+$0x8AF0];
	_ =	sdelay $0x4  }
0x625: {  	v0 =	vmul.f32 $5.000000000e+01, v0;
	_ =	sdelay $0x1  }
0x626: {  	v0 =	vmax.f32 v0, $-2.000000000e+03  }
0x627: {  	v0 =	vmin.f32 v0, $2.000000000e+03  }
0x628: {  	[tilespmem:s25+$0xFFFFF870] =	vst v0  }
0x629: {  	v0 =	vld [tilespmem:s31+$0x8E80];
	_ =	sdelay $0x4  }
0x62a: {  	v0 =	vmul.f32 $5.000000000e+01, v0;
	_ =	sdelay $0x1  }
0x62b: {  	v0 =	vmax.f32 v0, $-2.000000000e+03  }
0x62c: {  	v0 =	vmin.f32 v0, $2.000000000e+03  }
0x62d: {  	[tilespmem:s25+$0xFFFFFC00] =	vst v0  }
0x62e: {  	v0 =	vld [tilespmem:s31+$0x8E90];
	_ =	sdelay $0x4  }
0x62f: {  	v0 =	vmul.f32 $5.000000000e+01, v0;
	_ =	sdelay $0x1  }
0x630: {  	v0 =	vmax.f32 v0, $-2.000000000e+03  }
0x631: {  	v0 =	vmin.f32 v0, $2.000000000e+03  }
0x632: {  	[tilespmem:s25+$0xFFFFFC10] =	vst v0  }
0x633: {  	v0 =	vld [tilespmem:s31+$0x8EA0];
	_ =	sdelay $0x4  }
0x634: {  	v0 =	vmul.f32 $5.000000000e+01, v0;
	_ =	sdelay $0x1  }
0x635: {  	v0 =	vmax.f32 v0, $-2.000000000e+03  }
0x636: {  	v0 =	vmin.f32 v0, $2.000000000e+03  }
0x637: {  	[tilespmem:s25+$0xFFFFFC20] =	vst v0  }
0x638: {  	v0 =	vld [tilespmem:s31+$0x8EB0];
	_ =	sdelay $0x4  }
0x639: {  	v0 =	vmul.f32 $5.000000000e+01, v0;
	_ =	sdelay $0x1  }
0x63a: {  	v0 =	vmax.f32 v0, $-2.000000000e+03  }
0x63b: {  	v0 =	vmin.f32 v0, $2.000000000e+03  }
0x63c: {  	[tilespmem:s25+$0xFFFFFC30] =	vst v0  }
0x63d: {  	v0 =	vld [tilespmem:s31+$0x8EC0];
	_ =	sdelay $0x4  }
0x63e: {  	v0 =	vmul.f32 $5.000000000e+01, v0;
	_ =	sdelay $0x1  }
0x63f: {  	v0 =	vmax.f32 v0, $-2.000000000e+03  }
0x640: {  	v0 =	vmin.f32 v0, $2.000000000e+03  }
0x641: {  	[tilespmem:s25+$0xFFFFFC40] =	vst v0  }
0x642: {  	v0 =	vld [tilespmem:s31+$0x8ED0];
	_ =	sdelay $0x4  }
0x643: {  	v0 =	vmul.f32 $5.000000000e+01, v0;
	_ =	sdelay $0x1  }
0x644: {  	v0 =	vmax.f32 v0, $-2.000000000e+03  }
0x645: {  	v0 =	vmin.f32 v0, $2.000000000e+03  }
0x646: {  	[tilespmem:s25+$0xFFFFFC50] =	vst v0  }
0x647: {  	v0 =	vld [tilespmem:s31+$0x8EE0];
	_ =	sdelay $0x4  }
0x648: {  	v0 =	vmul.f32 $5.000000000e+01, v0;
	_ =	sdelay $0x1  }
0x649: {  	v0 =	vmax.f32 v0, $-2.000000000e+03  }
0x64a: {  	v0 =	vmin.f32 v0, $2.000000000e+03  }
0x64b: {  	[tilespmem:s25+$0xFFFFFC60] =	vst v0  }
0x64c: {  	v0 =	vld [tilespmem:s31+$0x8EF0];
	_ =	sdelay $0x4  }
0x64d: {  	v0 =	vmul.f32 $5.000000000e+01, v0;
	_ =	sdelay $0x1  }
0x64e: {  	v0 =	vmax.f32 v0, $-2.000000000e+03  }
0x64f: {  	v0 =	vmin.f32 v0, $2.000000000e+03  }
0x650: {  	[tilespmem:s25+$0xFFFFFC70] =	vst v0  }
0x651: {  	v0 =	vld [tilespmem:s31+$0x9280];
	_ =	sdelay $0x4  }
0x652: {  	v0 =	vmul.f32 $5.000000000e+01, v0;
	_ =	sdelay $0x1  }
0x653: {  	v0 =	vmax.f32 v0, $-2.000000000e+03  }
0x654: {  	v0 =	vmin.f32 v0, $2.000000000e+03  }
0x655: {  	[tilespmem:s25+$0x0] =	vst v0  }
0x656: {  	v0 =	vld [tilespmem:s31+$0x9290];
	_ =	sdelay $0x4  }
0x657: {  	v0 =	vmul.f32 $5.000000000e+01, v0;
	_ =	sdelay $0x1  }
0x658: {  	v0 =	vmax.f32 v0, $-2.000000000e+03  }
0x659: {  	v0 =	vmin.f32 v0, $2.000000000e+03  }
0x65a: {  	[tilespmem:s25+$0x10] =	vst v0  }
0x65b: {  	v0 =	vld [tilespmem:s31+$0x92A0];
	_ =	sdelay $0x4  }
0x65c: {  	v0 =	vmul.f32 $5.000000000e+01, v0;
	_ =	sdelay $0x1  }
0x65d: {  	v0 =	vmax.f32 v0, $-2.000000000e+03  }
0x65e: {  	v0 =	vmin.f32 v0, $2.000000000e+03  }
0x65f: {  	[tilespmem:s25+$0x20] =	vst v0  }
0x660: {  	v0 =	vld [tilespmem:s31+$0x92B0];
	_ =	sdelay $0x4  }
0x661: {  	v0 =	vmul.f32 $5.000000000e+01, v0;
	_ =	sdelay $0x1  }
0x662: {  	v0 =	vmax.f32 v0, $-2.000000000e+03  }
0x663: {  	v0 =	vmin.f32 v0, $2.000000000e+03  }
0x664: {  	[tilespmem:s25+$0x30] =	vst v0  }
0x665: {  	v0 =	vld [tilespmem:s31+$0x92C0];
	_ =	sdelay $0x4  }
0x666: {  	v0 =	vmul.f32 $5.000000000e+01, v0;
	_ =	sdelay $0x1  }
0x667: {  	v0 =	vmax.f32 v0, $-2.000000000e+03  }
0x668: {  	v0 =	vmin.f32 v0, $2.000000000e+03  }
0x669: {  	[tilespmem:s25+$0x40] =	vst v0  }
0x66a: {  	v0 =	vld [tilespmem:s31+$0x92D0];
	_ =	sdelay $0x4  }
0x66b: {  	v0 =	vmul.f32 $5.000000000e+01, v0;
	_ =	sdelay $0x1  }
0x66c: {  	v0 =	vmax.f32 v0, $-2.000000000e+03  }
0x66d: {  	v0 =	vmin.f32 v0, $2.000000000e+03  }
0x66e: {  	[tilespmem:s25+$0x50] =	vst v0  }
0x66f: {  	v0 =	vld [tilespmem:s31+$0x92E0];
	_ =	sdelay $0x4  }
0x670: {  	v0 =	vmul.f32 $5.000000000e+01, v0;
	_ =	sdelay $0x1  }
0x671: {  	v0 =	vmax.f32 v0, $-2.000000000e+03  }
0x672: {  	v0 =	vmin.f32 v0, $2.000000000e+03  }
0x673: {  	[tilespmem:s25+$0x60] =	vst v0  }
0x674: {  	v0 =	vld [tilespmem:s31+$0x92F0];
	_ =	sdelay $0x4  }
0x675: {  	v0 =	vmul.f32 $5.000000000e+01, v0;
	_ =	sdelay $0x1  }
0x676: {  	v0 =	vmax.f32 v0, $-2.000000000e+03  }
0x677: {  	v0 =	vmin.f32 v0, $2.000000000e+03  }
0x678: {  	[tilespmem:s25+$0x70] =	vst v0  }
0x679: {  	v0 =	vld [tilespmem:s31+$0x9680];
	_ =	sdelay $0x4  }
0x67a: {  	v0 =	vmul.f32 $5.000000000e+01, v0;
	_ =	sdelay $0x1  }
0x67b: {  	v0 =	vmax.f32 v0, $-2.000000000e+03  }
0x67c: {  	v0 =	vmin.f32 v0, $2.000000000e+03  }
0x67d: {  	[tilespmem:s25+$0x400] =	vst v0  }
0x67e: {  	v0 =	vld [tilespmem:s31+$0x9690];
	_ =	sdelay $0x4  }
0x67f: {  	v0 =	vmul.f32 $5.000000000e+01, v0;
	_ =	sdelay $0x1  }
0x680: {  	v0 =	vmax.f32 v0, $-2.000000000e+03  }
0x681: {  	v0 =	vmin.f32 v0, $2.000000000e+03  }
0x682: {  	[tilespmem:s25+$0x410] =	vst v0  }
0x683: {  	v0 =	vld [tilespmem:s31+$0x96A0];
	_ =	sdelay $0x4  }
0x684: {  	v0 =	vmul.f32 $5.000000000e+01, v0;
	_ =	sdelay $0x1  }
0x685: {  	v0 =	vmax.f32 v0, $-2.000000000e+03  }
0x686: {  	v0 =	vmin.f32 v0, $2.000000000e+03  }
0x687: {  	[tilespmem:s25+$0x420] =	vst v0  }
0x688: {  	v0 =	vld [tilespmem:s31+$0x96B0];
	_ =	sdelay $0x4  }
0x689: {  	v0 =	vmul.f32 $5.000000000e+01, v0;
	_ =	sdelay $0x1  }
0x68a: {  	v0 =	vmax.f32 v0, $-2.000000000e+03  }
0x68b: {  	v0 =	vmin.f32 v0, $2.000000000e+03  }
0x68c: {  	[tilespmem:s25+$0x430] =	vst v0  }
0x68d: {  	v0 =	vld [tilespmem:s31+$0x96C0];
	_ =	sdelay $0x4  }
0x68e: {  	v0 =	vmul.f32 $5.000000000e+01, v0;
	_ =	sdelay $0x1  }
0x68f: {  	v0 =	vmax.f32 v0, $-2.000000000e+03  }
0x690: {  	v0 =	vmin.f32 v0, $2.000000000e+03  }
0x691: {  	[tilespmem:s25+$0x440] =	vst v0  }
0x692: {  	v0 =	vld [tilespmem:s31+$0x96D0];
	_ =	sdelay $0x4  }
0x693: {  	v0 =	vmul.f32 $5.000000000e+01, v0;
	_ =	sdelay $0x1  }
0x694: {  	v0 =	vmax.f32 v0, $-2.000000000e+03  }
0x695: {  	v0 =	vmin.f32 v0, $2.000000000e+03  }
0x696: {  	[tilespmem:s25+$0x450] =	vst v0  }
0x697: {  	v0 =	vld [tilespmem:s31+$0x96E0];
	_ =	sdelay $0x4  }
0x698: {  	v0 =	vmul.f32 $5.000000000e+01, v0;
	_ =	sdelay $0x1  }
0x699: {  	v0 =	vmax.f32 v0, $-2.000000000e+03  }
0x69a: {  	v0 =	vmin.f32 v0, $2.000000000e+03  }
0x69b: {  	[tilespmem:s25+$0x460] =	vst v0  }
0x69c: {  	v0 =	vld [tilespmem:s31+$0x96F0];
	_ =	sdelay $0x4  }
0x69d: {  	v0 =	vmul.f32 $5.000000000e+01, v0;
	_ =	sdelay $0x1  }
0x69e: {  	v0 =	vmax.f32 v0, $-2.000000000e+03  }
0x69f: {  	v0 =	vmin.f32 v0, $2.000000000e+03  }
0x6a0: {  	[tilespmem:s25+$0x470] =	vst v0  }
0x6a1: {  	v0 =	vld [tilespmem:s31+$0x9A80];
	_ =	sdelay $0x4  }
0x6a2: {  	v0 =	vmul.f32 $5.000000000e+01, v0;
	_ =	sdelay $0x1  }
0x6a3: {  	v0 =	vmax.f32 v0, $-2.000000000e+03  }
0x6a4: {  	v0 =	vmin.f32 v0, $2.000000000e+03  }
0x6a5: {  	[tilespmem:s25+$0x800] =	vst v0  }
0x6a6: {  	v0 =	vld [tilespmem:s31+$0x9A90];
	_ =	sdelay $0x4  }
0x6a7: {  	v0 =	vmul.f32 $5.000000000e+01, v0;
	_ =	sdelay $0x1  }
0x6a8: {  	v0 =	vmax.f32 v0, $-2.000000000e+03  }
0x6a9: {  	v0 =	vmin.f32 v0, $2.000000000e+03  }
0x6aa: {  	[tilespmem:s25+$0x810] =	vst v0  }
0x6ab: {  	v0 =	vld [tilespmem:s31+$0x9AA0];
	_ =	sdelay $0x4  }
0x6ac: {  	v0 =	vmul.f32 $5.000000000e+01, v0;
	_ =	sdelay $0x1  }
0x6ad: {  	v0 =	vmax.f32 v0, $-2.000000000e+03  }
0x6ae: {  	v0 =	vmin.f32 v0, $2.000000000e+03  }
0x6af: {  	[tilespmem:s25+$0x820] =	vst v0  }
0x6b0: {  	v0 =	vld [tilespmem:s31+$0x9AB0];
	_ =	sdelay $0x4  }
0x6b1: {  	v0 =	vmul.f32 $5.000000000e+01, v0;
	_ =	sdelay $0x1  }
0x6b2: {  	v0 =	vmax.f32 v0, $-2.000000000e+03  }
0x6b3: {  	v0 =	vmin.f32 v0, $2.000000000e+03  }
0x6b4: {  	[tilespmem:s25+$0x830] =	vst v0  }
0x6b5: {  	v0 =	vld [tilespmem:s31+$0x9AC0];
	_ =	sdelay $0x4  }
0x6b6: {  	v0 =	vmul.f32 $5.000000000e+01, v0;
	_ =	sdelay $0x1  }
0x6b7: {  	v0 =	vmax.f32 v0, $-2.000000000e+03  }
0x6b8: {  	v0 =	vmin.f32 v0, $2.000000000e+03  }
0x6b9: {  	[tilespmem:s25+$0x840] =	vst v0  }
0x6ba: {  	v0 =	vld [tilespmem:s31+$0x9AD0];
	_ =	sdelay $0x4  }
0x6bb: {  	v0 =	vmul.f32 $5.000000000e+01, v0;
	_ =	sdelay $0x1  }
0x6bc: {  	v0 =	vmax.f32 v0, $-2.000000000e+03  }
0x6bd: {  	v0 =	vmin.f32 v0, $2.000000000e+03  }
0x6be: {  	[tilespmem:s25+$0x850] =	vst v0  }
0x6bf: {  	v0 =	vld [tilespmem:s31+$0x9AE0];
	_ =	sdelay $0x4  }
0x6c0: {  	v0 =	vmul.f32 $5.000000000e+01, v0;
	_ =	sdelay $0x1  }
0x6c1: {  	v0 =	vmax.f32 v0, $-2.000000000e+03  }
0x6c2: {  	v0 =	vmin.f32 v0, $2.000000000e+03  }
0x6c3: {  	[tilespmem:s25+$0x860] =	vst v0  }
0x6c4: {  	v0 =	vld [tilespmem:s31+$0x9AF0];
	_ =	sdelay $0x4  }
0x6c5: {  	v0 =	vmul.f32 $5.000000000e+01, v0;
	_ =	sdelay $0x1  }
0x6c6: {  	v0 =	vmax.f32 v0, $-2.000000000e+03  }
0x6c7: {  	v0 =	vmin.f32 v0, $2.000000000e+03  }
0x6c8: {  	[tilespmem:s25+$0x870] =	vst v0  }
0x6c9: {  	v0 =	vld [tilespmem:s31+$0x9E80];
	_ =	sdelay $0x4  }
0x6ca: {  	v0 =	vmul.f32 $5.000000000e+01, v0;
	_ =	sdelay $0x1  }
0x6cb: {  	v0 =	vmax.f32 v0, $-2.000000000e+03  }
0x6cc: {  	v0 =	vmin.f32 v0, $2.000000000e+03  }
0x6cd: {  	[tilespmem:s25+$0xC00] =	vst v0  }
0x6ce: {  	v0 =	vld [tilespmem:s31+$0x9E90];
	_ =	sdelay $0x4  }
0x6cf: {  	v0 =	vmul.f32 $5.000000000e+01, v0;
	_ =	sdelay $0x1  }
0x6d0: {  	v0 =	vmax.f32 v0, $-2.000000000e+03  }
0x6d1: {  	v0 =	vmin.f32 v0, $2.000000000e+03  }
0x6d2: {  	[tilespmem:s25+$0xC10] =	vst v0  }
0x6d3: {  	v0 =	vld [tilespmem:s31+$0x9EA0];
	_ =	sdelay $0x4  }
0x6d4: {  	v0 =	vmul.f32 $5.000000000e+01, v0;
	_ =	sdelay $0x1  }
0x6d5: {  	v0 =	vmax.f32 v0, $-2.000000000e+03  }
0x6d6: {  	v0 =	vmin.f32 v0, $2.000000000e+03  }
0x6d7: {  	[tilespmem:s25+$0xC20] =	vst v0  }
0x6d8: {  	v0 =	vld [tilespmem:s31+$0x9EB0];
	_ =	sdelay $0x4  }
0x6d9: {  	v0 =	vmul.f32 $5.000000000e+01, v0;
	_ =	sdelay $0x1  }
0x6da: {  	v0 =	vmax.f32 v0, $-2.000000000e+03  }
0x6db: {  	v0 =	vmin.f32 v0, $2.000000000e+03  }
0x6dc: {  	[tilespmem:s25+$0xC30] =	vst v0  }
0x6dd: {  	v0 =	vld [tilespmem:s31+$0x9EC0];
	_ =	sdelay $0x4  }
0x6de: {  	v0 =	vmul.f32 $5.000000000e+01, v0;
	_ =	sdelay $0x1  }
0x6df: {  	v0 =	vmax.f32 v0, $-2.000000000e+03  }
0x6e0: {  	v0 =	vmin.f32 v0, $2.000000000e+03  }
0x6e1: {  	[tilespmem:s25+$0xC40] =	vst v0  }
0x6e2: {  	v0 =	vld [tilespmem:s31+$0x9ED0];
	_ =	sdelay $0x4  }
0x6e3: {  	v0 =	vmul.f32 $5.000000000e+01, v0;
	_ =	sdelay $0x1  }
0x6e4: {  	v0 =	vmax.f32 v0, $-2.000000000e+03  }
0x6e5: {  	v0 =	vmin.f32 v0, $2.000000000e+03  }
0x6e6: {  	[tilespmem:s25+$0xC50] =	vst v0  }
0x6e7: {  	v0 =	vld.msk [tilespmem:s30+$0x9EE0], $0xff  }
0x6e8: {  	v1 =	vld [tilespmem:s31+$0x9ED0];
	_ =	sdelay $0x3  }
0x6e9: {  	v0 =	vmul.f32 $5.000000000e+01, v0  }
0x6ea: {  	v1 =	vmul.f32 $5.000000000e+01, v1  }
.Ltmp1:
0x6eb: {  	v0 =	vmax.f32 v0, $-2.000000000e+03;
	(pc) =	sbr.rel @p1 .LBB2_5-.Ltmp1, $4  }
0x6ec: {  	v1 =	vmax.f32 v1, $-2.000000000e+03;
	v0 =	vmin.f32 v0, $2.000000000e+03  }
0x6ed: {  	v1 =	vmin.f32 v1, $2.000000000e+03;
	[tilespmem:s25+$0xC60] =	vst.msk $0xff, v0  }
0x6ee: {  	s28 =	sadd.s32 $0x1, s28;
	[tilespmem:s25+$0xC50] =	vst v1  }
0x6ef: {  	s29 =	sadd.s32 $0x8000, s29;
	v0 =	vld [tilespmem:s28+$0x0]  }
0x6f0: {  	_ =	sdelay $0x3  }
0x6f1: {  	(v2sf) =	vpush v0, $0x0;
	_ =	sdelay $0xe  }
0x6f2: {  	s0 =	spop (v2sf)  }
0x6f3: {  	s28 =	sshll.u32 s0, $0xC;
	s0 =	sand.u32 $0x7, s0  }
0x6f4: {  	s28 =	sand.u32 $0xFFFF8000, s28;
	s0 =	sshll.u32 s0, $0x9  }
0x6f5: {  	s0 =	sor.u32 s0, s28  }
0x6f6: {  	s28 =	sadd.s32 s0, s26  }
0x6f7: {  	s28 =	sshra.s32 s28, $0x2  }
0x6f8: {  	v63 =	vld [tilespmem:s28+$0x8280];
	_ =	sdelay $0x4  }
0x6f9: {  	v0 =	vmul.f32 $5.000000000e+01, v63;
	_ =	sdelay $0x1  }
0x6fa: {  	v0 =	vmax.f32 v0, $-2.000000000e+03  }
0x6fb: {  	s30 =	sshra.s32 s26, $0x2;
	s25 =	sadd.s32 $0x80, s25;
	s0 =	sshra.s32 s0, $0x2;
	v0 =	vmin.f32 v0, $2.000000000e+03  }
0x6fc: {  	s26 =	sadd.s32 s30, s0;
	[tilespmem:s25+$0xFFFFF000] =	vst v0  }
0x6fd: {  	v0 =	vld [tilespmem:s26+$0x8290];
	_ =	sdelay $0x4  }
0x6fe: {  	v0 =	vmul.f32 $5.000000000e+01, v0;
	_ =	sdelay $0x1  }
0x6ff: {  	v0 =	vmax.f32 v0, $-2.000000000e+03  }
0x700: {  	v0 =	vmin.f32 v0, $2.000000000e+03  }
0x701: {  	[tilespmem:s25+$0xFFFFF010] =	vst v0  }
0x702: {  	v0 =	vld [tilespmem:s26+$0x82A0];
	_ =	sdelay $0x4  }
0x703: {  	v0 =	vmul.f32 $5.000000000e+01, v0;
	_ =	sdelay $0x1  }
0x704: {  	v0 =	vmax.f32 v0, $-2.000000000e+03  }
0x705: {  	v0 =	vmin.f32 v0, $2.000000000e+03  }
0x706: {  	[tilespmem:s25+$0xFFFFF020] =	vst v0  }
0x707: {  	v0 =	vld [tilespmem:s26+$0x82B0];
	_ =	sdelay $0x4  }
0x708: {  	v0 =	vmul.f32 $5.000000000e+01, v0;
	_ =	sdelay $0x1  }
0x709: {  	v0 =	vmax.f32 v0, $-2.000000000e+03  }
0x70a: {  	v0 =	vmin.f32 v0, $2.000000000e+03  }
0x70b: {  	[tilespmem:s25+$0xFFFFF030] =	vst v0  }
0x70c: {  	v0 =	vld [tilespmem:s26+$0x82C0];
	_ =	sdelay $0x4  }
0x70d: {  	v0 =	vmul.f32 $5.000000000e+01, v0;
	_ =	sdelay $0x1  }
0x70e: {  	v0 =	vmax.f32 v0, $-2.000000000e+03  }
0x70f: {  	v0 =	vmin.f32 v0, $2.000000000e+03  }
0x710: {  	[tilespmem:s25+$0xFFFFF040] =	vst v0  }
0x711: {  	v0 =	vld [tilespmem:s26+$0x82D0];
	_ =	sdelay $0x4  }
0x712: {  	v0 =	vmul.f32 $5.000000000e+01, v0;
	_ =	sdelay $0x1  }
0x713: {  	v0 =	vmax.f32 v0, $-2.000000000e+03  }
0x714: {  	v0 =	vmin.f32 v0, $2.000000000e+03  }
0x715: {  	[tilespmem:s25+$0xFFFFF050] =	vst v0  }
0x716: {  	v0 =	vld [tilespmem:s26+$0x82E0];
	_ =	sdelay $0x4  }
0x717: {  	v0 =	vmul.f32 $5.000000000e+01, v0;
	_ =	sdelay $0x1  }
0x718: {  	v0 =	vmax.f32 v0, $-2.000000000e+03  }
0x719: {  	v0 =	vmin.f32 v0, $2.000000000e+03  }
0x71a: {  	[tilespmem:s25+$0xFFFFF060] =	vst v0  }
0x71b: {  	v0 =	vld [tilespmem:s26+$0x82F0];
	_ =	sdelay $0x4  }
0x71c: {  	v0 =	vmul.f32 $5.000000000e+01, v0;
	_ =	sdelay $0x1  }
0x71d: {  	v0 =	vmax.f32 v0, $-2.000000000e+03  }
0x71e: {  	v0 =	vmin.f32 v0, $2.000000000e+03  }
0x71f: {  	[tilespmem:s25+$0xFFFFF070] =	vst v0  }
0x720: {  	v0 =	vld [tilespmem:s26+$0x8680];
	_ =	sdelay $0x4  }
0x721: {  	v0 =	vmul.f32 $5.000000000e+01, v0;
	_ =	sdelay $0x1  }
0x722: {  	v0 =	vmax.f32 v0, $-2.000000000e+03  }
0x723: {  	v0 =	vmin.f32 v0, $2.000000000e+03  }
0x724: {  	[tilespmem:s25+$0xFFFFF400] =	vst v0  }
0x725: {  	v0 =	vld [tilespmem:s26+$0x8690];
	_ =	sdelay $0x4  }
0x726: {  	v0 =	vmul.f32 $5.000000000e+01, v0;
	_ =	sdelay $0x1  }
0x727: {  	v0 =	vmax.f32 v0, $-2.000000000e+03  }
0x728: {  	v0 =	vmin.f32 v0, $2.000000000e+03  }
0x729: {  	[tilespmem:s25+$0xFFFFF410] =	vst v0  }
0x72a: {  	v0 =	vld [tilespmem:s26+$0x86A0];
	_ =	sdelay $0x4  }
0x72b: {  	v0 =	vmul.f32 $5.000000000e+01, v0;
	_ =	sdelay $0x1  }
0x72c: {  	v0 =	vmax.f32 v0, $-2.000000000e+03  }
0x72d: {  	v0 =	vmin.f32 v0, $2.000000000e+03  }
0x72e: {  	[tilespmem:s25+$0xFFFFF420] =	vst v0  }
0x72f: {  	v0 =	vld [tilespmem:s26+$0x86B0];
	_ =	sdelay $0x4  }
0x730: {  	v0 =	vmul.f32 $5.000000000e+01, v0;
	_ =	sdelay $0x1  }
0x731: {  	v0 =	vmax.f32 v0, $-2.000000000e+03  }
0x732: {  	v0 =	vmin.f32 v0, $2.000000000e+03  }
0x733: {  	[tilespmem:s25+$0xFFFFF430] =	vst v0  }
0x734: {  	v0 =	vld [tilespmem:s26+$0x86C0];
	_ =	sdelay $0x4  }
0x735: {  	v0 =	vmul.f32 $5.000000000e+01, v0;
	_ =	sdelay $0x1  }
0x736: {  	v0 =	vmax.f32 v0, $-2.000000000e+03  }
0x737: {  	v0 =	vmin.f32 v0, $2.000000000e+03  }
0x738: {  	[tilespmem:s25+$0xFFFFF440] =	vst v0  }
0x739: {  	v0 =	vld [tilespmem:s26+$0x86D0];
	_ =	sdelay $0x4  }
0x73a: {  	v0 =	vmul.f32 $5.000000000e+01, v0;
	_ =	sdelay $0x1  }
0x73b: {  	v0 =	vmax.f32 v0, $-2.000000000e+03  }
0x73c: {  	v0 =	vmin.f32 v0, $2.000000000e+03  }
0x73d: {  	[tilespmem:s25+$0xFFFFF450] =	vst v0  }
0x73e: {  	v0 =	vld [tilespmem:s26+$0x86E0];
	_ =	sdelay $0x4  }
0x73f: {  	v0 =	vmul.f32 $5.000000000e+01, v0;
	_ =	sdelay $0x1  }
0x740: {  	v0 =	vmax.f32 v0, $-2.000000000e+03  }
0x741: {  	v0 =	vmin.f32 v0, $2.000000000e+03  }
0x742: {  	[tilespmem:s25+$0xFFFFF460] =	vst v0  }
0x743: {  	v0 =	vld [tilespmem:s26+$0x86F0];
	_ =	sdelay $0x4  }
0x744: {  	v0 =	vmul.f32 $5.000000000e+01, v0;
	_ =	sdelay $0x1  }
0x745: {  	v0 =	vmax.f32 v0, $-2.000000000e+03  }
0x746: {  	v0 =	vmin.f32 v0, $2.000000000e+03  }
0x747: {  	[tilespmem:s25+$0xFFFFF470] =	vst v0  }
0x748: {  	v0 =	vld [tilespmem:s26+$0x8A80];
	_ =	sdelay $0x4  }
0x749: {  	v0 =	vmul.f32 $5.000000000e+01, v0;
	_ =	sdelay $0x1  }
0x74a: {  	v0 =	vmax.f32 v0, $-2.000000000e+03  }
0x74b: {  	v0 =	vmin.f32 v0, $2.000000000e+03  }
0x74c: {  	[tilespmem:s25+$0xFFFFF800] =	vst v0  }
0x74d: {  	v0 =	vld [tilespmem:s26+$0x8A90];
	_ =	sdelay $0x4  }
0x74e: {  	v0 =	vmul.f32 $5.000000000e+01, v0;
	_ =	sdelay $0x1  }
0x74f: {  	v0 =	vmax.f32 v0, $-2.000000000e+03  }
0x750: {  	v0 =	vmin.f32 v0, $2.000000000e+03  }
0x751: {  	[tilespmem:s25+$0xFFFFF810] =	vst v0  }
0x752: {  	v0 =	vld [tilespmem:s26+$0x8AA0];
	_ =	sdelay $0x4  }
0x753: {  	v0 =	vmul.f32 $5.000000000e+01, v0;
	_ =	sdelay $0x1  }
0x754: {  	v0 =	vmax.f32 v0, $-2.000000000e+03  }
0x755: {  	v0 =	vmin.f32 v0, $2.000000000e+03  }
0x756: {  	[tilespmem:s25+$0xFFFFF820] =	vst v0  }
0x757: {  	v0 =	vld [tilespmem:s26+$0x8AB0];
	_ =	sdelay $0x4  }
0x758: {  	v0 =	vmul.f32 $5.000000000e+01, v0;
	_ =	sdelay $0x1  }
0x759: {  	v0 =	vmax.f32 v0, $-2.000000000e+03  }
0x75a: {  	v0 =	vmin.f32 v0, $2.000000000e+03  }
0x75b: {  	[tilespmem:s25+$0xFFFFF830] =	vst v0  }
0x75c: {  	v0 =	vld [tilespmem:s26+$0x8AC0];
	_ =	sdelay $0x4  }
0x75d: {  	v0 =	vmul.f32 $5.000000000e+01, v0;
	_ =	sdelay $0x1  }
0x75e: {  	v0 =	vmax.f32 v0, $-2.000000000e+03  }
0x75f: {  	v0 =	vmin.f32 v0, $2.000000000e+03  }
0x760: {  	[tilespmem:s25+$0xFFFFF840] =	vst v0  }
0x761: {  	v0 =	vld [tilespmem:s26+$0x8AD0];
	_ =	sdelay $0x4  }
0x762: {  	v0 =	vmul.f32 $5.000000000e+01, v0;
	_ =	sdelay $0x1  }
0x763: {  	v0 =	vmax.f32 v0, $-2.000000000e+03  }
0x764: {  	v0 =	vmin.f32 v0, $2.000000000e+03  }
0x765: {  	[tilespmem:s25+$0xFFFFF850] =	vst v0  }
0x766: {  	v0 =	vld [tilespmem:s26+$0x8AE0];
	_ =	sdelay $0x4  }
0x767: {  	v0 =	vmul.f32 $5.000000000e+01, v0;
	_ =	sdelay $0x1  }
0x768: {  	v0 =	vmax.f32 v0, $-2.000000000e+03  }
0x769: {  	v0 =	vmin.f32 v0, $2.000000000e+03  }
0x76a: {  	[tilespmem:s25+$0xFFFFF860] =	vst v0  }
0x76b: {  	v0 =	vld [tilespmem:s26+$0x8AF0];
	_ =	sdelay $0x4  }
0x76c: {  	v0 =	vmul.f32 $5.000000000e+01, v0;
	_ =	sdelay $0x1  }
0x76d: {  	v0 =	vmax.f32 v0, $-2.000000000e+03  }
0x76e: {  	v0 =	vmin.f32 v0, $2.000000000e+03  }
0x76f: {  	[tilespmem:s25+$0xFFFFF870] =	vst v0  }
0x770: {  	v0 =	vld [tilespmem:s26+$0x8E80];
	_ =	sdelay $0x4  }
0x771: {  	v0 =	vmul.f32 $5.000000000e+01, v0;
	_ =	sdelay $0x1  }
0x772: {  	v0 =	vmax.f32 v0, $-2.000000000e+03  }
0x773: {  	v0 =	vmin.f32 v0, $2.000000000e+03  }
0x774: {  	[tilespmem:s25+$0xFFFFFC00] =	vst v0  }
0x775: {  	v0 =	vld [tilespmem:s26+$0x8E90];
	_ =	sdelay $0x4  }
0x776: {  	v0 =	vmul.f32 $5.000000000e+01, v0;
	_ =	sdelay $0x1  }
0x777: {  	v0 =	vmax.f32 v0, $-2.000000000e+03  }
0x778: {  	v0 =	vmin.f32 v0, $2.000000000e+03  }
0x779: {  	[tilespmem:s25+$0xFFFFFC10] =	vst v0  }
0x77a: {  	v0 =	vld [tilespmem:s26+$0x8EA0];
	_ =	sdelay $0x4  }
0x77b: {  	v0 =	vmul.f32 $5.000000000e+01, v0;
	_ =	sdelay $0x1  }
0x77c: {  	v0 =	vmax.f32 v0, $-2.000000000e+03  }
0x77d: {  	v0 =	vmin.f32 v0, $2.000000000e+03  }
0x77e: {  	[tilespmem:s25+$0xFFFFFC20] =	vst v0  }
0x77f: {  	v0 =	vld [tilespmem:s26+$0x8EB0];
	_ =	sdelay $0x4  }
0x780: {  	v0 =	vmul.f32 $5.000000000e+01, v0;
	_ =	sdelay $0x1  }
0x781: {  	v0 =	vmax.f32 v0, $-2.000000000e+03  }
0x782: {  	v0 =	vmin.f32 v0, $2.000000000e+03  }
0x783: {  	[tilespmem:s25+$0xFFFFFC30] =	vst v0  }
0x784: {  	v0 =	vld [tilespmem:s26+$0x8EC0];
	_ =	sdelay $0x4  }
0x785: {  	v0 =	vmul.f32 $5.000000000e+01, v0;
	_ =	sdelay $0x1  }
0x786: {  	v0 =	vmax.f32 v0, $-2.000000000e+03  }
0x787: {  	v0 =	vmin.f32 v0, $2.000000000e+03  }
0x788: {  	[tilespmem:s25+$0xFFFFFC40] =	vst v0  }
0x789: {  	v0 =	vld [tilespmem:s26+$0x8ED0];
	_ =	sdelay $0x4  }
0x78a: {  	v0 =	vmul.f32 $5.000000000e+01, v0;
	_ =	sdelay $0x1  }
0x78b: {  	v0 =	vmax.f32 v0, $-2.000000000e+03  }
0x78c: {  	v0 =	vmin.f32 v0, $2.000000000e+03  }
0x78d: {  	[tilespmem:s25+$0xFFFFFC50] =	vst v0  }
0x78e: {  	v0 =	vld [tilespmem:s26+$0x8EE0];
	_ =	sdelay $0x4  }
0x78f: {  	v0 =	vmul.f32 $5.000000000e+01, v0;
	_ =	sdelay $0x1  }
0x790: {  	v0 =	vmax.f32 v0, $-2.000000000e+03  }
0x791: {  	v0 =	vmin.f32 v0, $2.000000000e+03  }
0x792: {  	[tilespmem:s25+$0xFFFFFC60] =	vst v0  }
0x793: {  	v0 =	vld [tilespmem:s26+$0x8EF0];
	_ =	sdelay $0x4  }
0x794: {  	v0 =	vmul.f32 $5.000000000e+01, v0;
	_ =	sdelay $0x1  }
0x795: {  	v0 =	vmax.f32 v0, $-2.000000000e+03  }
0x796: {  	v0 =	vmin.f32 v0, $2.000000000e+03  }
0x797: {  	[tilespmem:s25+$0xFFFFFC70] =	vst v0  }
0x798: {  	v0 =	vld [tilespmem:s26+$0x9280];
	_ =	sdelay $0x4  }
0x799: {  	v0 =	vmul.f32 $5.000000000e+01, v0;
	_ =	sdelay $0x1  }
0x79a: {  	v0 =	vmax.f32 v0, $-2.000000000e+03  }
0x79b: {  	v0 =	vmin.f32 v0, $2.000000000e+03  }
0x79c: {  	[tilespmem:s25+$0x0] =	vst v0  }
0x79d: {  	v0 =	vld [tilespmem:s26+$0x9290];
	_ =	sdelay $0x4  }
0x79e: {  	v0 =	vmul.f32 $5.000000000e+01, v0;
	_ =	sdelay $0x1  }
0x79f: {  	v0 =	vmax.f32 v0, $-2.000000000e+03  }
0x7a0: {  	v0 =	vmin.f32 v0, $2.000000000e+03  }
0x7a1: {  	[tilespmem:s25+$0x10] =	vst v0  }
0x7a2: {  	v0 =	vld [tilespmem:s26+$0x92A0];
	_ =	sdelay $0x4  }
0x7a3: {  	v0 =	vmul.f32 $5.000000000e+01, v0;
	_ =	sdelay $0x1  }
0x7a4: {  	v0 =	vmax.f32 v0, $-2.000000000e+03  }
0x7a5: {  	v0 =	vmin.f32 v0, $2.000000000e+03  }
0x7a6: {  	[tilespmem:s25+$0x20] =	vst v0  }
0x7a7: {  	v0 =	vld [tilespmem:s26+$0x92B0];
	_ =	sdelay $0x4  }
0x7a8: {  	v0 =	vmul.f32 $5.000000000e+01, v0;
	_ =	sdelay $0x1  }
0x7a9: {  	v0 =	vmax.f32 v0, $-2.000000000e+03  }
0x7aa: {  	v0 =	vmin.f32 v0, $2.000000000e+03  }
0x7ab: {  	[tilespmem:s25+$0x30] =	vst v0  }
0x7ac: {  	v0 =	vld [tilespmem:s26+$0x92C0];
	_ =	sdelay $0x4  }
0x7ad: {  	v0 =	vmul.f32 $5.000000000e+01, v0;
	_ =	sdelay $0x1  }
0x7ae: {  	v0 =	vmax.f32 v0, $-2.000000000e+03  }
0x7af: {  	v0 =	vmin.f32 v0, $2.000000000e+03  }
0x7b0: {  	[tilespmem:s25+$0x40] =	vst v0  }
0x7b1: {  	v0 =	vld [tilespmem:s26+$0x92D0];
	_ =	sdelay $0x4  }
0x7b2: {  	v0 =	vmul.f32 $5.000000000e+01, v0;
	_ =	sdelay $0x1  }
0x7b3: {  	v0 =	vmax.f32 v0, $-2.000000000e+03  }
0x7b4: {  	v0 =	vmin.f32 v0, $2.000000000e+03  }
0x7b5: {  	[tilespmem:s25+$0x50] =	vst v0  }
0x7b6: {  	v0 =	vld [tilespmem:s26+$0x92E0];
	_ =	sdelay $0x4  }
0x7b7: {  	v0 =	vmul.f32 $5.000000000e+01, v0;
	_ =	sdelay $0x1  }
0x7b8: {  	v0 =	vmax.f32 v0, $-2.000000000e+03  }
0x7b9: {  	v0 =	vmin.f32 v0, $2.000000000e+03  }
0x7ba: {  	[tilespmem:s25+$0x60] =	vst v0  }
0x7bb: {  	v0 =	vld [tilespmem:s26+$0x92F0];
	_ =	sdelay $0x4  }
0x7bc: {  	v0 =	vmul.f32 $5.000000000e+01, v0;
	_ =	sdelay $0x1  }
0x7bd: {  	v0 =	vmax.f32 v0, $-2.000000000e+03  }
0x7be: {  	v0 =	vmin.f32 v0, $2.000000000e+03  }
0x7bf: {  	[tilespmem:s25+$0x70] =	vst v0  }
0x7c0: {  	v0 =	vld [tilespmem:s26+$0x9680];
	_ =	sdelay $0x4  }
0x7c1: {  	v0 =	vmul.f32 $5.000000000e+01, v0;
	_ =	sdelay $0x1  }
0x7c2: {  	v0 =	vmax.f32 v0, $-2.000000000e+03  }
0x7c3: {  	v0 =	vmin.f32 v0, $2.000000000e+03  }
0x7c4: {  	[tilespmem:s25+$0x400] =	vst v0  }
0x7c5: {  	v0 =	vld [tilespmem:s26+$0x9690];
	_ =	sdelay $0x4  }
0x7c6: {  	v0 =	vmul.f32 $5.000000000e+01, v0;
	_ =	sdelay $0x1  }
0x7c7: {  	v0 =	vmax.f32 v0, $-2.000000000e+03  }
0x7c8: {  	v0 =	vmin.f32 v0, $2.000000000e+03  }
0x7c9: {  	[tilespmem:s25+$0x410] =	vst v0  }
0x7ca: {  	v0 =	vld [tilespmem:s26+$0x96A0];
	_ =	sdelay $0x4  }
0x7cb: {  	v0 =	vmul.f32 $5.000000000e+01, v0;
	_ =	sdelay $0x1  }
0x7cc: {  	v0 =	vmax.f32 v0, $-2.000000000e+03  }
0x7cd: {  	v0 =	vmin.f32 v0, $2.000000000e+03  }
0x7ce: {  	[tilespmem:s25+$0x420] =	vst v0  }
0x7cf: {  	v0 =	vld [tilespmem:s26+$0x96B0];
	_ =	sdelay $0x4  }
0x7d0: {  	v0 =	vmul.f32 $5.000000000e+01, v0;
	_ =	sdelay $0x1  }
0x7d1: {  	v0 =	vmax.f32 v0, $-2.000000000e+03  }
0x7d2: {  	v0 =	vmin.f32 v0, $2.000000000e+03  }
0x7d3: {  	[tilespmem:s25+$0x430] =	vst v0  }
0x7d4: {  	v0 =	vld [tilespmem:s26+$0x96C0];
	_ =	sdelay $0x4  }
0x7d5: {  	v0 =	vmul.f32 $5.000000000e+01, v0;
	_ =	sdelay $0x1  }
0x7d6: {  	v0 =	vmax.f32 v0, $-2.000000000e+03  }
0x7d7: {  	v0 =	vmin.f32 v0, $2.000000000e+03  }
0x7d8: {  	[tilespmem:s25+$0x440] =	vst v0  }
0x7d9: {  	v0 =	vld [tilespmem:s26+$0x96D0];
	_ =	sdelay $0x4  }
0x7da: {  	v0 =	vmul.f32 $5.000000000e+01, v0;
	_ =	sdelay $0x1  }
0x7db: {  	v0 =	vmax.f32 v0, $-2.000000000e+03  }
0x7dc: {  	v0 =	vmin.f32 v0, $2.000000000e+03  }
0x7dd: {  	[tilespmem:s25+$0x450] =	vst v0  }
0x7de: {  	v0 =	vld [tilespmem:s26+$0x96E0];
	_ =	sdelay $0x4  }
0x7df: {  	v0 =	vmul.f32 $5.000000000e+01, v0;
	_ =	sdelay $0x1  }
0x7e0: {  	v0 =	vmax.f32 v0, $-2.000000000e+03  }
0x7e1: {  	v0 =	vmin.f32 v0, $2.000000000e+03  }
0x7e2: {  	[tilespmem:s25+$0x460] =	vst v0  }
0x7e3: {  	v0 =	vld [tilespmem:s26+$0x96F0];
	_ =	sdelay $0x4  }
0x7e4: {  	v0 =	vmul.f32 $5.000000000e+01, v0;
	_ =	sdelay $0x1  }
0x7e5: {  	v0 =	vmax.f32 v0, $-2.000000000e+03  }
0x7e6: {  	v0 =	vmin.f32 v0, $2.000000000e+03  }
0x7e7: {  	[tilespmem:s25+$0x470] =	vst v0  }
0x7e8: {  	v0 =	vld [tilespmem:s26+$0x9A80];
	_ =	sdelay $0x4  }
0x7e9: {  	v0 =	vmul.f32 $5.000000000e+01, v0;
	_ =	sdelay $0x1  }
0x7ea: {  	v0 =	vmax.f32 v0, $-2.000000000e+03  }
0x7eb: {  	v0 =	vmin.f32 v0, $2.000000000e+03  }
0x7ec: {  	[tilespmem:s25+$0x800] =	vst v0  }
0x7ed: {  	v0 =	vld [tilespmem:s26+$0x9A90];
	_ =	sdelay $0x4  }
0x7ee: {  	v0 =	vmul.f32 $5.000000000e+01, v0;
	_ =	sdelay $0x1  }
0x7ef: {  	v0 =	vmax.f32 v0, $-2.000000000e+03  }
0x7f0: {  	v0 =	vmin.f32 v0, $2.000000000e+03  }
0x7f1: {  	[tilespmem:s25+$0x810] =	vst v0  }
0x7f2: {  	v0 =	vld [tilespmem:s26+$0x9AA0];
	_ =	sdelay $0x4  }
0x7f3: {  	v0 =	vmul.f32 $5.000000000e+01, v0;
	_ =	sdelay $0x1  }
0x7f4: {  	v0 =	vmax.f32 v0, $-2.000000000e+03  }
0x7f5: {  	v0 =	vmin.f32 v0, $2.000000000e+03  }
0x7f6: {  	[tilespmem:s25+$0x820] =	vst v0  }
0x7f7: {  	v0 =	vld [tilespmem:s26+$0x9AB0];
	_ =	sdelay $0x4  }
0x7f8: {  	v0 =	vmul.f32 $5.000000000e+01, v0;
	_ =	sdelay $0x1  }
0x7f9: {  	v0 =	vmax.f32 v0, $-2.000000000e+03  }
0x7fa: {  	v0 =	vmin.f32 v0, $2.000000000e+03  }
0x7fb: {  	[tilespmem:s25+$0x830] =	vst v0  }
0x7fc: {  	v0 =	vld [tilespmem:s26+$0x9AC0];
	_ =	sdelay $0x4  }
0x7fd: {  	v0 =	vmul.f32 $5.000000000e+01, v0;
	_ =	sdelay $0x1  }
0x7fe: {  	v0 =	vmax.f32 v0, $-2.000000000e+03  }
0x7ff: {  	v0 =	vmin.f32 v0, $2.000000000e+03  }
0x800: {  	[tilespmem:s25+$0x840] =	vst v0  }
0x801: {  	v0 =	vld [tilespmem:s26+$0x9AD0];
	_ =	sdelay $0x4  }
0x802: {  	v0 =	vmul.f32 $5.000000000e+01, v0;
	_ =	sdelay $0x1  }
0x803: {  	v0 =	vmax.f32 v0, $-2.000000000e+03  }
0x804: {  	v0 =	vmin.f32 v0, $2.000000000e+03  }
0x805: {  	[tilespmem:s25+$0x850] =	vst v0  }
0x806: {  	v0 =	vld [tilespmem:s26+$0x9AE0];
	_ =	sdelay $0x4  }
0x807: {  	v0 =	vmul.f32 $5.000000000e+01, v0;
	_ =	sdelay $0x1  }
0x808: {  	v0 =	vmax.f32 v0, $-2.000000000e+03  }
0x809: {  	v0 =	vmin.f32 v0, $2.000000000e+03  }
0x80a: {  	[tilespmem:s25+$0x860] =	vst v0  }
0x80b: {  	v0 =	vld [tilespmem:s26+$0x9AF0];
	_ =	sdelay $0x4  }
0x80c: {  	v0 =	vmul.f32 $5.000000000e+01, v0;
	_ =	sdelay $0x1  }
0x80d: {  	v0 =	vmax.f32 v0, $-2.000000000e+03  }
0x80e: {  	v0 =	vmin.f32 v0, $2.000000000e+03  }
0x80f: {  	[tilespmem:s25+$0x870] =	vst v0  }
0x810: {  	v0 =	vld [tilespmem:s26+$0x9E80];
	_ =	sdelay $0x4  }
0x811: {  	v0 =	vmul.f32 $5.000000000e+01, v0;
	_ =	sdelay $0x1  }
0x812: {  	v0 =	vmax.f32 v0, $-2.000000000e+03  }
0x813: {  	v0 =	vmin.f32 v0, $2.000000000e+03  }
0x814: {  	[tilespmem:s25+$0xC00] =	vst v0  }
0x815: {  	v0 =	vld [tilespmem:s26+$0x9E90];
	_ =	sdelay $0x4  }
0x816: {  	v0 =	vmul.f32 $5.000000000e+01, v0;
	_ =	sdelay $0x1  }
0x817: {  	v0 =	vmax.f32 v0, $-2.000000000e+03  }
0x818: {  	v0 =	vmin.f32 v0, $2.000000000e+03  }
0x819: {  	[tilespmem:s25+$0xC10] =	vst v0  }
0x81a: {  	v0 =	vld [tilespmem:s26+$0x9EA0];
	_ =	sdelay $0x4  }
0x81b: {  	v0 =	vmul.f32 $5.000000000e+01, v0;
	_ =	sdelay $0x1  }
0x81c: {  	v0 =	vmax.f32 v0, $-2.000000000e+03  }
0x81d: {  	v0 =	vmin.f32 v0, $2.000000000e+03  }
0x81e: {  	[tilespmem:s25+$0xC20] =	vst v0  }
0x81f: {  	v0 =	vld [tilespmem:s26+$0x9EB0];
	_ =	sdelay $0x4  }
0x820: {  	v0 =	vmul.f32 $5.000000000e+01, v0;
	_ =	sdelay $0x1  }
0x821: {  	v0 =	vmax.f32 v0, $-2.000000000e+03  }
0x822: {  	v0 =	vmin.f32 v0, $2.000000000e+03  }
0x823: {  	[tilespmem:s25+$0xC30] =	vst v0  }
0x824: {  	v0 =	vld [tilespmem:s26+$0x9EC0];
	_ =	sdelay $0x4  }
0x825: {  	v0 =	vmul.f32 $5.000000000e+01, v0;
	_ =	sdelay $0x1  }
0x826: {  	v0 =	vmax.f32 v0, $-2.000000000e+03  }
0x827: {  	v0 =	vmin.f32 v0, $2.000000000e+03  }
0x828: {  	[tilespmem:s25+$0xC40] =	vst v0  }
0x829: {  	v0 =	vld [tilespmem:s26+$0x9ED0];
	_ =	sdelay $0x4  }
0x82a: {  	v0 =	vmul.f32 $5.000000000e+01, v0;
	_ =	sdelay $0x1  }
0x82b: {  	v0 =	vmax.f32 v0, $-2.000000000e+03  }
0x82c: {  	v0 =	vmin.f32 v0, $2.000000000e+03  }
0x82d: {  	[tilespmem:s25+$0xC50] =	vst v0  }
0x82e: {  	v0 =	vld.msk [tilespmem:s28+$0x9EE0], $0xff  }
0x82f: {  	v1 =	vld [tilespmem:s26+$0x9ED0];
	_ =	sdelay $0x3  }
0x830: {  	v0 =	vmul.f32 $5.000000000e+01, v0  }
0x831: {  	v1 =	vmul.f32 $5.000000000e+01, v1  }
0x832: {  	v0 =	vmax.f32 v0, $-2.000000000e+03  }
0x833: {  	v1 =	vmax.f32 v1, $-2.000000000e+03;
	v0 =	vmin.f32 v0, $2.000000000e+03  }
0x834: {  	v1 =	vmin.f32 v1, $2.000000000e+03;
	[tilespmem:s25+$0xC60] =	vst.msk $0xff, v0  }
0x835: {  	[tilespmem:s25+$0xC50] =	vst v1  }
0x836: {  	v0 =	vld @!p0 [tilespmem:s24+$0x8C];
	_ =	sdelay $0x4  }
0x837: {  	(v2sf) =	vpush @!p0 v0, $0x0;
	_ =	sdelay $0xe  }
0x838: {  	s0 =	spop @!p0 (v2sf)  }
0x839: {  	s0 =	sshll.u32 @!p0 s0, $0xA  }
0x83a: {  	s0 =	sand.u32 @!p0 $0x1FFFFC00, s0  }
0x83b: {  	s26 =	simm.s32 @!p0 $0x8280;
	s25 =	simm.s32 @!p0 $0x0;
	s0 =	sadd.s32 @!p0 s3, s0  }
0x83c: {  	[tilespmem:s26], [sflag:$0x2] =	stream.linear.gather @!p0 [hbm4b:s0+s25], $0x2000, $0x38;
	[tilespmem:$0x12280] =	vst v63  }
0x83d: {  	v0 =	vld @!p0 [tilespmem:s24+$0x8D];
	_ =	sdelay $0x4  }
0x83e: {  	(v2sf) =	vpush @!p0 v0, $0x0;
	_ =	sdelay $0xe  }
0x83f: {  	s0 =	spop @!p0 (v2sf)  }
0x840: {  	s0 =	sshll.u32 @!p0 s0, $0xA  }
0x841: {  	s0 =	sand.u32 @!p0 $0x1FFFFC00, s0  }
0x842: {  	s26 =	simm.s32 @!p0 $0xA280;
	s0 =	sadd.s32 @!p0 s3, s0  }
0x843: {  	[tilespmem:s26], [sflag:$0x2] =	stream.linear.gather @!p0 [hbm4b:s0+s25], $0x2000, $0x38;
	[tilespmem:$0x12280] =	vst v63  }
0x844: {  	v0 =	vld @!p0 [tilespmem:s24+$0x8E];
	_ =	sdelay $0x4  }
0x845: {  	(v2sf) =	vpush @!p0 v0, $0x0;
	_ =	sdelay $0xe  }
0x846: {  	s0 =	spop @!p0 (v2sf)  }
0x847: {  	s0 =	sshll.u32 @!p0 s0, $0xA  }
0x848: {  	s0 =	sand.u32 @!p0 $0x1FFFFC00, s0  }
0x849: {  	s26 =	simm.s32 @!p0 $0xC280;
	s0 =	sadd.s32 @!p0 s3, s0  }
0x84a: {  	[tilespmem:s26], [sflag:$0x2] =	stream.linear.gather @!p0 [hbm4b:s0+s25], $0x2000, $0x38;
	[tilespmem:$0x12280] =	vst v63  }
0x84b: {  	v0 =	vld @!p0 [tilespmem:s24+$0x8F];
	_ =	sdelay $0x4  }
0x84c: {  	(v2sf) =	vpush @!p0 v0, $0x0;
	_ =	sdelay $0xe  }
0x84d: {  	s0 =	spop @!p0 (v2sf)  }
0x84e: {  	s0 =	sshll.u32 @!p0 s0, $0xA  }
0x84f: {  	s31 =	sadd.s32 s5, s23;
	s0 =	sand.u32 @!p0 $0x1FFFFC00, s0  }
0x850: {  	s23 =	sadd.s32 $0x1, s23;
	s24 =	simm.s32 @!p0 $0xE280;
	s0 =	sadd.s32 @!p0 s3, s0  }
0x851: {  	[tilespmem:s24], [sflag:$0x2] =	stream.linear.gather @!p0 [hbm4b:s0+s25], $0x2000, $0x38;
	[tilespmem:$0x12280] =	vst v63  }
0x852: {  	s0 =	sshll.u32 s31, $0xA;
	p0 =	sne.s32 s23, $0x10  }
.Ltmp2:
0x853: {  	s0 =	sadd.s32 s4, s0;
	(pc) =	sbr.rel @p0 .LBB2_2-.Ltmp2, $4  }
0x854: {  	[hbm4b:s0+s1] =	stream.linear.scatter [tilespmem:s19], [sflag:$0x3], $0x2000, $0x38;
	[tilespmem:$0x12280] =	vst v63  }
0x855: {  	_ =	swait.ge [sflag:s8], $0x2000  }
0x856: {  	[sflag:s8] =	ssyncset.done $0x0  }
0x857: {  	s21 =	sadd.s32 $0x8, s21;
	s22 =	sadd.s32 $0x8, s22;
	[sflag:s8] =	ssyncadd.s32 $0xFFFFE000  }
0x858: {  	s20 =	sadd.s32 $0x1, s20  }
0x859: {  	p0 =	sne.s32 s20, s7  }
.Ltmp3:
0x85a: {  	_ = 	snop;
	(pc) =	sbr.rel @p0 .LBB2_1-.Ltmp3, $1  }
0x85b: {  	_ =	sdelay $0x3  }
0x85c: {  	_ =	sfence.sel $0x180000  }
0x85d: {  	[bflag:$0x0] =	sbarrier.arrive $0xFFFF  }
0x85e: {  	_ =	strace $0x90000047  }
0x85f: {  	[bflag:$0x2] =	sbarrier.arrive $0xFFFF  }
0x860: {  	p0 =	sne.s32 s2, $0x0;
	s0 =	rddreg [dreg:$0x2]  }
0x861: {  	s0 =	sadd.s32 @!p0 $0x100000, s0  }
0x862: {  	[sflag:s0] =	ssyncadd.tile.s32 @!p0 $0x1;
	_ =	shalt  }
.Lfunc_end2:
_tile_overlayer_lowered:
.L_overlay_start_2:
0x863: {  	(tag) =	ssettag $0x2  }
0x864: {  	s0 =	rddreg [dreg:$0x0];
	s2 =	stileid.u32  }
0x865: {  	s1 =	rddreg [dreg:$0x1];
	p0 =	sne.s32 s2, $0x0  }
0x866: {  	s3 =	rddreg [dreg:$0x2];
	[bflag:$0x3] =	sbarrier.arrive $0xFFFF;
	s2 =	simm.s32 @!p0 $0x1C03  }
0x867: {  	[timem:s3], [sflag:s2] =	dma.local @!p0 [hbm:s0], s1  }
0x868: {  	s0 =	simm.s32 @!p0 $0x3  }
0x869: {  	_ =	swait.ge @!p0 [sflag:s0], s1  }
0x86a: {  	s1 =	ssub.s32 @!p0 $0x0, s1;
	[sflag:s0] =	ssyncset.done @!p0 $0x0  }
0x86b: {  	[sflag:s0] =	ssyncadd.s32 @!p0 s1  }
0x86c: {  	[bflag:$0x3] =	sbarrier.arrive $0xFFFF  }
0x86d: {  	_ =	shalt  }

</sc_bundles>
